<compile_context>
chip_gen: v7x
topology: tpu7x:2x2x1
jax: 0.10.2.dev20260603
libtpu: 0.0.44.dev20260713+nightly
codegen_flags: <defaults>
</compile_context>

<pallas_src>
import functools

import jax
import jax.numpy as jnp
from jax import lax
from jax.experimental import pallas as pl
from jax.experimental.pallas import tpu as pltpu
from jax.experimental.pallas import tpu_sc as plsc

NC = 2
NS = 16
NW = NC * NS
LN = 16
CHUNK = 128
H = 128
CW = 16


def _silu(v):
    return v * jax.nn.sigmoid(v)


def _sc_mesh():
    return plsc.VectorSubcoreMesh(core_axis_name="c", subcore_axis_name="s")



def _sc_gather(hx, ct, src3, dst3, e_pad):
    n_pad = ct.shape[0]
    seg = n_pad // NS
    kc = e_pad // (NW * CHUNK)

    @functools.partial(
        pl.kernel,
        out_type=[
            jax.ShapeDtypeStruct((e_pad, H), jnp.float32),
            jax.ShapeDtypeStruct((e_pad, H), jnp.float32),
            jax.ShapeDtypeStruct((e_pad, CW), jnp.float32),
        ],
        mesh=_sc_mesh(),
        scratch_types=[
            pltpu.VMEM((kc, CHUNK), jnp.int32),
            pltpu.VMEM((kc, CHUNK), jnp.int32),
            pltpu.VMEM((CHUNK, H), jnp.float32),
            pltpu.VMEM((CHUNK, H), jnp.float32),
            pltpu.VMEM((CHUNK, H), jnp.float32),
            pltpu.VMEM((CHUNK, H), jnp.float32),
            pltpu.VMEM((CHUNK, CW), jnp.float32),
            pltpu.SemaphoreType.DMA,
        ],
    )
    def k(hx_h, ct_h, src_h, dst_h, hs_h, hd_h, xd_h,
          sidx, didx, bufa0, bufb0, bufc0, bufd0, bufx0, sem0):
        cid = lax.axis_index("c")
        sid = lax.axis_index("s")
        wid = cid * NS + sid
        base = wid * (kc * CHUNK)
        pltpu.sync_copy(src_h.at[wid], sidx)
        pltpu.sync_copy(dst_h.at[wid], didx)

        @pl.loop(0, kc)
        def _it(j):
            s_sl = sidx.at[j]
            d_sl = didx.at[j]
            pltpu.sync_copy(hx_h.at[s_sl], bufa0)
            pltpu.sync_copy(hx_h.at[d_sl], bufb0)
            pltpu.sync_copy(ct_h.at[s_sl], bufc0)
            pltpu.sync_copy(ct_h.at[d_sl], bufd0)

            @pl.loop(0, CHUNK)
            def _row(r):
                s0 = pl.ds(0, LN)
                bufx0[r, s0] = bufc0[r, s0] - bufd0[r, s0]

            off = base + j * CHUNK
            pltpu.sync_copy(bufa0, hs_h.at[pl.ds(off, CHUNK)])
            pltpu.sync_copy(bufb0, hd_h.at[pl.ds(off, CHUNK)])
            pltpu.sync_copy(bufx0, xd_h.at[pl.ds(off, CHUNK)])

    return k(hx, ct, src3, dst3)


def _sc_scatter(m, ma, didx2, n_pad):
    e_pad = m.shape[0]
    kc2 = e_pad // (NS * CHUNK)
    nh = n_pad // NC
    seg = nh // NS
    dummy = nh

    @functools.partial(
        pl.kernel,
        out_type=[
            jax.ShapeDtypeStruct((n_pad, H), jnp.float32),
            jax.ShapeDtypeStruct((n_pad, H), jnp.float32),
        ],
        mesh=_sc_mesh(),
        scratch_types=[
            pltpu.VMEM((kc2, CHUNK), jnp.int32),
            pltpu.VMEM((CHUNK,), jnp.int32),
            pltpu.VMEM((CHUNK,), jnp.int32),
            pltpu.VMEM((CHUNK, H), jnp.float32),
            pltpu.VMEM((CHUNK, H), jnp.float32),
            pltpu.VMEM((CHUNK, H), jnp.float32),
            pltpu.VMEM((CHUNK, CW), jnp.float32),
            pltpu.VMEM((CHUNK, CW), jnp.float32),
            pltpu.VMEM_SHARED((nh + CHUNK, H), jnp.float32),
            pltpu.SemaphoreType.DMA,
            pltpu.SemaphoreType.DMA,
        ],
    )
    def k(m_h, ma_h, didx_h, pa_h, pb_h, idxv, idxm0, idxm1, buf0, buf1,
          zbuf, bufn0, bufn1, acc, sem0, sem1):
        cid = lax.axis_index("c")
        sid = lax.axis_index("s")
        lo = cid * nh
        base = sid * kc2 * CHUNK

        pltpu.sync_copy(didx_h.at[sid], idxv)

        @pl.loop(0, CHUNK)
        def _zr(r):
            for c in range(H // LN):
                zbuf[r, pl.ds(c * LN, LN)] = jnp.zeros((LN,), jnp.float32)

        def zero_acc():
            zbase = sid * seg
            full = seg // CHUNK
            for z in range(full):
                pltpu.sync_copy(zbuf, acc.at[pl.ds(zbase + z * CHUNK, CHUNK)])
            rem = seg - full * CHUNK
            if rem:
                pltpu.sync_copy(zbuf.at[pl.ds(0, rem)],
                                acc.at[pl.ds(zbase + full * CHUNK, rem)])
            @pl.when(sid == 0)
            def _():
                pltpu.sync_copy(zbuf, acc.at[pl.ds(nh, CHUNK)])

        def remap(j, idxm):
            for grp in range(CHUNK // LN):
                sl = pl.ds(grp * LN, LN)
                v = idxv[j, sl]
                inr = (v >= lo) & (v < lo + nh)
                idxm[sl] = jnp.where(inr, v - lo, dummy)

        zero_acc()
        plsc.subcore_barrier()

        @pl.loop(0, kc2)
        def _chunk1(j):
            remap(j, idxm0)
            pltpu.sync_copy(m_h.at[pl.ds(base + j * CHUNK, CHUNK)], buf0)
            pltpu.sync_copy(buf0, acc.at[idxm0], add=True)

        plsc.subcore_barrier()
        zbase = sid * seg
        pltpu.sync_copy(acc.at[pl.ds(zbase, seg)], pa_h.at[pl.ds(lo + zbase, seg)])
        plsc.subcore_barrier()

        zero_acc()

        @pl.loop(0, CHUNK)
        def _zr2(r):
            for c in range(H // LN):
                buf0[r, pl.ds(c * LN, LN)] = jnp.zeros((LN,), jnp.float32)
                buf1[r, pl.ds(c * LN, LN)] = jnp.zeros((LN,), jnp.float32)

        plsc.subcore_barrier()

        @pl.loop(0, kc2)
        def _chunk2(j):
            remap(j, idxm0)
            pltpu.sync_copy(ma_h.at[pl.ds(base + j * CHUNK, CHUNK)], bufn0)

            @pl.loop(0, CHUNK)
            def _rowa(r):
                buf0[r, pl.ds(0, LN)] = bufn0[r, pl.ds(0, LN)]

            pltpu.sync_copy(buf0, acc.at[idxm0], add=True)

        plsc.subcore_barrier()
        pltpu.sync_copy(acc.at[pl.ds(zbase, seg)], pb_h.at[pl.ds(lo + zbase, seg)])

    return k(m, ma, didx2)


def _sc_readout(h_pad, ids):
    ni = ids.shape[0]
    per = ni // NW

    @functools.partial(
        pl.kernel,
        out_type=jax.ShapeDtypeStruct((ni, H), jnp.float32),
        mesh=_sc_mesh(),
        scratch_types=[
            pltpu.VMEM((per,), jnp.int32),
            pltpu.VMEM((per, H), jnp.float32),
        ],
    )
    def k(h_h, ids_h, out_h, idxv, rows):
        wid = lax.axis_index("c") * NS + lax.axis_index("s")
        pltpu.sync_copy(ids_h.at[pl.ds(wid * per, per)], idxv)
        pltpu.sync_copy(h_h.at[idxv], rows)
        pltpu.sync_copy(rows, out_h.at[pl.ds(wid * per, per)])

    return k(h_pad, ids)



def _tc_edge(hs, hd, xd_n, ea_p, we1, be1, we2, be2, wc1, bc1, wc2):
    e_pad = hs.shape[0]
    be = 1024
    de = ea_p.shape[1]
    fe = we1.shape[0]

    def body(hs_ref, hd_ref, xd_ref, ea_ref, we1_r, be1_r, we2_r,
             be2_r, wc1_r, bc1_r, wc2_r, m_ref, ma_ref):
        xd = xd_ref[:, :3]
        radial = jnp.sum(xd * xd, axis=1, keepdims=True)
        f = jnp.concatenate([hs_ref[...], hd_ref[...], radial, ea_ref[...]],
                            axis=1)
        t = jnp.dot(f, we1_r[...], preferred_element_type=jnp.float32) + be1_r[...]
        m1 = _silu(t)
        m = _silu(jnp.dot(m1, we2_r[...], preferred_element_type=jnp.float32) + be2_r[...])
        q = _silu(jnp.dot(m, wc1_r[...], preferred_element_type=jnp.float32) + bc1_r[...])
        cw = jnp.dot(q, wc2_r[...], preferred_element_type=jnp.float32)
        inv = 1.0 / (jnp.sqrt(radial) + 1e-30)
        msg = cw * xd * inv
        m_ref[...] = m
        ones = jnp.ones((be, 1), jnp.float32)
        z = jnp.zeros((be, CW - 4), jnp.float32)
        ma_ref[...] = jnp.concatenate([msg, ones, z], axis=1)

    wspec = lambda shape: pl.BlockSpec(shape, lambda i: (0, 0))
    return pl.pallas_call(
        body,
        grid=(e_pad // be,),
        in_specs=[
            pl.BlockSpec((be, H), lambda i: (i, 0)),
            pl.BlockSpec((be, H), lambda i: (i, 0)),
            pl.BlockSpec((be, CW), lambda i: (i, 0)),
            pl.BlockSpec((be, de), lambda i: (i, 0)),
            wspec((fe, H)), wspec((1, H)),
            wspec((H, H)), wspec((1, H)),
            wspec((H, H)), wspec((1, H)),
            wspec((H, 1)),
        ],
        out_specs=[
            pl.BlockSpec((be, H), lambda i: (i, 0)),
            pl.BlockSpec((be, CW), lambda i: (i, 0)),
        ],
        out_shape=[
            jax.ShapeDtypeStruct((e_pad, H), jnp.float32),
            jax.ShapeDtypeStruct((e_pad, CW), jnp.float32),
        ],
    )(hs, hd, xd_n, ea_p, we1, be1, we2, be2, wc1, bc1, wc2)


def _tc_node(pa, pb, h, ct, wn1, bn1, wn2, bn2):
    n = h.shape[0]
    bn = 1024

    def body(pa_ref, pb_ref, h_ref, ct_ref, wa_r, bn1_r, wn2_r, bn2_r,
             hout, cout):
        hn = pa_ref[...]
        aux = pb_ref[...]
        deg = jnp.maximum(aux[:, 3:4], 1.0)
        hcat = jnp.concatenate([h_ref[...], hn], axis=1)
        u = _silu(jnp.dot(hcat, wa_r[...], preferred_element_type=jnp.float32)
                  + bn1_r[...])
        hout[...] = jnp.dot(u, wn2_r[...], preferred_element_type=jnp.float32) + bn2_r[...]
        xn = aux[:, :3] / deg
        z = jnp.zeros((bn, H - 3), jnp.float32)
        cout[...] = ct_ref[...] + jnp.concatenate([xn, z], axis=1)

    wspec = lambda shape: pl.BlockSpec(shape, lambda i: (0, 0))
    return pl.pallas_call(
        body,
        grid=(n // bn,),
        in_specs=[
            pl.BlockSpec((bn, H), lambda i: (i, 0)),
            pl.BlockSpec((bn, H), lambda i: (i, 0)),
            pl.BlockSpec((bn, H), lambda i: (i, 0)),
            pl.BlockSpec((bn, H), lambda i: (i, 0)),
            wspec((2 * H, H)), wspec((1, H)),
            wspec((H, H)), wspec((1, H)),
        ],
        out_specs=[
            pl.BlockSpec((bn, H), lambda i: (i, 0)),
            pl.BlockSpec((bn, H), lambda i: (i, 0)),
        ],
        out_shape=[
            jax.ShapeDtypeStruct((n, H), jnp.float32),
            jax.ShapeDtypeStruct((n, H), jnp.float32),
        ],
    )(pa, pb, h, ct, wn1, bn1, wn2, bn2)


def _tc_final(hf, wm1, bm1, wm2r, bm2):
    nr = hf.shape[0]

    def body(hf_ref, wm1_r, bm1_r, wm2_r, bm2_r, out_ref):
        u = _silu(jnp.dot(hf_ref[...], wm1_r[...], preferred_element_type=jnp.float32)
                  + bm1_r[...])
        out_ref[...] = jnp.dot(u, wm2_r[...], preferred_element_type=jnp.float32) + bm2_r[...]

    return pl.pallas_call(
        body,
        out_shape=jax.ShapeDtypeStruct((nr, 1), jnp.float32),
    )(hf, wm1, bm1, wm2r, bm2)



def kernel(x, coords, edge_index, edge_attr, rotatable_edge_ids, params, mlp):
    n, d = x.shape
    e = edge_index.shape[1]
    grain = NW * CHUNK
    e_pad = -(-e // grain) * grain
    n_grain = NS * CHUNK
    n_pad = -(-(n + 1) // n_grain) * n_grain
    kc = e_pad // grain

    src = edge_index[0]
    dst = edge_index[1]
    src_p = jnp.concatenate([src, jnp.zeros((e_pad - e,), jnp.int32)])
    dst_p = jnp.concatenate([dst, jnp.full((e_pad - e,), n, jnp.int32)])
    src3 = src_p.reshape(NW, kc, CHUNK)
    didx3 = dst_p.reshape(NW, kc, CHUNK)
    didx2 = dst_p.reshape(NS, e_pad // (NS * CHUNK), CHUNK)
    ea_p = jnp.concatenate(
        [edge_attr, jnp.zeros((e_pad - e, edge_attr.shape[1]), jnp.float32)])

    h = jnp.concatenate([x, jnp.zeros((n_pad - n, d), jnp.float32)])
    ct = jnp.concatenate([coords, jnp.zeros((n, H - 3), jnp.float32)], axis=1)
    ct = jnp.concatenate([ct, jnp.zeros((n_pad - n, H), jnp.float32)])

    for p in params:
        hs, hd, xd_n = _sc_gather(h, ct, src3, didx3, e_pad)
        m, ma = _tc_edge(hs, hd, xd_n, ea_p,
                         p["We1"], p["be1"].reshape(1, H),
                         p["We2"], p["be2"].reshape(1, H),
                         p["Wc1"], p["bc1"].reshape(1, H),
                         p["Wc2"])
        pa, pb = _sc_scatter(m, ma, didx2, n_pad)
        h, ct = _tc_node(pa, pb, h, ct, p["Wn1"],
                         p["bn1"].reshape(1, H), p["Wn2"], p["bn2"].reshape(1, H))

    b, r = rotatable_edge_ids.shape
    rsel = rotatable_edge_ids.reshape(-1)
    pair = edge_index[:, rsel]
    ids = jnp.stack([pair[0], pair[1]], axis=1).reshape(-1)
    hf = _sc_readout(h, ids).reshape(b * r, 2 * H)
    o = _tc_final(hf, mlp["Wm1"], mlp["bm1"].reshape(1, H),
                  mlp["Wm2"], mlp["bm2"].reshape(1, 1))
    return o.reshape(b, r)

# --- scband reference (transcript-rebuilt; emitter-appended) ---
"""Pipeline reference for scband-egnnmodel-13340168421748 (READ-ONLY COPY).

The authoritative reference and input builder live on the scoring server;
editing this copy changes nothing except your own understanding.
"""

import jax, jax.numpy as jnp
import numpy as np

N = 10000
E = 160000
D = 128
DE = 16
H = 128
B = 4
R = 64
L = 3

def _silu(v):
    return v * jax.nn.sigmoid(v)

def _lin_init(k, fan_in, fan_out):
    return jax.random.normal(k, (fan_in, fan_out), dtype=jnp.float32) * (1.0 / np.sqrt(fan_in))

def _layer_params(k):
    ks = jax.random.split(k, 6)
    fe = 2 * H + DE + 1
    return {
        "We1": _lin_init(ks[0], fe, H), "be1": jnp.zeros((H,), jnp.float32),
        "We2": _lin_init(ks[1], H, H), "be2": jnp.zeros((H,), jnp.float32),
        "Wc1": _lin_init(ks[2], H, H), "bc1": jnp.zeros((H,), jnp.float32),
        "Wc2": _lin_init(ks[3], H, 1),
        "Wn1": _lin_init(ks[4], 2 * H, H), "bn1": jnp.zeros((H,), jnp.float32),
        "Wn2": _lin_init(ks[5], H, H), "bn2": jnp.zeros((H,), jnp.float32),
    }

def setup_inputs(seed: int = 0):
    key = jax.random.key(seed)
    ks = jax.random.split(key, 10)
    x = jax.random.normal(ks[0], (N, D), dtype=jnp.float32)
    coords = jax.random.normal(ks[1], (N, 3), dtype=jnp.float32)
    edge_index = jax.random.randint(ks[2], (2, E), 0, N, dtype=jnp.int32)
    edge_attr = jax.random.normal(ks[3], (E, DE), dtype=jnp.float32)
    rotatable_edge_ids = jax.random.randint(ks[4], (B, R), 0, E, dtype=jnp.int32)
    params = [_layer_params(k) for k in jax.random.split(ks[5], L)]
    mlp = {
        "Wm1": _lin_init(ks[6], 2 * H, H), "bm1": jnp.zeros((H,), jnp.float32),
        "Wm2": _lin_init(ks[7], H, 1), "bm2": jnp.zeros((1,), jnp.float32),
    }
    return {"x": x, "coords": coords, "edge_index": edge_index, "edge_attr": edge_attr,
            "rotatable_edge_ids": rotatable_edge_ids, "params": params, "mlp": mlp}

def reference(x, coords, edge_index, edge_attr, rotatable_edge_ids, params, mlp):
    src = edge_index[0]
    dst = edge_index[1]
    deg = jax.ops.segment_sum(jnp.ones((E,), jnp.float32), dst, num_segments=N)
    deg = jnp.maximum(deg, 1.0)[:, None]
    h = x
    c = coords
    for p in params:
        x_diff = c[src] - c[dst]
        radial = jnp.sum(x_diff * x_diff, axis=1, keepdims=True)
        x_diff = x_diff / (jnp.sqrt(radial) + 1e-30)
        f = jnp.concatenate([h[src], h[dst], radial, edge_attr], axis=1)
        m = _silu(f @ p["We1"] + p["be1"])
        m = _silu(m @ p["We2"] + p["be2"])
        cw = _silu(m @ p["Wc1"] + p["bc1"]) @ p["Wc2"]
        msg_x = cw * x_diff
        x_neigh = jax.ops.segment_sum(msg_x, dst, num_segments=N) / deg
        h_neigh = jax.ops.segment_sum(m, dst, num_segments=N)
        h = _silu(jnp.concatenate([h, h_neigh], axis=1) @ p["Wn1"] + p["bn1"]) @ p["Wn2"] + p["bn2"]
        c = c + x_neigh
    ef = jnp.concatenate([h[src], h[dst]], axis=1)
    sel = ef[rotatable_edge_ids]
    o = _silu(sel @ mlp["Wm1"] + mlp["bm1"]) @ mlp["Wm2"] + mlp["bm2"]
    return o.reshape(B, R)

if __name__ == "__main__":
    import jax
    _d = setup_inputs()
    print(jax.jit(kernel)(*tuple(_d.values())))

</pallas_src>

<mosaic_0001>
#map = affine_map<(d0, d1) -> (0, 0)>
#map1 = affine_map<(d0, d1) -> (0, 0, 0)>
module attributes {stable_mosaic.version = 14 : i64} {
  func.func @k(%arg0: i32, %arg1: i32, %arg2: memref<10240x128xf32, #tpu.memory_space<hbm>>, %arg3: memref<10240x128xf32, #tpu.memory_space<hbm>>, %arg4: memref<32x40x128xi32, #tpu.memory_space<hbm>>, %arg5: memref<32x40x128xi32, #tpu.memory_space<hbm>>, %arg6: memref<163840x128xf32, #tpu.memory_space<hbm>>, %arg7: memref<163840x128xf32, #tpu.memory_space<hbm>>, %arg8: memref<163840x16xf32, #tpu.memory_space<hbm>>, %arg9: memref<40x128xi32, #tpu.memory_space<vmem>>, %arg10: memref<40x128xi32, #tpu.memory_space<vmem>>, %arg11: memref<128x128xf32, #tpu.memory_space<vmem>>, %arg12: memref<128x128xf32, #tpu.memory_space<vmem>>, %arg13: memref<128x128xf32, #tpu.memory_space<vmem>>, %arg14: memref<128x128xf32, #tpu.memory_space<vmem>>, %arg15: memref<128x16xf32, #tpu.memory_space<vmem>>, %arg16: memref<!tpu.dma_semaphore, #tpu.memory_space<semaphore_mem>>) attributes {dimension_semantics = [#tpu.dimension_semantics<core_parallel>, #tpu.dimension_semantics<subcore_parallel>], iteration_bounds = array<i64: 2, 16>, scalar_prefetch = 0 : i64, scratch_operands = 8 : i64, tpu.core_type = #tpu.core_type<sc_vector_subcore>, window_params = [{transform_indices = #map}, {transform_indices = #map}, {transform_indices = #map1}, {transform_indices = #map1}, {transform_indices = #map}, {transform_indices = #map}, {transform_indices = #map}]} {
    %mul3A = arith.constant 16 : i32
    %mul3A_0 = arith.muli %arg0, %mul3A : i32
    %add3A = arith.addi %mul3A_0, %arg1 : i32
    %mul3A_1 = arith.constant 5120 : i32
    %mul3A_2 = arith.muli %add3A, %mul3A_1 : i32
    "tpu.region"() ({
      %run_scoped3A = tpu.sem_alloc : memref<!tpu.dma_semaphore, #tpu.memory_space<semaphore_mem>>
      %dma_start3A = arith.constant 0 : i32
      %dma_start3A_7 = arith.constant 0 : i32
      %dma_start3A_8 = tpu.memref_slice %arg4[%add3A, %dma_start3A, %dma_start3A_7] : memref<32x40x128xi32, #tpu.memory_space<hbm>> -> memref<1x40x128xi32, #tpu.memory_space<hbm>>
      %dma_start3A_9 = tpu.memref_squeeze %dma_start3A_8 : memref<1x40x128xi32, #tpu.memory_space<hbm>> -> memref<40x128xi32, #tpu.memory_space<hbm>>
      %dma_start3A_10 = arith.constant 0 : i32
      %dma_start3A_11 = arith.constant 0 : i32
      %dma_start3A_12 = tpu.memref_slice %arg4[%add3A, %dma_start3A_10, %dma_start3A_11] : memref<32x40x128xi32, #tpu.memory_space<hbm>> -> memref<1x40x128xi32, #tpu.memory_space<hbm>>
      %dma_start3A_13 = tpu.memref_squeeze %dma_start3A_12 : memref<1x40x128xi32, #tpu.memory_space<hbm>> -> memref<40x128xi32, #tpu.memory_space<hbm>>
      tpu.enqueue_dma source(%dma_start3A_13 : memref<40x128xi32, #tpu.memory_space<hbm>>) target(%arg9 : memref<40x128xi32, #tpu.memory_space<vmem>>) target_semaphore(%run_scoped3A : memref<!tpu.dma_semaphore, #tpu.memory_space<semaphore_mem>>)
      %dma_wait3A = arith.constant 0 : i32
      %dma_wait3A_14 = arith.constant 0 : i32
      %dma_wait3A_15 = tpu.memref_slice %arg4[%add3A, %dma_wait3A, %dma_wait3A_14] : memref<32x40x128xi32, #tpu.memory_space<hbm>> -> memref<1x40x128xi32, #tpu.memory_space<hbm>>
      %dma_wait3A_16 = tpu.memref_squeeze %dma_wait3A_15 : memref<1x40x128xi32, #tpu.memory_space<hbm>> -> memref<40x128xi32, #tpu.memory_space<hbm>>
      %dma_wait3A_17 = arith.constant 0 : i32
      %dma_wait3A_18 = arith.constant 0 : i32
      %dma_wait3A_19 = tpu.memref_slice %arg4[%add3A, %dma_wait3A_17, %dma_wait3A_18] : memref<32x40x128xi32, #tpu.memory_space<hbm>> -> memref<1x40x128xi32, #tpu.memory_space<hbm>>
      %dma_wait3A_20 = tpu.memref_squeeze %dma_wait3A_19 : memref<1x40x128xi32, #tpu.memory_space<hbm>> -> memref<40x128xi32, #tpu.memory_space<hbm>>
      tpu.wait_dma2 semaphore(%run_scoped3A : memref<!tpu.dma_semaphore, #tpu.memory_space<semaphore_mem>>) src(%dma_wait3A_20 : memref<40x128xi32, #tpu.memory_space<hbm>>) dst(%arg9 : memref<40x128xi32, #tpu.memory_space<vmem>>)
      tpu.yield
    }) : () -> ()
    "tpu.region"() ({
      %run_scoped3A = tpu.sem_alloc : memref<!tpu.dma_semaphore, #tpu.memory_space<semaphore_mem>>
      %dma_start3A = arith.constant 0 : i32
      %dma_start3A_7 = arith.constant 0 : i32
      %dma_start3A_8 = tpu.memref_slice %arg5[%add3A, %dma_start3A, %dma_start3A_7] : memref<32x40x128xi32, #tpu.memory_space<hbm>> -> memref<1x40x128xi32, #tpu.memory_space<hbm>>
      %dma_start3A_9 = tpu.memref_squeeze %dma_start3A_8 : memref<1x40x128xi32, #tpu.memory_space<hbm>> -> memref<40x128xi32, #tpu.memory_space<hbm>>
      %dma_start3A_10 = arith.constant 0 : i32
      %dma_start3A_11 = arith.constant 0 : i32
      %dma_start3A_12 = tpu.memref_slice %arg5[%add3A, %dma_start3A_10, %dma_start3A_11] : memref<32x40x128xi32, #tpu.memory_space<hbm>> -> memref<1x40x128xi32, #tpu.memory_space<hbm>>
      %dma_start3A_13 = tpu.memref_squeeze %dma_start3A_12 : memref<1x40x128xi32, #tpu.memory_space<hbm>> -> memref<40x128xi32, #tpu.memory_space<hbm>>
      tpu.enqueue_dma source(%dma_start3A_13 : memref<40x128xi32, #tpu.memory_space<hbm>>) target(%arg10 : memref<40x128xi32, #tpu.memory_space<vmem>>) target_semaphore(%run_scoped3A : memref<!tpu.dma_semaphore, #tpu.memory_space<semaphore_mem>>)
      %dma_wait3A = arith.constant 0 : i32
      %dma_wait3A_14 = arith.constant 0 : i32
      %dma_wait3A_15 = tpu.memref_slice %arg5[%add3A, %dma_wait3A, %dma_wait3A_14] : memref<32x40x128xi32, #tpu.memory_space<hbm>> -> memref<1x40x128xi32, #tpu.memory_space<hbm>>
      %dma_wait3A_16 = tpu.memref_squeeze %dma_wait3A_15 : memref<1x40x128xi32, #tpu.memory_space<hbm>> -> memref<40x128xi32, #tpu.memory_space<hbm>>
      %dma_wait3A_17 = arith.constant 0 : i32
      %dma_wait3A_18 = arith.constant 0 : i32
      %dma_wait3A_19 = tpu.memref_slice %arg5[%add3A, %dma_wait3A_17, %dma_wait3A_18] : memref<32x40x128xi32, #tpu.memory_space<hbm>> -> memref<1x40x128xi32, #tpu.memory_space<hbm>>
      %dma_wait3A_20 = tpu.memref_squeeze %dma_wait3A_19 : memref<1x40x128xi32, #tpu.memory_space<hbm>> -> memref<40x128xi32, #tpu.memory_space<hbm>>
      tpu.wait_dma2 semaphore(%run_scoped3A : memref<!tpu.dma_semaphore, #tpu.memory_space<semaphore_mem>>) src(%dma_wait3A_20 : memref<40x128xi32, #tpu.memory_space<hbm>>) dst(%arg10 : memref<40x128xi32, #tpu.memory_space<vmem>>)
      tpu.yield
    }) : () -> ()
    %scan3A = arith.constant 0 : i32
    %scan3A_3 = arith.constant 40 : i32
    %scan3A_4 = arith.addi %scan3A, %scan3A_3 : i32
    %scan3A_5 = arith.constant 1 : i32
    scf.for %scan3A_7 = %scan3A to %scan3A_4 step %scan3A_5  : i32 {
      %mul3A_8 = arith.constant 1 : i32
      %mul3A_9 = arith.muli %scan3A_7, %mul3A_8 : i32
      %add3A_10 = arith.constant 0 : i32
      %add3A_11 = arith.addi %add3A_10, %mul3A_9 : i32
      "tpu.region"() ({
        %run_scoped3A = tpu.sem_alloc : memref<!tpu.dma_semaphore, #tpu.memory_space<semaphore_mem>>
        %dma_start3A = arith.constant 0 : i32
        %dma_start3A_20 = tpu.memref_slice %arg9[%add3A_11, %dma_start3A] : memref<40x128xi32, #tpu.memory_space<vmem>> -> memref<1x128xi32, #tpu.memory_space<vmem>>
        %dma_start3A_21 = tpu.memref_squeeze %dma_start3A_20 : memref<1x128xi32, #tpu.memory_space<vmem>> -> memref<128xi32, #tpu.memory_space<vmem>>
        %dma_start3A_22 = arith.constant 0 : i32
        %dma_start3A_23 = arith.constant 0 : i32
        %dma_start3A_24 = tpu.memref_slice %arg2[%dma_start3A_22, %dma_start3A_23] : memref<10240x128xf32, #tpu.memory_space<hbm>> -> memref<10240x128xf32, #tpu.memory_space<hbm>>
        tpu.enqueue_indirect_dma source(%dma_start3A_24 : memref<10240x128xf32, #tpu.memory_space<hbm>>) target(%arg11 : memref<128x128xf32, #tpu.memory_space<vmem>>) offsets(%dma_start3A_21 : memref<128xi32, #tpu.memory_space<vmem>>) semaphore(%run_scoped3A : memref<!tpu.dma_semaphore, #tpu.memory_space<semaphore_mem>>)
        %dma_wait3A = arith.constant 0 : i32
        %dma_wait3A_25 = tpu.memref_slice %arg9[%add3A_11, %dma_wait3A] : memref<40x128xi32, #tpu.memory_space<vmem>> -> memref<1x128xi32, #tpu.memory_space<vmem>>
        %dma_wait3A_26 = tpu.memref_squeeze %dma_wait3A_25 : memref<1x128xi32, #tpu.memory_space<vmem>> -> memref<128xi32, #tpu.memory_space<vmem>>
        %dma_wait3A_27 = arith.constant 0 : i32
        %dma_wait3A_28 = arith.constant 0 : i32
        %dma_wait3A_29 = tpu.memref_slice %arg2[%dma_wait3A_27, %dma_wait3A_28] : memref<10240x128xf32, #tpu.memory_space<hbm>> -> memref<10240x128xf32, #tpu.memory_space<hbm>>
        tpu.wait_indirect_dma semaphore(%run_scoped3A : memref<!tpu.dma_semaphore, #tpu.memory_space<semaphore_mem>>) src(%dma_wait3A_29 : memref<10240x128xf32, #tpu.memory_space<hbm>>) dst(%arg11 : memref<128x128xf32, #tpu.memory_space<vmem>>)
        tpu.yield
      }) : () -> ()
      "tpu.region"() ({
        %run_scoped3A = tpu.sem_alloc : memref<!tpu.dma_semaphore, #tpu.memory_space<semaphore_mem>>
        %dma_start3A = arith.constant 0 : i32
        %dma_start3A_20 = tpu.memref_slice %arg10[%add3A_11, %dma_start3A] : memref<40x128xi32, #tpu.memory_space<vmem>> -> memref<1x128xi32, #tpu.memory_space<vmem>>
        %dma_start3A_21 = tpu.memref_squeeze %dma_start3A_20 : memref<1x128xi32, #tpu.memory_space<vmem>> -> memref<128xi32, #tpu.memory_space<vmem>>
        %dma_start3A_22 = arith.constant 0 : i32
        %dma_start3A_23 = arith.constant 0 : i32
        %dma_start3A_24 = tpu.memref_slice %arg2[%dma_start3A_22, %dma_start3A_23] : memref<10240x128xf32, #tpu.memory_space<hbm>> -> memref<10240x128xf32, #tpu.memory_space<hbm>>
        tpu.enqueue_indirect_dma source(%dma_start3A_24 : memref<10240x128xf32, #tpu.memory_space<hbm>>) target(%arg12 : memref<128x128xf32, #tpu.memory_space<vmem>>) offsets(%dma_start3A_21 : memref<128xi32, #tpu.memory_space<vmem>>) semaphore(%run_scoped3A : memref<!tpu.dma_semaphore, #tpu.memory_space<semaphore_mem>>)
        %dma_wait3A = arith.constant 0 : i32
        %dma_wait3A_25 = tpu.memref_slice %arg10[%add3A_11, %dma_wait3A] : memref<40x128xi32, #tpu.memory_space<vmem>> -> memref<1x128xi32, #tpu.memory_space<vmem>>
        %dma_wait3A_26 = tpu.memref_squeeze %dma_wait3A_25 : memref<1x128xi32, #tpu.memory_space<vmem>> -> memref<128xi32, #tpu.memory_space<vmem>>
        %dma_wait3A_27 = arith.constant 0 : i32
        %dma_wait3A_28 = arith.constant 0 : i32
        %dma_wait3A_29 = tpu.memref_slice %arg2[%dma_wait3A_27, %dma_wait3A_28] : memref<10240x128xf32, #tpu.memory_space<hbm>> -> memref<10240x128xf32, #tpu.memory_space<hbm>>
        tpu.wait_indirect_dma semaphore(%run_scoped3A : memref<!tpu.dma_semaphore, #tpu.memory_space<semaphore_mem>>) src(%dma_wait3A_29 : memref<10240x128xf32, #tpu.memory_space<hbm>>) dst(%arg12 : memref<128x128xf32, #tpu.memory_space<vmem>>)
        tpu.yield
      }) : () -> ()
      "tpu.region"() ({
        %run_scoped3A = tpu.sem_alloc : memref<!tpu.dma_semaphore, #tpu.memory_space<semaphore_mem>>
        %dma_start3A = arith.constant 0 : i32
        %dma_start3A_20 = tpu.memref_slice %arg9[%add3A_11, %dma_start3A] : memref<40x128xi32, #tpu.memory_space<vmem>> -> memref<1x128xi32, #tpu.memory_space<vmem>>
        %dma_start3A_21 = tpu.memref_squeeze %dma_start3A_20 : memref<1x128xi32, #tpu.memory_space<vmem>> -> memref<128xi32, #tpu.memory_space<vmem>>
        %dma_start3A_22 = arith.constant 0 : i32
        %dma_start3A_23 = arith.constant 0 : i32
        %dma_start3A_24 = tpu.memref_slice %arg3[%dma_start3A_22, %dma_start3A_23] : memref<10240x128xf32, #tpu.memory_space<hbm>> -> memref<10240x128xf32, #tpu.memory_space<hbm>>
        tpu.enqueue_indirect_dma source(%dma_start3A_24 : memref<10240x128xf32, #tpu.memory_space<hbm>>) target(%arg13 : memref<128x128xf32, #tpu.memory_space<vmem>>) offsets(%dma_start3A_21 : memref<128xi32, #tpu.memory_space<vmem>>) semaphore(%run_scoped3A : memref<!tpu.dma_semaphore, #tpu.memory_space<semaphore_mem>>)
        %dma_wait3A = arith.constant 0 : i32
        %dma_wait3A_25 = tpu.memref_slice %arg9[%add3A_11, %dma_wait3A] : memref<40x128xi32, #tpu.memory_space<vmem>> -> memref<1x128xi32, #tpu.memory_space<vmem>>
        %dma_wait3A_26 = tpu.memref_squeeze %dma_wait3A_25 : memref<1x128xi32, #tpu.memory_space<vmem>> -> memref<128xi32, #tpu.memory_space<vmem>>
        %dma_wait3A_27 = arith.constant 0 : i32
        %dma_wait3A_28 = arith.constant 0 : i32
        %dma_wait3A_29 = tpu.memref_slice %arg3[%dma_wait3A_27, %dma_wait3A_28] : memref<10240x128xf32, #tpu.memory_space<hbm>> -> memref<10240x128xf32, #tpu.memory_space<hbm>>
        tpu.wait_indirect_dma semaphore(%run_scoped3A : memref<!tpu.dma_semaphore, #tpu.memory_space<semaphore_mem>>) src(%dma_wait3A_29 : memref<10240x128xf32, #tpu.memory_space<hbm>>) dst(%arg13 : memref<128x128xf32, #tpu.memory_space<vmem>>)
        tpu.yield
      }) : () -> ()
      "tpu.region"() ({
        %run_scoped3A = tpu.sem_alloc : memref<!tpu.dma_semaphore, #tpu.memory_space<semaphore_mem>>
        %dma_start3A = arith.constant 0 : i32
        %dma_start3A_20 = tpu.memref_slice %arg10[%add3A_11, %dma_start3A] : memref<40x128xi32, #tpu.memory_space<vmem>> -> memref<1x128xi32, #tpu.memory_space<vmem>>
        %dma_start3A_21 = tpu.memref_squeeze %dma_start3A_20 : memref<1x128xi32, #tpu.memory_space<vmem>> -> memref<128xi32, #tpu.memory_space<vmem>>
        %dma_start3A_22 = arith.constant 0 : i32
        %dma_start3A_23 = arith.constant 0 : i32
        %dma_start3A_24 = tpu.memref_slice %arg3[%dma_start3A_22, %dma_start3A_23] : memref<10240x128xf32, #tpu.memory_space<hbm>> -> memref<10240x128xf32, #tpu.memory_space<hbm>>
        tpu.enqueue_indirect_dma source(%dma_start3A_24 : memref<10240x128xf32, #tpu.memory_space<hbm>>) target(%arg14 : memref<128x128xf32, #tpu.memory_space<vmem>>) offsets(%dma_start3A_21 : memref<128xi32, #tpu.memory_space<vmem>>) semaphore(%run_scoped3A : memref<!tpu.dma_semaphore, #tpu.memory_space<semaphore_mem>>)
        %dma_wait3A = arith.constant 0 : i32
        %dma_wait3A_25 = tpu.memref_slice %arg10[%add3A_11, %dma_wait3A] : memref<40x128xi32, #tpu.memory_space<vmem>> -> memref<1x128xi32, #tpu.memory_space<vmem>>
        %dma_wait3A_26 = tpu.memref_squeeze %dma_wait3A_25 : memref<1x128xi32, #tpu.memory_space<vmem>> -> memref<128xi32, #tpu.memory_space<vmem>>
        %dma_wait3A_27 = arith.constant 0 : i32
        %dma_wait3A_28 = arith.constant 0 : i32
        %dma_wait3A_29 = tpu.memref_slice %arg3[%dma_wait3A_27, %dma_wait3A_28] : memref<10240x128xf32, #tpu.memory_space<hbm>> -> memref<10240x128xf32, #tpu.memory_space<hbm>>
        tpu.wait_indirect_dma semaphore(%run_scoped3A : memref<!tpu.dma_semaphore, #tpu.memory_space<semaphore_mem>>) src(%dma_wait3A_29 : memref<10240x128xf32, #tpu.memory_space<hbm>>) dst(%arg14 : memref<128x128xf32, #tpu.memory_space<vmem>>)
        tpu.yield
      }) : () -> ()
      %scan3A_12 = arith.constant 0 : i32
      %scan3A_13 = arith.constant 128 : i32
      %scan3A_14 = arith.addi %scan3A_12, %scan3A_13 : i32
      %scan3A_15 = arith.constant 1 : i32
      scf.for %scan3A_20 = %scan3A_12 to %scan3A_14 step %scan3A_15  : i32 {
        %mul3A_21 = arith.constant 1 : i32
        %mul3A_22 = arith.muli %scan3A_20, %mul3A_21 : i32
        %add3A_23 = arith.constant 0 : i32
        %add3A_24 = arith.addi %add3A_23, %mul3A_22 : i32
        %get3A = arith.index_cast %add3A_24 : i32 to index
        %get3A_25 = arith.constant 0 : index
        %get3A_26 = tpu.vector_load %arg13[%get3A, %get3A_25] {strides = array<i32>} : memref<128x128xf32, #tpu.memory_space<vmem>>, vector<1x16xf32>,
        %get3A_27 = vector.shape_cast %get3A_26 : vector<1x16xf32> to vector<16xf32>
        %get3A_28 = arith.index_cast %add3A_24 : i32 to index
        %get3A_29 = arith.constant 0 : index
        %get3A_30 = tpu.vector_load %arg14[%get3A_28, %get3A_29] {strides = array<i32>} : memref<128x128xf32, #tpu.memory_space<vmem>>, vector<1x16xf32>,
        %get3A_31 = vector.shape_cast %get3A_30 : vector<1x16xf32> to vector<16xf32>
        %sub3A = arith.subf %get3A_27, %get3A_31 : vector<16xf32>
        %swap3A = arith.index_cast %add3A_24 : i32 to index
        %swap3A_32 = arith.constant 0 : index
        %swap3A_33 = tpu.vector_load %arg15[%swap3A, %swap3A_32] {strides = array<i32>} : memref<128x16xf32, #tpu.memory_space<vmem>>, vector<1x16xf32>,
        %swap3A_34 = vector.shape_cast %swap3A_33 : vector<1x16xf32> to vector<16xf32>
        %swap3A_35 = vector.shape_cast %sub3A : vector<16xf32> to vector<1x16xf32>
        tpu.vector_store %arg15[%swap3A, %swap3A_32], %swap3A_35 {strides = array<i32>} : memref<128x16xf32, #tpu.memory_space<vmem>>, vector<1x16xf32>,
      }
      %scan3A_16 = arith.constant 128 : i32
      %mul3A_17 = arith.constant 128 : i32
      %mul3A_18 = arith.muli %add3A_11, %mul3A_17 : i32
      %add3A_19 = arith.addi %mul3A_2, %mul3A_18 : i32
      "tpu.region"() ({
        %run_scoped3A = tpu.sem_alloc : memref<!tpu.dma_semaphore, #tpu.memory_space<semaphore_mem>>
        %dma_start3A = arith.constant 0 : i32
        %dma_start3A_20 = tpu.memref_slice %arg6[%add3A_19, %dma_start3A] : memref<163840x128xf32, #tpu.memory_space<hbm>> -> memref<128x128xf32, #tpu.memory_space<hbm>>
        %dma_start3A_21 = arith.constant 0 : i32
        %dma_start3A_22 = tpu.memref_slice %arg6[%add3A_19, %dma_start3A_21] : memref<163840x128xf32, #tpu.memory_space<hbm>> -> memref<128x128xf32, #tpu.memory_space<hbm>>
        tpu.enqueue_dma source(%arg11 : memref<128x128xf32, #tpu.memory_space<vmem>>) target(%dma_start3A_22 : memref<128x128xf32, #tpu.memory_space<hbm>>) target_semaphore(%run_scoped3A : memref<!tpu.dma_semaphore, #tpu.memory_space<semaphore_mem>>)
        %dma_wait3A = arith.constant 0 : i32
        %dma_wait3A_23 = tpu.memref_slice %arg6[%add3A_19, %dma_wait3A] : memref<163840x128xf32, #tpu.memory_space<hbm>> -> memref<128x128xf32, #tpu.memory_space<hbm>>
        %dma_wait3A_24 = arith.constant 0 : i32
        %dma_wait3A_25 = tpu.memref_slice %arg6[%add3A_19, %dma_wait3A_24] : memref<163840x128xf32, #tpu.memory_space<hbm>> -> memref<128x128xf32, #tpu.memory_space<hbm>>
        tpu.wait_dma2 semaphore(%run_scoped3A : memref<!tpu.dma_semaphore, #tpu.memory_space<semaphore_mem>>) src(%arg11 : memref<128x128xf32, #tpu.memory_space<vmem>>) dst(%dma_wait3A_25 : memref<128x128xf32, #tpu.memory_space<hbm>>)
        tpu.yield
      }) : () -> ()
      "tpu.region"() ({
        %run_scoped3A = tpu.sem_alloc : memref<!tpu.dma_semaphore, #tpu.memory_space<semaphore_mem>>
        %dma_start3A = arith.constant 0 : i32
        %dma_start3A_20 = tpu.memref_slice %arg7[%add3A_19, %dma_start3A] : memref<163840x128xf32, #tpu.memory_space<hbm>> -> memref<128x128xf32, #tpu.memory_space<hbm>>
        %dma_start3A_21 = arith.constant 0 : i32
        %dma_start3A_22 = tpu.memref_slice %arg7[%add3A_19, %dma_start3A_21] : memref<163840x128xf32, #tpu.memory_space<hbm>> -> memref<128x128xf32, #tpu.memory_space<hbm>>
        tpu.enqueue_dma source(%arg12 : memref<128x128xf32, #tpu.memory_space<vmem>>) target(%dma_start3A_22 : memref<128x128xf32, #tpu.memory_space<hbm>>) target_semaphore(%run_scoped3A : memref<!tpu.dma_semaphore, #tpu.memory_space<semaphore_mem>>)
        %dma_wait3A = arith.constant 0 : i32
        %dma_wait3A_23 = tpu.memref_slice %arg7[%add3A_19, %dma_wait3A] : memref<163840x128xf32, #tpu.memory_space<hbm>> -> memref<128x128xf32, #tpu.memory_space<hbm>>
        %dma_wait3A_24 = arith.constant 0 : i32
        %dma_wait3A_25 = tpu.memref_slice %arg7[%add3A_19, %dma_wait3A_24] : memref<163840x128xf32, #tpu.memory_space<hbm>> -> memref<128x128xf32, #tpu.memory_space<hbm>>
        tpu.wait_dma2 semaphore(%run_scoped3A : memref<!tpu.dma_semaphore, #tpu.memory_space<semaphore_mem>>) src(%arg12 : memref<128x128xf32, #tpu.memory_space<vmem>>) dst(%dma_wait3A_25 : memref<128x128xf32, #tpu.memory_space<hbm>>)
        tpu.yield
      }) : () -> ()
      "tpu.region"() ({
        %run_scoped3A = tpu.sem_alloc : memref<!tpu.dma_semaphore, #tpu.memory_space<semaphore_mem>>
        %dma_start3A = arith.constant 0 : i32
        %dma_start3A_20 = tpu.memref_slice %arg8[%add3A_19, %dma_start3A] : memref<163840x16xf32, #tpu.memory_space<hbm>> -> memref<128x16xf32, #tpu.memory_space<hbm>>
        %dma_start3A_21 = arith.constant 0 : i32
        %dma_start3A_22 = tpu.memref_slice %arg8[%add3A_19, %dma_start3A_21] : memref<163840x16xf32, #tpu.memory_space<hbm>> -> memref<128x16xf32, #tpu.memory_space<hbm>>
        tpu.enqueue_dma source(%arg15 : memref<128x16xf32, #tpu.memory_space<vmem>>) target(%dma_start3A_22 : memref<128x16xf32, #tpu.memory_space<hbm>>) target_semaphore(%run_scoped3A : memref<!tpu.dma_semaphore, #tpu.memory_space<semaphore_mem>>)
        %dma_wait3A = arith.constant 0 : i32
        %dma_wait3A_23 = tpu.memref_slice %arg8[%add3A_19, %dma_wait3A] : memref<163840x16xf32, #tpu.memory_space<hbm>> -> memref<128x16xf32, #tpu.memory_space<hbm>>
        %dma_wait3A_24 = arith.constant 0 : i32
        %dma_wait3A_25 = tpu.memref_slice %arg8[%add3A_19, %dma_wait3A_24] : memref<163840x16xf32, #tpu.memory_space<hbm>> -> memref<128x16xf32, #tpu.memory_space<hbm>>
        tpu.wait_dma2 semaphore(%run_scoped3A : memref<!tpu.dma_semaphore, #tpu.memory_space<semaphore_mem>>) src(%arg15 : memref<128x16xf32, #tpu.memory_space<vmem>>) dst(%dma_wait3A_25 : memref<128x16xf32, #tpu.memory_space<hbm>>)
        tpu.yield
      }) : () -> ()
    }
    %scan3A_6 = arith.constant 40 : i32
    return
  }
}

#map = affine_map<(d0, d1) -> (0, 0)>
#map1 = affine_map<(d0, d1) -> (0, 0, 0)>
module attributes {stable_mosaic.version = 14 : i64} {
  func.func @k(%arg0: i32, %arg1: i32, %arg2: memref<10240x128xf32, #tpu.memory_space<hbm>>, %arg3: memref<10240x128xf32, #tpu.memory_space<hbm>>, %arg4: memref<32x40x128xi32, #tpu.memory_space<hbm>>, %arg5: memref<32x40x128xi32, #tpu.memory_space<hbm>>, %arg6: memref<163840x128xf32, #tpu.memory_space<hbm>>, %arg7: memref<163840x128xf32, #tpu.memory_space<hbm>>, %arg8: memref<163840x16xf32, #tpu.memory_space<hbm>>, %arg9: memref<40x128xi32, #tpu.memory_space<vmem>>, %arg10: memref<40x128xi32, #tpu.memory_space<vmem>>, %arg11: memref<128x128xf32, #tpu.memory_space<vmem>>, %arg12: memref<128x128xf32, #tpu.memory_space<vmem>>, %arg13: memref<128x128xf32, #tpu.memory_space<vmem>>, %arg14: memref<128x128xf32, #tpu.memory_space<vmem>>, %arg15: memref<128x16xf32, #tpu.memory_space<vmem>>, %arg16: memref<!tpu.dma_semaphore, #tpu.memory_space<semaphore_mem>>) attributes {dimension_semantics = [#tpu.dimension_semantics<core_parallel>, #tpu.dimension_semantics<subcore_parallel>], iteration_bounds = array<i64: 2, 16>, scalar_prefetch = 0 : i64, scratch_operands = 8 : i64, tpu.core_type = #tpu.core_type<sc_vector_subcore>, window_params = [{transform_indices = #map}, {transform_indices = #map}, {transform_indices = #map1}, {transform_indices = #map1}, {transform_indices = #map}, {transform_indices = #map}, {transform_indices = #map}]} {
    %mul3A = arith.constant 16 : i32
    %mul3A_0 = arith.muli %arg0, %mul3A : i32
    %add3A = arith.addi %mul3A_0, %arg1 : i32
    %mul3A_1 = arith.constant 5120 : i32
    %mul3A_2 = arith.muli %add3A, %mul3A_1 : i32
    "tpu.region"() ({
      %run_scoped3A = tpu.sem_alloc : memref<!tpu.dma_semaphore, #tpu.memory_space<semaphore_mem>>
      %dma_start3A = arith.constant 0 : i32
      %dma_start3A_7 = arith.constant 0 : i32
      %dma_start3A_8 = tpu.memref_slice %arg4[%add3A, %dma_start3A, %dma_start3A_7] : memref<32x40x128xi32, #tpu.memory_space<hbm>> -> memref<1x40x128xi32, #tpu.memory_space<hbm>>
      %dma_start3A_9 = tpu.memref_squeeze %dma_start3A_8 : memref<1x40x128xi32, #tpu.memory_space<hbm>> -> memref<40x128xi32, #tpu.memory_space<hbm>>
      %dma_start3A_10 = arith.constant 0 : i32
      %dma_start3A_11 = arith.constant 0 : i32
      %dma_start3A_12 = tpu.memref_slice %arg4[%add3A, %dma_start3A_10, %dma_start3A_11] : memref<32x40x128xi32, #tpu.memory_space<hbm>> -> memref<1x40x128xi32, #tpu.memory_space<hbm>>
      %dma_start3A_13 = tpu.memref_squeeze %dma_start3A_12 : memref<1x40x128xi32, #tpu.memory_space<hbm>> -> memref<40x128xi32, #tpu.memory_space<hbm>>
      tpu.enqueue_dma source(%dma_start3A_13 : memref<40x128xi32, #tpu.memory_space<hbm>>) target(%arg9 : memref<40x128xi32, #tpu.memory_space<vmem>>) target_semaphore(%run_scoped3A : memref<!tpu.dma_semaphore, #tpu.memory_space<semaphore_mem>>)
      %dma_wait3A = arith.constant 0 : i32
      %dma_wait3A_14 = arith.constant 0 : i32
      %dma_wait3A_15 = tpu.memref_slice %arg4[%add3A, %dma_wait3A, %dma_wait3A_14] : memref<32x40x128xi32, #tpu.memory_space<hbm>> -> memref<1x40x128xi32, #tpu.memory_space<hbm>>
      %dma_wait3A_16 = tpu.memref_squeeze %dma_wait3A_15 : memref<1x40x128xi32, #tpu.memory_space<hbm>> -> memref<40x128xi32, #tpu.memory_space<hbm>>
      %dma_wait3A_17 = arith.constant 0 : i32
      %dma_wait3A_18 = arith.constant 0 : i32
      %dma_wait3A_19 = tpu.memref_slice %arg4[%add3A, %dma_wait3A_17, %dma_wait3A_18] : memref<32x40x128xi32, #tpu.memory_space<hbm>> -> memref<1x40x128xi32, #tpu.memory_space<hbm>>
      %dma_wait3A_20 = tpu.memref_squeeze %dma_wait3A_19 : memref<1x40x128xi32, #tpu.memory_space<hbm>> -> memref<40x128xi32, #tpu.memory_space<hbm>>
      tpu.wait_dma2 semaphore(%run_scoped3A : memref<!tpu.dma_semaphore, #tpu.memory_space<semaphore_mem>>) src(%dma_wait3A_20 : memref<40x128xi32, #tpu.memory_space<hbm>>) dst(%arg9 : memref<40x128xi32, #tpu.memory_space<vmem>>)
      tpu.yield
    }) : () -> ()
    "tpu.region"() ({
      %run_scoped3A = tpu.sem_alloc : memref<!tpu.dma_semaphore, #tpu.memory_space<semaphore_mem>>
      %dma_start3A = arith.constant 0 : i32
      %dma_start3A_7 = arith.constant 0 : i32
      %dma_start3A_8 = tpu.memref_slice %arg5[%add3A, %dma_start3A, %dma_start3A_7] : memref<32x40x128xi32, #tpu.memory_space<hbm>> -> memref<1x40x128xi32, #tpu.memory_space<hbm>>
      %dma_start3A_9 = tpu.memref_squeeze %dma_start3A_8 : memref<1x40x128xi32, #tpu.memory_space<hbm>> -> memref<40x128xi32, #tpu.memory_space<hbm>>
      %dma_start3A_10 = arith.constant 0 : i32
      %dma_start3A_11 = arith.constant 0 : i32
      %dma_start3A_12 = tpu.memref_slice %arg5[%add3A, %dma_start3A_10, %dma_start3A_11] : memref<32x40x128xi32, #tpu.memory_space<hbm>> -> memref<1x40x128xi32, #tpu.memory_space<hbm>>
      %dma_start3A_13 = tpu.memref_squeeze %dma_start3A_12 : memref<1x40x128xi32, #tpu.memory_space<hbm>> -> memref<40x128xi32, #tpu.memory_space<hbm>>
      tpu.enqueue_dma source(%dma_start3A_13 : memref<40x128xi32, #tpu.memory_space<hbm>>) target(%arg10 : memref<40x128xi32, #tpu.memory_space<vmem>>) target_semaphore(%run_scoped3A : memref<!tpu.dma_semaphore, #tpu.memory_space<semaphore_mem>>)
      %dma_wait3A = arith.constant 0 : i32
      %dma_wait3A_14 = arith.constant 0 : i32
      %dma_wait3A_15 = tpu.memref_slice %arg5[%add3A, %dma_wait3A, %dma_wait3A_14] : memref<32x40x128xi32, #tpu.memory_space<hbm>> -> memref<1x40x128xi32, #tpu.memory_space<hbm>>
      %dma_wait3A_16 = tpu.memref_squeeze %dma_wait3A_15 : memref<1x40x128xi32, #tpu.memory_space<hbm>> -> memref<40x128xi32, #tpu.memory_space<hbm>>
      %dma_wait3A_17 = arith.constant 0 : i32
      %dma_wait3A_18 = arith.constant 0 : i32
      %dma_wait3A_19 = tpu.memref_slice %arg5[%add3A, %dma_wait3A_17, %dma_wait3A_18] : memref<32x40x128xi32, #tpu.memory_space<hbm>> -> memref<1x40x128xi32, #tpu.memory_space<hbm>>
      %dma_wait3A_20 = tpu.memref_squeeze %dma_wait3A_19 : memref<1x40x128xi32, #tpu.memory_space<hbm>> -> memref<40x128xi32, #tpu.memory_space<hbm>>
      tpu.wait_dma2 semaphore(%run_scoped3A : memref<!tpu.dma_semaphore, #tpu.memory_space<semaphore_mem>>) src(%dma_wait3A_20 : memref<40x128xi32, #tpu.memory_space<hbm>>) dst(%arg10 : memref<40x128xi32, #tpu.memory_space<vmem>>)
      tpu.yield
    }) : () -> ()
    %scan3A = arith.constant 0 : i32
    %scan3A_3 = arith.constant 40 : i32
    %scan3A_4 = arith.addi %scan3A, %scan3A_3 : i32
    %scan3A_5 = arith.constant 1 : i32
    scf.for %scan3A_7 = %scan3A to %scan3A_4 step %scan3A_5  : i32 {
      %mul3A_8 = arith.constant 1 : i32
      %mul3A_9 = arith.muli %scan3A_7, %mul3A_8 : i32
      %add3A_10 = arith.constant 0 : i32
      %add3A_11 = arith.addi %add3A_10, %mul3A_9 : i32
      "tpu.region"() ({
        %run_scoped3A = tpu.sem_alloc : memref<!tpu.dma_semaphore, #tpu.memory_space<semaphore_mem>>
        %dma_start3A = arith.constant 0 : i32
        %dma_start3A_20 = tpu.memref_slice %arg9[%add3A_11, %dma_start3A] : memref<40x128xi32, #tpu.memory_space<vmem>> -> memref<1x128xi32, #tpu.memory_space<vmem>>
        %dma_start3A_21 = tpu.memref_squeeze %dma_start3A_20 : memref<1x128xi32, #tpu.memory_space<vmem>> -> memref<128xi32, #tpu.memory_space<vmem>>
        %dma_start3A_22 = arith.constant 0 : i32
        %dma_start3A_23 = arith.constant 0 : i32
        %dma_start3A_24 = tpu.memref_slice %arg2[%dma_start3A_22, %dma_start3A_23] : memref<10240x128xf32, #tpu.memory_space<hbm>> -> memref<10240x128xf32, #tpu.memory_space<hbm>>
        tpu.enqueue_indirect_dma source(%dma_start3A_24 : memref<10240x128xf32, #tpu.memory_space<hbm>>) target(%arg11 : memref<128x128xf32, #tpu.memory_space<vmem>>) offsets(%dma_start3A_21 : memref<128xi32, #tpu.memory_space<vmem>>) semaphore(%run_scoped3A : memref<!tpu.dma_semaphore, #tpu.memory_space<semaphore_mem>>)
        %dma_wait3A = arith.constant 0 : i32
        %dma_wait3A_25 = tpu.memref_slice %arg9[%add3A_11, %dma_wait3A] : memref<40x128xi32, #tpu.memory_space<vmem>> -> memref<1x128xi32, #tpu.memory_space<vmem>>
        %dma_wait3A_26 = tpu.memref_squeeze %dma_wait3A_25 : memref<1x128xi32, #tpu.memory_space<vmem>> -> memref<128xi32, #tpu.memory_space<vmem>>
        %dma_wait3A_27 = arith.constant 0 : i32
        %dma_wait3A_28 = arith.constant 0 : i32
        %dma_wait3A_29 = tpu.memref_slice %arg2[%dma_wait3A_27, %dma_wait3A_28] : memref<10240x128xf32, #tpu.memory_space<hbm>> -> memref<10240x128xf32, #tpu.memory_space<hbm>>
        tpu.wait_indirect_dma semaphore(%run_scoped3A : memref<!tpu.dma_semaphore, #tpu.memory_space<semaphore_mem>>) src(%dma_wait3A_29 : memref<10240x128xf32, #tpu.memory_space<hbm>>) dst(%arg11 : memref<128x128xf32, #tpu.memory_space<vmem>>)
        tpu.yield
      }) : () -> ()
      "tpu.region"() ({
        %run_scoped3A = tpu.sem_alloc : memref<!tpu.dma_semaphore, #tpu.memory_space<semaphore_mem>>
        %dma_start3A = arith.constant 0 : i32
        %dma_start3A_20 = tpu.memref_slice %arg10[%add3A_11, %dma_start3A] : memref<40x128xi32, #tpu.memory_space<vmem>> -> memref<1x128xi32, #tpu.memory_space<vmem>>
        %dma_start3A_21 = tpu.memref_squeeze %dma_start3A_20 : memref<1x128xi32, #tpu.memory_space<vmem>> -> memref<128xi32, #tpu.memory_space<vmem>>
        %dma_start3A_22 = arith.constant 0 : i32
        %dma_start3A_23 = arith.constant 0 : i32
        %dma_start3A_24 = tpu.memref_slice %arg2[%dma_start3A_22, %dma_start3A_23] : memref<10240x128xf32, #tpu.memory_space<hbm>> -> memref<10240x128xf32, #tpu.memory_space<hbm>>
        tpu.enqueue_indirect_dma source(%dma_start3A_24 : memref<10240x128xf32, #tpu.memory_space<hbm>>) target(%arg12 : memref<128x128xf32, #tpu.memory_space<vmem>>) offsets(%dma_start3A_21 : memref<128xi32, #tpu.memory_space<vmem>>) semaphore(%run_scoped3A : memref<!tpu.dma_semaphore, #tpu.memory_space<semaphore_mem>>)
        %dma_wait3A = arith.constant 0 : i32
        %dma_wait3A_25 = tpu.memref_slice %arg10[%add3A_11, %dma_wait3A] : memref<40x128xi32, #tpu.memory_space<vmem>> -> memref<1x128xi32, #tpu.memory_space<vmem>>
        %dma_wait3A_26 = tpu.memref_squeeze %dma_wait3A_25 : memref<1x128xi32, #tpu.memory_space<vmem>> -> memref<128xi32, #tpu.memory_space<vmem>>
        %dma_wait3A_27 = arith.constant 0 : i32
        %dma_wait3A_28 = arith.constant 0 : i32
        %dma_wait3A_29 = tpu.memref_slice %arg2[%dma_wait3A_27, %dma_wait3A_28] : memref<10240x128xf32, #tpu.memory_space<hbm>> -> memref<10240x128xf32, #tpu.memory_space<hbm>>
        tpu.wait_indirect_dma semaphore(%run_scoped3A : memref<!tpu.dma_semaphore, #tpu.memory_space<semaphore_mem>>) src(%dma_wait3A_29 : memref<10240x128xf32, #tpu.memory_space<hbm>>) dst(%arg12 : memref<128x128xf32, #tpu.memory_space<vmem>>)
        tpu.yield
      }) : () -> ()
      "tpu.region"() ({
        %run_scoped3A = tpu.sem_alloc : memref<!tpu.dma_semaphore, #tpu.memory_space<semaphore_mem>>
        %dma_start3A = arith.constant 0 : i32
        %dma_start3A_20 = tpu.memref_slice %arg9[%add3A_11, %dma_start3A] : memref<40x128xi32, #tpu.memory_space<vmem>> -> memref<1x128xi32, #tpu.memory_space<vmem>>
        %dma_start3A_21 = tpu.memref_squeeze %dma_start3A_20 : memref<1x128xi32, #tpu.memory_space<vmem>> -> memref<128xi32, #tpu.memory_space<vmem>>
        %dma_start3A_22 = arith.constant 0 : i32
        %dma_start3A_23 = arith.constant 0 : i32
        %dma_start3A_24 = tpu.memref_slice %arg3[%dma_start3A_22, %dma_start3A_23] : memref<10240x128xf32, #tpu.memory_space<hbm>> -> memref<10240x128xf32, #tpu.memory_space<hbm>>
        tpu.enqueue_indirect_dma source(%dma_start3A_24 : memref<10240x128xf32, #tpu.memory_space<hbm>>) target(%arg13 : memref<128x128xf32, #tpu.memory_space<vmem>>) offsets(%dma_start3A_21 : memref<128xi32, #tpu.memory_space<vmem>>) semaphore(%run_scoped3A : memref<!tpu.dma_semaphore, #tpu.memory_space<semaphore_mem>>)
        %dma_wait3A = arith.constant 0 : i32
        %dma_wait3A_25 = tpu.memref_slice %arg9[%add3A_11, %dma_wait3A] : memref<40x128xi32, #tpu.memory_space<vmem>> -> memref<1x128xi32, #tpu.memory_space<vmem>>
        %dma_wait3A_26 = tpu.memref_squeeze %dma_wait3A_25 : memref<1x128xi32, #tpu.memory_space<vmem>> -> memref<128xi32, #tpu.memory_space<vmem>>
        %dma_wait3A_27 = arith.constant 0 : i32
        %dma_wait3A_28 = arith.constant 0 : i32
        %dma_wait3A_29 = tpu.memref_slice %arg3[%dma_wait3A_27, %dma_wait3A_28] : memref<10240x128xf32, #tpu.memory_space<hbm>> -> memref<10240x128xf32, #tpu.memory_space<hbm>>
        tpu.wait_indirect_dma semaphore(%run_scoped3A : memref<!tpu.dma_semaphore, #tpu.memory_space<semaphore_mem>>) src(%dma_wait3A_29 : memref<10240x128xf32, #tpu.memory_space<hbm>>) dst(%arg13 : memref<128x128xf32, #tpu.memory_space<vmem>>)
        tpu.yield
      }) : () -> ()
      "tpu.region"() ({
        %run_scoped3A = tpu.sem_alloc : memref<!tpu.dma_semaphore, #tpu.memory_space<semaphore_mem>>
        %dma_start3A = arith.constant 0 : i32
        %dma_start3A_20 = tpu.memref_slice %arg10[%add3A_11, %dma_start3A] : memref<40x128xi32, #tpu.memory_space<vmem>> -> memref<1x128xi32, #tpu.memory_space<vmem>>
        %dma_start3A_21 = tpu.memref_squeeze %dma_start3A_20 : memref<1x128xi32, #tpu.memory_space<vmem>> -> memref<128xi32, #tpu.memory_space<vmem>>
        %dma_start3A_22 = arith.constant 0 : i32
        %dma_start3A_23 = arith.constant 0 : i32
        %dma_start3A_24 = tpu.memref_slice %arg3[%dma_start3A_22, %dma_start3A_23] : memref<10240x128xf32, #tpu.memory_space<hbm>> -> memref<10240x128xf32, #tpu.memory_space<hbm>>
        tpu.enqueue_indirect_dma source(%dma_start3A_24 : memref<10240x128xf32, #tpu.memory_space<hbm>>) target(%arg14 : memref<128x128xf32, #tpu.memory_space<vmem>>) offsets(%dma_start3A_21 : memref<128xi32, #tpu.memory_space<vmem>>) semaphore(%run_scoped3A : memref<!tpu.dma_semaphore, #tpu.memory_space<semaphore_mem>>)
        %dma_wait3A = arith.constant 0 : i32
        %dma_wait3A_25 = tpu.memref_slice %arg10[%add3A_11, %dma_wait3A] : memref<40x128xi32, #tpu.memory_space<vmem>> -> memref<1x128xi32, #tpu.memory_space<vmem>>
        %dma_wait3A_26 = tpu.memref_squeeze %dma_wait3A_25 : memref<1x128xi32, #tpu.memory_space<vmem>> -> memref<128xi32, #tpu.memory_space<vmem>>
        %dma_wait3A_27 = arith.constant 0 : i32
        %dma_wait3A_28 = arith.constant 0 : i32
        %dma_wait3A_29 = tpu.memref_slice %arg3[%dma_wait3A_27, %dma_wait3A_28] : memref<10240x128xf32, #tpu.memory_space<hbm>> -> memref<10240x128xf32, #tpu.memory_space<hbm>>
        tpu.wait_indirect_dma semaphore(%run_scoped3A : memref<!tpu.dma_semaphore, #tpu.memory_space<semaphore_mem>>) src(%dma_wait3A_29 : memref<10240x128xf32, #tpu.memory_space<hbm>>) dst(%arg14 : memref<128x128xf32, #tpu.memory_space<vmem>>)
        tpu.yield
      }) : () -> ()
      %scan3A_12 = arith.constant 0 : i32
      %scan3A_13 = arith.constant 128 : i32
      %scan3A_14 = arith.addi %scan3A_12, %scan3A_13 : i32
      %scan3A_15 = arith.constant 1 : i32
      scf.for %scan3A_20 = %scan3A_12 to %scan3A_14 step %scan3A_15  : i32 {
        %mul3A_21 = arith.constant 1 : i32
        %mul3A_22 = arith.muli %scan3A_20, %mul3A_21 : i32
        %add3A_23 = arith.constant 0 : i32
        %add3A_24 = arith.addi %add3A_23, %mul3A_22 : i32
        %get3A = arith.index_cast %add3A_24 : i32 to index
        %get3A_25 = arith.constant 0 : index
        %get3A_26 = tpu.vector_load %arg13[%get3A, %get3A_25] {strides = array<i32>} : memref<128x128xf32, #tpu.memory_space<vmem>>, vector<1x16xf32>,
        %get3A_27 = vector.shape_cast %get3A_26 : vector<1x16xf32> to vector<16xf32>
        %get3A_28 = arith.index_cast %add3A_24 : i32 to index
        %get3A_29 = arith.constant 0 : index
        %get3A_30 = tpu.vector_load %arg14[%get3A_28, %get3A_29] {strides = array<i32>} : memref<128x128xf32, #tpu.memory_space<vmem>>, vector<1x16xf32>,
        %get3A_31 = vector.shape_cast %get3A_30 : vector<1x16xf32> to vector<16xf32>
        %sub3A = arith.subf %get3A_27, %get3A_31 : vector<16xf32>
        %swap3A = arith.index_cast %add3A_24 : i32 to index
        %swap3A_32 = arith.constant 0 : index
        %swap3A_33 = tpu.vector_load %arg15[%swap3A, %swap3A_32] {strides = array<i32>} : memref<128x16xf32, #tpu.memory_space<vmem>>, vector<1x16xf32>,
        %swap3A_34 = vector.shape_cast %swap3A_33 : vector<1x16xf32> to vector<16xf32>
        %swap3A_35 = vector.shape_cast %sub3A : vector<16xf32> to vector<1x16xf32>
        tpu.vector_store %arg15[%swap3A, %swap3A_32], %swap3A_35 {strides = array<i32>} : memref<128x16xf32, #tpu.memory_space<vmem>>, vector<1x16xf32>,
      }
      %scan3A_16 = arith.constant 128 : i32
      %mul3A_17 = arith.constant 128 : i32
      %mul3A_18 = arith.muli %add3A_11, %mul3A_17 : i32
      %add3A_19 = arith.addi %mul3A_2, %mul3A_18 : i32
      "tpu.region"() ({
        %run_scoped3A = tpu.sem_alloc : memref<!tpu.dma_semaphore, #tpu.memory_space<semaphore_mem>>
        %dma_start3A = arith.constant 0 : i32
        %dma_start3A_20 = tpu.memref_slice %arg6[%add3A_19, %dma_start3A] : memref<163840x128xf32, #tpu.memory_space<hbm>> -> memref<128x128xf32, #tpu.memory_space<hbm>>
        %dma_start3A_21 = arith.constant 0 : i32
        %dma_start3A_22 = tpu.memref_slice %arg6[%add3A_19, %dma_start3A_21] : memref<163840x128xf32, #tpu.memory_space<hbm>> -> memref<128x128xf32, #tpu.memory_space<hbm>>
        tpu.enqueue_dma source(%arg11 : memref<128x128xf32, #tpu.memory_space<vmem>>) target(%dma_start3A_22 : memref<128x128xf32, #tpu.memory_space<hbm>>) target_semaphore(%run_scoped3A : memref<!tpu.dma_semaphore, #tpu.memory_space<semaphore_mem>>)
        %dma_wait3A = arith.constant 0 : i32
        %dma_wait3A_23 = tpu.memref_slice %arg6[%add3A_19, %dma_wait3A] : memref<163840x128xf32, #tpu.memory_space<hbm>> -> memref<128x128xf32, #tpu.memory_space<hbm>>
        %dma_wait3A_24 = arith.constant 0 : i32
        %dma_wait3A_25 = tpu.memref_slice %arg6[%add3A_19, %dma_wait3A_24] : memref<163840x128xf32, #tpu.memory_space<hbm>> -> memref<128x128xf32, #tpu.memory_space<hbm>>
        tpu.wait_dma2 semaphore(%run_scoped3A : memref<!tpu.dma_semaphore, #tpu.memory_space<semaphore_mem>>) src(%arg11 : memref<128x128xf32, #tpu.memory_space<vmem>>) dst(%dma_wait3A_25 : memref<128x128xf32, #tpu.memory_space<hbm>>)
        tpu.yield
      }) : () -> ()
      "tpu.region"() ({
        %run_scoped3A = tpu.sem_alloc : memref<!tpu.dma_semaphore, #tpu.memory_space<semaphore_mem>>
        %dma_start3A = arith.constant 0 : i32
        %dma_start3A_20 = tpu.memref_slice %arg7[%add3A_19, %dma_start3A] : memref<163840x128xf32, #tpu.memory_space<hbm>> -> memref<128x128xf32, #tpu.memory_space<hbm>>
        %dma_start3A_21 = arith.constant 0 : i32
        %dma_start3A_22 = tpu.memref_slice %arg7[%add3A_19, %dma_start3A_21] : memref<163840x128xf32, #tpu.memory_space<hbm>> -> memref<128x128xf32, #tpu.memory_space<hbm>>
        tpu.enqueue_dma source(%arg12 : memref<128x128xf32, #tpu.memory_space<vmem>>) target(%dma_start3A_22 : memref<128x128xf32, #tpu.memory_space<hbm>>) target_semaphore(%run_scoped3A : memref<!tpu.dma_semaphore, #tpu.memory_space<semaphore_mem>>)
        %dma_wait3A = arith.constant 0 : i32
        %dma_wait3A_23 = tpu.memref_slice %arg7[%add3A_19, %dma_wait3A] : memref<163840x128xf32, #tpu.memory_space<hbm>> -> memref<128x128xf32, #tpu.memory_space<hbm>>
        %dma_wait3A_24 = arith.constant 0 : i32
        %dma_wait3A_25 = tpu.memref_slice %arg7[%add3A_19, %dma_wait3A_24] : memref<163840x128xf32, #tpu.memory_space<hbm>> -> memref<128x128xf32, #tpu.memory_space<hbm>>
        tpu.wait_dma2 semaphore(%run_scoped3A : memref<!tpu.dma_semaphore, #tpu.memory_space<semaphore_mem>>) src(%arg12 : memref<128x128xf32, #tpu.memory_space<vmem>>) dst(%dma_wait3A_25 : memref<128x128xf32, #tpu.memory_space<hbm>>)
        tpu.yield
      }) : () -> ()
      "tpu.region"() ({
        %run_scoped3A = tpu.sem_alloc : memref<!tpu.dma_semaphore, #tpu.memory_space<semaphore_mem>>
        %dma_start3A = arith.constant 0 : i32
        %dma_start3A_20 = tpu.memref_slice %arg8[%add3A_19, %dma_start3A] : memref<163840x16xf32, #tpu.memory_space<hbm>> -> memref<128x16xf32, #tpu.memory_space<hbm>>
        %dma_start3A_21 = arith.constant 0 : i32
        %dma_start3A_22 = tpu.memref_slice %arg8[%add3A_19, %dma_start3A_21] : memref<163840x16xf32, #tpu.memory_space<hbm>> -> memref<128x16xf32, #tpu.memory_space<hbm>>
        tpu.enqueue_dma source(%arg15 : memref<128x16xf32, #tpu.memory_space<vmem>>) target(%dma_start3A_22 : memref<128x16xf32, #tpu.memory_space<hbm>>) target_semaphore(%run_scoped3A : memref<!tpu.dma_semaphore, #tpu.memory_space<semaphore_mem>>)
        %dma_wait3A = arith.constant 0 : i32
        %dma_wait3A_23 = tpu.memref_slice %arg8[%add3A_19, %dma_wait3A] : memref<163840x16xf32, #tpu.memory_space<hbm>> -> memref<128x16xf32, #tpu.memory_space<hbm>>
        %dma_wait3A_24 = arith.constant 0 : i32
        %dma_wait3A_25 = tpu.memref_slice %arg8[%add3A_19, %dma_wait3A_24] : memref<163840x16xf32, #tpu.memory_space<hbm>> -> memref<128x16xf32, #tpu.memory_space<hbm>>
        tpu.wait_dma2 semaphore(%run_scoped3A : memref<!tpu.dma_semaphore, #tpu.memory_space<semaphore_mem>>) src(%arg15 : memref<128x16xf32, #tpu.memory_space<vmem>>) dst(%dma_wait3A_25 : memref<128x16xf32, #tpu.memory_space<hbm>>)
        tpu.yield
      }) : () -> ()
    }
    %scan3A_6 = arith.constant 40 : i32
    return
  }
}

#map = affine_map<(d0, d1) -> (0, 0)>
#map1 = affine_map<(d0, d1) -> (0, 0, 0)>
module attributes {stable_mosaic.version = 14 : i64} {
  func.func @k(%arg0: i32, %arg1: i32, %arg2: memref<163840x128xf32, #tpu.memory_space<hbm>>, %arg3: memref<163840x16xf32, #tpu.memory_space<hbm>>, %arg4: memref<16x80x128xi32, #tpu.memory_space<hbm>>, %arg5: memref<10240x128xf32, #tpu.memory_space<hbm>>, %arg6: memref<10240x128xf32, #tpu.memory_space<hbm>>, %arg7: memref<80x128xi32, #tpu.memory_space<vmem>>, %arg8: memref<128xi32, #tpu.memory_space<vmem>>, %arg9: memref<128xi32, #tpu.memory_space<vmem>>, %arg10: memref<128x128xf32, #tpu.memory_space<vmem>>, %arg11: memref<128x128xf32, #tpu.memory_space<vmem>>, %arg12: memref<128x128xf32, #tpu.memory_space<vmem>>, %arg13: memref<128x16xf32, #tpu.memory_space<vmem>>, %arg14: memref<128x16xf32, #tpu.memory_space<vmem>>, %arg15: memref<5248x128xf32, #tpu.memory_space<vmem_shared>>, %arg16: memref<!tpu.dma_semaphore, #tpu.memory_space<semaphore_mem>>, %arg17: memref<!tpu.dma_semaphore, #tpu.memory_space<semaphore_mem>>) attributes {dimension_semantics = [#tpu.dimension_semantics<core_parallel>, #tpu.dimension_semantics<subcore_parallel>], iteration_bounds = array<i64: 2, 16>, scalar_prefetch = 0 : i64, scratch_operands = 11 : i64, tpu.core_type = #tpu.core_type<sc_vector_subcore>, window_params = [{transform_indices = #map}, {transform_indices = #map}, {transform_indices = #map1}, {transform_indices = #map}, {transform_indices = #map}]} {
    %mul3A = arith.constant 5120 : i32
    %mul3A_0 = arith.muli %arg0, %mul3A : i32
    %mul3A_1 = arith.constant 80 : i32
    %mul3A_2 = arith.muli %arg1, %mul3A_1 : i32
    %mul3A_3 = arith.constant 128 : i32
    %mul3A_4 = arith.muli %mul3A_2, %mul3A_3 : i32
    "tpu.region"() ({
      %run_scoped3A = tpu.sem_alloc : memref<!tpu.dma_semaphore, #tpu.memory_space<semaphore_mem>>
      %dma_start3A = arith.constant 0 : i32
      %dma_start3A_54 = arith.constant 0 : i32
      %dma_start3A_55 = tpu.memref_slice %arg4[%arg1, %dma_start3A, %dma_start3A_54] : memref<16x80x128xi32, #tpu.memory_space<hbm>> -> memref<1x80x128xi32, #tpu.memory_space<hbm>>
      %dma_start3A_56 = tpu.memref_squeeze %dma_start3A_55 : memref<1x80x128xi32, #tpu.memory_space<hbm>> -> memref<80x128xi32, #tpu.memory_space<hbm>>
      %dma_start3A_57 = arith.constant 0 : i32
      %dma_start3A_58 = arith.constant 0 : i32
      %dma_start3A_59 = tpu.memref_slice %arg4[%arg1, %dma_start3A_57, %dma_start3A_58] : memref<16x80x128xi32, #tpu.memory_space<hbm>> -> memref<1x80x128xi32, #tpu.memory_space<hbm>>
      %dma_start3A_60 = tpu.memref_squeeze %dma_start3A_59 : memref<1x80x128xi32, #tpu.memory_space<hbm>> -> memref<80x128xi32, #tpu.memory_space<hbm>>
      tpu.enqueue_dma source(%dma_start3A_60 : memref<80x128xi32, #tpu.memory_space<hbm>>) target(%arg7 : memref<80x128xi32, #tpu.memory_space<vmem>>) target_semaphore(%run_scoped3A : memref<!tpu.dma_semaphore, #tpu.memory_space<semaphore_mem>>)
      %dma_wait3A = arith.constant 0 : i32
      %dma_wait3A_61 = arith.constant 0 : i32
      %dma_wait3A_62 = tpu.memref_slice %arg4[%arg1, %dma_wait3A, %dma_wait3A_61] : memref<16x80x128xi32, #tpu.memory_space<hbm>> -> memref<1x80x128xi32, #tpu.memory_space<hbm>>
      %dma_wait3A_63 = tpu.memref_squeeze %dma_wait3A_62 : memref<1x80x128xi32, #tpu.memory_space<hbm>> -> memref<80x128xi32, #tpu.memory_space<hbm>>
      %dma_wait3A_64 = arith.constant 0 : i32
      %dma_wait3A_65 = arith.constant 0 : i32
      %dma_wait3A_66 = tpu.memref_slice %arg4[%arg1, %dma_wait3A_64, %dma_wait3A_65] : memref<16x80x128xi32, #tpu.memory_space<hbm>> -> memref<1x80x128xi32, #tpu.memory_space<hbm>>
      %dma_wait3A_67 = tpu.memref_squeeze %dma_wait3A_66 : memref<1x80x128xi32, #tpu.memory_space<hbm>> -> memref<80x128xi32, #tpu.memory_space<hbm>>
      tpu.wait_dma2 semaphore(%run_scoped3A : memref<!tpu.dma_semaphore, #tpu.memory_space<semaphore_mem>>) src(%dma_wait3A_67 : memref<80x128xi32, #tpu.memory_space<hbm>>) dst(%arg7 : memref<80x128xi32, #tpu.memory_space<vmem>>)
      tpu.yield
    }) : () -> ()
    %scan3A = arith.constant 0 : i32
    %scan3A_5 = arith.constant 128 : i32
    %scan3A_6 = arith.addi %scan3A, %scan3A_5 : i32
    %scan3A_7 = arith.constant 1 : i32
    scf.for %scan3A_54 = %scan3A to %scan3A_6 step %scan3A_7  : i32 {
      %mul3A_55 = arith.constant 1 : i32
      %mul3A_56 = arith.muli %scan3A_54, %mul3A_55 : i32
      %add3A_57 = arith.constant 0 : i32
      %add3A_58 = arith.addi %add3A_57, %mul3A_56 : i32
      %broadcast_in_dim3A = arith.constant 0.000000e+00 : f32
      %broadcast_in_dim3A_59 = vector.broadcast %broadcast_in_dim3A : f32 to vector<16xf32>
      %swap3A = arith.index_cast %add3A_58 : i32 to index
      %swap3A_60 = arith.constant 0 : index
      %swap3A_61 = tpu.vector_load %arg12[%swap3A, %swap3A_60] {strides = array<i32>} : memref<128x128xf32, #tpu.memory_space<vmem>>, vector<1x16xf32>,
      %swap3A_62 = vector.shape_cast %swap3A_61 : vector<1x16xf32> to vector<16xf32>
      %swap3A_63 = vector.shape_cast %broadcast_in_dim3A_59 : vector<16xf32> to vector<1x16xf32>
      tpu.vector_store %arg12[%swap3A, %swap3A_60], %swap3A_63 {strides = array<i32>} : memref<128x128xf32, #tpu.memory_space<vmem>>, vector<1x16xf32>,
      %broadcast_in_dim3A_64 = arith.constant 0.000000e+00 : f32
      %broadcast_in_dim3A_65 = vector.broadcast %broadcast_in_dim3A_64 : f32 to vector<16xf32>
      %swap3A_66 = arith.index_cast %add3A_58 : i32 to index
      %swap3A_67 = arith.constant 16 : index
      %swap3A_68 = tpu.vector_load %arg12[%swap3A_66, %swap3A_67] {strides = array<i32>} : memref<128x128xf32, #tpu.memory_space<vmem>>, vector<1x16xf32>,
      %swap3A_69 = vector.shape_cast %swap3A_68 : vector<1x16xf32> to vector<16xf32>
      %swap3A_70 = vector.shape_cast %broadcast_in_dim3A_65 : vector<16xf32> to vector<1x16xf32>
      tpu.vector_store %arg12[%swap3A_66, %swap3A_67], %swap3A_70 {strides = array<i32>} : memref<128x128xf32, #tpu.memory_space<vmem>>, vector<1x16xf32>,
      %broadcast_in_dim3A_71 = arith.constant 0.000000e+00 : f32
      %broadcast_in_dim3A_72 = vector.broadcast %broadcast_in_dim3A_71 : f32 to vector<16xf32>
      %swap3A_73 = arith.index_cast %add3A_58 : i32 to index
      %swap3A_74 = arith.constant 32 : index
      %swap3A_75 = tpu.vector_load %arg12[%swap3A_73, %swap3A_74] {strides = array<i32>} : memref<128x128xf32, #tpu.memory_space<vmem>>, vector<1x16xf32>,
      %swap3A_76 = vector.shape_cast %swap3A_75 : vector<1x16xf32> to vector<16xf32>
      %swap3A_77 = vector.shape_cast %broadcast_in_dim3A_72 : vector<16xf32> to vector<1x16xf32>
      tpu.vector_store %arg12[%swap3A_73, %swap3A_74], %swap3A_77 {strides = array<i32>} : memref<128x128xf32, #tpu.memory_space<vmem>>, vector<1x16xf32>,
      %broadcast_in_dim3A_78 = arith.constant 0.000000e+00 : f32
      %broadcast_in_dim3A_79 = vector.broadcast %broadcast_in_dim3A_78 : f32 to vector<16xf32>
      %swap3A_80 = arith.index_cast %add3A_58 : i32 to index
      %swap3A_81 = arith.constant 48 : index
      %swap3A_82 = tpu.vector_load %arg12[%swap3A_80, %swap3A_81] {strides = array<i32>} : memref<128x128xf32, #tpu.memory_space<vmem>>, vector<1x16xf32>,
      %swap3A_83 = vector.shape_cast %swap3A_82 : vector<1x16xf32> to vector<16xf32>
      %swap3A_84 = vector.shape_cast %broadcast_in_dim3A_79 : vector<16xf32> to vector<1x16xf32>
      tpu.vector_store %arg12[%swap3A_80, %swap3A_81], %swap3A_84 {strides = array<i32>} : memref<128x128xf32, #tpu.memory_space<vmem>>, vector<1x16xf32>,
      %broadcast_in_dim3A_85 = arith.constant 0.000000e+00 : f32
      %broadcast_in_dim3A_86 = vector.broadcast %broadcast_in_dim3A_85 : f32 to vector<16xf32>
      %swap3A_87 = arith.index_cast %add3A_58 : i32 to index
      %swap3A_88 = arith.constant 64 : index
      %swap3A_89 = tpu.vector_load %arg12[%swap3A_87, %swap3A_88] {strides = array<i32>} : memref<128x128xf32, #tpu.memory_space<vmem>>, vector<1x16xf32>,
      %swap3A_90 = vector.shape_cast %swap3A_89 : vector<1x16xf32> to vector<16xf32>
      %swap3A_91 = vector.shape_cast %broadcast_in_dim3A_86 : vector<16xf32> to vector<1x16xf32>
      tpu.vector_store %arg12[%swap3A_87, %swap3A_88], %swap3A_91 {strides = array<i32>} : memref<128x128xf32, #tpu.memory_space<vmem>>, vector<1x16xf32>,
      %broadcast_in_dim3A_92 = arith.constant 0.000000e+00 : f32
      %broadcast_in_dim3A_93 = vector.broadcast %broadcast_in_dim3A_92 : f32 to vector<16xf32>
      %swap3A_94 = arith.index_cast %add3A_58 : i32 to index
      %swap3A_95 = arith.constant 80 : index
      %swap3A_96 = tpu.vector_load %arg12[%swap3A_94, %swap3A_95] {strides = array<i32>} : memref<128x128xf32, #tpu.memory_space<vmem>>, vector<1x16xf32>,
      %swap3A_97 = vector.shape_cast %swap3A_96 : vector<1x16xf32> to vector<16xf32>
      %swap3A_98 = vector.shape_cast %broadcast_in_dim3A_93 : vector<16xf32> to vector<1x16xf32>
      tpu.vector_store %arg12[%swap3A_94, %swap3A_95], %swap3A_98 {strides = array<i32>} : memref<128x128xf32, #tpu.memory_space<vmem>>, vector<1x16xf32>,
      %broadcast_in_dim3A_99 = arith.constant 0.000000e+00 : f32
      %broadcast_in_dim3A_100 = vector.broadcast %broadcast_in_dim3A_99 : f32 to vector<16xf32>
      %swap3A_101 = arith.index_cast %add3A_58 : i32 to index
      %swap3A_102 = arith.constant 96 : index
      %swap3A_103 = tpu.vector_load %arg12[%swap3A_101, %swap3A_102] {strides = array<i32>} : memref<128x128xf32, #tpu.memory_space<vmem>>, vector<1x16xf32>,
      %swap3A_104 = vector.shape_cast %swap3A_103 : vector<1x16xf32> to vector<16xf32>
      %swap3A_105 = vector.shape_cast %broadcast_in_dim3A_100 : vector<16xf32> to vector<1x16xf32>
      tpu.vector_store %arg12[%swap3A_101, %swap3A_102], %swap3A_105 {strides = array<i32>} : memref<128x128xf32, #tpu.memory_space<vmem>>, vector<1x16xf32>,
      %broadcast_in_dim3A_106 = arith.constant 0.000000e+00 : f32
      %broadcast_in_dim3A_107 = vector.broadcast %broadcast_in_dim3A_106 : f32 to vector<16xf32>
      %swap3A_108 = arith.index_cast %add3A_58 : i32 to index
      %swap3A_109 = arith.constant 112 : index
      %swap3A_110 = tpu.vector_load %arg12[%swap3A_108, %swap3A_109] {strides = array<i32>} : memref<128x128xf32, #tpu.memory_space<vmem>>, vector<1x16xf32>,
      %swap3A_111 = vector.shape_cast %swap3A_110 : vector<1x16xf32> to vector<16xf32>
      %swap3A_112 = vector.shape_cast %broadcast_in_dim3A_107 : vector<16xf32> to vector<1x16xf32>
      tpu.vector_store %arg12[%swap3A_108, %swap3A_109], %swap3A_112 {strides = array<i32>} : memref<128x128xf32, #tpu.memory_space<vmem>>, vector<1x16xf32>,
    }
    %scan3A_8 = arith.constant 128 : i32
    %mul3A_9 = arith.constant 320 : i32
    %mul3A_10 = arith.muli %arg1, %mul3A_9 : i32
    %add3A = arith.constant 0 : i32
    %add3A_11 = arith.addi %mul3A_10, %add3A : i32
    "tpu.region"() ({
      %run_scoped3A = tpu.sem_alloc : memref<!tpu.dma_semaphore, #tpu.memory_space<semaphore_mem>>
      %dma_start3A = arith.constant 0 : i32
      %dma_start3A_54 = tpu.memref_slice %arg15[%add3A_11, %dma_start3A] : memref<5248x128xf32, #tpu.memory_space<vmem_shared>> -> memref<128x128xf32, #tpu.memory_space<vmem_shared>>
      %dma_start3A_55 = arith.constant 0 : i32
      %dma_start3A_56 = tpu.memref_slice %arg15[%add3A_11, %dma_start3A_55] : memref<5248x128xf32, #tpu.memory_space<vmem_shared>> -> memref<128x128xf32, #tpu.memory_space<vmem_shared>>
      tpu.enqueue_dma source(%arg12 : memref<128x128xf32, #tpu.memory_space<vmem>>) target(%dma_start3A_56 : memref<128x128xf32, #tpu.memory_space<vmem_shared>>) target_semaphore(%run_scoped3A : memref<!tpu.dma_semaphore, #tpu.memory_space<semaphore_mem>>)
      %dma_wait3A = arith.constant 0 : i32
      %dma_wait3A_57 = tpu.memref_slice %arg15[%add3A_11, %dma_wait3A] : memref<5248x128xf32, #tpu.memory_space<vmem_shared>> -> memref<128x128xf32, #tpu.memory_space<vmem_shared>>
      %dma_wait3A_58 = arith.constant 0 : i32
      %dma_wait3A_59 = tpu.memref_slice %arg15[%add3A_11, %dma_wait3A_58] : memref<5248x128xf32, #tpu.memory_space<vmem_shared>> -> memref<128x128xf32, #tpu.memory_space<vmem_shared>>
      tpu.wait_dma2 semaphore(%run_scoped3A : memref<!tpu.dma_semaphore, #tpu.memory_space<semaphore_mem>>) src(%arg12 : memref<128x128xf32, #tpu.memory_space<vmem>>) dst(%dma_wait3A_59 : memref<128x128xf32, #tpu.memory_space<vmem_shared>>)
      tpu.yield
    }) : () -> ()
    %add3A_12 = arith.constant 128 : i32
    %add3A_13 = arith.addi %mul3A_10, %add3A_12 : i32
    "tpu.region"() ({
      %run_scoped3A = tpu.sem_alloc : memref<!tpu.dma_semaphore, #tpu.memory_space<semaphore_mem>>
      %dma_start3A = arith.constant 0 : i32
      %dma_start3A_54 = tpu.memref_slice %arg15[%add3A_13, %dma_start3A] : memref<5248x128xf32, #tpu.memory_space<vmem_shared>> -> memref<128x128xf32, #tpu.memory_space<vmem_shared>>
      %dma_start3A_55 = arith.constant 0 : i32
      %dma_start3A_56 = tpu.memref_slice %arg15[%add3A_13, %dma_start3A_55] : memref<5248x128xf32, #tpu.memory_space<vmem_shared>> -> memref<128x128xf32, #tpu.memory_space<vmem_shared>>
      tpu.enqueue_dma source(%arg12 : memref<128x128xf32, #tpu.memory_space<vmem>>) target(%dma_start3A_56 : memref<128x128xf32, #tpu.memory_space<vmem_shared>>) target_semaphore(%run_scoped3A : memref<!tpu.dma_semaphore, #tpu.memory_space<semaphore_mem>>)
      %dma_wait3A = arith.constant 0 : i32
      %dma_wait3A_57 = tpu.memref_slice %arg15[%add3A_13, %dma_wait3A] : memref<5248x128xf32, #tpu.memory_space<vmem_shared>> -> memref<128x128xf32, #tpu.memory_space<vmem_shared>>
      %dma_wait3A_58 = arith.constant 0 : i32
      %dma_wait3A_59 = tpu.memref_slice %arg15[%add3A_13, %dma_wait3A_58] : memref<5248x128xf32, #tpu.memory_space<vmem_shared>> -> memref<128x128xf32, #tpu.memory_space<vmem_shared>>
      tpu.wait_dma2 semaphore(%run_scoped3A : memref<!tpu.dma_semaphore, #tpu.memory_space<semaphore_mem>>) src(%arg12 : memref<128x128xf32, #tpu.memory_space<vmem>>) dst(%dma_wait3A_59 : memref<128x128xf32, #tpu.memory_space<vmem_shared>>)
      tpu.yield
    }) : () -> ()
    %add3A_14 = arith.constant 256 : i32
    %add3A_15 = arith.addi %mul3A_10, %add3A_14 : i32
    "tpu.region"() ({
      %run_scoped3A = tpu.sem_alloc : memref<!tpu.dma_semaphore, #tpu.memory_space<semaphore_mem>>
      %dma_start3A = arith.constant 0 : i32
      %dma_start3A_54 = arith.constant 0 : i32
      %dma_start3A_55 = tpu.memref_slice %arg12[%dma_start3A, %dma_start3A_54] : memref<128x128xf32, #tpu.memory_space<vmem>> -> memref<64x128xf32, #tpu.memory_space<vmem>>
      %dma_start3A_56 = arith.constant 0 : i32
      %dma_start3A_57 = tpu.memref_slice %arg15[%add3A_15, %dma_start3A_56] : memref<5248x128xf32, #tpu.memory_space<vmem_shared>> -> memref<64x128xf32, #tpu.memory_space<vmem_shared>>
      %dma_start3A_58 = arith.constant 0 : i32
      %dma_start3A_59 = tpu.memref_slice %arg15[%add3A_15, %dma_start3A_58] : memref<5248x128xf32, #tpu.memory_space<vmem_shared>> -> memref<64x128xf32, #tpu.memory_space<vmem_shared>>
      %dma_start3A_60 = arith.constant 0 : i32
      %dma_start3A_61 = arith.constant 0 : i32
      %dma_start3A_62 = tpu.memref_slice %arg12[%dma_start3A_60, %dma_start3A_61] : memref<128x128xf32, #tpu.memory_space<vmem>> -> memref<64x128xf32, #tpu.memory_space<vmem>>
      tpu.enqueue_dma source(%dma_start3A_62 : memref<64x128xf32, #tpu.memory_space<vmem>>) target(%dma_start3A_59 : memref<64x128xf32, #tpu.memory_space<vmem_shared>>) target_semaphore(%run_scoped3A : memref<!tpu.dma_semaphore, #tpu.memory_space<semaphore_mem>>)
      %dma_wait3A = arith.constant 0 : i32
      %dma_wait3A_63 = arith.constant 0 : i32
      %dma_wait3A_64 = tpu.memref_slice %arg12[%dma_wait3A, %dma_wait3A_63] : memref<128x128xf32, #tpu.memory_space<vmem>> -> memref<64x128xf32, #tpu.memory_space<vmem>>
      %dma_wait3A_65 = arith.constant 0 : i32
      %dma_wait3A_66 = tpu.memref_slice %arg15[%add3A_15, %dma_wait3A_65] : memref<5248x128xf32, #tpu.memory_space<vmem_shared>> -> memref<64x128xf32, #tpu.memory_space<vmem_shared>>
      %dma_wait3A_67 = arith.constant 0 : i32
      %dma_wait3A_68 = tpu.memref_slice %arg15[%add3A_15, %dma_wait3A_67] : memref<5248x128xf32, #tpu.memory_space<vmem_shared>> -> memref<64x128xf32, #tpu.memory_space<vmem_shared>>
      %dma_wait3A_69 = arith.constant 0 : i32
      %dma_wait3A_70 = arith.constant 0 : i32
      %dma_wait3A_71 = tpu.memref_slice %arg12[%dma_wait3A_69, %dma_wait3A_70] : memref<128x128xf32, #tpu.memory_space<vmem>> -> memref<64x128xf32, #tpu.memory_space<vmem>>
      tpu.wait_dma2 semaphore(%run_scoped3A : memref<!tpu.dma_semaphore, #tpu.memory_space<semaphore_mem>>) src(%dma_wait3A_71 : memref<64x128xf32, #tpu.memory_space<vmem>>) dst(%dma_wait3A_68 : memref<64x128xf32, #tpu.memory_space<vmem_shared>>)
      tpu.yield
    }) : () -> ()
    %eq3A = arith.constant 0 : i32
    %eq3A_16 = arith.cmpi eq, %arg1, %eq3A : i32
    %convert_element_type3A = arith.extui %eq3A_16 : i1 to i32
    %cond3A = arith.constant 0 : i32
    %cond3A_17 = arith.cmpi ne, %convert_element_type3A, %cond3A : i32
    scf.if %cond3A_17 {
      "tpu.region"() ({
        %run_scoped3A = tpu.sem_alloc : memref<!tpu.dma_semaphore, #tpu.memory_space<semaphore_mem>>
        %dma_start3A = arith.constant 5120 : i32
        %dma_start3A_54 = arith.constant 0 : i32
        %dma_start3A_55 = tpu.memref_slice %arg15[%dma_start3A, %dma_start3A_54] : memref<5248x128xf32, #tpu.memory_space<vmem_shared>> -> memref<128x128xf32, #tpu.memory_space<vmem_shared>>
        %dma_start3A_56 = arith.constant 5120 : i32
        %dma_start3A_57 = arith.constant 0 : i32
        %dma_start3A_58 = tpu.memref_slice %arg15[%dma_start3A_56, %dma_start3A_57] : memref<5248x128xf32, #tpu.memory_space<vmem_shared>> -> memref<128x128xf32, #tpu.memory_space<vmem_shared>>
        tpu.enqueue_dma source(%arg12 : memref<128x128xf32, #tpu.memory_space<vmem>>) target(%dma_start3A_58 : memref<128x128xf32, #tpu.memory_space<vmem_shared>>) target_semaphore(%run_scoped3A : memref<!tpu.dma_semaphore, #tpu.memory_space<semaphore_mem>>)
        %dma_wait3A = arith.constant 5120 : i32
        %dma_wait3A_59 = arith.constant 0 : i32
        %dma_wait3A_60 = tpu.memref_slice %arg15[%dma_wait3A, %dma_wait3A_59] : memref<5248x128xf32, #tpu.memory_space<vmem_shared>> -> memref<128x128xf32, #tpu.memory_space<vmem_shared>>
        %dma_wait3A_61 = arith.constant 5120 : i32
        %dma_wait3A_62 = arith.constant 0 : i32
        %dma_wait3A_63 = tpu.memref_slice %arg15[%dma_wait3A_61, %dma_wait3A_62] : memref<5248x128xf32, #tpu.memory_space<vmem_shared>> -> memref<128x128xf32, #tpu.memory_space<vmem_shared>>
        tpu.wait_dma2 semaphore(%run_scoped3A : memref<!tpu.dma_semaphore, #tpu.memory_space<semaphore_mem>>) src(%arg12 : memref<128x128xf32, #tpu.memory_space<vmem>>) dst(%dma_wait3A_63 : memref<128x128xf32, #tpu.memory_space<vmem_shared>>)
        tpu.yield
      }) : () -> ()
    } else {
    }
    %barrier3A = arith.constant 0 : index
    tpu.barrier barrier_id(%barrier3A)
    %scan3A_18 = arith.constant 0 : i32
    %scan3A_19 = arith.constant 80 : i32
    %scan3A_20 = arith.addi %scan3A_18, %scan3A_19 : i32
    %scan3A_21 = arith.constant 1 : i32
    scf.for %scan3A_54 = %scan3A_18 to %scan3A_20 step %scan3A_21  : i32 {
      %mul3A_55 = arith.constant 1 : i32
      %mul3A_56 = arith.muli %scan3A_54, %mul3A_55 : i32
      %add3A_57 = arith.constant 0 : i32
      %add3A_58 = arith.addi %add3A_57, %mul3A_56 : i32
      %get3A = arith.index_cast %add3A_58 : i32 to index
      %get3A_59 = arith.constant 0 : index
      %get3A_60 = tpu.vector_load %arg7[%get3A, %get3A_59] {strides = array<i32>} : memref<80x128xi32, #tpu.memory_space<vmem>>, vector<1x16xi32>,
      %get3A_61 = vector.shape_cast %get3A_60 : vector<1x16xi32> to vector<16xi32>
      %ge3A = vector.broadcast %mul3A_0 : i32 to vector<16xi32>
      %ge3A_62 = arith.cmpi sge, %get3A_61, %ge3A : vector<16xi32>
      %add3A_63 = arith.constant 5120 : i32
      %add3A_64 = arith.addi %mul3A_0, %add3A_63 : i32
      %lt3A = vector.broadcast %add3A_64 : i32 to vector<16xi32>
      %lt3A_65 = arith.cmpi slt, %get3A_61, %lt3A : vector<16xi32>
      %and3A = arith.andi %ge3A_62, %lt3A_65 : vector<16xi1>
      %sub3A = vector.broadcast %mul3A_0 : i32 to vector<16xi32>
      %sub3A_66 = arith.subi %get3A_61, %sub3A : vector<16xi32>
      %jit3A = arith.constant 5120 : i32
      %broadcast_in_dim3A = vector.broadcast %jit3A : i32 to vector<16xi32>
      %select_n3A = arith.select %and3A, %sub3A_66, %broadcast_in_dim3A : vector<16xi1>, vector<16xi32>
      %swap3A = arith.constant 0 : index
      %swap3A_67 = tpu.vector_load %arg8[%swap3A] {strides = array<i32>} : memref<128xi32, #tpu.memory_space<vmem>>, vector<16xi32>,
      %swap3A_68 = vector.shape_cast %swap3A_67 : vector<16xi32> to vector<16xi32>
      %swap3A_69 = vector.shape_cast %select_n3A : vector<16xi32> to vector<16xi32>
      tpu.vector_store %arg8[%swap3A], %swap3A_69 {strides = array<i32>} : memref<128xi32, #tpu.memory_space<vmem>>, vector<16xi32>,
      %get3A_70 = arith.index_cast %add3A_58 : i32 to index
      %get3A_71 = arith.constant 16 : index
      %get3A_72 = tpu.vector_load %arg7[%get3A_70, %get3A_71] {strides = array<i32>} : memref<80x128xi32, #tpu.memory_space<vmem>>, vector<1x16xi32>,
      %get3A_73 = vector.shape_cast %get3A_72 : vector<1x16xi32> to vector<16xi32>
      %ge3A_74 = vector.broadcast %mul3A_0 : i32 to vector<16xi32>
      %ge3A_75 = arith.cmpi sge, %get3A_73, %ge3A_74 : vector<16xi32>
      %add3A_76 = arith.constant 5120 : i32
      %add3A_77 = arith.addi %mul3A_0, %add3A_76 : i32
      %lt3A_78 = vector.broadcast %add3A_77 : i32 to vector<16xi32>
      %lt3A_79 = arith.cmpi slt, %get3A_73, %lt3A_78 : vector<16xi32>
      %and3A_80 = arith.andi %ge3A_75, %lt3A_79 : vector<16xi1>
      %sub3A_81 = vector.broadcast %mul3A_0 : i32 to vector<16xi32>
      %sub3A_82 = arith.subi %get3A_73, %sub3A_81 : vector<16xi32>
      %jit3A_83 = arith.constant 5120 : i32
      %broadcast_in_dim3A_84 = vector.broadcast %jit3A_83 : i32 to vector<16xi32>
      %select_n3A_85 = arith.select %and3A_80, %sub3A_82, %broadcast_in_dim3A_84 : vector<16xi1>, vector<16xi32>
      %swap3A_86 = arith.constant 16 : index
      %swap3A_87 = tpu.vector_load %arg8[%swap3A_86] {strides = array<i32>} : memref<128xi32, #tpu.memory_space<vmem>>, vector<16xi32>,
      %swap3A_88 = vector.shape_cast %swap3A_87 : vector<16xi32> to vector<16xi32>
      %swap3A_89 = vector.shape_cast %select_n3A_85 : vector<16xi32> to vector<16xi32>
      tpu.vector_store %arg8[%swap3A_86], %swap3A_89 {strides = array<i32>} : memref<128xi32, #tpu.memory_space<vmem>>, vector<16xi32>,
      %get3A_90 = arith.index_cast %add3A_58 : i32 to index
      %get3A_91 = arith.constant 32 : index
      %get3A_92 = tpu.vector_load %arg7[%get3A_90, %get3A_91] {strides = array<i32>} : memref<80x128xi32, #tpu.memory_space<vmem>>, vector<1x16xi32>,
      %get3A_93 = vector.shape_cast %get3A_92 : vector<1x16xi32> to vector<16xi32>
      %ge3A_94 = vector.broadcast %mul3A_0 : i32 to vector<16xi32>
      %ge3A_95 = arith.cmpi sge, %get3A_93, %ge3A_94 : vector<16xi32>
      %add3A_96 = arith.constant 5120 : i32
      %add3A_97 = arith.addi %mul3A_0, %add3A_96 : i32
      %lt3A_98 = vector.broadcast %add3A_97 : i32 to vector<16xi32>
      %lt3A_99 = arith.cmpi slt, %get3A_93, %lt3A_98 : vector<16xi32>
      %and3A_100 = arith.andi %ge3A_95, %lt3A_99 : vector<16xi1>
      %sub3A_101 = vector.broadcast %mul3A_0 : i32 to vector<16xi32>
      %sub3A_102 = arith.subi %get3A_93, %sub3A_101 : vector<16xi32>
      %jit3A_103 = arith.constant 5120 : i32
      %broadcast_in_dim3A_104 = vector.broadcast %jit3A_103 : i32 to vector<16xi32>
      %select_n3A_105 = arith.select %and3A_100, %sub3A_102, %broadcast_in_dim3A_104 : vector<16xi1>, vector<16xi32>
      %swap3A_106 = arith.constant 32 : index
      %swap3A_107 = tpu.vector_load %arg8[%swap3A_106] {strides = array<i32>} : memref<128xi32, #tpu.memory_space<vmem>>, vector<16xi32>,
      %swap3A_108 = vector.shape_cast %swap3A_107 : vector<16xi32> to vector<16xi32>
      %swap3A_109 = vector.shape_cast %select_n3A_105 : vector<16xi32> to vector<16xi32>
      tpu.vector_store %arg8[%swap3A_106], %swap3A_109 {strides = array<i32>} : memref<128xi32, #tpu.memory_space<vmem>>, vector<16xi32>,
      %get3A_110 = arith.index_cast %add3A_58 : i32 to index
      %get3A_111 = arith.constant 48 : index
      %get3A_112 = tpu.vector_load %arg7[%get3A_110, %get3A_111] {strides = array<i32>} : memref<80x128xi32, #tpu.memory_space<vmem>>, vector<1x16xi32>,
      %get3A_113 = vector.shape_cast %get3A_112 : vector<1x16xi32> to vector<16xi32>
      %ge3A_114 = vector.broadcast %mul3A_0 : i32 to vector<16xi32>
      %ge3A_115 = arith.cmpi sge, %get3A_113, %ge3A_114 : vector<16xi32>
      %add3A_116 = arith.constant 5120 : i32
      %add3A_117 = arith.addi %mul3A_0, %add3A_116 : i32
      %lt3A_118 = vector.broadcast %add3A_117 : i32 to vector<16xi32>
      %lt3A_119 = arith.cmpi slt, %get3A_113, %lt3A_118 : vector<16xi32>
      %and3A_120 = arith.andi %ge3A_115, %lt3A_119 : vector<16xi1>
      %sub3A_121 = vector.broadcast %mul3A_0 : i32 to vector<16xi32>
      %sub3A_122 = arith.subi %get3A_113, %sub3A_121 : vector<16xi32>
      %jit3A_123 = arith.constant 5120 : i32
      %broadcast_in_dim3A_124 = vector.broadcast %jit3A_123 : i32 to vector<16xi32>
      %select_n3A_125 = arith.select %and3A_120, %sub3A_122, %broadcast_in_dim3A_124 : vector<16xi1>, vector<16xi32>
      %swap3A_126 = arith.constant 48 : index
      %swap3A_127 = tpu.vector_load %arg8[%swap3A_126] {strides = array<i32>} : memref<128xi32, #tpu.memory_space<vmem>>, vector<16xi32>,
      %swap3A_128 = vector.shape_cast %swap3A_127 : vector<16xi32> to vector<16xi32>
      %swap3A_129 = vector.shape_cast %select_n3A_125 : vector<16xi32> to vector<16xi32>
      tpu.vector_store %arg8[%swap3A_126], %swap3A_129 {strides = array<i32>} : memref<128xi32, #tpu.memory_space<vmem>>, vector<16xi32>,
      %get3A_130 = arith.index_cast %add3A_58 : i32 to index
      %get3A_131 = arith.constant 64 : index
      %get3A_132 = tpu.vector_load %arg7[%get3A_130, %get3A_131] {strides = array<i32>} : memref<80x128xi32, #tpu.memory_space<vmem>>, vector<1x16xi32>,
      %get3A_133 = vector.shape_cast %get3A_132 : vector<1x16xi32> to vector<16xi32>
      %ge3A_134 = vector.broadcast %mul3A_0 : i32 to vector<16xi32>
      %ge3A_135 = arith.cmpi sge, %get3A_133, %ge3A_134 : vector<16xi32>
      %add3A_136 = arith.constant 5120 : i32
      %add3A_137 = arith.addi %mul3A_0, %add3A_136 : i32
      %lt3A_138 = vector.broadcast %add3A_137 : i32 to vector<16xi32>
      %lt3A_139 = arith.cmpi slt, %get3A_133, %lt3A_138 : vector<16xi32>
      %and3A_140 = arith.andi %ge3A_135, %lt3A_139 : vector<16xi1>
      %sub3A_141 = vector.broadcast %mul3A_0 : i32 to vector<16xi32>
      %sub3A_142 = arith.subi %get3A_133, %sub3A_141 : vector<16xi32>
      %jit3A_143 = arith.constant 5120 : i32
      %broadcast_in_dim3A_144 = vector.broadcast %jit3A_143 : i32 to vector<16xi32>
      %select_n3A_145 = arith.select %and3A_140, %sub3A_142, %broadcast_in_dim3A_144 : vector<16xi1>, vector<16xi32>
      %swap3A_146 = arith.constant 64 : index
      %swap3A_147 = tpu.vector_load %arg8[%swap3A_146] {strides = array<i32>} : memref<128xi32, #tpu.memory_space<vmem>>, vector<16xi32>,
      %swap3A_148 = vector.shape_cast %swap3A_147 : vector<16xi32> to vector<16xi32>
      %swap3A_149 = vector.shape_cast %select_n3A_145 : vector<16xi32> to vector<16xi32>
      tpu.vector_store %arg8[%swap3A_146], %swap3A_149 {strides = array<i32>} : memref<128xi32, #tpu.memory_space<vmem>>, vector<16xi32>,
      %get3A_150 = arith.index_cast %add3A_58 : i32 to index
      %get3A_151 = arith.constant 80 : index
      %get3A_152 = tpu.vector_load %arg7[%get3A_150, %get3A_151] {strides = array<i32>} : memref<80x128xi32, #tpu.memory_space<vmem>>, vector<1x16xi32>,
      %get3A_153 = vector.shape_cast %get3A_152 : vector<1x16xi32> to vector<16xi32>
      %ge3A_154 = vector.broadcast %mul3A_0 : i32 to vector<16xi32>
      %ge3A_155 = arith.cmpi sge, %get3A_153, %ge3A_154 : vector<16xi32>
      %add3A_156 = arith.constant 5120 : i32
      %add3A_157 = arith.addi %mul3A_0, %add3A_156 : i32
      %lt3A_158 = vector.broadcast %add3A_157 : i32 to vector<16xi32>
      %lt3A_159 = arith.cmpi slt, %get3A_153, %lt3A_158 : vector<16xi32>
      %and3A_160 = arith.andi %ge3A_155, %lt3A_159 : vector<16xi1>
      %sub3A_161 = vector.broadcast %mul3A_0 : i32 to vector<16xi32>
      %sub3A_162 = arith.subi %get3A_153, %sub3A_161 : vector<16xi32>
      %jit3A_163 = arith.constant 5120 : i32
      %broadcast_in_dim3A_164 = vector.broadcast %jit3A_163 : i32 to vector<16xi32>
      %select_n3A_165 = arith.select %and3A_160, %sub3A_162, %broadcast_in_dim3A_164 : vector<16xi1>, vector<16xi32>
      %swap3A_166 = arith.constant 80 : index
      %swap3A_167 = tpu.vector_load %arg8[%swap3A_166] {strides = array<i32>} : memref<128xi32, #tpu.memory_space<vmem>>, vector<16xi32>,
      %swap3A_168 = vector.shape_cast %swap3A_167 : vector<16xi32> to vector<16xi32>
      %swap3A_169 = vector.shape_cast %select_n3A_165 : vector<16xi32> to vector<16xi32>
      tpu.vector_store %arg8[%swap3A_166], %swap3A_169 {strides = array<i32>} : memref<128xi32, #tpu.memory_space<vmem>>, vector<16xi32>,
      %get3A_170 = arith.index_cast %add3A_58 : i32 to index
      %get3A_171 = arith.constant 96 : index
      %get3A_172 = tpu.vector_load %arg7[%get3A_170, %get3A_171] {strides = array<i32>} : memref<80x128xi32, #tpu.memory_space<vmem>>, vector<1x16xi32>,
      %get3A_173 = vector.shape_cast %get3A_172 : vector<1x16xi32> to vector<16xi32>
      %ge3A_174 = vector.broadcast %mul3A_0 : i32 to vector<16xi32>
      %ge3A_175 = arith.cmpi sge, %get3A_173, %ge3A_174 : vector<16xi32>
      %add3A_176 = arith.constant 5120 : i32
      %add3A_177 = arith.addi %mul3A_0, %add3A_176 : i32
      %lt3A_178 = vector.broadcast %add3A_177 : i32 to vector<16xi32>
      %lt3A_179 = arith.cmpi slt, %get3A_173, %lt3A_178 : vector<16xi32>
      %and3A_180 = arith.andi %ge3A_175, %lt3A_179 : vector<16xi1>
      %sub3A_181 = vector.broadcast %mul3A_0 : i32 to vector<16xi32>
      %sub3A_182 = arith.subi %get3A_173, %sub3A_181 : vector<16xi32>
      %jit3A_183 = arith.constant 5120 : i32
      %broadcast_in_dim3A_184 = vector.broadcast %jit3A_183 : i32 to vector<16xi32>
      %select_n3A_185 = arith.select %and3A_180, %sub3A_182, %broadcast_in_dim3A_184 : vector<16xi1>, vector<16xi32>
      %swap3A_186 = arith.constant 96 : index
      %swap3A_187 = tpu.vector_load %arg8[%swap3A_186] {strides = array<i32>} : memref<128xi32, #tpu.memory_space<vmem>>, vector<16xi32>,
      %swap3A_188 = vector.shape_cast %swap3A_187 : vector<16xi32> to vector<16xi32>
      %swap3A_189 = vector.shape_cast %select_n3A_185 : vector<16xi32> to vector<16xi32>
      tpu.vector_store %arg8[%swap3A_186], %swap3A_189 {strides = array<i32>} : memref<128xi32, #tpu.memory_space<vmem>>, vector<16xi32>,
      %get3A_190 = arith.index_cast %add3A_58 : i32 to index
      %get3A_191 = arith.constant 112 : index
      %get3A_192 = tpu.vector_load %arg7[%get3A_190, %get3A_191] {strides = array<i32>} : memref<80x128xi32, #tpu.memory_space<vmem>>, vector<1x16xi32>,
      %get3A_193 = vector.shape_cast %get3A_192 : vector<1x16xi32> to vector<16xi32>
      %ge3A_194 = vector.broadcast %mul3A_0 : i32 to vector<16xi32>
      %ge3A_195 = arith.cmpi sge, %get3A_193, %ge3A_194 : vector<16xi32>
      %add3A_196 = arith.constant 5120 : i32
      %add3A_197 = arith.addi %mul3A_0, %add3A_196 : i32
      %lt3A_198 = vector.broadcast %add3A_197 : i32 to vector<16xi32>
      %lt3A_199 = arith.cmpi slt, %get3A_193, %lt3A_198 : vector<16xi32>
      %and3A_200 = arith.andi %ge3A_195, %lt3A_199 : vector<16xi1>
      %sub3A_201 = vector.broadcast %mul3A_0 : i32 to vector<16xi32>
      %sub3A_202 = arith.subi %get3A_193, %sub3A_201 : vector<16xi32>
      %jit3A_203 = arith.constant 5120 : i32
      %broadcast_in_dim3A_204 = vector.broadcast %jit3A_203 : i32 to vector<16xi32>
      %select_n3A_205 = arith.select %and3A_200, %sub3A_202, %broadcast_in_dim3A_204 : vector<16xi1>, vector<16xi32>
      %swap3A_206 = arith.constant 112 : index
      %swap3A_207 = tpu.vector_load %arg8[%swap3A_206] {strides = array<i32>} : memref<128xi32, #tpu.memory_space<vmem>>, vector<16xi32>,
      %swap3A_208 = vector.shape_cast %swap3A_207 : vector<16xi32> to vector<16xi32>
      %swap3A_209 = vector.shape_cast %select_n3A_205 : vector<16xi32> to vector<16xi32>
      tpu.vector_store %arg8[%swap3A_206], %swap3A_209 {strides = array<i32>} : memref<128xi32, #tpu.memory_space<vmem>>, vector<16xi32>,
      %mul3A_210 = arith.constant 128 : i32
      %mul3A_211 = arith.muli %add3A_58, %mul3A_210 : i32
      %add3A_212 = arith.addi %mul3A_4, %mul3A_211 : i32
      "tpu.region"() ({
        %run_scoped3A = tpu.sem_alloc : memref<!tpu.dma_semaphore, #tpu.memory_space<semaphore_mem>>
        %dma_start3A = arith.constant 0 : i32
        %dma_start3A_213 = tpu.memref_slice %arg2[%add3A_212, %dma_start3A] : memref<163840x128xf32, #tpu.memory_space<hbm>> -> memref<128x128xf32, #tpu.memory_space<hbm>>
        %dma_start3A_214 = arith.constant 0 : i32
        %dma_start3A_215 = tpu.memref_slice %arg2[%add3A_212, %dma_start3A_214] : memref<163840x128xf32, #tpu.memory_space<hbm>> -> memref<128x128xf32, #tpu.memory_space<hbm>>
        tpu.enqueue_dma source(%dma_start3A_215 : memref<128x128xf32, #tpu.memory_space<hbm>>) target(%arg10 : memref<128x128xf32, #tpu.memory_space<vmem>>) target_semaphore(%run_scoped3A : memref<!tpu.dma_semaphore, #tpu.memory_space<semaphore_mem>>)
        %dma_wait3A = arith.constant 0 : i32
        %dma_wait3A_216 = tpu.memref_slice %arg2[%add3A_212, %dma_wait3A] : memref<163840x128xf32, #tpu.memory_space<hbm>> -> memref<128x128xf32, #tpu.memory_space<hbm>>
        %dma_wait3A_217 = arith.constant 0 : i32
        %dma_wait3A_218 = tpu.memref_slice %arg2[%add3A_212, %dma_wait3A_217] : memref<163840x128xf32, #tpu.memory_space<hbm>> -> memref<128x128xf32, #tpu.memory_space<hbm>>
        tpu.wait_dma2 semaphore(%run_scoped3A : memref<!tpu.dma_semaphore, #tpu.memory_space<semaphore_mem>>) src(%dma_wait3A_218 : memref<128x128xf32, #tpu.memory_space<hbm>>) dst(%arg10 : memref<128x128xf32, #tpu.memory_space<vmem>>)
        tpu.yield
      }) : () -> ()
      "tpu.region"() ({
        %run_scoped3A = tpu.sem_alloc : memref<!tpu.dma_semaphore, #tpu.memory_space<semaphore_mem>>
        %dma_start3A = arith.constant 0 : i32
        %dma_start3A_213 = arith.constant 0 : i32
        %dma_start3A_214 = tpu.memref_slice %arg15[%dma_start3A, %dma_start3A_213] : memref<5248x128xf32, #tpu.memory_space<vmem_shared>> -> memref<5248x128xf32, #tpu.memory_space<vmem_shared>>
        tpu.enqueue_indirect_dma source(%arg10 : memref<128x128xf32, #tpu.memory_space<vmem>>) target(%dma_start3A_214 : memref<5248x128xf32, #tpu.memory_space<vmem_shared>>) offsets(%arg8 : memref<128xi32, #tpu.memory_space<vmem>>) semaphore(%run_scoped3A : memref<!tpu.dma_semaphore, #tpu.memory_space<semaphore_mem>>) {add = true}
        %dma_wait3A = arith.constant 0 : i32
        %dma_wait3A_215 = arith.constant 0 : i32
        %dma_wait3A_216 = tpu.memref_slice %arg15[%dma_wait3A, %dma_wait3A_215] : memref<5248x128xf32, #tpu.memory_space<vmem_shared>> -> memref<5248x128xf32, #tpu.memory_space<vmem_shared>>
        tpu.wait_indirect_dma semaphore(%run_scoped3A : memref<!tpu.dma_semaphore, #tpu.memory_space<semaphore_mem>>) src(%arg10 : memref<128x128xf32, #tpu.memory_space<vmem>>) dst(%dma_wait3A_216 : memref<5248x128xf32, #tpu.memory_space<vmem_shared>>)
        tpu.yield
      }) : () -> ()
    }
    %scan3A_22 = arith.constant 80 : i32
    %barrier3A_23 = arith.constant 0 : index
    tpu.barrier barrier_id(%barrier3A_23)
    %mul3A_24 = arith.constant 320 : i32
    %mul3A_25 = arith.muli %arg1, %mul3A_24 : i32
    %add3A_26 = arith.addi %mul3A_0, %mul3A_25 : i32
    "tpu.region"() ({
      %run_scoped3A = tpu.sem_alloc : memref<!tpu.dma_semaphore, #tpu.memory_space<semaphore_mem>>
      %dma_start3A = arith.constant 0 : i32
      %dma_start3A_54 = tpu.memref_slice %arg5[%add3A_26, %dma_start3A] : memref<10240x128xf32, #tpu.memory_space<hbm>> -> memref<320x128xf32, #tpu.memory_space<hbm>>
      %dma_start3A_55 = arith.constant 0 : i32
      %dma_start3A_56 = tpu.memref_slice %arg15[%mul3A_25, %dma_start3A_55] : memref<5248x128xf32, #tpu.memory_space<vmem_shared>> -> memref<320x128xf32, #tpu.memory_space<vmem_shared>>
      tpu.enqueue_dma source(%dma_start3A_56 : memref<320x128xf32, #tpu.memory_space<vmem_shared>>) target(%dma_start3A_54 : memref<320x128xf32, #tpu.memory_space<hbm>>) target_semaphore(%run_scoped3A : memref<!tpu.dma_semaphore, #tpu.memory_space<semaphore_mem>>)
      %dma_wait3A = arith.constant 0 : i32
      %dma_wait3A_57 = tpu.memref_slice %arg5[%add3A_26, %dma_wait3A] : memref<10240x128xf32, #tpu.memory_space<hbm>> -> memref<320x128xf32, #tpu.memory_space<hbm>>
      %dma_wait3A_58 = arith.constant 0 : i32
      %dma_wait3A_59 = tpu.memref_slice %arg15[%mul3A_25, %dma_wait3A_58] : memref<5248x128xf32, #tpu.memory_space<vmem_shared>> -> memref<320x128xf32, #tpu.memory_space<vmem_shared>>
      tpu.wait_dma2 semaphore(%run_scoped3A : memref<!tpu.dma_semaphore, #tpu.memory_space<semaphore_mem>>) src(%dma_wait3A_59 : memref<320x128xf32, #tpu.memory_space<vmem_shared>>) dst(%dma_wait3A_57 : memref<320x128xf32, #tpu.memory_space<hbm>>)
      tpu.yield
    }) : () -> ()
    %barrier3A_27 = arith.constant 0 : index
    tpu.barrier barrier_id(%barrier3A_27)
    %mul3A_28 = arith.constant 320 : i32
    %mul3A_29 = arith.muli %arg1, %mul3A_28 : i32
    %add3A_30 = arith.constant 0 : i32
    %add3A_31 = arith.addi %mul3A_29, %add3A_30 : i32
    "tpu.region"() ({
      %run_scoped3A = tpu.sem_alloc : memref<!tpu.dma_semaphore, #tpu.memory_space<semaphore_mem>>
      %dma_start3A = arith.constant 0 : i32
      %dma_start3A_54 = tpu.memref_slice %arg15[%add3A_31, %dma_start3A] : memref<5248x128xf32, #tpu.memory_space<vmem_shared>> -> memref<128x128xf32, #tpu.memory_space<vmem_shared>>
      %dma_start3A_55 = arith.constant 0 : i32
      %dma_start3A_56 = tpu.memref_slice %arg15[%add3A_31, %dma_start3A_55] : memref<5248x128xf32, #tpu.memory_space<vmem_shared>> -> memref<128x128xf32, #tpu.memory_space<vmem_shared>>
      tpu.enqueue_dma source(%arg12 : memref<128x128xf32, #tpu.memory_space<vmem>>) target(%dma_start3A_56 : memref<128x128xf32, #tpu.memory_space<vmem_shared>>) target_semaphore(%run_scoped3A : memref<!tpu.dma_semaphore, #tpu.memory_space<semaphore_mem>>)
      %dma_wait3A = arith.constant 0 : i32
      %dma_wait3A_57 = tpu.memref_slice %arg15[%add3A_31, %dma_wait3A] : memref<5248x128xf32, #tpu.memory_space<vmem_shared>> -> memref<128x128xf32, #tpu.memory_space<vmem_shared>>
      %dma_wait3A_58 = arith.constant 0 : i32
      %dma_wait3A_59 = tpu.memref_slice %arg15[%add3A_31, %dma_wait3A_58] : memref<5248x128xf32, #tpu.memory_space<vmem_shared>> -> memref<128x128xf32, #tpu.memory_space<vmem_shared>>
      tpu.wait_dma2 semaphore(%run_scoped3A : memref<!tpu.dma_semaphore, #tpu.memory_space<semaphore_mem>>) src(%arg12 : memref<128x128xf32, #tpu.memory_space<vmem>>) dst(%dma_wait3A_59 : memref<128x128xf32, #tpu.memory_space<vmem_shared>>)
      tpu.yield
    }) : () -> ()
    %add3A_32 = arith.constant 128 : i32
    %add3A_33 = arith.addi %mul3A_29, %add3A_32 : i32
    "tpu.region"() ({
      %run_scoped3A = tpu.sem_alloc : memref<!tpu.dma_semaphore, #tpu.memory_space<semaphore_mem>>
      %dma_start3A = arith.constant 0 : i32
      %dma_start3A_54 = tpu.memref_slice %arg15[%add3A_33, %dma_start3A] : memref<5248x128xf32, #tpu.memory_space<vmem_shared>> -> memref<128x128xf32, #tpu.memory_space<vmem_shared>>
      %dma_start3A_55 = arith.constant 0 : i32
      %dma_start3A_56 = tpu.memref_slice %arg15[%add3A_33, %dma_start3A_55] : memref<5248x128xf32, #tpu.memory_space<vmem_shared>> -> memref<128x128xf32, #tpu.memory_space<vmem_shared>>
      tpu.enqueue_dma source(%arg12 : memref<128x128xf32, #tpu.memory_space<vmem>>) target(%dma_start3A_56 : memref<128x128xf32, #tpu.memory_space<vmem_shared>>) target_semaphore(%run_scoped3A : memref<!tpu.dma_semaphore, #tpu.memory_space<semaphore_mem>>)
      %dma_wait3A = arith.constant 0 : i32
      %dma_wait3A_57 = tpu.memref_slice %arg15[%add3A_33, %dma_wait3A] : memref<5248x128xf32, #tpu.memory_space<vmem_shared>> -> memref<128x128xf32, #tpu.memory_space<vmem_shared>>
      %dma_wait3A_58 = arith.constant 0 : i32
      %dma_wait3A_59 = tpu.memref_slice %arg15[%add3A_33, %dma_wait3A_58] : memref<5248x128xf32, #tpu.memory_space<vmem_shared>> -> memref<128x128xf32, #tpu.memory_space<vmem_shared>>
      tpu.wait_dma2 semaphore(%run_scoped3A : memref<!tpu.dma_semaphore, #tpu.memory_space<semaphore_mem>>) src(%arg12 : memref<128x128xf32, #tpu.memory_space<vmem>>) dst(%dma_wait3A_59 : memref<128x128xf32, #tpu.memory_space<vmem_shared>>)
      tpu.yield
    }) : () -> ()
    %add3A_34 = arith.constant 256 : i32
    %add3A_35 = arith.addi %mul3A_29, %add3A_34 : i32
    "tpu.region"() ({
      %run_scoped3A = tpu.sem_alloc : memref<!tpu.dma_semaphore, #tpu.memory_space<semaphore_mem>>
      %dma_start3A = arith.constant 0 : i32
      %dma_start3A_54 = arith.constant 0 : i32
      %dma_start3A_55 = tpu.memref_slice %arg12[%dma_start3A, %dma_start3A_54] : memref<128x128xf32, #tpu.memory_space<vmem>> -> memref<64x128xf32, #tpu.memory_space<vmem>>
      %dma_start3A_56 = arith.constant 0 : i32
      %dma_start3A_57 = tpu.memref_slice %arg15[%add3A_35, %dma_start3A_56] : memref<5248x128xf32, #tpu.memory_space<vmem_shared>> -> memref<64x128xf32, #tpu.memory_space<vmem_shared>>
      %dma_start3A_58 = arith.constant 0 : i32
      %dma_start3A_59 = tpu.memref_slice %arg15[%add3A_35, %dma_start3A_58] : memref<5248x128xf32, #tpu.memory_space<vmem_shared>> -> memref<64x128xf32, #tpu.memory_space<vmem_shared>>
      %dma_start3A_60 = arith.constant 0 : i32
      %dma_start3A_61 = arith.constant 0 : i32
      %dma_start3A_62 = tpu.memref_slice %arg12[%dma_start3A_60, %dma_start3A_61] : memref<128x128xf32, #tpu.memory_space<vmem>> -> memref<64x128xf32, #tpu.memory_space<vmem>>
      tpu.enqueue_dma source(%dma_start3A_62 : memref<64x128xf32, #tpu.memory_space<vmem>>) target(%dma_start3A_59 : memref<64x128xf32, #tpu.memory_space<vmem_shared>>) target_semaphore(%run_scoped3A : memref<!tpu.dma_semaphore, #tpu.memory_space<semaphore_mem>>)
      %dma_wait3A = arith.constant 0 : i32
      %dma_wait3A_63 = arith.constant 0 : i32
      %dma_wait3A_64 = tpu.memref_slice %arg12[%dma_wait3A, %dma_wait3A_63] : memref<128x128xf32, #tpu.memory_space<vmem>> -> memref<64x128xf32, #tpu.memory_space<vmem>>
      %dma_wait3A_65 = arith.constant 0 : i32
      %dma_wait3A_66 = tpu.memref_slice %arg15[%add3A_35, %dma_wait3A_65] : memref<5248x128xf32, #tpu.memory_space<vmem_shared>> -> memref<64x128xf32, #tpu.memory_space<vmem_shared>>
      %dma_wait3A_67 = arith.constant 0 : i32
      %dma_wait3A_68 = tpu.memref_slice %arg15[%add3A_35, %dma_wait3A_67] : memref<5248x128xf32, #tpu.memory_space<vmem_shared>> -> memref<64x128xf32, #tpu.memory_space<vmem_shared>>
      %dma_wait3A_69 = arith.constant 0 : i32
      %dma_wait3A_70 = arith.constant 0 : i32
      %dma_wait3A_71 = tpu.memref_slice %arg12[%dma_wait3A_69, %dma_wait3A_70] : memref<128x128xf32, #tpu.memory_space<vmem>> -> memref<64x128xf32, #tpu.memory_space<vmem>>
      tpu.wait_dma2 semaphore(%run_scoped3A : memref<!tpu.dma_semaphore, #tpu.memory_space<semaphore_mem>>) src(%dma_wait3A_71 : memref<64x128xf32, #tpu.memory_space<vmem>>) dst(%dma_wait3A_68 : memref<64x128xf32, #tpu.memory_space<vmem_shared>>)
      tpu.yield
    }) : () -> ()
    %eq3A_36 = arith.constant 0 : i32
    %eq3A_37 = arith.cmpi eq, %arg1, %eq3A_36 : i32
    %convert_element_type3A_38 = arith.extui %eq3A_37 : i1 to i32
    %cond3A_39 = arith.constant 0 : i32
    %cond3A_40 = arith.cmpi ne, %convert_element_type3A_38, %cond3A_39 : i32
    scf.if %cond3A_40 {
      "tpu.region"() ({
        %run_scoped3A = tpu.sem_alloc : memref<!tpu.dma_semaphore, #tpu.memory_space<semaphore_mem>>
        %dma_start3A = arith.constant 5120 : i32
        %dma_start3A_54 = arith.constant 0 : i32
        %dma_start3A_55 = tpu.memref_slice %arg15[%dma_start3A, %dma_start3A_54] : memref<5248x128xf32, #tpu.memory_space<vmem_shared>> -> memref<128x128xf32, #tpu.memory_space<vmem_shared>>
        %dma_start3A_56 = arith.constant 5120 : i32
        %dma_start3A_57 = arith.constant 0 : i32
        %dma_start3A_58 = tpu.memref_slice %arg15[%dma_start3A_56, %dma_start3A_57] : memref<5248x128xf32, #tpu.memory_space<vmem_shared>> -> memref<128x128xf32, #tpu.memory_space<vmem_shared>>
        tpu.enqueue_dma source(%arg12 : memref<128x128xf32, #tpu.memory_space<vmem>>) target(%dma_start3A_58 : memref<128x128xf32, #tpu.memory_space<vmem_shared>>) target_semaphore(%run_scoped3A : memref<!tpu.dma_semaphore, #tpu.memory_space<semaphore_mem>>)
        %dma_wait3A = arith.constant 5120 : i32
        %dma_wait3A_59 = arith.constant 0 : i32
        %dma_wait3A_60 = tpu.memref_slice %arg15[%dma_wait3A, %dma_wait3A_59] : memref<5248x128xf32, #tpu.memory_space<vmem_shared>> -> memref<128x128xf32, #tpu.memory_space<vmem_shared>>
        %dma_wait3A_61 = arith.constant 5120 : i32
        %dma_wait3A_62 = arith.constant 0 : i32
        %dma_wait3A_63 = tpu.memref_slice %arg15[%dma_wait3A_61, %dma_wait3A_62] : memref<5248x128xf32, #tpu.memory_space<vmem_shared>> -> memref<128x128xf32, #tpu.memory_space<vmem_shared>>
        tpu.wait_dma2 semaphore(%run_scoped3A : memref<!tpu.dma_semaphore, #tpu.memory_space<semaphore_mem>>) src(%arg12 : memref<128x128xf32, #tpu.memory_space<vmem>>) dst(%dma_wait3A_63 : memref<128x128xf32, #tpu.memory_space<vmem_shared>>)
        tpu.yield
      }) : () -> ()
    } else {
    }
    %scan3A_41 = arith.constant 0 : i32
    %scan3A_42 = arith.constant 128 : i32
    %scan3A_43 = arith.addi %scan3A_41, %scan3A_42 : i32
    %scan3A_44 = arith.constant 1 : i32
    scf.for %scan3A_54 = %scan3A_41 to %scan3A_43 step %scan3A_44  : i32 {
      %mul3A_55 = arith.constant 1 : i32
      %mul3A_56 = arith.muli %scan3A_54, %mul3A_55 : i32
      %add3A_57 = arith.constant 0 : i32
      %add3A_58 = arith.addi %add3A_57, %mul3A_56 : i32
      %broadcast_in_dim3A = arith.constant 0.000000e+00 : f32
      %broadcast_in_dim3A_59 = vector.broadcast %broadcast_in_dim3A : f32 to vector<16xf32>
      %swap3A = arith.index_cast %add3A_58 : i32 to index
      %swap3A_60 = arith.constant 0 : index
      %swap3A_61 = tpu.vector_load %arg10[%swap3A, %swap3A_60] {strides = array<i32>} : memref<128x128xf32, #tpu.memory_space<vmem>>, vector<1x16xf32>,
      %swap3A_62 = vector.shape_cast %swap3A_61 : vector<1x16xf32> to vector<16xf32>
      %swap3A_63 = vector.shape_cast %broadcast_in_dim3A_59 : vector<16xf32> to vector<1x16xf32>
      tpu.vector_store %arg10[%swap3A, %swap3A_60], %swap3A_63 {strides = array<i32>} : memref<128x128xf32, #tpu.memory_space<vmem>>, vector<1x16xf32>,
      %broadcast_in_dim3A_64 = arith.constant 0.000000e+00 : f32
      %broadcast_in_dim3A_65 = vector.broadcast %broadcast_in_dim3A_64 : f32 to vector<16xf32>
      %swap3A_66 = arith.index_cast %add3A_58 : i32 to index
      %swap3A_67 = arith.constant 0 : index
      %swap3A_68 = tpu.vector_load %arg11[%swap3A_66, %swap3A_67] {strides = array<i32>} : memref<128x128xf32, #tpu.memory_space<vmem>>, vector<1x16xf32>,
      %swap3A_69 = vector.shape_cast %swap3A_68 : vector<1x16xf32> to vector<16xf32>
      %swap3A_70 = vector.shape_cast %broadcast_in_dim3A_65 : vector<16xf32> to vector<1x16xf32>
      tpu.vector_store %arg11[%swap3A_66, %swap3A_67], %swap3A_70 {strides = array<i32>} : memref<128x128xf32, #tpu.memory_space<vmem>>, vector<1x16xf32>,
      %broadcast_in_dim3A_71 = arith.constant 0.000000e+00 : f32
      %broadcast_in_dim3A_72 = vector.broadcast %broadcast_in_dim3A_71 : f32 to vector<16xf32>
      %swap3A_73 = arith.index_cast %add3A_58 : i32 to index
      %swap3A_74 = arith.constant 16 : index
      %swap3A_75 = tpu.vector_load %arg10[%swap3A_73, %swap3A_74] {strides = array<i32>} : memref<128x128xf32, #tpu.memory_space<vmem>>, vector<1x16xf32>,
      %swap3A_76 = vector.shape_cast %swap3A_75 : vector<1x16xf32> to vector<16xf32>
      %swap3A_77 = vector.shape_cast %broadcast_in_dim3A_72 : vector<16xf32> to vector<1x16xf32>
      tpu.vector_store %arg10[%swap3A_73, %swap3A_74], %swap3A_77 {strides = array<i32>} : memref<128x128xf32, #tpu.memory_space<vmem>>, vector<1x16xf32>,
      %broadcast_in_dim3A_78 = arith.constant 0.000000e+00 : f32
      %broadcast_in_dim3A_79 = vector.broadcast %broadcast_in_dim3A_78 : f32 to vector<16xf32>
      %swap3A_80 = arith.index_cast %add3A_58 : i32 to index
      %swap3A_81 = arith.constant 16 : index
      %swap3A_82 = tpu.vector_load %arg11[%swap3A_80, %swap3A_81] {strides = array<i32>} : memref<128x128xf32, #tpu.memory_space<vmem>>, vector<1x16xf32>,
      %swap3A_83 = vector.shape_cast %swap3A_82 : vector<1x16xf32> to vector<16xf32>
      %swap3A_84 = vector.shape_cast %broadcast_in_dim3A_79 : vector<16xf32> to vector<1x16xf32>
      tpu.vector_store %arg11[%swap3A_80, %swap3A_81], %swap3A_84 {strides = array<i32>} : memref<128x128xf32, #tpu.memory_space<vmem>>, vector<1x16xf32>,
      %broadcast_in_dim3A_85 = arith.constant 0.000000e+00 : f32
      %broadcast_in_dim3A_86 = vector.broadcast %broadcast_in_dim3A_85 : f32 to vector<16xf32>
      %swap3A_87 = arith.index_cast %add3A_58 : i32 to index
      %swap3A_88 = arith.constant 32 : index
      %swap3A_89 = tpu.vector_load %arg10[%swap3A_87, %swap3A_88] {strides = array<i32>} : memref<128x128xf32, #tpu.memory_space<vmem>>, vector<1x16xf32>,
      %swap3A_90 = vector.shape_cast %swap3A_89 : vector<1x16xf32> to vector<16xf32>
      %swap3A_91 = vector.shape_cast %broadcast_in_dim3A_86 : vector<16xf32> to vector<1x16xf32>
      tpu.vector_store %arg10[%swap3A_87, %swap3A_88], %swap3A_91 {strides = array<i32>} : memref<128x128xf32, #tpu.memory_space<vmem>>, vector<1x16xf32>,
      %broadcast_in_dim3A_92 = arith.constant 0.000000e+00 : f32
      %broadcast_in_dim3A_93 = vector.broadcast %broadcast_in_dim3A_92 : f32 to vector<16xf32>
      %swap3A_94 = arith.index_cast %add3A_58 : i32 to index
      %swap3A_95 = arith.constant 32 : index
      %swap3A_96 = tpu.vector_load %arg11[%swap3A_94, %swap3A_95] {strides = array<i32>} : memref<128x128xf32, #tpu.memory_space<vmem>>, vector<1x16xf32>,
      %swap3A_97 = vector.shape_cast %swap3A_96 : vector<1x16xf32> to vector<16xf32>
      %swap3A_98 = vector.shape_cast %broadcast_in_dim3A_93 : vector<16xf32> to vector<1x16xf32>
      tpu.vector_store %arg11[%swap3A_94, %swap3A_95], %swap3A_98 {strides = array<i32>} : memref<128x128xf32, #tpu.memory_space<vmem>>, vector<1x16xf32>,
      %broadcast_in_dim3A_99 = arith.constant 0.000000e+00 : f32
      %broadcast_in_dim3A_100 = vector.broadcast %broadcast_in_dim3A_99 : f32 to vector<16xf32>
      %swap3A_101 = arith.index_cast %add3A_58 : i32 to index
      %swap3A_102 = arith.constant 48 : index
      %swap3A_103 = tpu.vector_load %arg10[%swap3A_101, %swap3A_102] {strides = array<i32>} : memref<128x128xf32, #tpu.memory_space<vmem>>, vector<1x16xf32>,
      %swap3A_104 = vector.shape_cast %swap3A_103 : vector<1x16xf32> to vector<16xf32>
      %swap3A_105 = vector.shape_cast %broadcast_in_dim3A_100 : vector<16xf32> to vector<1x16xf32>
      tpu.vector_store %arg10[%swap3A_101, %swap3A_102], %swap3A_105 {strides = array<i32>} : memref<128x128xf32, #tpu.memory_space<vmem>>, vector<1x16xf32>,
      %broadcast_in_dim3A_106 = arith.constant 0.000000e+00 : f32
      %broadcast_in_dim3A_107 = vector.broadcast %broadcast_in_dim3A_106 : f32 to vector<16xf32>
      %swap3A_108 = arith.index_cast %add3A_58 : i32 to index
      %swap3A_109 = arith.constant 48 : index
      %swap3A_110 = tpu.vector_load %arg11[%swap3A_108, %swap3A_109] {strides = array<i32>} : memref<128x128xf32, #tpu.memory_space<vmem>>, vector<1x16xf32>,
      %swap3A_111 = vector.shape_cast %swap3A_110 : vector<1x16xf32> to vector<16xf32>
      %swap3A_112 = vector.shape_cast %broadcast_in_dim3A_107 : vector<16xf32> to vector<1x16xf32>
      tpu.vector_store %arg11[%swap3A_108, %swap3A_109], %swap3A_112 {strides = array<i32>} : memref<128x128xf32, #tpu.memory_space<vmem>>, vector<1x16xf32>,
      %broadcast_in_dim3A_113 = arith.constant 0.000000e+00 : f32
      %broadcast_in_dim3A_114 = vector.broadcast %broadcast_in_dim3A_113 : f32 to vector<16xf32>
      %swap3A_115 = arith.index_cast %add3A_58 : i32 to index
      %swap3A_116 = arith.constant 64 : index
      %swap3A_117 = tpu.vector_load %arg10[%swap3A_115, %swap3A_116] {strides = array<i32>} : memref<128x128xf32, #tpu.memory_space<vmem>>, vector<1x16xf32>,
      %swap3A_118 = vector.shape_cast %swap3A_117 : vector<1x16xf32> to vector<16xf32>
      %swap3A_119 = vector.shape_cast %broadcast_in_dim3A_114 : vector<16xf32> to vector<1x16xf32>
      tpu.vector_store %arg10[%swap3A_115, %swap3A_116], %swap3A_119 {strides = array<i32>} : memref<128x128xf32, #tpu.memory_space<vmem>>, vector<1x16xf32>,
      %broadcast_in_dim3A_120 = arith.constant 0.000000e+00 : f32
      %broadcast_in_dim3A_121 = vector.broadcast %broadcast_in_dim3A_120 : f32 to vector<16xf32>
      %swap3A_122 = arith.index_cast %add3A_58 : i32 to index
      %swap3A_123 = arith.constant 64 : index
      %swap3A_124 = tpu.vector_load %arg11[%swap3A_122, %swap3A_123] {strides = array<i32>} : memref<128x128xf32, #tpu.memory_space<vmem>>, vector<1x16xf32>,
      %swap3A_125 = vector.shape_cast %swap3A_124 : vector<1x16xf32> to vector<16xf32>
      %swap3A_126 = vector.shape_cast %broadcast_in_dim3A_121 : vector<16xf32> to vector<1x16xf32>
      tpu.vector_store %arg11[%swap3A_122, %swap3A_123], %swap3A_126 {strides = array<i32>} : memref<128x128xf32, #tpu.memory_space<vmem>>, vector<1x16xf32>,
      %broadcast_in_dim3A_127 = arith.constant 0.000000e+00 : f32
      %broadcast_in_dim3A_128 = vector.broadcast %broadcast_in_dim3A_127 : f32 to vector<16xf32>
      %swap3A_129 = arith.index_cast %add3A_58 : i32 to index
      %swap3A_130 = arith.constant 80 : index
      %swap3A_131 = tpu.vector_load %arg10[%swap3A_129, %swap3A_130] {strides = array<i32>} : memref<128x128xf32, #tpu.memory_space<vmem>>, vector<1x16xf32>,
      %swap3A_132 = vector.shape_cast %swap3A_131 : vector<1x16xf32> to vector<16xf32>
      %swap3A_133 = vector.shape_cast %broadcast_in_dim3A_128 : vector<16xf32> to vector<1x16xf32>
      tpu.vector_store %arg10[%swap3A_129, %swap3A_130], %swap3A_133 {strides = array<i32>} : memref<128x128xf32, #tpu.memory_space<vmem>>, vector<1x16xf32>,
      %broadcast_in_dim3A_134 = arith.constant 0.000000e+00 : f32
      %broadcast_in_dim3A_135 = vector.broadcast %broadcast_in_dim3A_134 : f32 to vector<16xf32>
      %swap3A_136 = arith.index_cast %add3A_58 : i32 to index
      %swap3A_137 = arith.constant 80 : index
      %swap3A_138 = tpu.vector_load %arg11[%swap3A_136, %swap3A_137] {strides = array<i32>} : memref<128x128xf32, #tpu.memory_space<vmem>>, vector<1x16xf32>,
      %swap3A_139 = vector.shape_cast %swap3A_138 : vector<1x16xf32> to vector<16xf32>
      %swap3A_140 = vector.shape_cast %broadcast_in_dim3A_135 : vector<16xf32> to vector<1x16xf32>
      tpu.vector_store %arg11[%swap3A_136, %swap3A_137], %swap3A_140 {strides = array<i32>} : memref<128x128xf32, #tpu.memory_space<vmem>>, vector<1x16xf32>,
      %broadcast_in_dim3A_141 = arith.constant 0.000000e+00 : f32
      %broadcast_in_dim3A_142 = vector.broadcast %broadcast_in_dim3A_141 : f32 to vector<16xf32>
      %swap3A_143 = arith.index_cast %add3A_58 : i32 to index
      %swap3A_144 = arith.constant 96 : index
      %swap3A_145 = tpu.vector_load %arg10[%swap3A_143, %swap3A_144] {strides = array<i32>} : memref<128x128xf32, #tpu.memory_space<vmem>>, vector<1x16xf32>,
      %swap3A_146 = vector.shape_cast %swap3A_145 : vector<1x16xf32> to vector<16xf32>
      %swap3A_147 = vector.shape_cast %broadcast_in_dim3A_142 : vector<16xf32> to vector<1x16xf32>
      tpu.vector_store %arg10[%swap3A_143, %swap3A_144], %swap3A_147 {strides = array<i32>} : memref<128x128xf32, #tpu.memory_space<vmem>>, vector<1x16xf32>,
      %broadcast_in_dim3A_148 = arith.constant 0.000000e+00 : f32
      %broadcast_in_dim3A_149 = vector.broadcast %broadcast_in_dim3A_148 : f32 to vector<16xf32>
      %swap3A_150 = arith.index_cast %add3A_58 : i32 to index
      %swap3A_151 = arith.constant 96 : index
      %swap3A_152 = tpu.vector_load %arg11[%swap3A_150, %swap3A_151] {strides = array<i32>} : memref<128x128xf32, #tpu.memory_space<vmem>>, vector<1x16xf32>,
      %swap3A_153 = vector.shape_cast %swap3A_152 : vector<1x16xf32> to vector<16xf32>
      %swap3A_154 = vector.shape_cast %broadcast_in_dim3A_149 : vector<16xf32> to vector<1x16xf32>
      tpu.vector_store %arg11[%swap3A_150, %swap3A_151], %swap3A_154 {strides = array<i32>} : memref<128x128xf32, #tpu.memory_space<vmem>>, vector<1x16xf32>,
      %broadcast_in_dim3A_155 = arith.constant 0.000000e+00 : f32
      %broadcast_in_dim3A_156 = vector.broadcast %broadcast_in_dim3A_155 : f32 to vector<16xf32>
      %swap3A_157 = arith.index_cast %add3A_58 : i32 to index
      %swap3A_158 = arith.constant 112 : index
      %swap3A_159 = tpu.vector_load %arg10[%swap3A_157, %swap3A_158] {strides = array<i32>} : memref<128x128xf32, #tpu.memory_space<vmem>>, vector<1x16xf32>,
      %swap3A_160 = vector.shape_cast %swap3A_159 : vector<1x16xf32> to vector<16xf32>
      %swap3A_161 = vector.shape_cast %broadcast_in_dim3A_156 : vector<16xf32> to vector<1x16xf32>
      tpu.vector_store %arg10[%swap3A_157, %swap3A_158], %swap3A_161 {strides = array<i32>} : memref<128x128xf32, #tpu.memory_space<vmem>>, vector<1x16xf32>,
      %broadcast_in_dim3A_162 = arith.constant 0.000000e+00 : f32
      %broadcast_in_dim3A_163 = vector.broadcast %broadcast_in_dim3A_162 : f32 to vector<16xf32>
      %swap3A_164 = arith.index_cast %add3A_58 : i32 to index
      %swap3A_165 = arith.constant 112 : index
      %swap3A_166 = tpu.vector_load %arg11[%swap3A_164, %swap3A_165] {strides = array<i32>} : memref<128x128xf32, #tpu.memory_space<vmem>>, vector<1x16xf32>,
      %swap3A_167 = vector.shape_cast %swap3A_166 : vector<1x16xf32> to vector<16xf32>
      %swap3A_168 = vector.shape_cast %broadcast_in_dim3A_163 : vector<16xf32> to vector<1x16xf32>
      tpu.vector_store %arg11[%swap3A_164, %swap3A_165], %swap3A_168 {strides = array<i32>} : memref<128x128xf32, #tpu.memory_space<vmem>>, vector<1x16xf32>,
    }
    %scan3A_45 = arith.constant 128 : i32
    %barrier3A_46 = arith.constant 0 : index
    tpu.barrier barrier_id(%barrier3A_46)
    %scan3A_47 = arith.constant 0 : i32
    %scan3A_48 = arith.constant 80 : i32
    %scan3A_49 = arith.addi %scan3A_47, %scan3A_48 : i32
    %scan3A_50 = arith.constant 1 : i32
    scf.for %scan3A_54 = %scan3A_47 to %scan3A_49 step %scan3A_50  : i32 {
      %mul3A_55 = arith.constant 1 : i32
      %mul3A_56 = arith.muli %scan3A_54, %mul3A_55 : i32
      %add3A_57 = arith.constant 0 : i32
      %add3A_58 = arith.addi %add3A_57, %mul3A_56 : i32
      %get3A = arith.index_cast %add3A_58 : i32 to index
      %get3A_59 = arith.constant 0 : index
      %get3A_60 = tpu.vector_load %arg7[%get3A, %get3A_59] {strides = array<i32>} : memref<80x128xi32, #tpu.memory_space<vmem>>, vector<1x16xi32>,
      %get3A_61 = vector.shape_cast %get3A_60 : vector<1x16xi32> to vector<16xi32>
      %ge3A = vector.broadcast %mul3A_0 : i32 to vector<16xi32>
      %ge3A_62 = arith.cmpi sge, %get3A_61, %ge3A : vector<16xi32>
      %add3A_63 = arith.constant 5120 : i32
      %add3A_64 = arith.addi %mul3A_0, %add3A_63 : i32
      %lt3A = vector.broadcast %add3A_64 : i32 to vector<16xi32>
      %lt3A_65 = arith.cmpi slt, %get3A_61, %lt3A : vector<16xi32>
      %and3A = arith.andi %ge3A_62, %lt3A_65 : vector<16xi1>
      %sub3A = vector.broadcast %mul3A_0 : i32 to vector<16xi32>
      %sub3A_66 = arith.subi %get3A_61, %sub3A : vector<16xi32>
      %jit3A = arith.constant 5120 : i32
      %broadcast_in_dim3A = vector.broadcast %jit3A : i32 to vector<16xi32>
      %select_n3A = arith.select %and3A, %sub3A_66, %broadcast_in_dim3A : vector<16xi1>, vector<16xi32>
      %swap3A = arith.constant 0 : index
      %swap3A_67 = tpu.vector_load %arg8[%swap3A] {strides = array<i32>} : memref<128xi32, #tpu.memory_space<vmem>>, vector<16xi32>,
      %swap3A_68 = vector.shape_cast %swap3A_67 : vector<16xi32> to vector<16xi32>
      %swap3A_69 = vector.shape_cast %select_n3A : vector<16xi32> to vector<16xi32>
      tpu.vector_store %arg8[%swap3A], %swap3A_69 {strides = array<i32>} : memref<128xi32, #tpu.memory_space<vmem>>, vector<16xi32>,
      %get3A_70 = arith.index_cast %add3A_58 : i32 to index
      %get3A_71 = arith.constant 16 : index
      %get3A_72 = tpu.vector_load %arg7[%get3A_70, %get3A_71] {strides = array<i32>} : memref<80x128xi32, #tpu.memory_space<vmem>>, vector<1x16xi32>,
      %get3A_73 = vector.shape_cast %get3A_72 : vector<1x16xi32> to vector<16xi32>
      %ge3A_74 = vector.broadcast %mul3A_0 : i32 to vector<16xi32>
      %ge3A_75 = arith.cmpi sge, %get3A_73, %ge3A_74 : vector<16xi32>
      %add3A_76 = arith.constant 5120 : i32
      %add3A_77 = arith.addi %mul3A_0, %add3A_76 : i32
      %lt3A_78 = vector.broadcast %add3A_77 : i32 to vector<16xi32>
      %lt3A_79 = arith.cmpi slt, %get3A_73, %lt3A_78 : vector<16xi32>
      %and3A_80 = arith.andi %ge3A_75, %lt3A_79 : vector<16xi1>
      %sub3A_81 = vector.broadcast %mul3A_0 : i32 to vector<16xi32>
      %sub3A_82 = arith.subi %get3A_73, %sub3A_81 : vector<16xi32>
      %jit3A_83 = arith.constant 5120 : i32
      %broadcast_in_dim3A_84 = vector.broadcast %jit3A_83 : i32 to vector<16xi32>
      %select_n3A_85 = arith.select %and3A_80, %sub3A_82, %broadcast_in_dim3A_84 : vector<16xi1>, vector<16xi32>
      %swap3A_86 = arith.constant 16 : index
      %swap3A_87 = tpu.vector_load %arg8[%swap3A_86] {strides = array<i32>} : memref<128xi32, #tpu.memory_space<vmem>>, vector<16xi32>,
      %swap3A_88 = vector.shape_cast %swap3A_87 : vector<16xi32> to vector<16xi32>
      %swap3A_89 = vector.shape_cast %select_n3A_85 : vector<16xi32> to vector<16xi32>
      tpu.vector_store %arg8[%swap3A_86], %swap3A_89 {strides = array<i32>} : memref<128xi32, #tpu.memory_space<vmem>>, vector<16xi32>,
      %get3A_90 = arith.index_cast %add3A_58 : i32 to index
      %get3A_91 = arith.constant 32 : index
      %get3A_92 = tpu.vector_load %arg7[%get3A_90, %get3A_91] {strides = array<i32>} : memref<80x128xi32, #tpu.memory_space<vmem>>, vector<1x16xi32>,
      %get3A_93 = vector.shape_cast %get3A_92 : vector<1x16xi32> to vector<16xi32>
      %ge3A_94 = vector.broadcast %mul3A_0 : i32 to vector<16xi32>
      %ge3A_95 = arith.cmpi sge, %get3A_93, %ge3A_94 : vector<16xi32>
      %add3A_96 = arith.constant 5120 : i32
      %add3A_97 = arith.addi %mul3A_0, %add3A_96 : i32
      %lt3A_98 = vector.broadcast %add3A_97 : i32 to vector<16xi32>
      %lt3A_99 = arith.cmpi slt, %get3A_93, %lt3A_98 : vector<16xi32>
      %and3A_100 = arith.andi %ge3A_95, %lt3A_99 : vector<16xi1>
      %sub3A_101 = vector.broadcast %mul3A_0 : i32 to vector<16xi32>
      %sub3A_102 = arith.subi %get3A_93, %sub3A_101 : vector<16xi32>
      %jit3A_103 = arith.constant 5120 : i32
      %broadcast_in_dim3A_104 = vector.broadcast %jit3A_103 : i32 to vector<16xi32>
      %select_n3A_105 = arith.select %and3A_100, %sub3A_102, %broadcast_in_dim3A_104 : vector<16xi1>, vector<16xi32>
      %swap3A_106 = arith.constant 32 : index
      %swap3A_107 = tpu.vector_load %arg8[%swap3A_106] {strides = array<i32>} : memref<128xi32, #tpu.memory_space<vmem>>, vector<16xi32>,
      %swap3A_108 = vector.shape_cast %swap3A_107 : vector<16xi32> to vector<16xi32>
      %swap3A_109 = vector.shape_cast %select_n3A_105 : vector<16xi32> to vector<16xi32>
      tpu.vector_store %arg8[%swap3A_106], %swap3A_109 {strides = array<i32>} : memref<128xi32, #tpu.memory_space<vmem>>, vector<16xi32>,
      %get3A_110 = arith.index_cast %add3A_58 : i32 to index
      %get3A_111 = arith.constant 48 : index
      %get3A_112 = tpu.vector_load %arg7[%get3A_110, %get3A_111] {strides = array<i32>} : memref<80x128xi32, #tpu.memory_space<vmem>>, vector<1x16xi32>,
      %get3A_113 = vector.shape_cast %get3A_112 : vector<1x16xi32> to vector<16xi32>
      %ge3A_114 = vector.broadcast %mul3A_0 : i32 to vector<16xi32>
      %ge3A_115 = arith.cmpi sge, %get3A_113, %ge3A_114 : vector<16xi32>
      %add3A_116 = arith.constant 5120 : i32
      %add3A_117 = arith.addi %mul3A_0, %add3A_116 : i32
      %lt3A_118 = vector.broadcast %add3A_117 : i32 to vector<16xi32>
      %lt3A_119 = arith.cmpi slt, %get3A_113, %lt3A_118 : vector<16xi32>
      %and3A_120 = arith.andi %ge3A_115, %lt3A_119 : vector<16xi1>
      %sub3A_121 = vector.broadcast %mul3A_0 : i32 to vector<16xi32>
      %sub3A_122 = arith.subi %get3A_113, %sub3A_121 : vector<16xi32>
      %jit3A_123 = arith.constant 5120 : i32
      %broadcast_in_dim3A_124 = vector.broadcast %jit3A_123 : i32 to vector<16xi32>
      %select_n3A_125 = arith.select %and3A_120, %sub3A_122, %broadcast_in_dim3A_124 : vector<16xi1>, vector<16xi32>
      %swap3A_126 = arith.constant 48 : index
      %swap3A_127 = tpu.vector_load %arg8[%swap3A_126] {strides = array<i32>} : memref<128xi32, #tpu.memory_space<vmem>>, vector<16xi32>,
      %swap3A_128 = vector.shape_cast %swap3A_127 : vector<16xi32> to vector<16xi32>
      %swap3A_129 = vector.shape_cast %select_n3A_125 : vector<16xi32> to vector<16xi32>
      tpu.vector_store %arg8[%swap3A_126], %swap3A_129 {strides = array<i32>} : memref<128xi32, #tpu.memory_space<vmem>>, vector<16xi32>,
      %get3A_130 = arith.index_cast %add3A_58 : i32 to index
      %get3A_131 = arith.constant 64 : index
      %get3A_132 = tpu.vector_load %arg7[%get3A_130, %get3A_131] {strides = array<i32>} : memref<80x128xi32, #tpu.memory_space<vmem>>, vector<1x16xi32>,
      %get3A_133 = vector.shape_cast %get3A_132 : vector<1x16xi32> to vector<16xi32>
      %ge3A_134 = vector.broadcast %mul3A_0 : i32 to vector<16xi32>
      %ge3A_135 = arith.cmpi sge, %get3A_133, %ge3A_134 : vector<16xi32>
      %add3A_136 = arith.constant 5120 : i32
      %add3A_137 = arith.addi %mul3A_0, %add3A_136 : i32
      %lt3A_138 = vector.broadcast %add3A_137 : i32 to vector<16xi32>
      %lt3A_139 = arith.cmpi slt, %get3A_133, %lt3A_138 : vector<16xi32>
      %and3A_140 = arith.andi %ge3A_135, %lt3A_139 : vector<16xi1>
      %sub3A_141 = vector.broadcast %mul3A_0 : i32 to vector<16xi32>
      %sub3A_142 = arith.subi %get3A_133, %sub3A_141 : vector<16xi32>
      %jit3A_143 = arith.constant 5120 : i32
      %broadcast_in_dim3A_144 = vector.broadcast %jit3A_143 : i32 to vector<16xi32>
      %select_n3A_145 = arith.select %and3A_140, %sub3A_142, %broadcast_in_dim3A_144 : vector<16xi1>, vector<16xi32>
      %swap3A_146 = arith.constant 64 : index
      %swap3A_147 = tpu.vector_load %arg8[%swap3A_146] {strides = array<i32>} : memref<128xi32, #tpu.memory_space<vmem>>, vector<16xi32>,
      %swap3A_148 = vector.shape_cast %swap3A_147 : vector<16xi32> to vector<16xi32>
      %swap3A_149 = vector.shape_cast %select_n3A_145 : vector<16xi32> to vector<16xi32>
      tpu.vector_store %arg8[%swap3A_146], %swap3A_149 {strides = array<i32>} : memref<128xi32, #tpu.memory_space<vmem>>, vector<16xi32>,
      %get3A_150 = arith.index_cast %add3A_58 : i32 to index
      %get3A_151 = arith.constant 80 : index
      %get3A_152 = tpu.vector_load %arg7[%get3A_150, %get3A_151] {strides = array<i32>} : memref<80x128xi32, #tpu.memory_space<vmem>>, vector<1x16xi32>,
      %get3A_153 = vector.shape_cast %get3A_152 : vector<1x16xi32> to vector<16xi32>
      %ge3A_154 = vector.broadcast %mul3A_0 : i32 to vector<16xi32>
      %ge3A_155 = arith.cmpi sge, %get3A_153, %ge3A_154 : vector<16xi32>
      %add3A_156 = arith.constant 5120 : i32
      %add3A_157 = arith.addi %mul3A_0, %add3A_156 : i32
      %lt3A_158 = vector.broadcast %add3A_157 : i32 to vector<16xi32>
      %lt3A_159 = arith.cmpi slt, %get3A_153, %lt3A_158 : vector<16xi32>
      %and3A_160 = arith.andi %ge3A_155, %lt3A_159 : vector<16xi1>
      %sub3A_161 = vector.broadcast %mul3A_0 : i32 to vector<16xi32>
      %sub3A_162 = arith.subi %get3A_153, %sub3A_161 : vector<16xi32>
      %jit3A_163 = arith.constant 5120 : i32
      %broadcast_in_dim3A_164 = vector.broadcast %jit3A_163 : i32 to vector<16xi32>
      %select_n3A_165 = arith.select %and3A_160, %sub3A_162, %broadcast_in_dim3A_164 : vector<16xi1>, vector<16xi32>
      %swap3A_166 = arith.constant 80 : index
      %swap3A_167 = tpu.vector_load %arg8[%swap3A_166] {strides = array<i32>} : memref<128xi32, #tpu.memory_space<vmem>>, vector<16xi32>,
      %swap3A_168 = vector.shape_cast %swap3A_167 : vector<16xi32> to vector<16xi32>
      %swap3A_169 = vector.shape_cast %select_n3A_165 : vector<16xi32> to vector<16xi32>
      tpu.vector_store %arg8[%swap3A_166], %swap3A_169 {strides = array<i32>} : memref<128xi32, #tpu.memory_space<vmem>>, vector<16xi32>,
      %get3A_170 = arith.index_cast %add3A_58 : i32 to index
      %get3A_171 = arith.constant 96 : index
      %get3A_172 = tpu.vector_load %arg7[%get3A_170, %get3A_171] {strides = array<i32>} : memref<80x128xi32, #tpu.memory_space<vmem>>, vector<1x16xi32>,
      %get3A_173 = vector.shape_cast %get3A_172 : vector<1x16xi32> to vector<16xi32>
      %ge3A_174 = vector.broadcast %mul3A_0 : i32 to vector<16xi32>
      %ge3A_175 = arith.cmpi sge, %get3A_173, %ge3A_174 : vector<16xi32>
      %add3A_176 = arith.constant 5120 : i32
      %add3A_177 = arith.addi %mul3A_0, %add3A_176 : i32
      %lt3A_178 = vector.broadcast %add3A_177 : i32 to vector<16xi32>
      %lt3A_179 = arith.cmpi slt, %get3A_173, %lt3A_178 : vector<16xi32>
      %and3A_180 = arith.andi %ge3A_175, %lt3A_179 : vector<16xi1>
      %sub3A_181 = vector.broadcast %mul3A_0 : i32 to vector<16xi32>
      %sub3A_182 = arith.subi %get3A_173, %sub3A_181 : vector<16xi32>
      %jit3A_183 = arith.constant 5120 : i32
      %broadcast_in_dim3A_184 = vector.broadcast %jit3A_183 : i32 to vector<16xi32>
      %select_n3A_185 = arith.select %and3A_180, %sub3A_182, %broadcast_in_dim3A_184 : vector<16xi1>, vector<16xi32>
      %swap3A_186 = arith.constant 96 : index
      %swap3A_187 = tpu.vector_load %arg8[%swap3A_186] {strides = array<i32>} : memref<128xi32, #tpu.memory_space<vmem>>, vector<16xi32>,
      %swap3A_188 = vector.shape_cast %swap3A_187 : vector<16xi32> to vector<16xi32>
      %swap3A_189 = vector.shape_cast %select_n3A_185 : vector<16xi32> to vector<16xi32>
      tpu.vector_store %arg8[%swap3A_186], %swap3A_189 {strides = array<i32>} : memref<128xi32, #tpu.memory_space<vmem>>, vector<16xi32>,
      %get3A_190 = arith.index_cast %add3A_58 : i32 to index
      %get3A_191 = arith.constant 112 : index
      %get3A_192 = tpu.vector_load %arg7[%get3A_190, %get3A_191] {strides = array<i32>} : memref<80x128xi32, #tpu.memory_space<vmem>>, vector<1x16xi32>,
      %get3A_193 = vector.shape_cast %get3A_192 : vector<1x16xi32> to vector<16xi32>
      %ge3A_194 = vector.broadcast %mul3A_0 : i32 to vector<16xi32>
      %ge3A_195 = arith.cmpi sge, %get3A_193, %ge3A_194 : vector<16xi32>
      %add3A_196 = arith.constant 5120 : i32
      %add3A_197 = arith.addi %mul3A_0, %add3A_196 : i32
      %lt3A_198 = vector.broadcast %add3A_197 : i32 to vector<16xi32>
      %lt3A_199 = arith.cmpi slt, %get3A_193, %lt3A_198 : vector<16xi32>
      %and3A_200 = arith.andi %ge3A_195, %lt3A_199 : vector<16xi1>
      %sub3A_201 = vector.broadcast %mul3A_0 : i32 to vector<16xi32>
      %sub3A_202 = arith.subi %get3A_193, %sub3A_201 : vector<16xi32>
      %jit3A_203 = arith.constant 5120 : i32
      %broadcast_in_dim3A_204 = vector.broadcast %jit3A_203 : i32 to vector<16xi32>
      %select_n3A_205 = arith.select %and3A_200, %sub3A_202, %broadcast_in_dim3A_204 : vector<16xi1>, vector<16xi32>
      %swap3A_206 = arith.constant 112 : index
      %swap3A_207 = tpu.vector_load %arg8[%swap3A_206] {strides = array<i32>} : memref<128xi32, #tpu.memory_space<vmem>>, vector<16xi32>,
      %swap3A_208 = vector.shape_cast %swap3A_207 : vector<16xi32> to vector<16xi32>
      %swap3A_209 = vector.shape_cast %select_n3A_205 : vector<16xi32> to vector<16xi32>
      tpu.vector_store %arg8[%swap3A_206], %swap3A_209 {strides = array<i32>} : memref<128xi32, #tpu.memory_space<vmem>>, vector<16xi32>,
      %mul3A_210 = arith.constant 128 : i32
      %mul3A_211 = arith.muli %add3A_58, %mul3A_210 : i32
      %add3A_212 = arith.addi %mul3A_4, %mul3A_211 : i32
      "tpu.region"() ({
        %run_scoped3A = tpu.sem_alloc : memref<!tpu.dma_semaphore, #tpu.memory_space<semaphore_mem>>
        %dma_start3A = arith.constant 0 : i32
        %dma_start3A_218 = tpu.memref_slice %arg3[%add3A_212, %dma_start3A] : memref<163840x16xf32, #tpu.memory_space<hbm>> -> memref<128x16xf32, #tpu.memory_space<hbm>>
        %dma_start3A_219 = arith.constant 0 : i32
        %dma_start3A_220 = tpu.memref_slice %arg3[%add3A_212, %dma_start3A_219] : memref<163840x16xf32, #tpu.memory_space<hbm>> -> memref<128x16xf32, #tpu.memory_space<hbm>>
        tpu.enqueue_dma source(%dma_start3A_220 : memref<128x16xf32, #tpu.memory_space<hbm>>) target(%arg13 : memref<128x16xf32, #tpu.memory_space<vmem>>) target_semaphore(%run_scoped3A : memref<!tpu.dma_semaphore, #tpu.memory_space<semaphore_mem>>)
        %dma_wait3A = arith.constant 0 : i32
        %dma_wait3A_221 = tpu.memref_slice %arg3[%add3A_212, %dma_wait3A] : memref<163840x16xf32, #tpu.memory_space<hbm>> -> memref<128x16xf32, #tpu.memory_space<hbm>>
        %dma_wait3A_222 = arith.constant 0 : i32
        %dma_wait3A_223 = tpu.memref_slice %arg3[%add3A_212, %dma_wait3A_222] : memref<163840x16xf32, #tpu.memory_space<hbm>> -> memref<128x16xf32, #tpu.memory_space<hbm>>
        tpu.wait_dma2 semaphore(%run_scoped3A : memref<!tpu.dma_semaphore, #tpu.memory_space<semaphore_mem>>) src(%dma_wait3A_223 : memref<128x16xf32, #tpu.memory_space<hbm>>) dst(%arg13 : memref<128x16xf32, #tpu.memory_space<vmem>>)
        tpu.yield
      }) : () -> ()
      %scan3A_213 = arith.constant 0 : i32
      %scan3A_214 = arith.constant 128 : i32
      %scan3A_215 = arith.addi %scan3A_213, %scan3A_214 : i32
      %scan3A_216 = arith.constant 1 : i32
      scf.for %scan3A_218 = %scan3A_213 to %scan3A_215 step %scan3A_216  : i32 {
        %mul3A_219 = arith.constant 1 : i32
        %mul3A_220 = arith.muli %scan3A_218, %mul3A_219 : i32
        %add3A_221 = arith.constant 0 : i32
        %add3A_222 = arith.addi %add3A_221, %mul3A_220 : i32
        %get3A_223 = arith.index_cast %add3A_222 : i32 to index
        %get3A_224 = arith.constant 0 : index
        %get3A_225 = tpu.vector_load %arg13[%get3A_223, %get3A_224] {strides = array<i32>} : memref<128x16xf32, #tpu.memory_space<vmem>>, vector<1x16xf32>,
        %get3A_226 = vector.shape_cast %get3A_225 : vector<1x16xf32> to vector<16xf32>
        %swap3A_227 = arith.index_cast %add3A_222 : i32 to index
        %swap3A_228 = arith.constant 0 : index
        %swap3A_229 = tpu.vector_load %arg10[%swap3A_227, %swap3A_228] {strides = array<i32>} : memref<128x128xf32, #tpu.memory_space<vmem>>, vector<1x16xf32>,
        %swap3A_230 = vector.shape_cast %swap3A_229 : vector<1x16xf32> to vector<16xf32>
        %swap3A_231 = vector.shape_cast %get3A_226 : vector<16xf32> to vector<1x16xf32>
        tpu.vector_store %arg10[%swap3A_227, %swap3A_228], %swap3A_231 {strides = array<i32>} : memref<128x128xf32, #tpu.memory_space<vmem>>, vector<1x16xf32>,
      }
      %scan3A_217 = arith.constant 128 : i32
      "tpu.region"() ({
        %run_scoped3A = tpu.sem_alloc : memref<!tpu.dma_semaphore, #tpu.memory_space<semaphore_mem>>
        %dma_start3A = arith.constant 0 : i32
        %dma_start3A_218 = arith.constant 0 : i32
        %dma_start3A_219 = tpu.memref_slice %arg15[%dma_start3A, %dma_start3A_218] : memref<5248x128xf32, #tpu.memory_space<vmem_shared>> -> memref<5248x128xf32, #tpu.memory_space<vmem_shared>>
        tpu.enqueue_indirect_dma source(%arg10 : memref<128x128xf32, #tpu.memory_space<vmem>>) target(%dma_start3A_219 : memref<5248x128xf32, #tpu.memory_space<vmem_shared>>) offsets(%arg8 : memref<128xi32, #tpu.memory_space<vmem>>) semaphore(%run_scoped3A : memref<!tpu.dma_semaphore, #tpu.memory_space<semaphore_mem>>) {add = true}
        %dma_wait3A = arith.constant 0 : i32
        %dma_wait3A_220 = arith.constant 0 : i32
        %dma_wait3A_221 = tpu.memref_slice %arg15[%dma_wait3A, %dma_wait3A_220] : memref<5248x128xf32, #tpu.memory_space<vmem_shared>> -> memref<5248x128xf32, #tpu.memory_space<vmem_shared>>
        tpu.wait_indirect_dma semaphore(%run_scoped3A : memref<!tpu.dma_semaphore, #tpu.memory_space<semaphore_mem>>) src(%arg10 : memref<128x128xf32, #tpu.memory_space<vmem>>) dst(%dma_wait3A_221 : memref<5248x128xf32, #tpu.memory_space<vmem_shared>>)
        tpu.yield
      }) : () -> ()
    }
    %scan3A_51 = arith.constant 80 : i32
    %barrier3A_52 = arith.constant 0 : index
    tpu.barrier barrier_id(%barrier3A_52)
    %add3A_53 = arith.addi %mul3A_0, %mul3A_25 : i32
    "tpu.region"() ({
      %run_scoped3A = tpu.sem_alloc : memref<!tpu.dma_semaphore, #tpu.memory_space<semaphore_mem>>
      %dma_start3A = arith.constant 0 : i32
      %dma_start3A_54 = tpu.memref_slice %arg6[%add3A_53, %dma_start3A] : memref<10240x128xf32, #tpu.memory_space<hbm>> -> memref<320x128xf32, #tpu.memory_space<hbm>>
      %dma_start3A_55 = arith.constant 0 : i32
      %dma_start3A_56 = tpu.memref_slice %arg15[%mul3A_25, %dma_start3A_55] : memref<5248x128xf32, #tpu.memory_space<vmem_shared>> -> memref<320x128xf32, #tpu.memory_space<vmem_shared>>
      tpu.enqueue_dma source(%dma_start3A_56 : memref<320x128xf32, #tpu.memory_space<vmem_shared>>) target(%dma_start3A_54 : memref<320x128xf32, #tpu.memory_space<hbm>>) target_semaphore(%run_scoped3A : memref<!tpu.dma_semaphore, #tpu.memory_space<semaphore_mem>>)
      %dma_wait3A = arith.constant 0 : i32
      %dma_wait3A_57 = tpu.memref_slice %arg6[%add3A_53, %dma_wait3A] : memref<10240x128xf32, #tpu.memory_space<hbm>> -> memref<320x128xf32, #tpu.memory_space<hbm>>
      %dma_wait3A_58 = arith.constant 0 : i32
      %dma_wait3A_59 = tpu.memref_slice %arg15[%mul3A_25, %dma_wait3A_58] : memref<5248x128xf32, #tpu.memory_space<vmem_shared>> -> memref<320x128xf32, #tpu.memory_space<vmem_shared>>
      tpu.wait_dma2 semaphore(%run_scoped3A : memref<!tpu.dma_semaphore, #tpu.memory_space<semaphore_mem>>) src(%dma_wait3A_59 : memref<320x128xf32, #tpu.memory_space<vmem_shared>>) dst(%dma_wait3A_57 : memref<320x128xf32, #tpu.memory_space<hbm>>)
      tpu.yield
    }) : () -> ()
    return
  }
}

#map = affine_map<(d0, d1) -> (0, 0)>
#map1 = affine_map<(d0, d1) -> (0, 0, 0)>
module attributes {stable_mosaic.version = 14 : i64} {
  func.func @k(%arg0: i32, %arg1: i32, %arg2: memref<163840x128xf32, #tpu.memory_space<hbm>>, %arg3: memref<163840x16xf32, #tpu.memory_space<hbm>>, %arg4: memref<16x80x128xi32, #tpu.memory_space<hbm>>, %arg5: memref<10240x128xf32, #tpu.memory_space<hbm>>, %arg6: memref<10240x128xf32, #tpu.memory_space<hbm>>, %arg7: memref<80x128xi32, #tpu.memory_space<vmem>>, %arg8: memref<128xi32, #tpu.memory_space<vmem>>, %arg9: memref<128xi32, #tpu.memory_space<vmem>>, %arg10: memref<128x128xf32, #tpu.memory_space<vmem>>, %arg11: memref<128x128xf32, #tpu.memory_space<vmem>>, %arg12: memref<128x128xf32, #tpu.memory_space<vmem>>, %arg13: memref<128x16xf32, #tpu.memory_space<vmem>>, %arg14: memref<128x16xf32, #tpu.memory_space<vmem>>, %arg15: memref<5248x128xf32, #tpu.memory_space<vmem_shared>>, %arg16: memref<!tpu.dma_semaphore, #tpu.memory_space<semaphore_mem>>, %arg17: memref<!tpu.dma_semaphore, #tpu.memory_space<semaphore_mem>>) attributes {dimension_semantics = [#tpu.dimension_semantics<core_parallel>, #tpu.dimension_semantics<subcore_parallel>], iteration_bounds = array<i64: 2, 16>, scalar_prefetch = 0 : i64, scratch_operands = 11 : i64, tpu.core_type = #tpu.core_type<sc_vector_subcore>, window_params = [{transform_indices = #map}, {transform_indices = #map}, {transform_indices = #map1}, {transform_indices = #map}, {transform_indices = #map}]} {
    %mul3A = arith.constant 5120 : i32
    %mul3A_0 = arith.muli %arg0, %mul3A : i32
    %mul3A_1 = arith.constant 80 : i32
    %mul3A_2 = arith.muli %arg1, %mul3A_1 : i32
    %mul3A_3 = arith.constant 128 : i32
    %mul3A_4 = arith.muli %mul3A_2, %mul3A_3 : i32
    "tpu.region"() ({
      %run_scoped3A = tpu.sem_alloc : memref<!tpu.dma_semaphore, #tpu.memory_space<semaphore_mem>>
      %dma_start3A = arith.constant 0 : i32
      %dma_start3A_54 = arith.constant 0 : i32
      %dma_start3A_55 = tpu.memref_slice %arg4[%arg1, %dma_start3A, %dma_start3A_54] : memref<16x80x128xi32, #tpu.memory_space<hbm>> -> memref<1x80x128xi32, #tpu.memory_space<hbm>>
      %dma_start3A_56 = tpu.memref_squeeze %dma_start3A_55 : memref<1x80x128xi32, #tpu.memory_space<hbm>> -> memref<80x128xi32, #tpu.memory_space<hbm>>
      %dma_start3A_57 = arith.constant 0 : i32
      %dma_start3A_58 = arith.constant 0 : i32
      %dma_start3A_59 = tpu.memref_slice %arg4[%arg1, %dma_start3A_57, %dma_start3A_58] : memref<16x80x128xi32, #tpu.memory_space<hbm>> -> memref<1x80x128xi32, #tpu.memory_space<hbm>>
      %dma_start3A_60 = tpu.memref_squeeze %dma_start3A_59 : memref<1x80x128xi32, #tpu.memory_space<hbm>> -> memref<80x128xi32, #tpu.memory_space<hbm>>
      tpu.enqueue_dma source(%dma_start3A_60 : memref<80x128xi32, #tpu.memory_space<hbm>>) target(%arg7 : memref<80x128xi32, #tpu.memory_space<vmem>>) target_semaphore(%run_scoped3A : memref<!tpu.dma_semaphore, #tpu.memory_space<semaphore_mem>>)
      %dma_wait3A = arith.constant 0 : i32
      %dma_wait3A_61 = arith.constant 0 : i32
      %dma_wait3A_62 = tpu.memref_slice %arg4[%arg1, %dma_wait3A, %dma_wait3A_61] : memref<16x80x128xi32, #tpu.memory_space<hbm>> -> memref<1x80x128xi32, #tpu.memory_space<hbm>>
      %dma_wait3A_63 = tpu.memref_squeeze %dma_wait3A_62 : memref<1x80x128xi32, #tpu.memory_space<hbm>> -> memref<80x128xi32, #tpu.memory_space<hbm>>
      %dma_wait3A_64 = arith.constant 0 : i32
      %dma_wait3A_65 = arith.constant 0 : i32
      %dma_wait3A_66 = tpu.memref_slice %arg4[%arg1, %dma_wait3A_64, %dma_wait3A_65] : memref<16x80x128xi32, #tpu.memory_space<hbm>> -> memref<1x80x128xi32, #tpu.memory_space<hbm>>
      %dma_wait3A_67 = tpu.memref_squeeze %dma_wait3A_66 : memref<1x80x128xi32, #tpu.memory_space<hbm>> -> memref<80x128xi32, #tpu.memory_space<hbm>>
      tpu.wait_dma2 semaphore(%run_scoped3A : memref<!tpu.dma_semaphore, #tpu.memory_space<semaphore_mem>>) src(%dma_wait3A_67 : memref<80x128xi32, #tpu.memory_space<hbm>>) dst(%arg7 : memref<80x128xi32, #tpu.memory_space<vmem>>)
      tpu.yield
    }) : () -> ()
    %scan3A = arith.constant 0 : i32
    %scan3A_5 = arith.constant 128 : i32
    %scan3A_6 = arith.addi %scan3A, %scan3A_5 : i32
    %scan3A_7 = arith.constant 1 : i32
    scf.for %scan3A_54 = %scan3A to %scan3A_6 step %scan3A_7  : i32 {
      %mul3A_55 = arith.constant 1 : i32
      %mul3A_56 = arith.muli %scan3A_54, %mul3A_55 : i32
      %add3A_57 = arith.constant 0 : i32
      %add3A_58 = arith.addi %add3A_57, %mul3A_56 : i32
      %broadcast_in_dim3A = arith.constant 0.000000e+00 : f32
      %broadcast_in_dim3A_59 = vector.broadcast %broadcast_in_dim3A : f32 to vector<16xf32>
      %swap3A = arith.index_cast %add3A_58 : i32 to index
      %swap3A_60 = arith.constant 0 : index
      %swap3A_61 = tpu.vector_load %arg12[%swap3A, %swap3A_60] {strides = array<i32>} : memref<128x128xf32, #tpu.memory_space<vmem>>, vector<1x16xf32>,
      %swap3A_62 = vector.shape_cast %swap3A_61 : vector<1x16xf32> to vector<16xf32>
      %swap3A_63 = vector.shape_cast %broadcast_in_dim3A_59 : vector<16xf32> to vector<1x16xf32>
      tpu.vector_store %arg12[%swap3A, %swap3A_60], %swap3A_63 {strides = array<i32>} : memref<128x128xf32, #tpu.memory_space<vmem>>, vector<1x16xf32>,
      %broadcast_in_dim3A_64 = arith.constant 0.000000e+00 : f32
      %broadcast_in_dim3A_65 = vector.broadcast %broadcast_in_dim3A_64 : f32 to vector<16xf32>
      %swap3A_66 = arith.index_cast %add3A_58 : i32 to index
      %swap3A_67 = arith.constant 16 : index
      %swap3A_68 = tpu.vector_load %arg12[%swap3A_66, %swap3A_67] {strides = array<i32>} : memref<128x128xf32, #tpu.memory_space<vmem>>, vector<1x16xf32>,
      %swap3A_69 = vector.shape_cast %swap3A_68 : vector<1x16xf32> to vector<16xf32>
      %swap3A_70 = vector.shape_cast %broadcast_in_dim3A_65 : vector<16xf32> to vector<1x16xf32>
      tpu.vector_store %arg12[%swap3A_66, %swap3A_67], %swap3A_70 {strides = array<i32>} : memref<128x128xf32, #tpu.memory_space<vmem>>, vector<1x16xf32>,
      %broadcast_in_dim3A_71 = arith.constant 0.000000e+00 : f32
      %broadcast_in_dim3A_72 = vector.broadcast %broadcast_in_dim3A_71 : f32 to vector<16xf32>
      %swap3A_73 = arith.index_cast %add3A_58 : i32 to index
      %swap3A_74 = arith.constant 32 : index
      %swap3A_75 = tpu.vector_load %arg12[%swap3A_73, %swap3A_74] {strides = array<i32>} : memref<128x128xf32, #tpu.memory_space<vmem>>, vector<1x16xf32>,
      %swap3A_76 = vector.shape_cast %swap3A_75 : vector<1x16xf32> to vector<16xf32>
      %swap3A_77 = vector.shape_cast %broadcast_in_dim3A_72 : vector<16xf32> to vector<1x16xf32>
      tpu.vector_store %arg12[%swap3A_73, %swap3A_74], %swap3A_77 {strides = array<i32>} : memref<128x128xf32, #tpu.memory_space<vmem>>, vector<1x16xf32>,
      %broadcast_in_dim3A_78 = arith.constant 0.000000e+00 : f32
      %broadcast_in_dim3A_79 = vector.broadcast %broadcast_in_dim3A_78 : f32 to vector<16xf32>
      %swap3A_80 = arith.index_cast %add3A_58 : i32 to index
      %swap3A_81 = arith.constant 48 : index
      %swap3A_82 = tpu.vector_load %arg12[%swap3A_80, %swap3A_81] {strides = array<i32>} : memref<128x128xf32, #tpu.memory_space<vmem>>, vector<1x16xf32>,
      %swap3A_83 = vector.shape_cast %swap3A_82 : vector<1x16xf32> to vector<16xf32>
      %swap3A_84 = vector.shape_cast %broadcast_in_dim3A_79 : vector<16xf32> to vector<1x16xf32>
      tpu.vector_store %arg12[%swap3A_80, %swap3A_81], %swap3A_84 {strides = array<i32>} : memref<128x128xf32, #tpu.memory_space<vmem>>, vector<1x16xf32>,
      %broadcast_in_dim3A_85 = arith.constant 0.000000e+00 : f32
      %broadcast_in_dim3A_86 = vector.broadcast %broadcast_in_dim3A_85 : f32 to vector<16xf32>
      %swap3A_87 = arith.index_cast %add3A_58 : i32 to index
      %swap3A_88 = arith.constant 64 : index
      %swap3A_89 = tpu.vector_load %arg12[%swap3A_87, %swap3A_88] {strides = array<i32>} : memref<128x128xf32, #tpu.memory_space<vmem>>, vector<1x16xf32>,
      %swap3A_90 = vector.shape_cast %swap3A_89 : vector<1x16xf32> to vector<16xf32>
      %swap3A_91 = vector.shape_cast %broadcast_in_dim3A_86 : vector<16xf32> to vector<1x16xf32>
      tpu.vector_store %arg12[%swap3A_87, %swap3A_88], %swap3A_91 {strides = array<i32>} : memref<128x128xf32, #tpu.memory_space<vmem>>, vector<1x16xf32>,
      %broadcast_in_dim3A_92 = arith.constant 0.000000e+00 : f32
      %broadcast_in_dim3A_93 = vector.broadcast %broadcast_in_dim3A_92 : f32 to vector<16xf32>
      %swap3A_94 = arith.index_cast %add3A_58 : i32 to index
      %swap3A_95 = arith.constant 80 : index
      %swap3A_96 = tpu.vector_load %arg12[%swap3A_94, %swap3A_95] {strides = array<i32>} : memref<128x128xf32, #tpu.memory_space<vmem>>, vector<1x16xf32>,
      %swap3A_97 = vector.shape_cast %swap3A_96 : vector<1x16xf32> to vector<16xf32>
      %swap3A_98 = vector.shape_cast %broadcast_in_dim3A_93 : vector<16xf32> to vector<1x16xf32>
      tpu.vector_store %arg12[%swap3A_94, %swap3A_95], %swap3A_98 {strides = array<i32>} : memref<128x128xf32, #tpu.memory_space<vmem>>, vector<1x16xf32>,
      %broadcast_in_dim3A_99 = arith.constant 0.000000e+00 : f32
      %broadcast_in_dim3A_100 = vector.broadcast %broadcast_in_dim3A_99 : f32 to vector<16xf32>
      %swap3A_101 = arith.index_cast %add3A_58 : i32 to index
      %swap3A_102 = arith.constant 96 : index
      %swap3A_103 = tpu.vector_load %arg12[%swap3A_101, %swap3A_102] {strides = array<i32>} : memref<128x128xf32, #tpu.memory_space<vmem>>, vector<1x16xf32>,
      %swap3A_104 = vector.shape_cast %swap3A_103 : vector<1x16xf32> to vector<16xf32>
      %swap3A_105 = vector.shape_cast %broadcast_in_dim3A_100 : vector<16xf32> to vector<1x16xf32>
      tpu.vector_store %arg12[%swap3A_101, %swap3A_102], %swap3A_105 {strides = array<i32>} : memref<128x128xf32, #tpu.memory_space<vmem>>, vector<1x16xf32>,
      %broadcast_in_dim3A_106 = arith.constant 0.000000e+00 : f32
      %broadcast_in_dim3A_107 = vector.broadcast %broadcast_in_dim3A_106 : f32 to vector<16xf32>
      %swap3A_108 = arith.index_cast %add3A_58 : i32 to index
      %swap3A_109 = arith.constant 112 : index
      %swap3A_110 = tpu.vector_load %arg12[%swap3A_108, %swap3A_109] {strides = array<i32>} : memref<128x128xf32, #tpu.memory_space<vmem>>, vector<1x16xf32>,
      %swap3A_111 = vector.shape_cast %swap3A_110 : vector<1x16xf32> to vector<16xf32>
      %swap3A_112 = vector.shape_cast %broadcast_in_dim3A_107 : vector<16xf32> to vector<1x16xf32>
      tpu.vector_store %arg12[%swap3A_108, %swap3A_109], %swap3A_112 {strides = array<i32>} : memref<128x128xf32, #tpu.memory_space<vmem>>, vector<1x16xf32>,
    }
    %scan3A_8 = arith.constant 128 : i32
    %mul3A_9 = arith.constant 320 : i32
    %mul3A_10 = arith.muli %arg1, %mul3A_9 : i32
    %add3A = arith.constant 0 : i32
    %add3A_11 = arith.addi %mul3A_10, %add3A : i32
    "tpu.region"() ({
      %run_scoped3A = tpu.sem_alloc : memref<!tpu.dma_semaphore, #tpu.memory_space<semaphore_mem>>
      %dma_start3A = arith.constant 0 : i32
      %dma_start3A_54 = tpu.memref_slice %arg15[%add3A_11, %dma_start3A] : memref<5248x128xf32, #tpu.memory_space<vmem_shared>> -> memref<128x128xf32, #tpu.memory_space<vmem_shared>>
      %dma_start3A_55 = arith.constant 0 : i32
      %dma_start3A_56 = tpu.memref_slice %arg15[%add3A_11, %dma_start3A_55] : memref<5248x128xf32, #tpu.memory_space<vmem_shared>> -> memref<128x128xf32, #tpu.memory_space<vmem_shared>>
      tpu.enqueue_dma source(%arg12 : memref<128x128xf32, #tpu.memory_space<vmem>>) target(%dma_start3A_56 : memref<128x128xf32, #tpu.memory_space<vmem_shared>>) target_semaphore(%run_scoped3A : memref<!tpu.dma_semaphore, #tpu.memory_space<semaphore_mem>>)
      %dma_wait3A = arith.constant 0 : i32
      %dma_wait3A_57 = tpu.memref_slice %arg15[%add3A_11, %dma_wait3A] : memref<5248x128xf32, #tpu.memory_space<vmem_shared>> -> memref<128x128xf32, #tpu.memory_space<vmem_shared>>
      %dma_wait3A_58 = arith.constant 0 : i32
      %dma_wait3A_59 = tpu.memref_slice %arg15[%add3A_11, %dma_wait3A_58] : memref<5248x128xf32, #tpu.memory_space<vmem_shared>> -> memref<128x128xf32, #tpu.memory_space<vmem_shared>>
      tpu.wait_dma2 semaphore(%run_scoped3A : memref<!tpu.dma_semaphore, #tpu.memory_space<semaphore_mem>>) src(%arg12 : memref<128x128xf32, #tpu.memory_space<vmem>>) dst(%dma_wait3A_59 : memref<128x128xf32, #tpu.memory_space<vmem_shared>>)
      tpu.yield
    }) : () -> ()
    %add3A_12 = arith.constant 128 : i32
    %add3A_13 = arith.addi %mul3A_10, %add3A_12 : i32
    "tpu.region"() ({
      %run_scoped3A = tpu.sem_alloc : memref<!tpu.dma_semaphore, #tpu.memory_space<semaphore_mem>>
      %dma_start3A = arith.constant 0 : i32
      %dma_start3A_54 = tpu.memref_slice %arg15[%add3A_13, %dma_start3A] : memref<5248x128xf32, #tpu.memory_space<vmem_shared>> -> memref<128x128xf32, #tpu.memory_space<vmem_shared>>
      %dma_start3A_55 = arith.constant 0 : i32
      %dma_start3A_56 = tpu.memref_slice %arg15[%add3A_13, %dma_start3A_55] : memref<5248x128xf32, #tpu.memory_space<vmem_shared>> -> memref<128x128xf32, #tpu.memory_space<vmem_shared>>
      tpu.enqueue_dma source(%arg12 : memref<128x128xf32, #tpu.memory_space<vmem>>) target(%dma_start3A_56 : memref<128x128xf32, #tpu.memory_space<vmem_shared>>) target_semaphore(%run_scoped3A : memref<!tpu.dma_semaphore, #tpu.memory_space<semaphore_mem>>)
      %dma_wait3A = arith.constant 0 : i32
      %dma_wait3A_57 = tpu.memref_slice %arg15[%add3A_13, %dma_wait3A] : memref<5248x128xf32, #tpu.memory_space<vmem_shared>> -> memref<128x128xf32, #tpu.memory_space<vmem_shared>>
      %dma_wait3A_58 = arith.constant 0 : i32
      %dma_wait3A_59 = tpu.memref_slice %arg15[%add3A_13, %dma_wait3A_58] : memref<5248x128xf32, #tpu.memory_space<vmem_shared>> -> memref<128x128xf32, #tpu.memory_space<vmem_shared>>
      tpu.wait_dma2 semaphore(%run_scoped3A : memref<!tpu.dma_semaphore, #tpu.memory_space<semaphore_mem>>) src(%arg12 : memref<128x128xf32, #tpu.memory_space<vmem>>) dst(%dma_wait3A_59 : memref<128x128xf32, #tpu.memory_space<vmem_shared>>)
      tpu.yield
    }) : () -> ()
    %add3A_14 = arith.constant 256 : i32
    %add3A_15 = arith.addi %mul3A_10, %add3A_14 : i32
    "tpu.region"() ({
      %run_scoped3A = tpu.sem_alloc : memref<!tpu.dma_semaphore, #tpu.memory_space<semaphore_mem>>
      %dma_start3A = arith.constant 0 : i32
      %dma_start3A_54 = arith.constant 0 : i32
      %dma_start3A_55 = tpu.memref_slice %arg12[%dma_start3A, %dma_start3A_54] : memref<128x128xf32, #tpu.memory_space<vmem>> -> memref<64x128xf32, #tpu.memory_space<vmem>>
      %dma_start3A_56 = arith.constant 0 : i32
      %dma_start3A_57 = tpu.memref_slice %arg15[%add3A_15, %dma_start3A_56] : memref<5248x128xf32, #tpu.memory_space<vmem_shared>> -> memref<64x128xf32, #tpu.memory_space<vmem_shared>>
      %dma_start3A_58 = arith.constant 0 : i32
      %dma_start3A_59 = tpu.memref_slice %arg15[%add3A_15, %dma_start3A_58] : memref<5248x128xf32, #tpu.memory_space<vmem_shared>> -> memref<64x128xf32, #tpu.memory_space<vmem_shared>>
      %dma_start3A_60 = arith.constant 0 : i32
      %dma_start3A_61 = arith.constant 0 : i32
      %dma_start3A_62 = tpu.memref_slice %arg12[%dma_start3A_60, %dma_start3A_61] : memref<128x128xf32, #tpu.memory_space<vmem>> -> memref<64x128xf32, #tpu.memory_space<vmem>>
      tpu.enqueue_dma source(%dma_start3A_62 : memref<64x128xf32, #tpu.memory_space<vmem>>) target(%dma_start3A_59 : memref<64x128xf32, #tpu.memory_space<vmem_shared>>) target_semaphore(%run_scoped3A : memref<!tpu.dma_semaphore, #tpu.memory_space<semaphore_mem>>)
      %dma_wait3A = arith.constant 0 : i32
      %dma_wait3A_63 = arith.constant 0 : i32
      %dma_wait3A_64 = tpu.memref_slice %arg12[%dma_wait3A, %dma_wait3A_63] : memref<128x128xf32, #tpu.memory_space<vmem>> -> memref<64x128xf32, #tpu.memory_space<vmem>>
      %dma_wait3A_65 = arith.constant 0 : i32
      %dma_wait3A_66 = tpu.memref_slice %arg15[%add3A_15, %dma_wait3A_65] : memref<5248x128xf32, #tpu.memory_space<vmem_shared>> -> memref<64x128xf32, #tpu.memory_space<vmem_shared>>
      %dma_wait3A_67 = arith.constant 0 : i32
      %dma_wait3A_68 = tpu.memref_slice %arg15[%add3A_15, %dma_wait3A_67] : memref<5248x128xf32, #tpu.memory_space<vmem_shared>> -> memref<64x128xf32, #tpu.memory_space<vmem_shared>>
      %dma_wait3A_69 = arith.constant 0 : i32
      %dma_wait3A_70 = arith.constant 0 : i32
      %dma_wait3A_71 = tpu.memref_slice %arg12[%dma_wait3A_69, %dma_wait3A_70] : memref<128x128xf32, #tpu.memory_space<vmem>> -> memref<64x128xf32, #tpu.memory_space<vmem>>
      tpu.wait_dma2 semaphore(%run_scoped3A : memref<!tpu.dma_semaphore, #tpu.memory_space<semaphore_mem>>) src(%dma_wait3A_71 : memref<64x128xf32, #tpu.memory_space<vmem>>) dst(%dma_wait3A_68 : memref<64x128xf32, #tpu.memory_space<vmem_shared>>)
      tpu.yield
    }) : () -> ()
    %eq3A = arith.constant 0 : i32
    %eq3A_16 = arith.cmpi eq, %arg1, %eq3A : i32
    %convert_element_type3A = arith.extui %eq3A_16 : i1 to i32
    %cond3A = arith.constant 0 : i32
    %cond3A_17 = arith.cmpi ne, %convert_element_type3A, %cond3A : i32
    scf.if %cond3A_17 {
      "tpu.region"() ({
        %run_scoped3A = tpu.sem_alloc : memref<!tpu.dma_semaphore, #tpu.memory_space<semaphore_mem>>
        %dma_start3A = arith.constant 5120 : i32
        %dma_start3A_54 = arith.constant 0 : i32
        %dma_start3A_55 = tpu.memref_slice %arg15[%dma_start3A, %dma_start3A_54] : memref<5248x128xf32, #tpu.memory_space<vmem_shared>> -> memref<128x128xf32, #tpu.memory_space<vmem_shared>>
        %dma_start3A_56 = arith.constant 5120 : i32
        %dma_start3A_57 = arith.constant 0 : i32
        %dma_start3A_58 = tpu.memref_slice %arg15[%dma_start3A_56, %dma_start3A_57] : memref<5248x128xf32, #tpu.memory_space<vmem_shared>> -> memref<128x128xf32, #tpu.memory_space<vmem_shared>>
        tpu.enqueue_dma source(%arg12 : memref<128x128xf32, #tpu.memory_space<vmem>>) target(%dma_start3A_58 : memref<128x128xf32, #tpu.memory_space<vmem_shared>>) target_semaphore(%run_scoped3A : memref<!tpu.dma_semaphore, #tpu.memory_space<semaphore_mem>>)
        %dma_wait3A = arith.constant 5120 : i32
        %dma_wait3A_59 = arith.constant 0 : i32
        %dma_wait3A_60 = tpu.memref_slice %arg15[%dma_wait3A, %dma_wait3A_59] : memref<5248x128xf32, #tpu.memory_space<vmem_shared>> -> memref<128x128xf32, #tpu.memory_space<vmem_shared>>
        %dma_wait3A_61 = arith.constant 5120 : i32
        %dma_wait3A_62 = arith.constant 0 : i32
        %dma_wait3A_63 = tpu.memref_slice %arg15[%dma_wait3A_61, %dma_wait3A_62] : memref<5248x128xf32, #tpu.memory_space<vmem_shared>> -> memref<128x128xf32, #tpu.memory_space<vmem_shared>>
        tpu.wait_dma2 semaphore(%run_scoped3A : memref<!tpu.dma_semaphore, #tpu.memory_space<semaphore_mem>>) src(%arg12 : memref<128x128xf32, #tpu.memory_space<vmem>>) dst(%dma_wait3A_63 : memref<128x128xf32, #tpu.memory_space<vmem_shared>>)
        tpu.yield
      }) : () -> ()
    } else {
    }
    %barrier3A = arith.constant 0 : index
    tpu.barrier barrier_id(%barrier3A)
    %scan3A_18 = arith.constant 0 : i32
    %scan3A_19 = arith.constant 80 : i32
    %scan3A_20 = arith.addi %scan3A_18, %scan3A_19 : i32
    %scan3A_21 = arith.constant 1 : i32
    scf.for %scan3A_54 = %scan3A_18 to %scan3A_20 step %scan3A_21  : i32 {
      %mul3A_55 = arith.constant 1 : i32
      %mul3A_56 = arith.muli %scan3A_54, %mul3A_55 : i32
      %add3A_57 = arith.constant 0 : i32
      %add3A_58 = arith.addi %add3A_57, %mul3A_56 : i32
      %get3A = arith.index_cast %add3A_58 : i32 to index
      %get3A_59 = arith.constant 0 : index
      %get3A_60 = tpu.vector_load %arg7[%get3A, %get3A_59] {strides = array<i32>} : memref<80x128xi32, #tpu.memory_space<vmem>>, vector<1x16xi32>,
      %get3A_61 = vector.shape_cast %get3A_60 : vector<1x16xi32> to vector<16xi32>
      %ge3A = vector.broadcast %mul3A_0 : i32 to vector<16xi32>
      %ge3A_62 = arith.cmpi sge, %get3A_61, %ge3A : vector<16xi32>
      %add3A_63 = arith.constant 5120 : i32
      %add3A_64 = arith.addi %mul3A_0, %add3A_63 : i32
      %lt3A = vector.broadcast %add3A_64 : i32 to vector<16xi32>
      %lt3A_65 = arith.cmpi slt, %get3A_61, %lt3A : vector<16xi32>
      %and3A = arith.andi %ge3A_62, %lt3A_65 : vector<16xi1>
      %sub3A = vector.broadcast %mul3A_0 : i32 to vector<16xi32>
      %sub3A_66 = arith.subi %get3A_61, %sub3A : vector<16xi32>
      %jit3A = arith.constant 5120 : i32
      %broadcast_in_dim3A = vector.broadcast %jit3A : i32 to vector<16xi32>
      %select_n3A = arith.select %and3A, %sub3A_66, %broadcast_in_dim3A : vector<16xi1>, vector<16xi32>
      %swap3A = arith.constant 0 : index
      %swap3A_67 = tpu.vector_load %arg8[%swap3A] {strides = array<i32>} : memref<128xi32, #tpu.memory_space<vmem>>, vector<16xi32>,
      %swap3A_68 = vector.shape_cast %swap3A_67 : vector<16xi32> to vector<16xi32>
      %swap3A_69 = vector.shape_cast %select_n3A : vector<16xi32> to vector<16xi32>
      tpu.vector_store %arg8[%swap3A], %swap3A_69 {strides = array<i32>} : memref<128xi32, #tpu.memory_space<vmem>>, vector<16xi32>,
      %get3A_70 = arith.index_cast %add3A_58 : i32 to index
      %get3A_71 = arith.constant 16 : index
      %get3A_72 = tpu.vector_load %arg7[%get3A_70, %get3A_71] {strides = array<i32>} : memref<80x128xi32, #tpu.memory_space<vmem>>, vector<1x16xi32>,
      %get3A_73 = vector.shape_cast %get3A_72 : vector<1x16xi32> to vector<16xi32>
      %ge3A_74 = vector.broadcast %mul3A_0 : i32 to vector<16xi32>
      %ge3A_75 = arith.cmpi sge, %get3A_73, %ge3A_74 : vector<16xi32>
      %add3A_76 = arith.constant 5120 : i32
      %add3A_77 = arith.addi %mul3A_0, %add3A_76 : i32
      %lt3A_78 = vector.broadcast %add3A_77 : i32 to vector<16xi32>
      %lt3A_79 = arith.cmpi slt, %get3A_73, %lt3A_78 : vector<16xi32>
      %and3A_80 = arith.andi %ge3A_75, %lt3A_79 : vector<16xi1>
      %sub3A_81 = vector.broadcast %mul3A_0 : i32 to vector<16xi32>
      %sub3A_82 = arith.subi %get3A_73, %sub3A_81 : vector<16xi32>
      %jit3A_83 = arith.constant 5120 : i32
      %broadcast_in_dim3A_84 = vector.broadcast %jit3A_83 : i32 to vector<16xi32>
      %select_n3A_85 = arith.select %and3A_80, %sub3A_82, %broadcast_in_dim3A_84 : vector<16xi1>, vector<16xi32>
      %swap3A_86 = arith.constant 16 : index
      %swap3A_87 = tpu.vector_load %arg8[%swap3A_86] {strides = array<i32>} : memref<128xi32, #tpu.memory_space<vmem>>, vector<16xi32>,
      %swap3A_88 = vector.shape_cast %swap3A_87 : vector<16xi32> to vector<16xi32>
      %swap3A_89 = vector.shape_cast %select_n3A_85 : vector<16xi32> to vector<16xi32>
      tpu.vector_store %arg8[%swap3A_86], %swap3A_89 {strides = array<i32>} : memref<128xi32, #tpu.memory_space<vmem>>, vector<16xi32>,
      %get3A_90 = arith.index_cast %add3A_58 : i32 to index
      %get3A_91 = arith.constant 32 : index
      %get3A_92 = tpu.vector_load %arg7[%get3A_90, %get3A_91] {strides = array<i32>} : memref<80x128xi32, #tpu.memory_space<vmem>>, vector<1x16xi32>,
      %get3A_93 = vector.shape_cast %get3A_92 : vector<1x16xi32> to vector<16xi32>
      %ge3A_94 = vector.broadcast %mul3A_0 : i32 to vector<16xi32>
      %ge3A_95 = arith.cmpi sge, %get3A_93, %ge3A_94 : vector<16xi32>
      %add3A_96 = arith.constant 5120 : i32
      %add3A_97 = arith.addi %mul3A_0, %add3A_96 : i32
      %lt3A_98 = vector.broadcast %add3A_97 : i32 to vector<16xi32>
      %lt3A_99 = arith.cmpi slt, %get3A_93, %lt3A_98 : vector<16xi32>
      %and3A_100 = arith.andi %ge3A_95, %lt3A_99 : vector<16xi1>
      %sub3A_101 = vector.broadcast %mul3A_0 : i32 to vector<16xi32>
      %sub3A_102 = arith.subi %get3A_93, %sub3A_101 : vector<16xi32>
      %jit3A_103 = arith.constant 5120 : i32
      %broadcast_in_dim3A_104 = vector.broadcast %jit3A_103 : i32 to vector<16xi32>
      %select_n3A_105 = arith.select %and3A_100, %sub3A_102, %broadcast_in_dim3A_104 : vector<16xi1>, vector<16xi32>
      %swap3A_106 = arith.constant 32 : index
      %swap3A_107 = tpu.vector_load %arg8[%swap3A_106] {strides = array<i32>} : memref<128xi32, #tpu.memory_space<vmem>>, vector<16xi32>,
      %swap3A_108 = vector.shape_cast %swap3A_107 : vector<16xi32> to vector<16xi32>
      %swap3A_109 = vector.shape_cast %select_n3A_105 : vector<16xi32> to vector<16xi32>
      tpu.vector_store %arg8[%swap3A_106], %swap3A_109 {strides = array<i32>} : memref<128xi32, #tpu.memory_space<vmem>>, vector<16xi32>,
      %get3A_110 = arith.index_cast %add3A_58 : i32 to index
      %get3A_111 = arith.constant 48 : index
      %get3A_112 = tpu.vector_load %arg7[%get3A_110, %get3A_111] {strides = array<i32>} : memref<80x128xi32, #tpu.memory_space<vmem>>, vector<1x16xi32>,
      %get3A_113 = vector.shape_cast %get3A_112 : vector<1x16xi32> to vector<16xi32>
      %ge3A_114 = vector.broadcast %mul3A_0 : i32 to vector<16xi32>
      %ge3A_115 = arith.cmpi sge, %get3A_113, %ge3A_114 : vector<16xi32>
      %add3A_116 = arith.constant 5120 : i32
      %add3A_117 = arith.addi %mul3A_0, %add3A_116 : i32
      %lt3A_118 = vector.broadcast %add3A_117 : i32 to vector<16xi32>
      %lt3A_119 = arith.cmpi slt, %get3A_113, %lt3A_118 : vector<16xi32>
      %and3A_120 = arith.andi %ge3A_115, %lt3A_119 : vector<16xi1>
      %sub3A_121 = vector.broadcast %mul3A_0 : i32 to vector<16xi32>
      %sub3A_122 = arith.subi %get3A_113, %sub3A_121 : vector<16xi32>
      %jit3A_123 = arith.constant 5120 : i32
      %broadcast_in_dim3A_124 = vector.broadcast %jit3A_123 : i32 to vector<16xi32>
      %select_n3A_125 = arith.select %and3A_120, %sub3A_122, %broadcast_in_dim3A_124 : vector<16xi1>, vector<16xi32>
      %swap3A_126 = arith.constant 48 : index
      %swap3A_127 = tpu.vector_load %arg8[%swap3A_126] {strides = array<i32>} : memref<128xi32, #tpu.memory_space<vmem>>, vector<16xi32>,
      %swap3A_128 = vector.shape_cast %swap3A_127 : vector<16xi32> to vector<16xi32>
      %swap3A_129 = vector.shape_cast %select_n3A_125 : vector<16xi32> to vector<16xi32>
      tpu.vector_store %arg8[%swap3A_126], %swap3A_129 {strides = array<i32>} : memref<128xi32, #tpu.memory_space<vmem>>, vector<16xi32>,
      %get3A_130 = arith.index_cast %add3A_58 : i32 to index
      %get3A_131 = arith.constant 64 : index
      %get3A_132 = tpu.vector_load %arg7[%get3A_130, %get3A_131] {strides = array<i32>} : memref<80x128xi32, #tpu.memory_space<vmem>>, vector<1x16xi32>,
      %get3A_133 = vector.shape_cast %get3A_132 : vector<1x16xi32> to vector<16xi32>
      %ge3A_134 = vector.broadcast %mul3A_0 : i32 to vector<16xi32>
      %ge3A_135 = arith.cmpi sge, %get3A_133, %ge3A_134 : vector<16xi32>
      %add3A_136 = arith.constant 5120 : i32
      %add3A_137 = arith.addi %mul3A_0, %add3A_136 : i32
      %lt3A_138 = vector.broadcast %add3A_137 : i32 to vector<16xi32>
      %lt3A_139 = arith.cmpi slt, %get3A_133, %lt3A_138 : vector<16xi32>
      %and3A_140 = arith.andi %ge3A_135, %lt3A_139 : vector<16xi1>
      %sub3A_141 = vector.broadcast %mul3A_0 : i32 to vector<16xi32>
      %sub3A_142 = arith.subi %get3A_133, %sub3A_141 : vector<16xi32>
      %jit3A_143 = arith.constant 5120 : i32
      %broadcast_in_dim3A_144 = vector.broadcast %jit3A_143 : i32 to vector<16xi32>
      %select_n3A_145 = arith.select %and3A_140, %sub3A_142, %broadcast_in_dim3A_144 : vector<16xi1>, vector<16xi32>
      %swap3A_146 = arith.constant 64 : index
      %swap3A_147 = tpu.vector_load %arg8[%swap3A_146] {strides = array<i32>} : memref<128xi32, #tpu.memory_space<vmem>>, vector<16xi32>,
      %swap3A_148 = vector.shape_cast %swap3A_147 : vector<16xi32> to vector<16xi32>
      %swap3A_149 = vector.shape_cast %select_n3A_145 : vector<16xi32> to vector<16xi32>
      tpu.vector_store %arg8[%swap3A_146], %swap3A_149 {strides = array<i32>} : memref<128xi32, #tpu.memory_space<vmem>>, vector<16xi32>,
      %get3A_150 = arith.index_cast %add3A_58 : i32 to index
      %get3A_151 = arith.constant 80 : index
      %get3A_152 = tpu.vector_load %arg7[%get3A_150, %get3A_151] {strides = array<i32>} : memref<80x128xi32, #tpu.memory_space<vmem>>, vector<1x16xi32>,
      %get3A_153 = vector.shape_cast %get3A_152 : vector<1x16xi32> to vector<16xi32>
      %ge3A_154 = vector.broadcast %mul3A_0 : i32 to vector<16xi32>
      %ge3A_155 = arith.cmpi sge, %get3A_153, %ge3A_154 : vector<16xi32>
      %add3A_156 = arith.constant 5120 : i32
      %add3A_157 = arith.addi %mul3A_0, %add3A_156 : i32
      %lt3A_158 = vector.broadcast %add3A_157 : i32 to vector<16xi32>
      %lt3A_159 = arith.cmpi slt, %get3A_153, %lt3A_158 : vector<16xi32>
      %and3A_160 = arith.andi %ge3A_155, %lt3A_159 : vector<16xi1>
      %sub3A_161 = vector.broadcast %mul3A_0 : i32 to vector<16xi32>
      %sub3A_162 = arith.subi %get3A_153, %sub3A_161 : vector<16xi32>
      %jit3A_163 = arith.constant 5120 : i32
      %broadcast_in_dim3A_164 = vector.broadcast %jit3A_163 : i32 to vector<16xi32>
      %select_n3A_165 = arith.select %and3A_160, %sub3A_162, %broadcast_in_dim3A_164 : vector<16xi1>, vector<16xi32>
      %swap3A_166 = arith.constant 80 : index
      %swap3A_167 = tpu.vector_load %arg8[%swap3A_166] {strides = array<i32>} : memref<128xi32, #tpu.memory_space<vmem>>, vector<16xi32>,
      %swap3A_168 = vector.shape_cast %swap3A_167 : vector<16xi32> to vector<16xi32>
      %swap3A_169 = vector.shape_cast %select_n3A_165 : vector<16xi32> to vector<16xi32>
      tpu.vector_store %arg8[%swap3A_166], %swap3A_169 {strides = array<i32>} : memref<128xi32, #tpu.memory_space<vmem>>, vector<16xi32>,
      %get3A_170 = arith.index_cast %add3A_58 : i32 to index
      %get3A_171 = arith.constant 96 : index
      %get3A_172 = tpu.vector_load %arg7[%get3A_170, %get3A_171] {strides = array<i32>} : memref<80x128xi32, #tpu.memory_space<vmem>>, vector<1x16xi32>,
      %get3A_173 = vector.shape_cast %get3A_172 : vector<1x16xi32> to vector<16xi32>
      %ge3A_174 = vector.broadcast %mul3A_0 : i32 to vector<16xi32>
      %ge3A_175 = arith.cmpi sge, %get3A_173, %ge3A_174 : vector<16xi32>
      %add3A_176 = arith.constant 5120 : i32
      %add3A_177 = arith.addi %mul3A_0, %add3A_176 : i32
      %lt3A_178 = vector.broadcast %add3A_177 : i32 to vector<16xi32>
      %lt3A_179 = arith.cmpi slt, %get3A_173, %lt3A_178 : vector<16xi32>
      %and3A_180 = arith.andi %ge3A_175, %lt3A_179 : vector<16xi1>
      %sub3A_181 = vector.broadcast %mul3A_0 : i32 to vector<16xi32>
      %sub3A_182 = arith.subi %get3A_173, %sub3A_181 : vector<16xi32>
      %jit3A_183 = arith.constant 5120 : i32
      %broadcast_in_dim3A_184 = vector.broadcast %jit3A_183 : i32 to vector<16xi32>
      %select_n3A_185 = arith.select %and3A_180, %sub3A_182, %broadcast_in_dim3A_184 : vector<16xi1>, vector<16xi32>
      %swap3A_186 = arith.constant 96 : index
      %swap3A_187 = tpu.vector_load %arg8[%swap3A_186] {strides = array<i32>} : memref<128xi32, #tpu.memory_space<vmem>>, vector<16xi32>,
      %swap3A_188 = vector.shape_cast %swap3A_187 : vector<16xi32> to vector<16xi32>
      %swap3A_189 = vector.shape_cast %select_n3A_185 : vector<16xi32> to vector<16xi32>
      tpu.vector_store %arg8[%swap3A_186], %swap3A_189 {strides = array<i32>} : memref<128xi32, #tpu.memory_space<vmem>>, vector<16xi32>,
      %get3A_190 = arith.index_cast %add3A_58 : i32 to index
      %get3A_191 = arith.constant 112 : index
      %get3A_192 = tpu.vector_load %arg7[%get3A_190, %get3A_191] {strides = array<i32>} : memref<80x128xi32, #tpu.memory_space<vmem>>, vector<1x16xi32>,
      %get3A_193 = vector.shape_cast %get3A_192 : vector<1x16xi32> to vector<16xi32>
      %ge3A_194 = vector.broadcast %mul3A_0 : i32 to vector<16xi32>
      %ge3A_195 = arith.cmpi sge, %get3A_193, %ge3A_194 : vector<16xi32>
      %add3A_196 = arith.constant 5120 : i32
      %add3A_197 = arith.addi %mul3A_0, %add3A_196 : i32
      %lt3A_198 = vector.broadcast %add3A_197 : i32 to vector<16xi32>
      %lt3A_199 = arith.cmpi slt, %get3A_193, %lt3A_198 : vector<16xi32>
      %and3A_200 = arith.andi %ge3A_195, %lt3A_199 : vector<16xi1>
      %sub3A_201 = vector.broadcast %mul3A_0 : i32 to vector<16xi32>
      %sub3A_202 = arith.subi %get3A_193, %sub3A_201 : vector<16xi32>
      %jit3A_203 = arith.constant 5120 : i32
      %broadcast_in_dim3A_204 = vector.broadcast %jit3A_203 : i32 to vector<16xi32>
      %select_n3A_205 = arith.select %and3A_200, %sub3A_202, %broadcast_in_dim3A_204 : vector<16xi1>, vector<16xi32>
      %swap3A_206 = arith.constant 112 : index
      %swap3A_207 = tpu.vector_load %arg8[%swap3A_206] {strides = array<i32>} : memref<128xi32, #tpu.memory_space<vmem>>, vector<16xi32>,
      %swap3A_208 = vector.shape_cast %swap3A_207 : vector<16xi32> to vector<16xi32>
      %swap3A_209 = vector.shape_cast %select_n3A_205 : vector<16xi32> to vector<16xi32>
      tpu.vector_store %arg8[%swap3A_206], %swap3A_209 {strides = array<i32>} : memref<128xi32, #tpu.memory_space<vmem>>, vector<16xi32>,
      %mul3A_210 = arith.constant 128 : i32
      %mul3A_211 = arith.muli %add3A_58, %mul3A_210 : i32
      %add3A_212 = arith.addi %mul3A_4, %mul3A_211 : i32
      "tpu.region"() ({
        %run_scoped3A = tpu.sem_alloc : memref<!tpu.dma_semaphore, #tpu.memory_space<semaphore_mem>>
        %dma_start3A = arith.constant 0 : i32
        %dma_start3A_213 = tpu.memref_slice %arg2[%add3A_212, %dma_start3A] : memref<163840x128xf32, #tpu.memory_space<hbm>> -> memref<128x128xf32, #tpu.memory_space<hbm>>
        %dma_start3A_214 = arith.constant 0 : i32
        %dma_start3A_215 = tpu.memref_slice %arg2[%add3A_212, %dma_start3A_214] : memref<163840x128xf32, #tpu.memory_space<hbm>> -> memref<128x128xf32, #tpu.memory_space<hbm>>
        tpu.enqueue_dma source(%dma_start3A_215 : memref<128x128xf32, #tpu.memory_space<hbm>>) target(%arg10 : memref<128x128xf32, #tpu.memory_space<vmem>>) target_semaphore(%run_scoped3A : memref<!tpu.dma_semaphore, #tpu.memory_space<semaphore_mem>>)
        %dma_wait3A = arith.constant 0 : i32
        %dma_wait3A_216 = tpu.memref_slice %arg2[%add3A_212, %dma_wait3A] : memref<163840x128xf32, #tpu.memory_space<hbm>> -> memref<128x128xf32, #tpu.memory_space<hbm>>
        %dma_wait3A_217 = arith.constant 0 : i32
        %dma_wait3A_218 = tpu.memref_slice %arg2[%add3A_212, %dma_wait3A_217] : memref<163840x128xf32, #tpu.memory_space<hbm>> -> memref<128x128xf32, #tpu.memory_space<hbm>>
        tpu.wait_dma2 semaphore(%run_scoped3A : memref<!tpu.dma_semaphore, #tpu.memory_space<semaphore_mem>>) src(%dma_wait3A_218 : memref<128x128xf32, #tpu.memory_space<hbm>>) dst(%arg10 : memref<128x128xf32, #tpu.memory_space<vmem>>)
        tpu.yield
      }) : () -> ()
      "tpu.region"() ({
        %run_scoped3A = tpu.sem_alloc : memref<!tpu.dma_semaphore, #tpu.memory_space<semaphore_mem>>
        %dma_start3A = arith.constant 0 : i32
        %dma_start3A_213 = arith.constant 0 : i32
        %dma_start3A_214 = tpu.memref_slice %arg15[%dma_start3A, %dma_start3A_213] : memref<5248x128xf32, #tpu.memory_space<vmem_shared>> -> memref<5248x128xf32, #tpu.memory_space<vmem_shared>>
        tpu.enqueue_indirect_dma source(%arg10 : memref<128x128xf32, #tpu.memory_space<vmem>>) target(%dma_start3A_214 : memref<5248x128xf32, #tpu.memory_space<vmem_shared>>) offsets(%arg8 : memref<128xi32, #tpu.memory_space<vmem>>) semaphore(%run_scoped3A : memref<!tpu.dma_semaphore, #tpu.memory_space<semaphore_mem>>) {add = true}
        %dma_wait3A = arith.constant 0 : i32
        %dma_wait3A_215 = arith.constant 0 : i32
        %dma_wait3A_216 = tpu.memref_slice %arg15[%dma_wait3A, %dma_wait3A_215] : memref<5248x128xf32, #tpu.memory_space<vmem_shared>> -> memref<5248x128xf32, #tpu.memory_space<vmem_shared>>
        tpu.wait_indirect_dma semaphore(%run_scoped3A : memref<!tpu.dma_semaphore, #tpu.memory_space<semaphore_mem>>) src(%arg10 : memref<128x128xf32, #tpu.memory_space<vmem>>) dst(%dma_wait3A_216 : memref<5248x128xf32, #tpu.memory_space<vmem_shared>>)
        tpu.yield
      }) : () -> ()
    }
    %scan3A_22 = arith.constant 80 : i32
    %barrier3A_23 = arith.constant 0 : index
    tpu.barrier barrier_id(%barrier3A_23)
    %mul3A_24 = arith.constant 320 : i32
    %mul3A_25 = arith.muli %arg1, %mul3A_24 : i32
    %add3A_26 = arith.addi %mul3A_0, %mul3A_25 : i32
    "tpu.region"() ({
      %run_scoped3A = tpu.sem_alloc : memref<!tpu.dma_semaphore, #tpu.memory_space<semaphore_mem>>
      %dma_start3A = arith.constant 0 : i32
      %dma_start3A_54 = tpu.memref_slice %arg5[%add3A_26, %dma_start3A] : memref<10240x128xf32, #tpu.memory_space<hbm>> -> memref<320x128xf32, #tpu.memory_space<hbm>>
      %dma_start3A_55 = arith.constant 0 : i32
      %dma_start3A_56 = tpu.memref_slice %arg15[%mul3A_25, %dma_start3A_55] : memref<5248x128xf32, #tpu.memory_space<vmem_shared>> -> memref<320x128xf32, #tpu.memory_space<vmem_shared>>
      tpu.enqueue_dma source(%dma_start3A_56 : memref<320x128xf32, #tpu.memory_space<vmem_shared>>) target(%dma_start3A_54 : memref<320x128xf32, #tpu.memory_space<hbm>>) target_semaphore(%run_scoped3A : memref<!tpu.dma_semaphore, #tpu.memory_space<semaphore_mem>>)
      %dma_wait3A = arith.constant 0 : i32
      %dma_wait3A_57 = tpu.memref_slice %arg5[%add3A_26, %dma_wait3A] : memref<10240x128xf32, #tpu.memory_space<hbm>> -> memref<320x128xf32, #tpu.memory_space<hbm>>
      %dma_wait3A_58 = arith.constant 0 : i32
      %dma_wait3A_59 = tpu.memref_slice %arg15[%mul3A_25, %dma_wait3A_58] : memref<5248x128xf32, #tpu.memory_space<vmem_shared>> -> memref<320x128xf32, #tpu.memory_space<vmem_shared>>
      tpu.wait_dma2 semaphore(%run_scoped3A : memref<!tpu.dma_semaphore, #tpu.memory_space<semaphore_mem>>) src(%dma_wait3A_59 : memref<320x128xf32, #tpu.memory_space<vmem_shared>>) dst(%dma_wait3A_57 : memref<320x128xf32, #tpu.memory_space<hbm>>)
      tpu.yield
    }) : () -> ()
    %barrier3A_27 = arith.constant 0 : index
    tpu.barrier barrier_id(%barrier3A_27)
    %mul3A_28 = arith.constant 320 : i32
    %mul3A_29 = arith.muli %arg1, %mul3A_28 : i32
    %add3A_30 = arith.constant 0 : i32
    %add3A_31 = arith.addi %mul3A_29, %add3A_30 : i32
    "tpu.region"() ({
      %run_scoped3A = tpu.sem_alloc : memref<!tpu.dma_semaphore, #tpu.memory_space<semaphore_mem>>
      %dma_start3A = arith.constant 0 : i32
      %dma_start3A_54 = tpu.memref_slice %arg15[%add3A_31, %dma_start3A] : memref<5248x128xf32, #tpu.memory_space<vmem_shared>> -> memref<128x128xf32, #tpu.memory_space<vmem_shared>>
      %dma_start3A_55 = arith.constant 0 : i32
      %dma_start3A_56 = tpu.memref_slice %arg15[%add3A_31, %dma_start3A_55] : memref<5248x128xf32, #tpu.memory_space<vmem_shared>> -> memref<128x128xf32, #tpu.memory_space<vmem_shared>>
      tpu.enqueue_dma source(%arg12 : memref<128x128xf32, #tpu.memory_space<vmem>>) target(%dma_start3A_56 : memref<128x128xf32, #tpu.memory_space<vmem_shared>>) target_semaphore(%run_scoped3A : memref<!tpu.dma_semaphore, #tpu.memory_space<semaphore_mem>>)
      %dma_wait3A = arith.constant 0 : i32
      %dma_wait3A_57 = tpu.memref_slice %arg15[%add3A_31, %dma_wait3A] : memref<5248x128xf32, #tpu.memory_space<vmem_shared>> -> memref<128x128xf32, #tpu.memory_space<vmem_shared>>
      %dma_wait3A_58 = arith.constant 0 : i32
      %dma_wait3A_59 = tpu.memref_slice %arg15[%add3A_31, %dma_wait3A_58] : memref<5248x128xf32, #tpu.memory_space<vmem_shared>> -> memref<128x128xf32, #tpu.memory_space<vmem_shared>>
      tpu.wait_dma2 semaphore(%run_scoped3A : memref<!tpu.dma_semaphore, #tpu.memory_space<semaphore_mem>>) src(%arg12 : memref<128x128xf32, #tpu.memory_space<vmem>>) dst(%dma_wait3A_59 : memref<128x128xf32, #tpu.memory_space<vmem_shared>>)
      tpu.yield
    }) : () -> ()
    %add3A_32 = arith.constant 128 : i32
    %add3A_33 = arith.addi %mul3A_29, %add3A_32 : i32
    "tpu.region"() ({
      %run_scoped3A = tpu.sem_alloc : memref<!tpu.dma_semaphore, #tpu.memory_space<semaphore_mem>>
      %dma_start3A = arith.constant 0 : i32
      %dma_start3A_54 = tpu.memref_slice %arg15[%add3A_33, %dma_start3A] : memref<5248x128xf32, #tpu.memory_space<vmem_shared>> -> memref<128x128xf32, #tpu.memory_space<vmem_shared>>
      %dma_start3A_55 = arith.constant 0 : i32
      %dma_start3A_56 = tpu.memref_slice %arg15[%add3A_33, %dma_start3A_55] : memref<5248x128xf32, #tpu.memory_space<vmem_shared>> -> memref<128x128xf32, #tpu.memory_space<vmem_shared>>
      tpu.enqueue_dma source(%arg12 : memref<128x128xf32, #tpu.memory_space<vmem>>) target(%dma_start3A_56 : memref<128x128xf32, #tpu.memory_space<vmem_shared>>) target_semaphore(%run_scoped3A : memref<!tpu.dma_semaphore, #tpu.memory_space<semaphore_mem>>)
      %dma_wait3A = arith.constant 0 : i32
      %dma_wait3A_57 = tpu.memref_slice %arg15[%add3A_33, %dma_wait3A] : memref<5248x128xf32, #tpu.memory_space<vmem_shared>> -> memref<128x128xf32, #tpu.memory_space<vmem_shared>>
      %dma_wait3A_58 = arith.constant 0 : i32
      %dma_wait3A_59 = tpu.memref_slice %arg15[%add3A_33, %dma_wait3A_58] : memref<5248x128xf32, #tpu.memory_space<vmem_shared>> -> memref<128x128xf32, #tpu.memory_space<vmem_shared>>
      tpu.wait_dma2 semaphore(%run_scoped3A : memref<!tpu.dma_semaphore, #tpu.memory_space<semaphore_mem>>) src(%arg12 : memref<128x128xf32, #tpu.memory_space<vmem>>) dst(%dma_wait3A_59 : memref<128x128xf32, #tpu.memory_space<vmem_shared>>)
      tpu.yield
    }) : () -> ()
    %add3A_34 = arith.constant 256 : i32
    %add3A_35 = arith.addi %mul3A_29, %add3A_34 : i32
    "tpu.region"() ({
      %run_scoped3A = tpu.sem_alloc : memref<!tpu.dma_semaphore, #tpu.memory_space<semaphore_mem>>
      %dma_start3A = arith.constant 0 : i32
      %dma_start3A_54 = arith.constant 0 : i32
      %dma_start3A_55 = tpu.memref_slice %arg12[%dma_start3A, %dma_start3A_54] : memref<128x128xf32, #tpu.memory_space<vmem>> -> memref<64x128xf32, #tpu.memory_space<vmem>>
      %dma_start3A_56 = arith.constant 0 : i32
      %dma_start3A_57 = tpu.memref_slice %arg15[%add3A_35, %dma_start3A_56] : memref<5248x128xf32, #tpu.memory_space<vmem_shared>> -> memref<64x128xf32, #tpu.memory_space<vmem_shared>>
      %dma_start3A_58 = arith.constant 0 : i32
      %dma_start3A_59 = tpu.memref_slice %arg15[%add3A_35, %dma_start3A_58] : memref<5248x128xf32, #tpu.memory_space<vmem_shared>> -> memref<64x128xf32, #tpu.memory_space<vmem_shared>>
      %dma_start3A_60 = arith.constant 0 : i32
      %dma_start3A_61 = arith.constant 0 : i32
      %dma_start3A_62 = tpu.memref_slice %arg12[%dma_start3A_60, %dma_start3A_61] : memref<128x128xf32, #tpu.memory_space<vmem>> -> memref<64x128xf32, #tpu.memory_space<vmem>>
      tpu.enqueue_dma source(%dma_start3A_62 : memref<64x128xf32, #tpu.memory_space<vmem>>) target(%dma_start3A_59 : memref<64x128xf32, #tpu.memory_space<vmem_shared>>) target_semaphore(%run_scoped3A : memref<!tpu.dma_semaphore, #tpu.memory_space<semaphore_mem>>)
      %dma_wait3A = arith.constant 0 : i32
      %dma_wait3A_63 = arith.constant 0 : i32
      %dma_wait3A_64 = tpu.memref_slice %arg12[%dma_wait3A, %dma_wait3A_63] : memref<128x128xf32, #tpu.memory_space<vmem>> -> memref<64x128xf32, #tpu.memory_space<vmem>>
      %dma_wait3A_65 = arith.constant 0 : i32
      %dma_wait3A_66 = tpu.memref_slice %arg15[%add3A_35, %dma_wait3A_65] : memref<5248x128xf32, #tpu.memory_space<vmem_shared>> -> memref<64x128xf32, #tpu.memory_space<vmem_shared>>
      %dma_wait3A_67 = arith.constant 0 : i32
      %dma_wait3A_68 = tpu.memref_slice %arg15[%add3A_35, %dma_wait3A_67] : memref<5248x128xf32, #tpu.memory_space<vmem_shared>> -> memref<64x128xf32, #tpu.memory_space<vmem_shared>>
      %dma_wait3A_69 = arith.constant 0 : i32
      %dma_wait3A_70 = arith.constant 0 : i32
      %dma_wait3A_71 = tpu.memref_slice %arg12[%dma_wait3A_69, %dma_wait3A_70] : memref<128x128xf32, #tpu.memory_space<vmem>> -> memref<64x128xf32, #tpu.memory_space<vmem>>
      tpu.wait_dma2 semaphore(%run_scoped3A : memref<!tpu.dma_semaphore, #tpu.memory_space<semaphore_mem>>) src(%dma_wait3A_71 : memref<64x128xf32, #tpu.memory_space<vmem>>) dst(%dma_wait3A_68 : memref<64x128xf32, #tpu.memory_space<vmem_shared>>)
      tpu.yield
    }) : () -> ()
    %eq3A_36 = arith.constant 0 : i32
    %eq3A_37 = arith.cmpi eq, %arg1, %eq3A_36 : i32
    %convert_element_type3A_38 = arith.extui %eq3A_37 : i1 to i32
    %cond3A_39 = arith.constant 0 : i32
    %cond3A_40 = arith.cmpi ne, %convert_element_type3A_38, %cond3A_39 : i32
    scf.if %cond3A_40 {
      "tpu.region"() ({
        %run_scoped3A = tpu.sem_alloc : memref<!tpu.dma_semaphore, #tpu.memory_space<semaphore_mem>>
        %dma_start3A = arith.constant 5120 : i32
        %dma_start3A_54 = arith.constant 0 : i32
        %dma_start3A_55 = tpu.memref_slice %arg15[%dma_start3A, %dma_start3A_54] : memref<5248x128xf32, #tpu.memory_space<vmem_shared>> -> memref<128x128xf32, #tpu.memory_space<vmem_shared>>
        %dma_start3A_56 = arith.constant 5120 : i32
        %dma_start3A_57 = arith.constant 0 : i32
        %dma_start3A_58 = tpu.memref_slice %arg15[%dma_start3A_56, %dma_start3A_57] : memref<5248x128xf32, #tpu.memory_space<vmem_shared>> -> memref<128x128xf32, #tpu.memory_space<vmem_shared>>
        tpu.enqueue_dma source(%arg12 : memref<128x128xf32, #tpu.memory_space<vmem>>) target(%dma_start3A_58 : memref<128x128xf32, #tpu.memory_space<vmem_shared>>) target_semaphore(%run_scoped3A : memref<!tpu.dma_semaphore, #tpu.memory_space<semaphore_mem>>)
        %dma_wait3A = arith.constant 5120 : i32
        %dma_wait3A_59 = arith.constant 0 : i32
        %dma_wait3A_60 = tpu.memref_slice %arg15[%dma_wait3A, %dma_wait3A_59] : memref<5248x128xf32, #tpu.memory_space<vmem_shared>> -> memref<128x128xf32, #tpu.memory_space<vmem_shared>>
        %dma_wait3A_61 = arith.constant 5120 : i32
        %dma_wait3A_62 = arith.constant 0 : i32
        %dma_wait3A_63 = tpu.memref_slice %arg15[%dma_wait3A_61, %dma_wait3A_62] : memref<5248x128xf32, #tpu.memory_space<vmem_shared>> -> memref<128x128xf32, #tpu.memory_space<vmem_shared>>
        tpu.wait_dma2 semaphore(%run_scoped3A : memref<!tpu.dma_semaphore, #tpu.memory_space<semaphore_mem>>) src(%arg12 : memref<128x128xf32, #tpu.memory_space<vmem>>) dst(%dma_wait3A_63 : memref<128x128xf32, #tpu.memory_space<vmem_shared>>)
        tpu.yield
      }) : () -> ()
    } else {
    }
    %scan3A_41 = arith.constant 0 : i32
    %scan3A_42 = arith.constant 128 : i32
    %scan3A_43 = arith.addi %scan3A_41, %scan3A_42 : i32
    %scan3A_44 = arith.constant 1 : i32
    scf.for %scan3A_54 = %scan3A_41 to %scan3A_43 step %scan3A_44  : i32 {
      %mul3A_55 = arith.constant 1 : i32
      %mul3A_56 = arith.muli %scan3A_54, %mul3A_55 : i32
      %add3A_57 = arith.constant 0 : i32
      %add3A_58 = arith.addi %add3A_57, %mul3A_56 : i32
      %broadcast_in_dim3A = arith.constant 0.000000e+00 : f32
      %broadcast_in_dim3A_59 = vector.broadcast %broadcast_in_dim3A : f32 to vector<16xf32>
      %swap3A = arith.index_cast %add3A_58 : i32 to index
      %swap3A_60 = arith.constant 0 : index
      %swap3A_61 = tpu.vector_load %arg10[%swap3A, %swap3A_60] {strides = array<i32>} : memref<128x128xf32, #tpu.memory_space<vmem>>, vector<1x16xf32>,
      %swap3A_62 = vector.shape_cast %swap3A_61 : vector<1x16xf32> to vector<16xf32>
      %swap3A_63 = vector.shape_cast %broadcast_in_dim3A_59 : vector<16xf32> to vector<1x16xf32>
      tpu.vector_store %arg10[%swap3A, %swap3A_60], %swap3A_63 {strides = array<i32>} : memref<128x128xf32, #tpu.memory_space<vmem>>, vector<1x16xf32>,
      %broadcast_in_dim3A_64 = arith.constant 0.000000e+00 : f32
      %broadcast_in_dim3A_65 = vector.broadcast %broadcast_in_dim3A_64 : f32 to vector<16xf32>
      %swap3A_66 = arith.index_cast %add3A_58 : i32 to index
      %swap3A_67 = arith.constant 0 : index
      %swap3A_68 = tpu.vector_load %arg11[%swap3A_66, %swap3A_67] {strides = array<i32>} : memref<128x128xf32, #tpu.memory_space<vmem>>, vector<1x16xf32>,
      %swap3A_69 = vector.shape_cast %swap3A_68 : vector<1x16xf32> to vector<16xf32>
      %swap3A_70 = vector.shape_cast %broadcast_in_dim3A_65 : vector<16xf32> to vector<1x16xf32>
      tpu.vector_store %arg11[%swap3A_66, %swap3A_67], %swap3A_70 {strides = array<i32>} : memref<128x128xf32, #tpu.memory_space<vmem>>, vector<1x16xf32>,
      %broadcast_in_dim3A_71 = arith.constant 0.000000e+00 : f32
      %broadcast_in_dim3A_72 = vector.broadcast %broadcast_in_dim3A_71 : f32 to vector<16xf32>
      %swap3A_73 = arith.index_cast %add3A_58 : i32 to index
      %swap3A_74 = arith.constant 16 : index
      %swap3A_75 = tpu.vector_load %arg10[%swap3A_73, %swap3A_74] {strides = array<i32>} : memref<128x128xf32, #tpu.memory_space<vmem>>, vector<1x16xf32>,
      %swap3A_76 = vector.shape_cast %swap3A_75 : vector<1x16xf32> to vector<16xf32>
      %swap3A_77 = vector.shape_cast %broadcast_in_dim3A_72 : vector<16xf32> to vector<1x16xf32>
      tpu.vector_store %arg10[%swap3A_73, %swap3A_74], %swap3A_77 {strides = array<i32>} : memref<128x128xf32, #tpu.memory_space<vmem>>, vector<1x16xf32>,
      %broadcast_in_dim3A_78 = arith.constant 0.000000e+00 : f32
      %broadcast_in_dim3A_79 = vector.broadcast %broadcast_in_dim3A_78 : f32 to vector<16xf32>
      %swap3A_80 = arith.index_cast %add3A_58 : i32 to index
      %swap3A_81 = arith.constant 16 : index
      %swap3A_82 = tpu.vector_load %arg11[%swap3A_80, %swap3A_81] {strides = array<i32>} : memref<128x128xf32, #tpu.memory_space<vmem>>, vector<1x16xf32>,
      %swap3A_83 = vector.shape_cast %swap3A_82 : vector<1x16xf32> to vector<16xf32>
      %swap3A_84 = vector.shape_cast %broadcast_in_dim3A_79 : vector<16xf32> to vector<1x16xf32>
      tpu.vector_store %arg11[%swap3A_80, %swap3A_81], %swap3A_84 {strides = array<i32>} : memref<128x128xf32, #tpu.memory_space<vmem>>, vector<1x16xf32>,
      %broadcast_in_dim3A_85 = arith.constant 0.000000e+00 : f32
      %broadcast_in_dim3A_86 = vector.broadcast %broadcast_in_dim3A_85 : f32 to vector<16xf32>
      %swap3A_87 = arith.index_cast %add3A_58 : i32 to index
      %swap3A_88 = arith.constant 32 : index
      %swap3A_89 = tpu.vector_load %arg10[%swap3A_87, %swap3A_88] {strides = array<i32>} : memref<128x128xf32, #tpu.memory_space<vmem>>, vector<1x16xf32>,
      %swap3A_90 = vector.shape_cast %swap3A_89 : vector<1x16xf32> to vector<16xf32>
      %swap3A_91 = vector.shape_cast %broadcast_in_dim3A_86 : vector<16xf32> to vector<1x16xf32>
      tpu.vector_store %arg10[%swap3A_87, %swap3A_88], %swap3A_91 {strides = array<i32>} : memref<128x128xf32, #tpu.memory_space<vmem>>, vector<1x16xf32>,
      %broadcast_in_dim3A_92 = arith.constant 0.000000e+00 : f32
      %broadcast_in_dim3A_93 = vector.broadcast %broadcast_in_dim3A_92 : f32 to vector<16xf32>
      %swap3A_94 = arith.index_cast %add3A_58 : i32 to index
      %swap3A_95 = arith.constant 32 : index
      %swap3A_96 = tpu.vector_load %arg11[%swap3A_94, %swap3A_95] {strides = array<i32>} : memref<128x128xf32, #tpu.memory_space<vmem>>, vector<1x16xf32>,
      %swap3A_97 = vector.shape_cast %swap3A_96 : vector<1x16xf32> to vector<16xf32>
      %swap3A_98 = vector.shape_cast %broadcast_in_dim3A_93 : vector<16xf32> to vector<1x16xf32>
      tpu.vector_store %arg11[%swap3A_94, %swap3A_95], %swap3A_98 {strides = array<i32>} : memref<128x128xf32, #tpu.memory_space<vmem>>, vector<1x16xf32>,
      %broadcast_in_dim3A_99 = arith.constant 0.000000e+00 : f32
      %broadcast_in_dim3A_100 = vector.broadcast %broadcast_in_dim3A_99 : f32 to vector<16xf32>
      %swap3A_101 = arith.index_cast %add3A_58 : i32 to index
      %swap3A_102 = arith.constant 48 : index
      %swap3A_103 = tpu.vector_load %arg10[%swap3A_101, %swap3A_102] {strides = array<i32>} : memref<128x128xf32, #tpu.memory_space<vmem>>, vector<1x16xf32>,
      %swap3A_104 = vector.shape_cast %swap3A_103 : vector<1x16xf32> to vector<16xf32>
      %swap3A_105 = vector.shape_cast %broadcast_in_dim3A_100 : vector<16xf32> to vector<1x16xf32>
      tpu.vector_store %arg10[%swap3A_101, %swap3A_102], %swap3A_105 {strides = array<i32>} : memref<128x128xf32, #tpu.memory_space<vmem>>, vector<1x16xf32>,
      %broadcast_in_dim3A_106 = arith.constant 0.000000e+00 : f32
      %broadcast_in_dim3A_107 = vector.broadcast %broadcast_in_dim3A_106 : f32 to vector<16xf32>
      %swap3A_108 = arith.index_cast %add3A_58 : i32 to index
      %swap3A_109 = arith.constant 48 : index
      %swap3A_110 = tpu.vector_load %arg11[%swap3A_108, %swap3A_109] {strides = array<i32>} : memref<128x128xf32, #tpu.memory_space<vmem>>, vector<1x16xf32>,
      %swap3A_111 = vector.shape_cast %swap3A_110 : vector<1x16xf32> to vector<16xf32>
      %swap3A_112 = vector.shape_cast %broadcast_in_dim3A_107 : vector<16xf32> to vector<1x16xf32>
      tpu.vector_store %arg11[%swap3A_108, %swap3A_109], %swap3A_112 {strides = array<i32>} : memref<128x128xf32, #tpu.memory_space<vmem>>, vector<1x16xf32>,
      %broadcast_in_dim3A_113 = arith.constant 0.000000e+00 : f32
      %broadcast_in_dim3A_114 = vector.broadcast %broadcast_in_dim3A_113 : f32 to vector<16xf32>
      %swap3A_115 = arith.index_cast %add3A_58 : i32 to index
      %swap3A_116 = arith.constant 64 : index
      %swap3A_117 = tpu.vector_load %arg10[%swap3A_115, %swap3A_116] {strides = array<i32>} : memref<128x128xf32, #tpu.memory_space<vmem>>, vector<1x16xf32>,
      %swap3A_118 = vector.shape_cast %swap3A_117 : vector<1x16xf32> to vector<16xf32>
      %swap3A_119 = vector.shape_cast %broadcast_in_dim3A_114 : vector<16xf32> to vector<1x16xf32>
      tpu.vector_store %arg10[%swap3A_115, %swap3A_116], %swap3A_119 {strides = array<i32>} : memref<128x128xf32, #tpu.memory_space<vmem>>, vector<1x16xf32>,
      %broadcast_in_dim3A_120 = arith.constant 0.000000e+00 : f32
      %broadcast_in_dim3A_121 = vector.broadcast %broadcast_in_dim3A_120 : f32 to vector<16xf32>
      %swap3A_122 = arith.index_cast %add3A_58 : i32 to index
      %swap3A_123 = arith.constant 64 : index
      %swap3A_124 = tpu.vector_load %arg11[%swap3A_122, %swap3A_123] {strides = array<i32>} : memref<128x128xf32, #tpu.memory_space<vmem>>, vector<1x16xf32>,
      %swap3A_125 = vector.shape_cast %swap3A_124 : vector<1x16xf32> to vector<16xf32>
      %swap3A_126 = vector.shape_cast %broadcast_in_dim3A_121 : vector<16xf32> to vector<1x16xf32>
      tpu.vector_store %arg11[%swap3A_122, %swap3A_123], %swap3A_126 {strides = array<i32>} : memref<128x128xf32, #tpu.memory_space<vmem>>, vector<1x16xf32>,
      %broadcast_in_dim3A_127 = arith.constant 0.000000e+00 : f32
      %broadcast_in_dim3A_128 = vector.broadcast %broadcast_in_dim3A_127 : f32 to vector<16xf32>
      %swap3A_129 = arith.index_cast %add3A_58 : i32 to index
      %swap3A_130 = arith.constant 80 : index
      %swap3A_131 = tpu.vector_load %arg10[%swap3A_129, %swap3A_130] {strides = array<i32>} : memref<128x128xf32, #tpu.memory_space<vmem>>, vector<1x16xf32>,
      %swap3A_132 = vector.shape_cast %swap3A_131 : vector<1x16xf32> to vector<16xf32>
      %swap3A_133 = vector.shape_cast %broadcast_in_dim3A_128 : vector<16xf32> to vector<1x16xf32>
      tpu.vector_store %arg10[%swap3A_129, %swap3A_130], %swap3A_133 {strides = array<i32>} : memref<128x128xf32, #tpu.memory_space<vmem>>, vector<1x16xf32>,
      %broadcast_in_dim3A_134 = arith.constant 0.000000e+00 : f32
      %broadcast_in_dim3A_135 = vector.broadcast %broadcast_in_dim3A_134 : f32 to vector<16xf32>
      %swap3A_136 = arith.index_cast %add3A_58 : i32 to index
      %swap3A_137 = arith.constant 80 : index
      %swap3A_138 = tpu.vector_load %arg11[%swap3A_136, %swap3A_137] {strides = array<i32>} : memref<128x128xf32, #tpu.memory_space<vmem>>, vector<1x16xf32>,
      %swap3A_139 = vector.shape_cast %swap3A_138 : vector<1x16xf32> to vector<16xf32>
      %swap3A_140 = vector.shape_cast %broadcast_in_dim3A_135 : vector<16xf32> to vector<1x16xf32>
      tpu.vector_store %arg11[%swap3A_136, %swap3A_137], %swap3A_140 {strides = array<i32>} : memref<128x128xf32, #tpu.memory_space<vmem>>, vector<1x16xf32>,
      %broadcast_in_dim3A_141 = arith.constant 0.000000e+00 : f32
      %broadcast_in_dim3A_142 = vector.broadcast %broadcast_in_dim3A_141 : f32 to vector<16xf32>
      %swap3A_143 = arith.index_cast %add3A_58 : i32 to index
      %swap3A_144 = arith.constant 96 : index
      %swap3A_145 = tpu.vector_load %arg10[%swap3A_143, %swap3A_144] {strides = array<i32>} : memref<128x128xf32, #tpu.memory_space<vmem>>, vector<1x16xf32>,
      %swap3A_146 = vector.shape_cast %swap3A_145 : vector<1x16xf32> to vector<16xf32>
      %swap3A_147 = vector.shape_cast %broadcast_in_dim3A_142 : vector<16xf32> to vector<1x16xf32>
      tpu.vector_store %arg10[%swap3A_143, %swap3A_144], %swap3A_147 {strides = array<i32>} : memref<128x128xf32, #tpu.memory_space<vmem>>, vector<1x16xf32>,
      %broadcast_in_dim3A_148 = arith.constant 0.000000e+00 : f32
      %broadcast_in_dim3A_149 = vector.broadcast %broadcast_in_dim3A_148 : f32 to vector<16xf32>
      %swap3A_150 = arith.index_cast %add3A_58 : i32 to index
      %swap3A_151 = arith.constant 96 : index
      %swap3A_152 = tpu.vector_load %arg11[%swap3A_150, %swap3A_151] {strides = array<i32>} : memref<128x128xf32, #tpu.memory_space<vmem>>, vector<1x16xf32>,
      %swap3A_153 = vector.shape_cast %swap3A_152 : vector<1x16xf32> to vector<16xf32>
      %swap3A_154 = vector.shape_cast %broadcast_in_dim3A_149 : vector<16xf32> to vector<1x16xf32>
      tpu.vector_store %arg11[%swap3A_150, %swap3A_151], %swap3A_154 {strides = array<i32>} : memref<128x128xf32, #tpu.memory_space<vmem>>, vector<1x16xf32>,
      %broadcast_in_dim3A_155 = arith.constant 0.000000e+00 : f32
      %broadcast_in_dim3A_156 = vector.broadcast %broadcast_in_dim3A_155 : f32 to vector<16xf32>
      %swap3A_157 = arith.index_cast %add3A_58 : i32 to index
      %swap3A_158 = arith.constant 112 : index
      %swap3A_159 = tpu.vector_load %arg10[%swap3A_157, %swap3A_158] {strides = array<i32>} : memref<128x128xf32, #tpu.memory_space<vmem>>, vector<1x16xf32>,
      %swap3A_160 = vector.shape_cast %swap3A_159 : vector<1x16xf32> to vector<16xf32>
      %swap3A_161 = vector.shape_cast %broadcast_in_dim3A_156 : vector<16xf32> to vector<1x16xf32>
      tpu.vector_store %arg10[%swap3A_157, %swap3A_158], %swap3A_161 {strides = array<i32>} : memref<128x128xf32, #tpu.memory_space<vmem>>, vector<1x16xf32>,
      %broadcast_in_dim3A_162 = arith.constant 0.000000e+00 : f32
      %broadcast_in_dim3A_163 = vector.broadcast %broadcast_in_dim3A_162 : f32 to vector<16xf32>
      %swap3A_164 = arith.index_cast %add3A_58 : i32 to index
      %swap3A_165 = arith.constant 112 : index
      %swap3A_166 = tpu.vector_load %arg11[%swap3A_164, %swap3A_165] {strides = array<i32>} : memref<128x128xf32, #tpu.memory_space<vmem>>, vector<1x16xf32>,
      %swap3A_167 = vector.shape_cast %swap3A_166 : vector<1x16xf32> to vector<16xf32>
      %swap3A_168 = vector.shape_cast %broadcast_in_dim3A_163 : vector<16xf32> to vector<1x16xf32>
      tpu.vector_store %arg11[%swap3A_164, %swap3A_165], %swap3A_168 {strides = array<i32>} : memref<128x128xf32, #tpu.memory_space<vmem>>, vector<1x16xf32>,
    }
    %scan3A_45 = arith.constant 128 : i32
    %barrier3A_46 = arith.constant 0 : index
    tpu.barrier barrier_id(%barrier3A_46)
    %scan3A_47 = arith.constant 0 : i32
    %scan3A_48 = arith.constant 80 : i32
    %scan3A_49 = arith.addi %scan3A_47, %scan3A_48 : i32
    %scan3A_50 = arith.constant 1 : i32
    scf.for %scan3A_54 = %scan3A_47 to %scan3A_49 step %scan3A_50  : i32 {
      %mul3A_55 = arith.constant 1 : i32
      %mul3A_56 = arith.muli %scan3A_54, %mul3A_55 : i32
      %add3A_57 = arith.constant 0 : i32
      %add3A_58 = arith.addi %add3A_57, %mul3A_56 : i32
      %get3A = arith.index_cast %add3A_58 : i32 to index
      %get3A_59 = arith.constant 0 : index
      %get3A_60 = tpu.vector_load %arg7[%get3A, %get3A_59] {strides = array<i32>} : memref<80x128xi32, #tpu.memory_space<vmem>>, vector<1x16xi32>,
      %get3A_61 = vector.shape_cast %get3A_60 : vector<1x16xi32> to vector<16xi32>
      %ge3A = vector.broadcast %mul3A_0 : i32 to vector<16xi32>
      %ge3A_62 = arith.cmpi sge, %get3A_61, %ge3A : vector<16xi32>
      %add3A_63 = arith.constant 5120 : i32
      %add3A_64 = arith.addi %mul3A_0, %add3A_63 : i32
      %lt3A = vector.broadcast %add3A_64 : i32 to vector<16xi32>
      %lt3A_65 = arith.cmpi slt, %get3A_61, %lt3A : vector<16xi32>
      %and3A = arith.andi %ge3A_62, %lt3A_65 : vector<16xi1>
      %sub3A = vector.broadcast %mul3A_0 : i32 to vector<16xi32>
      %sub3A_66 = arith.subi %get3A_61, %sub3A : vector<16xi32>
      %jit3A = arith.constant 5120 : i32
      %broadcast_in_dim3A = vector.broadcast %jit3A : i32 to vector<16xi32>
      %select_n3A = arith.select %and3A, %sub3A_66, %broadcast_in_dim3A : vector<16xi1>, vector<16xi32>
      %swap3A = arith.constant 0 : index
      %swap3A_67 = tpu.vector_load %arg8[%swap3A] {strides = array<i32>} : memref<128xi32, #tpu.memory_space<vmem>>, vector<16xi32>,
      %swap3A_68 = vector.shape_cast %swap3A_67 : vector<16xi32> to vector<16xi32>
      %swap3A_69 = vector.shape_cast %select_n3A : vector<16xi32> to vector<16xi32>
      tpu.vector_store %arg8[%swap3A], %swap3A_69 {strides = array<i32>} : memref<128xi32, #tpu.memory_space<vmem>>, vector<16xi32>,
      %get3A_70 = arith.index_cast %add3A_58 : i32 to index
      %get3A_71 = arith.constant 16 : index
      %get3A_72 = tpu.vector_load %arg7[%get3A_70, %get3A_71] {strides = array<i32>} : memref<80x128xi32, #tpu.memory_space<vmem>>, vector<1x16xi32>,
      %get3A_73 = vector.shape_cast %get3A_72 : vector<1x16xi32> to vector<16xi32>
      %ge3A_74 = vector.broadcast %mul3A_0 : i32 to vector<16xi32>
      %ge3A_75 = arith.cmpi sge, %get3A_73, %ge3A_74 : vector<16xi32>
      %add3A_76 = arith.constant 5120 : i32
      %add3A_77 = arith.addi %mul3A_0, %add3A_76 : i32
      %lt3A_78 = vector.broadcast %add3A_77 : i32 to vector<16xi32>
      %lt3A_79 = arith.cmpi slt, %get3A_73, %lt3A_78 : vector<16xi32>
      %and3A_80 = arith.andi %ge3A_75, %lt3A_79 : vector<16xi1>
      %sub3A_81 = vector.broadcast %mul3A_0 : i32 to vector<16xi32>
      %sub3A_82 = arith.subi %get3A_73, %sub3A_81 : vector<16xi32>
      %jit3A_83 = arith.constant 5120 : i32
      %broadcast_in_dim3A_84 = vector.broadcast %jit3A_83 : i32 to vector<16xi32>
      %select_n3A_85 = arith.select %and3A_80, %sub3A_82, %broadcast_in_dim3A_84 : vector<16xi1>, vector<16xi32>
      %swap3A_86 = arith.constant 16 : index
      %swap3A_87 = tpu.vector_load %arg8[%swap3A_86] {strides = array<i32>} : memref<128xi32, #tpu.memory_space<vmem>>, vector<16xi32>,
      %swap3A_88 = vector.shape_cast %swap3A_87 : vector<16xi32> to vector<16xi32>
      %swap3A_89 = vector.shape_cast %select_n3A_85 : vector<16xi32> to vector<16xi32>
      tpu.vector_store %arg8[%swap3A_86], %swap3A_89 {strides = array<i32>} : memref<128xi32, #tpu.memory_space<vmem>>, vector<16xi32>,
      %get3A_90 = arith.index_cast %add3A_58 : i32 to index
      %get3A_91 = arith.constant 32 : index
      %get3A_92 = tpu.vector_load %arg7[%get3A_90, %get3A_91] {strides = array<i32>} : memref<80x128xi32, #tpu.memory_space<vmem>>, vector<1x16xi32>,
      %get3A_93 = vector.shape_cast %get3A_92 : vector<1x16xi32> to vector<16xi32>
      %ge3A_94 = vector.broadcast %mul3A_0 : i32 to vector<16xi32>
      %ge3A_95 = arith.cmpi sge, %get3A_93, %ge3A_94 : vector<16xi32>
      %add3A_96 = arith.constant 5120 : i32
      %add3A_97 = arith.addi %mul3A_0, %add3A_96 : i32
      %lt3A_98 = vector.broadcast %add3A_97 : i32 to vector<16xi32>
      %lt3A_99 = arith.cmpi slt, %get3A_93, %lt3A_98 : vector<16xi32>
      %and3A_100 = arith.andi %ge3A_95, %lt3A_99 : vector<16xi1>
      %sub3A_101 = vector.broadcast %mul3A_0 : i32 to vector<16xi32>
      %sub3A_102 = arith.subi %get3A_93, %sub3A_101 : vector<16xi32>
      %jit3A_103 = arith.constant 5120 : i32
      %broadcast_in_dim3A_104 = vector.broadcast %jit3A_103 : i32 to vector<16xi32>
      %select_n3A_105 = arith.select %and3A_100, %sub3A_102, %broadcast_in_dim3A_104 : vector<16xi1>, vector<16xi32>
      %swap3A_106 = arith.constant 32 : index
      %swap3A_107 = tpu.vector_load %arg8[%swap3A_106] {strides = array<i32>} : memref<128xi32, #tpu.memory_space<vmem>>, vector<16xi32>,
      %swap3A_108 = vector.shape_cast %swap3A_107 : vector<16xi32> to vector<16xi32>
      %swap3A_109 = vector.shape_cast %select_n3A_105 : vector<16xi32> to vector<16xi32>
      tpu.vector_store %arg8[%swap3A_106], %swap3A_109 {strides = array<i32>} : memref<128xi32, #tpu.memory_space<vmem>>, vector<16xi32>,
      %get3A_110 = arith.index_cast %add3A_58 : i32 to index
      %get3A_111 = arith.constant 48 : index
      %get3A_112 = tpu.vector_load %arg7[%get3A_110, %get3A_111] {strides = array<i32>} : memref<80x128xi32, #tpu.memory_space<vmem>>, vector<1x16xi32>,
      %get3A_113 = vector.shape_cast %get3A_112 : vector<1x16xi32> to vector<16xi32>
      %ge3A_114 = vector.broadcast %mul3A_0 : i32 to vector<16xi32>
      %ge3A_115 = arith.cmpi sge, %get3A_113, %ge3A_114 : vector<16xi32>
      %add3A_116 = arith.constant 5120 : i32
      %add3A_117 = arith.addi %mul3A_0, %add3A_116 : i32
      %lt3A_118 = vector.broadcast %add3A_117 : i32 to vector<16xi32>
      %lt3A_119 = arith.cmpi slt, %get3A_113, %lt3A_118 : vector<16xi32>
      %and3A_120 = arith.andi %ge3A_115, %lt3A_119 : vector<16xi1>
      %sub3A_121 = vector.broadcast %mul3A_0 : i32 to vector<16xi32>
      %sub3A_122 = arith.subi %get3A_113, %sub3A_121 : vector<16xi32>
      %jit3A_123 = arith.constant 5120 : i32
      %broadcast_in_dim3A_124 = vector.broadcast %jit3A_123 : i32 to vector<16xi32>
      %select_n3A_125 = arith.select %and3A_120, %sub3A_122, %broadcast_in_dim3A_124 : vector<16xi1>, vector<16xi32>
      %swap3A_126 = arith.constant 48 : index
      %swap3A_127 = tpu.vector_load %arg8[%swap3A_126] {strides = array<i32>} : memref<128xi32, #tpu.memory_space<vmem>>, vector<16xi32>,
      %swap3A_128 = vector.shape_cast %swap3A_127 : vector<16xi32> to vector<16xi32>
      %swap3A_129 = vector.shape_cast %select_n3A_125 : vector<16xi32> to vector<16xi32>
      tpu.vector_store %arg8[%swap3A_126], %swap3A_129 {strides = array<i32>} : memref<128xi32, #tpu.memory_space<vmem>>, vector<16xi32>,
      %get3A_130 = arith.index_cast %add3A_58 : i32 to index
      %get3A_131 = arith.constant 64 : index
      %get3A_132 = tpu.vector_load %arg7[%get3A_130, %get3A_131] {strides = array<i32>} : memref<80x128xi32, #tpu.memory_space<vmem>>, vector<1x16xi32>,
      %get3A_133 = vector.shape_cast %get3A_132 : vector<1x16xi32> to vector<16xi32>
      %ge3A_134 = vector.broadcast %mul3A_0 : i32 to vector<16xi32>
      %ge3A_135 = arith.cmpi sge, %get3A_133, %ge3A_134 : vector<16xi32>
      %add3A_136 = arith.constant 5120 : i32
      %add3A_137 = arith.addi %mul3A_0, %add3A_136 : i32
      %lt3A_138 = vector.broadcast %add3A_137 : i32 to vector<16xi32>
      %lt3A_139 = arith.cmpi slt, %get3A_133, %lt3A_138 : vector<16xi32>
      %and3A_140 = arith.andi %ge3A_135, %lt3A_139 : vector<16xi1>
      %sub3A_141 = vector.broadcast %mul3A_0 : i32 to vector<16xi32>
      %sub3A_142 = arith.subi %get3A_133, %sub3A_141 : vector<16xi32>
      %jit3A_143 = arith.constant 5120 : i32
      %broadcast_in_dim3A_144 = vector.broadcast %jit3A_143 : i32 to vector<16xi32>
      %select_n3A_145 = arith.select %and3A_140, %sub3A_142, %broadcast_in_dim3A_144 : vector<16xi1>, vector<16xi32>
      %swap3A_146 = arith.constant 64 : index
      %swap3A_147 = tpu.vector_load %arg8[%swap3A_146] {strides = array<i32>} : memref<128xi32, #tpu.memory_space<vmem>>, vector<16xi32>,
      %swap3A_148 = vector.shape_cast %swap3A_147 : vector<16xi32> to vector<16xi32>
      %swap3A_149 = vector.shape_cast %select_n3A_145 : vector<16xi32> to vector<16xi32>
      tpu.vector_store %arg8[%swap3A_146], %swap3A_149 {strides = array<i32>} : memref<128xi32, #tpu.memory_space<vmem>>, vector<16xi32>,
      %get3A_150 = arith.index_cast %add3A_58 : i32 to index
      %get3A_151 = arith.constant 80 : index
      %get3A_152 = tpu.vector_load %arg7[%get3A_150, %get3A_151] {strides = array<i32>} : memref<80x128xi32, #tpu.memory_space<vmem>>, vector<1x16xi32>,
      %get3A_153 = vector.shape_cast %get3A_152 : vector<1x16xi32> to vector<16xi32>
      %ge3A_154 = vector.broadcast %mul3A_0 : i32 to vector<16xi32>
      %ge3A_155 = arith.cmpi sge, %get3A_153, %ge3A_154 : vector<16xi32>
      %add3A_156 = arith.constant 5120 : i32
      %add3A_157 = arith.addi %mul3A_0, %add3A_156 : i32
      %lt3A_158 = vector.broadcast %add3A_157 : i32 to vector<16xi32>
      %lt3A_159 = arith.cmpi slt, %get3A_153, %lt3A_158 : vector<16xi32>
      %and3A_160 = arith.andi %ge3A_155, %lt3A_159 : vector<16xi1>
      %sub3A_161 = vector.broadcast %mul3A_0 : i32 to vector<16xi32>
      %sub3A_162 = arith.subi %get3A_153, %sub3A_161 : vector<16xi32>
      %jit3A_163 = arith.constant 5120 : i32
      %broadcast_in_dim3A_164 = vector.broadcast %jit3A_163 : i32 to vector<16xi32>
      %select_n3A_165 = arith.select %and3A_160, %sub3A_162, %broadcast_in_dim3A_164 : vector<16xi1>, vector<16xi32>
      %swap3A_166 = arith.constant 80 : index
      %swap3A_167 = tpu.vector_load %arg8[%swap3A_166] {strides = array<i32>} : memref<128xi32, #tpu.memory_space<vmem>>, vector<16xi32>,
      %swap3A_168 = vector.shape_cast %swap3A_167 : vector<16xi32> to vector<16xi32>
      %swap3A_169 = vector.shape_cast %select_n3A_165 : vector<16xi32> to vector<16xi32>
      tpu.vector_store %arg8[%swap3A_166], %swap3A_169 {strides = array<i32>} : memref<128xi32, #tpu.memory_space<vmem>>, vector<16xi32>,
      %get3A_170 = arith.index_cast %add3A_58 : i32 to index
      %get3A_171 = arith.constant 96 : index
      %get3A_172 = tpu.vector_load %arg7[%get3A_170, %get3A_171] {strides = array<i32>} : memref<80x128xi32, #tpu.memory_space<vmem>>, vector<1x16xi32>,
      %get3A_173 = vector.shape_cast %get3A_172 : vector<1x16xi32> to vector<16xi32>
      %ge3A_174 = vector.broadcast %mul3A_0 : i32 to vector<16xi32>
      %ge3A_175 = arith.cmpi sge, %get3A_173, %ge3A_174 : vector<16xi32>
      %add3A_176 = arith.constant 5120 : i32
      %add3A_177 = arith.addi %mul3A_0, %add3A_176 : i32
      %lt3A_178 = vector.broadcast %add3A_177 : i32 to vector<16xi32>
      %lt3A_179 = arith.cmpi slt, %get3A_173, %lt3A_178 : vector<16xi32>
      %and3A_180 = arith.andi %ge3A_175, %lt3A_179 : vector<16xi1>
      %sub3A_181 = vector.broadcast %mul3A_0 : i32 to vector<16xi32>
      %sub3A_182 = arith.subi %get3A_173, %sub3A_181 : vector<16xi32>
      %jit3A_183 = arith.constant 5120 : i32
      %broadcast_in_dim3A_184 = vector.broadcast %jit3A_183 : i32 to vector<16xi32>
      %select_n3A_185 = arith.select %and3A_180, %sub3A_182, %broadcast_in_dim3A_184 : vector<16xi1>, vector<16xi32>
      %swap3A_186 = arith.constant 96 : index
      %swap3A_187 = tpu.vector_load %arg8[%swap3A_186] {strides = array<i32>} : memref<128xi32, #tpu.memory_space<vmem>>, vector<16xi32>,
      %swap3A_188 = vector.shape_cast %swap3A_187 : vector<16xi32> to vector<16xi32>
      %swap3A_189 = vector.shape_cast %select_n3A_185 : vector<16xi32> to vector<16xi32>
      tpu.vector_store %arg8[%swap3A_186], %swap3A_189 {strides = array<i32>} : memref<128xi32, #tpu.memory_space<vmem>>, vector<16xi32>,
      %get3A_190 = arith.index_cast %add3A_58 : i32 to index
      %get3A_191 = arith.constant 112 : index
      %get3A_192 = tpu.vector_load %arg7[%get3A_190, %get3A_191] {strides = array<i32>} : memref<80x128xi32, #tpu.memory_space<vmem>>, vector<1x16xi32>,
      %get3A_193 = vector.shape_cast %get3A_192 : vector<1x16xi32> to vector<16xi32>
      %ge3A_194 = vector.broadcast %mul3A_0 : i32 to vector<16xi32>
      %ge3A_195 = arith.cmpi sge, %get3A_193, %ge3A_194 : vector<16xi32>
      %add3A_196 = arith.constant 5120 : i32
      %add3A_197 = arith.addi %mul3A_0, %add3A_196 : i32
      %lt3A_198 = vector.broadcast %add3A_197 : i32 to vector<16xi32>
      %lt3A_199 = arith.cmpi slt, %get3A_193, %lt3A_198 : vector<16xi32>
      %and3A_200 = arith.andi %ge3A_195, %lt3A_199 : vector<16xi1>
      %sub3A_201 = vector.broadcast %mul3A_0 : i32 to vector<16xi32>
      %sub3A_202 = arith.subi %get3A_193, %sub3A_201 : vector<16xi32>
      %jit3A_203 = arith.constant 5120 : i32
      %broadcast_in_dim3A_204 = vector.broadcast %jit3A_203 : i32 to vector<16xi32>
      %select_n3A_205 = arith.select %and3A_200, %sub3A_202, %broadcast_in_dim3A_204 : vector<16xi1>, vector<16xi32>
      %swap3A_206 = arith.constant 112 : index
      %swap3A_207 = tpu.vector_load %arg8[%swap3A_206] {strides = array<i32>} : memref<128xi32, #tpu.memory_space<vmem>>, vector<16xi32>,
      %swap3A_208 = vector.shape_cast %swap3A_207 : vector<16xi32> to vector<16xi32>
      %swap3A_209 = vector.shape_cast %select_n3A_205 : vector<16xi32> to vector<16xi32>
      tpu.vector_store %arg8[%swap3A_206], %swap3A_209 {strides = array<i32>} : memref<128xi32, #tpu.memory_space<vmem>>, vector<16xi32>,
      %mul3A_210 = arith.constant 128 : i32
      %mul3A_211 = arith.muli %add3A_58, %mul3A_210 : i32
      %add3A_212 = arith.addi %mul3A_4, %mul3A_211 : i32
      "tpu.region"() ({
        %run_scoped3A = tpu.sem_alloc : memref<!tpu.dma_semaphore, #tpu.memory_space<semaphore_mem>>
        %dma_start3A = arith.constant 0 : i32
        %dma_start3A_218 = tpu.memref_slice %arg3[%add3A_212, %dma_start3A] : memref<163840x16xf32, #tpu.memory_space<hbm>> -> memref<128x16xf32, #tpu.memory_space<hbm>>
        %dma_start3A_219 = arith.constant 0 : i32
        %dma_start3A_220 = tpu.memref_slice %arg3[%add3A_212, %dma_start3A_219] : memref<163840x16xf32, #tpu.memory_space<hbm>> -> memref<128x16xf32, #tpu.memory_space<hbm>>
        tpu.enqueue_dma source(%dma_start3A_220 : memref<128x16xf32, #tpu.memory_space<hbm>>) target(%arg13 : memref<128x16xf32, #tpu.memory_space<vmem>>) target_semaphore(%run_scoped3A : memref<!tpu.dma_semaphore, #tpu.memory_space<semaphore_mem>>)
        %dma_wait3A = arith.constant 0 : i32
        %dma_wait3A_221 = tpu.memref_slice %arg3[%add3A_212, %dma_wait3A] : memref<163840x16xf32, #tpu.memory_space<hbm>> -> memref<128x16xf32, #tpu.memory_space<hbm>>
        %dma_wait3A_222 = arith.constant 0 : i32
        %dma_wait3A_223 = tpu.memref_slice %arg3[%add3A_212, %dma_wait3A_222] : memref<163840x16xf32, #tpu.memory_space<hbm>> -> memref<128x16xf32, #tpu.memory_space<hbm>>
        tpu.wait_dma2 semaphore(%run_scoped3A : memref<!tpu.dma_semaphore, #tpu.memory_space<semaphore_mem>>) src(%dma_wait3A_223 : memref<128x16xf32, #tpu.memory_space<hbm>>) dst(%arg13 : memref<128x16xf32, #tpu.memory_space<vmem>>)
        tpu.yield
      }) : () -> ()
      %scan3A_213 = arith.constant 0 : i32
      %scan3A_214 = arith.constant 128 : i32
      %scan3A_215 = arith.addi %scan3A_213, %scan3A_214 : i32
      %scan3A_216 = arith.constant 1 : i32
      scf.for %scan3A_218 = %scan3A_213 to %scan3A_215 step %scan3A_216  : i32 {
        %mul3A_219 = arith.constant 1 : i32
        %mul3A_220 = arith.muli %scan3A_218, %mul3A_219 : i32
        %add3A_221 = arith.constant 0 : i32
        %add3A_222 = arith.addi %add3A_221, %mul3A_220 : i32
        %get3A_223 = arith.index_cast %add3A_222 : i32 to index
        %get3A_224 = arith.constant 0 : index
        %get3A_225 = tpu.vector_load %arg13[%get3A_223, %get3A_224] {strides = array<i32>} : memref<128x16xf32, #tpu.memory_space<vmem>>, vector<1x16xf32>,
        %get3A_226 = vector.shape_cast %get3A_225 : vector<1x16xf32> to vector<16xf32>
        %swap3A_227 = arith.index_cast %add3A_222 : i32 to index
        %swap3A_228 = arith.constant 0 : index
        %swap3A_229 = tpu.vector_load %arg10[%swap3A_227, %swap3A_228] {strides = array<i32>} : memref<128x128xf32, #tpu.memory_space<vmem>>, vector<1x16xf32>,
        %swap3A_230 = vector.shape_cast %swap3A_229 : vector<1x16xf32> to vector<16xf32>
        %swap3A_231 = vector.shape_cast %get3A_226 : vector<16xf32> to vector<1x16xf32>
        tpu.vector_store %arg10[%swap3A_227, %swap3A_228], %swap3A_231 {strides = array<i32>} : memref<128x128xf32, #tpu.memory_space<vmem>>, vector<1x16xf32>,
      }
      %scan3A_217 = arith.constant 128 : i32
      "tpu.region"() ({
        %run_scoped3A = tpu.sem_alloc : memref<!tpu.dma_semaphore, #tpu.memory_space<semaphore_mem>>
        %dma_start3A = arith.constant 0 : i32
        %dma_start3A_218 = arith.constant 0 : i32
        %dma_start3A_219 = tpu.memref_slice %arg15[%dma_start3A, %dma_start3A_218] : memref<5248x128xf32, #tpu.memory_space<vmem_shared>> -> memref<5248x128xf32, #tpu.memory_space<vmem_shared>>
        tpu.enqueue_indirect_dma source(%arg10 : memref<128x128xf32, #tpu.memory_space<vmem>>) target(%dma_start3A_219 : memref<5248x128xf32, #tpu.memory_space<vmem_shared>>) offsets(%arg8 : memref<128xi32, #tpu.memory_space<vmem>>) semaphore(%run_scoped3A : memref<!tpu.dma_semaphore, #tpu.memory_space<semaphore_mem>>) {add = true}
        %dma_wait3A = arith.constant 0 : i32
        %dma_wait3A_220 = arith.constant 0 : i32
        %dma_wait3A_221 = tpu.memref_slice %arg15[%dma_wait3A, %dma_wait3A_220] : memref<5248x128xf32, #tpu.memory_space<vmem_shared>> -> memref<5248x128xf32, #tpu.memory_space<vmem_shared>>
        tpu.wait_indirect_dma semaphore(%run_scoped3A : memref<!tpu.dma_semaphore, #tpu.memory_space<semaphore_mem>>) src(%arg10 : memref<128x128xf32, #tpu.memory_space<vmem>>) dst(%dma_wait3A_221 : memref<5248x128xf32, #tpu.memory_space<vmem_shared>>)
        tpu.yield
      }) : () -> ()
    }
    %scan3A_51 = arith.constant 80 : i32
    %barrier3A_52 = arith.constant 0 : index
    tpu.barrier barrier_id(%barrier3A_52)
    %add3A_53 = arith.addi %mul3A_0, %mul3A_25 : i32
    "tpu.region"() ({
      %run_scoped3A = tpu.sem_alloc : memref<!tpu.dma_semaphore, #tpu.memory_space<semaphore_mem>>
      %dma_start3A = arith.constant 0 : i32
      %dma_start3A_54 = tpu.memref_slice %arg6[%add3A_53, %dma_start3A] : memref<10240x128xf32, #tpu.memory_space<hbm>> -> memref<320x128xf32, #tpu.memory_space<hbm>>
      %dma_start3A_55 = arith.constant 0 : i32
      %dma_start3A_56 = tpu.memref_slice %arg15[%mul3A_25, %dma_start3A_55] : memref<5248x128xf32, #tpu.memory_space<vmem_shared>> -> memref<320x128xf32, #tpu.memory_space<vmem_shared>>
      tpu.enqueue_dma source(%dma_start3A_56 : memref<320x128xf32, #tpu.memory_space<vmem_shared>>) target(%dma_start3A_54 : memref<320x128xf32, #tpu.memory_space<hbm>>) target_semaphore(%run_scoped3A : memref<!tpu.dma_semaphore, #tpu.memory_space<semaphore_mem>>)
      %dma_wait3A = arith.constant 0 : i32
      %dma_wait3A_57 = tpu.memref_slice %arg6[%add3A_53, %dma_wait3A] : memref<10240x128xf32, #tpu.memory_space<hbm>> -> memref<320x128xf32, #tpu.memory_space<hbm>>
      %dma_wait3A_58 = arith.constant 0 : i32
      %dma_wait3A_59 = tpu.memref_slice %arg15[%mul3A_25, %dma_wait3A_58] : memref<5248x128xf32, #tpu.memory_space<vmem_shared>> -> memref<320x128xf32, #tpu.memory_space<vmem_shared>>
      tpu.wait_dma2 semaphore(%run_scoped3A : memref<!tpu.dma_semaphore, #tpu.memory_space<semaphore_mem>>) src(%dma_wait3A_59 : memref<320x128xf32, #tpu.memory_space<vmem_shared>>) dst(%dma_wait3A_57 : memref<320x128xf32, #tpu.memory_space<hbm>>)
      tpu.yield
    }) : () -> ()
    return
  }
}

#map = affine_map<(d0, d1) -> (0, 0)>
#map1 = affine_map<(d0, d1) -> (0, 0, 0)>
module attributes {stable_mosaic.version = 14 : i64} {
  func.func @k(%arg0: i32, %arg1: i32, %arg2: memref<10240x128xf32, #tpu.memory_space<hbm>>, %arg3: memref<10240x128xf32, #tpu.memory_space<hbm>>, %arg4: memref<32x40x128xi32, #tpu.memory_space<hbm>>, %arg5: memref<32x40x128xi32, #tpu.memory_space<hbm>>, %arg6: memref<163840x128xf32, #tpu.memory_space<hbm>>, %arg7: memref<163840x128xf32, #tpu.memory_space<hbm>>, %arg8: memref<163840x16xf32, #tpu.memory_space<hbm>>, %arg9: memref<40x128xi32, #tpu.memory_space<vmem>>, %arg10: memref<40x128xi32, #tpu.memory_space<vmem>>, %arg11: memref<128x128xf32, #tpu.memory_space<vmem>>, %arg12: memref<128x128xf32, #tpu.memory_space<vmem>>, %arg13: memref<128x128xf32, #tpu.memory_space<vmem>>, %arg14: memref<128x128xf32, #tpu.memory_space<vmem>>, %arg15: memref<128x16xf32, #tpu.memory_space<vmem>>, %arg16: memref<!tpu.dma_semaphore, #tpu.memory_space<semaphore_mem>>) attributes {dimension_semantics = [#tpu.dimension_semantics<core_parallel>, #tpu.dimension_semantics<subcore_parallel>], iteration_bounds = array<i64: 2, 16>, scalar_prefetch = 0 : i64, scratch_operands = 8 : i64, tpu.core_type = #tpu.core_type<sc_vector_subcore>, window_params = [{transform_indices = #map}, {transform_indices = #map}, {transform_indices = #map1}, {transform_indices = #map1}, {transform_indices = #map}, {transform_indices = #map}, {transform_indices = #map}]} {
    %mul3A = arith.constant 16 : i32
    %mul3A_0 = arith.muli %arg0, %mul3A : i32
    %add3A = arith.addi %mul3A_0, %arg1 : i32
    %mul3A_1 = arith.constant 5120 : i32
    %mul3A_2 = arith.muli %add3A, %mul3A_1 : i32
    "tpu.region"() ({
      %run_scoped3A = tpu.sem_alloc : memref<!tpu.dma_semaphore, #tpu.memory_space<semaphore_mem>>
      %dma_start3A = arith.constant 0 : i32
      %dma_start3A_7 = arith.constant 0 : i32
      %dma_start3A_8 = tpu.memref_slice %arg4[%add3A, %dma_start3A, %dma_start3A_7] : memref<32x40x128xi32, #tpu.memory_space<hbm>> -> memref<1x40x128xi32, #tpu.memory_space<hbm>>
      %dma_start3A_9 = tpu.memref_squeeze %dma_start3A_8 : memref<1x40x128xi32, #tpu.memory_space<hbm>> -> memref<40x128xi32, #tpu.memory_space<hbm>>
      %dma_start3A_10 = arith.constant 0 : i32
      %dma_start3A_11 = arith.constant 0 : i32
      %dma_start3A_12 = tpu.memref_slice %arg4[%add3A, %dma_start3A_10, %dma_start3A_11] : memref<32x40x128xi32, #tpu.memory_space<hbm>> -> memref<1x40x128xi32, #tpu.memory_space<hbm>>
      %dma_start3A_13 = tpu.memref_squeeze %dma_start3A_12 : memref<1x40x128xi32, #tpu.memory_space<hbm>> -> memref<40x128xi32, #tpu.memory_space<hbm>>
      tpu.enqueue_dma source(%dma_start3A_13 : memref<40x128xi32, #tpu.memory_space<hbm>>) target(%arg9 : memref<40x128xi32, #tpu.memory_space<vmem>>) target_semaphore(%run_scoped3A : memref<!tpu.dma_semaphore, #tpu.memory_space<semaphore_mem>>)
      %dma_wait3A = arith.constant 0 : i32
      %dma_wait3A_14 = arith.constant 0 : i32
      %dma_wait3A_15 = tpu.memref_slice %arg4[%add3A, %dma_wait3A, %dma_wait3A_14] : memref<32x40x128xi32, #tpu.memory_space<hbm>> -> memref<1x40x128xi32, #tpu.memory_space<hbm>>
      %dma_wait3A_16 = tpu.memref_squeeze %dma_wait3A_15 : memref<1x40x128xi32, #tpu.memory_space<hbm>> -> memref<40x128xi32, #tpu.memory_space<hbm>>
      %dma_wait3A_17 = arith.constant 0 : i32
      %dma_wait3A_18 = arith.constant 0 : i32
      %dma_wait3A_19 = tpu.memref_slice %arg4[%add3A, %dma_wait3A_17, %dma_wait3A_18] : memref<32x40x128xi32, #tpu.memory_space<hbm>> -> memref<1x40x128xi32, #tpu.memory_space<hbm>>
      %dma_wait3A_20 = tpu.memref_squeeze %dma_wait3A_19 : memref<1x40x128xi32, #tpu.memory_space<hbm>> -> memref<40x128xi32, #tpu.memory_space<hbm>>
      tpu.wait_dma2 semaphore(%run_scoped3A : memref<!tpu.dma_semaphore, #tpu.memory_space<semaphore_mem>>) src(%dma_wait3A_20 : memref<40x128xi32, #tpu.memory_space<hbm>>) dst(%arg9 : memref<40x128xi32, #tpu.memory_space<vmem>>)
      tpu.yield
    }) : () -> ()
    "tpu.region"() ({
      %run_scoped3A = tpu.sem_alloc : memref<!tpu.dma_semaphore, #tpu.memory_space<semaphore_mem>>
      %dma_start3A = arith.constant 0 : i32
      %dma_start3A_7 = arith.constant 0 : i32
      %dma_start3A_8 = tpu.memref_slice %arg5[%add3A, %dma_start3A, %dma_start3A_7] : memref<32x40x128xi32, #tpu.memory_space<hbm>> -> memref<1x40x128xi32, #tpu.memory_space<hbm>>
      %dma_start3A_9 = tpu.memref_squeeze %dma_start3A_8 : memref<1x40x128xi32, #tpu.memory_space<hbm>> -> memref<40x128xi32, #tpu.memory_space<hbm>>
      %dma_start3A_10 = arith.constant 0 : i32
      %dma_start3A_11 = arith.constant 0 : i32
      %dma_start3A_12 = tpu.memref_slice %arg5[%add3A, %dma_start3A_10, %dma_start3A_11] : memref<32x40x128xi32, #tpu.memory_space<hbm>> -> memref<1x40x128xi32, #tpu.memory_space<hbm>>
      %dma_start3A_13 = tpu.memref_squeeze %dma_start3A_12 : memref<1x40x128xi32, #tpu.memory_space<hbm>> -> memref<40x128xi32, #tpu.memory_space<hbm>>
      tpu.enqueue_dma source(%dma_start3A_13 : memref<40x128xi32, #tpu.memory_space<hbm>>) target(%arg10 : memref<40x128xi32, #tpu.memory_space<vmem>>) target_semaphore(%run_scoped3A : memref<!tpu.dma_semaphore, #tpu.memory_space<semaphore_mem>>)
      %dma_wait3A = arith.constant 0 : i32
      %dma_wait3A_14 = arith.constant 0 : i32
      %dma_wait3A_15 = tpu.memref_slice %arg5[%add3A, %dma_wait3A, %dma_wait3A_14] : memref<32x40x128xi32, #tpu.memory_space<hbm>> -> memref<1x40x128xi32, #tpu.memory_space<hbm>>
      %dma_wait3A_16 = tpu.memref_squeeze %dma_wait3A_15 : memref<1x40x128xi32, #tpu.memory_space<hbm>> -> memref<40x128xi32, #tpu.memory_space<hbm>>
      %dma_wait3A_17 = arith.constant 0 : i32
      %dma_wait3A_18 = arith.constant 0 : i32
      %dma_wait3A_19 = tpu.memref_slice %arg5[%add3A, %dma_wait3A_17, %dma_wait3A_18] : memref<32x40x128xi32, #tpu.memory_space<hbm>> -> memref<1x40x128xi32, #tpu.memory_space<hbm>>
      %dma_wait3A_20 = tpu.memref_squeeze %dma_wait3A_19 : memref<1x40x128xi32, #tpu.memory_space<hbm>> -> memref<40x128xi32, #tpu.memory_space<hbm>>
      tpu.wait_dma2 semaphore(%run_scoped3A : memref<!tpu.dma_semaphore, #tpu.memory_space<semaphore_mem>>) src(%dma_wait3A_20 : memref<40x128xi32, #tpu.memory_space<hbm>>) dst(%arg10 : memref<40x128xi32, #tpu.memory_space<vmem>>)
      tpu.yield
    }) : () -> ()
    %scan3A = arith.constant 0 : i32
    %scan3A_3 = arith.constant 40 : i32
    %scan3A_4 = arith.addi %scan3A, %scan3A_3 : i32
    %scan3A_5 = arith.constant 1 : i32
    scf.for %scan3A_7 = %scan3A to %scan3A_4 step %scan3A_5  : i32 {
      %mul3A_8 = arith.constant 1 : i32
      %mul3A_9 = arith.muli %scan3A_7, %mul3A_8 : i32
      %add3A_10 = arith.constant 0 : i32
      %add3A_11 = arith.addi %add3A_10, %mul3A_9 : i32
      "tpu.region"() ({
        %run_scoped3A = tpu.sem_alloc : memref<!tpu.dma_semaphore, #tpu.memory_space<semaphore_mem>>
        %dma_start3A = arith.constant 0 : i32
        %dma_start3A_20 = tpu.memref_slice %arg9[%add3A_11, %dma_start3A] : memref<40x128xi32, #tpu.memory_space<vmem>> -> memref<1x128xi32, #tpu.memory_space<vmem>>
        %dma_start3A_21 = tpu.memref_squeeze %dma_start3A_20 : memref<1x128xi32, #tpu.memory_space<vmem>> -> memref<128xi32, #tpu.memory_space<vmem>>
        %dma_start3A_22 = arith.constant 0 : i32
        %dma_start3A_23 = arith.constant 0 : i32
        %dma_start3A_24 = tpu.memref_slice %arg2[%dma_start3A_22, %dma_start3A_23] : memref<10240x128xf32, #tpu.memory_space<hbm>> -> memref<10240x128xf32, #tpu.memory_space<hbm>>
        tpu.enqueue_indirect_dma source(%dma_start3A_24 : memref<10240x128xf32, #tpu.memory_space<hbm>>) target(%arg11 : memref<128x128xf32, #tpu.memory_space<vmem>>) offsets(%dma_start3A_21 : memref<128xi32, #tpu.memory_space<vmem>>) semaphore(%run_scoped3A : memref<!tpu.dma_semaphore, #tpu.memory_space<semaphore_mem>>)
        %dma_wait3A = arith.constant 0 : i32
        %dma_wait3A_25 = tpu.memref_slice %arg9[%add3A_11, %dma_wait3A] : memref<40x128xi32, #tpu.memory_space<vmem>> -> memref<1x128xi32, #tpu.memory_space<vmem>>
        %dma_wait3A_26 = tpu.memref_squeeze %dma_wait3A_25 : memref<1x128xi32, #tpu.memory_space<vmem>> -> memref<128xi32, #tpu.memory_space<vmem>>
        %dma_wait3A_27 = arith.constant 0 : i32
        %dma_wait3A_28 = arith.constant 0 : i32
        %dma_wait3A_29 = tpu.memref_slice %arg2[%dma_wait3A_27, %dma_wait3A_28] : memref<10240x128xf32, #tpu.memory_space<hbm>> -> memref<10240x128xf32, #tpu.memory_space<hbm>>
        tpu.wait_indirect_dma semaphore(%run_scoped3A : memref<!tpu.dma_semaphore, #tpu.memory_space<semaphore_mem>>) src(%dma_wait3A_29 : memref<10240x128xf32, #tpu.memory_space<hbm>>) dst(%arg11 : memref<128x128xf32, #tpu.memory_space<vmem>>)
        tpu.yield
      }) : () -> ()
      "tpu.region"() ({
        %run_scoped3A = tpu.sem_alloc : memref<!tpu.dma_semaphore, #tpu.memory_space<semaphore_mem>>
        %dma_start3A = arith.constant 0 : i32
        %dma_start3A_20 = tpu.memref_slice %arg10[%add3A_11, %dma_start3A] : memref<40x128xi32, #tpu.memory_space<vmem>> -> memref<1x128xi32, #tpu.memory_space<vmem>>
        %dma_start3A_21 = tpu.memref_squeeze %dma_start3A_20 : memref<1x128xi32, #tpu.memory_space<vmem>> -> memref<128xi32, #tpu.memory_space<vmem>>
        %dma_start3A_22 = arith.constant 0 : i32
        %dma_start3A_23 = arith.constant 0 : i32
        %dma_start3A_24 = tpu.memref_slice %arg2[%dma_start3A_22, %dma_start3A_23] : memref<10240x128xf32, #tpu.memory_space<hbm>> -> memref<10240x128xf32, #tpu.memory_space<hbm>>
        tpu.enqueue_indirect_dma source(%dma_start3A_24 : memref<10240x128xf32, #tpu.memory_space<hbm>>) target(%arg12 : memref<128x128xf32, #tpu.memory_space<vmem>>) offsets(%dma_start3A_21 : memref<128xi32, #tpu.memory_space<vmem>>) semaphore(%run_scoped3A : memref<!tpu.dma_semaphore, #tpu.memory_space<semaphore_mem>>)
        %dma_wait3A = arith.constant 0 : i32
        %dma_wait3A_25 = tpu.memref_slice %arg10[%add3A_11, %dma_wait3A] : memref<40x128xi32, #tpu.memory_space<vmem>> -> memref<1x128xi32, #tpu.memory_space<vmem>>
        %dma_wait3A_26 = tpu.memref_squeeze %dma_wait3A_25 : memref<1x128xi32, #tpu.memory_space<vmem>> -> memref<128xi32, #tpu.memory_space<vmem>>
        %dma_wait3A_27 = arith.constant 0 : i32
        %dma_wait3A_28 = arith.constant 0 : i32
        %dma_wait3A_29 = tpu.memref_slice %arg2[%dma_wait3A_27, %dma_wait3A_28] : memref<10240x128xf32, #tpu.memory_space<hbm>> -> memref<10240x128xf32, #tpu.memory_space<hbm>>
        tpu.wait_indirect_dma semaphore(%run_scoped3A : memref<!tpu.dma_semaphore, #tpu.memory_space<semaphore_mem>>) src(%dma_wait3A_29 : memref<10240x128xf32, #tpu.memory_space<hbm>>) dst(%arg12 : memref<128x128xf32, #tpu.memory_space<vmem>>)
        tpu.yield
      }) : () -> ()
      "tpu.region"() ({
        %run_scoped3A = tpu.sem_alloc : memref<!tpu.dma_semaphore, #tpu.memory_space<semaphore_mem>>
        %dma_start3A = arith.constant 0 : i32
        %dma_start3A_20 = tpu.memref_slice %arg9[%add3A_11, %dma_start3A] : memref<40x128xi32, #tpu.memory_space<vmem>> -> memref<1x128xi32, #tpu.memory_space<vmem>>
        %dma_start3A_21 = tpu.memref_squeeze %dma_start3A_20 : memref<1x128xi32, #tpu.memory_space<vmem>> -> memref<128xi32, #tpu.memory_space<vmem>>
        %dma_start3A_22 = arith.constant 0 : i32
        %dma_start3A_23 = arith.constant 0 : i32
        %dma_start3A_24 = tpu.memref_slice %arg3[%dma_start3A_22, %dma_start3A_23] : memref<10240x128xf32, #tpu.memory_space<hbm>> -> memref<10240x128xf32, #tpu.memory_space<hbm>>
        tpu.enqueue_indirect_dma source(%dma_start3A_24 : memref<10240x128xf32, #tpu.memory_space<hbm>>) target(%arg13 : memref<128x128xf32, #tpu.memory_space<vmem>>) offsets(%dma_start3A_21 : memref<128xi32, #tpu.memory_space<vmem>>) semaphore(%run_scoped3A : memref<!tpu.dma_semaphore, #tpu.memory_space<semaphore_mem>>)
        %dma_wait3A = arith.constant 0 : i32
        %dma_wait3A_25 = tpu.memref_slice %arg9[%add3A_11, %dma_wait3A] : memref<40x128xi32, #tpu.memory_space<vmem>> -> memref<1x128xi32, #tpu.memory_space<vmem>>
        %dma_wait3A_26 = tpu.memref_squeeze %dma_wait3A_25 : memref<1x128xi32, #tpu.memory_space<vmem>> -> memref<128xi32, #tpu.memory_space<vmem>>
        %dma_wait3A_27 = arith.constant 0 : i32
        %dma_wait3A_28 = arith.constant 0 : i32
        %dma_wait3A_29 = tpu.memref_slice %arg3[%dma_wait3A_27, %dma_wait3A_28] : memref<10240x128xf32, #tpu.memory_space<hbm>> -> memref<10240x128xf32, #tpu.memory_space<hbm>>
        tpu.wait_indirect_dma semaphore(%run_scoped3A : memref<!tpu.dma_semaphore, #tpu.memory_space<semaphore_mem>>) src(%dma_wait3A_29 : memref<10240x128xf32, #tpu.memory_space<hbm>>) dst(%arg13 : memref<128x128xf32, #tpu.memory_space<vmem>>)
        tpu.yield
      }) : () -> ()
      "tpu.region"() ({
        %run_scoped3A = tpu.sem_alloc : memref<!tpu.dma_semaphore, #tpu.memory_space<semaphore_mem>>
        %dma_start3A = arith.constant 0 : i32
        %dma_start3A_20 = tpu.memref_slice %arg10[%add3A_11, %dma_start3A] : memref<40x128xi32, #tpu.memory_space<vmem>> -> memref<1x128xi32, #tpu.memory_space<vmem>>
        %dma_start3A_21 = tpu.memref_squeeze %dma_start3A_20 : memref<1x128xi32, #tpu.memory_space<vmem>> -> memref<128xi32, #tpu.memory_space<vmem>>
        %dma_start3A_22 = arith.constant 0 : i32
        %dma_start3A_23 = arith.constant 0 : i32
        %dma_start3A_24 = tpu.memref_slice %arg3[%dma_start3A_22, %dma_start3A_23] : memref<10240x128xf32, #tpu.memory_space<hbm>> -> memref<10240x128xf32, #tpu.memory_space<hbm>>
        tpu.enqueue_indirect_dma source(%dma_start3A_24 : memref<10240x128xf32, #tpu.memory_space<hbm>>) target(%arg14 : memref<128x128xf32, #tpu.memory_space<vmem>>) offsets(%dma_start3A_21 : memref<128xi32, #tpu.memory_space<vmem>>) semaphore(%run_scoped3A : memref<!tpu.dma_semaphore, #tpu.memory_space<semaphore_mem>>)
        %dma_wait3A = arith.constant 0 : i32
        %dma_wait3A_25 = tpu.memref_slice %arg10[%add3A_11, %dma_wait3A] : memref<40x128xi32, #tpu.memory_space<vmem>> -> memref<1x128xi32, #tpu.memory_space<vmem>>
        %dma_wait3A_26 = tpu.memref_squeeze %dma_wait3A_25 : memref<1x128xi32, #tpu.memory_space<vmem>> -> memref<128xi32, #tpu.memory_space<vmem>>
        %dma_wait3A_27 = arith.constant 0 : i32
        %dma_wait3A_28 = arith.constant 0 : i32
        %dma_wait3A_29 = tpu.memref_slice %arg3[%dma_wait3A_27, %dma_wait3A_28] : memref<10240x128xf32, #tpu.memory_space<hbm>> -> memref<10240x128xf32, #tpu.memory_space<hbm>>
        tpu.wait_indirect_dma semaphore(%run_scoped3A : memref<!tpu.dma_semaphore, #tpu.memory_space<semaphore_mem>>) src(%dma_wait3A_29 : memref<10240x128xf32, #tpu.memory_space<hbm>>) dst(%arg14 : memref<128x128xf32, #tpu.memory_space<vmem>>)
        tpu.yield
      }) : () -> ()
      %scan3A_12 = arith.constant 0 : i32
      %scan3A_13 = arith.constant 128 : i32
      %scan3A_14 = arith.addi %scan3A_12, %scan3A_13 : i32
      %scan3A_15 = arith.constant 1 : i32
      scf.for %scan3A_20 = %scan3A_12 to %scan3A_14 step %scan3A_15  : i32 {
        %mul3A_21 = arith.constant 1 : i32
        %mul3A_22 = arith.muli %scan3A_20, %mul3A_21 : i32
        %add3A_23 = arith.constant 0 : i32
        %add3A_24 = arith.addi %add3A_23, %mul3A_22 : i32
        %get3A = arith.index_cast %add3A_24 : i32 to index
        %get3A_25 = arith.constant 0 : index
        %get3A_26 = tpu.vector_load %arg13[%get3A, %get3A_25] {strides = array<i32>} : memref<128x128xf32, #tpu.memory_space<vmem>>, vector<1x16xf32>,
        %get3A_27 = vector.shape_cast %get3A_26 : vector<1x16xf32> to vector<16xf32>
        %get3A_28 = arith.index_cast %add3A_24 : i32 to index
        %get3A_29 = arith.constant 0 : index
        %get3A_30 = tpu.vector_load %arg14[%get3A_28, %get3A_29] {strides = array<i32>} : memref<128x128xf32, #tpu.memory_space<vmem>>, vector<1x16xf32>,
        %get3A_31 = vector.shape_cast %get3A_30 : vector<1x16xf32> to vector<16xf32>
        %sub3A = arith.subf %get3A_27, %get3A_31 : vector<16xf32>
        %swap3A = arith.index_cast %add3A_24 : i32 to index
        %swap3A_32 = arith.constant 0 : index
        %swap3A_33 = tpu.vector_load %arg15[%swap3A, %swap3A_32] {strides = array<i32>} : memref<128x16xf32, #tpu.memory_space<vmem>>, vector<1x16xf32>,
        %swap3A_34 = vector.shape_cast %swap3A_33 : vector<1x16xf32> to vector<16xf32>
        %swap3A_35 = vector.shape_cast %sub3A : vector<16xf32> to vector<1x16xf32>
        tpu.vector_store %arg15[%swap3A, %swap3A_32], %swap3A_35 {strides = array<i32>} : memref<128x16xf32, #tpu.memory_space<vmem>>, vector<1x16xf32>,
      }
      %scan3A_16 = arith.constant 128 : i32
      %mul3A_17 = arith.constant 128 : i32
      %mul3A_18 = arith.muli %add3A_11, %mul3A_17 : i32
      %add3A_19 = arith.addi %mul3A_2, %mul3A_18 : i32
      "tpu.region"() ({
        %run_scoped3A = tpu.sem_alloc : memref<!tpu.dma_semaphore, #tpu.memory_space<semaphore_mem>>
        %dma_start3A = arith.constant 0 : i32
        %dma_start3A_20 = tpu.memref_slice %arg6[%add3A_19, %dma_start3A] : memref<163840x128xf32, #tpu.memory_space<hbm>> -> memref<128x128xf32, #tpu.memory_space<hbm>>
        %dma_start3A_21 = arith.constant 0 : i32
        %dma_start3A_22 = tpu.memref_slice %arg6[%add3A_19, %dma_start3A_21] : memref<163840x128xf32, #tpu.memory_space<hbm>> -> memref<128x128xf32, #tpu.memory_space<hbm>>
        tpu.enqueue_dma source(%arg11 : memref<128x128xf32, #tpu.memory_space<vmem>>) target(%dma_start3A_22 : memref<128x128xf32, #tpu.memory_space<hbm>>) target_semaphore(%run_scoped3A : memref<!tpu.dma_semaphore, #tpu.memory_space<semaphore_mem>>)
        %dma_wait3A = arith.constant 0 : i32
        %dma_wait3A_23 = tpu.memref_slice %arg6[%add3A_19, %dma_wait3A] : memref<163840x128xf32, #tpu.memory_space<hbm>> -> memref<128x128xf32, #tpu.memory_space<hbm>>
        %dma_wait3A_24 = arith.constant 0 : i32
        %dma_wait3A_25 = tpu.memref_slice %arg6[%add3A_19, %dma_wait3A_24] : memref<163840x128xf32, #tpu.memory_space<hbm>> -> memref<128x128xf32, #tpu.memory_space<hbm>>
        tpu.wait_dma2 semaphore(%run_scoped3A : memref<!tpu.dma_semaphore, #tpu.memory_space<semaphore_mem>>) src(%arg11 : memref<128x128xf32, #tpu.memory_space<vmem>>) dst(%dma_wait3A_25 : memref<128x128xf32, #tpu.memory_space<hbm>>)
        tpu.yield
      }) : () -> ()
      "tpu.region"() ({
        %run_scoped3A = tpu.sem_alloc : memref<!tpu.dma_semaphore, #tpu.memory_space<semaphore_mem>>
        %dma_start3A = arith.constant 0 : i32
        %dma_start3A_20 = tpu.memref_slice %arg7[%add3A_19, %dma_start3A] : memref<163840x128xf32, #tpu.memory_space<hbm>> -> memref<128x128xf32, #tpu.memory_space<hbm>>
        %dma_start3A_21 = arith.constant 0 : i32
        %dma_start3A_22 = tpu.memref_slice %arg7[%add3A_19, %dma_start3A_21] : memref<163840x128xf32, #tpu.memory_space<hbm>> -> memref<128x128xf32, #tpu.memory_space<hbm>>
        tpu.enqueue_dma source(%arg12 : memref<128x128xf32, #tpu.memory_space<vmem>>) target(%dma_start3A_22 : memref<128x128xf32, #tpu.memory_space<hbm>>) target_semaphore(%run_scoped3A : memref<!tpu.dma_semaphore, #tpu.memory_space<semaphore_mem>>)
        %dma_wait3A = arith.constant 0 : i32
        %dma_wait3A_23 = tpu.memref_slice %arg7[%add3A_19, %dma_wait3A] : memref<163840x128xf32, #tpu.memory_space<hbm>> -> memref<128x128xf32, #tpu.memory_space<hbm>>
        %dma_wait3A_24 = arith.constant 0 : i32
        %dma_wait3A_25 = tpu.memref_slice %arg7[%add3A_19, %dma_wait3A_24] : memref<163840x128xf32, #tpu.memory_space<hbm>> -> memref<128x128xf32, #tpu.memory_space<hbm>>
        tpu.wait_dma2 semaphore(%run_scoped3A : memref<!tpu.dma_semaphore, #tpu.memory_space<semaphore_mem>>) src(%arg12 : memref<128x128xf32, #tpu.memory_space<vmem>>) dst(%dma_wait3A_25 : memref<128x128xf32, #tpu.memory_space<hbm>>)
        tpu.yield
      }) : () -> ()
      "tpu.region"() ({
        %run_scoped3A = tpu.sem_alloc : memref<!tpu.dma_semaphore, #tpu.memory_space<semaphore_mem>>
        %dma_start3A = arith.constant 0 : i32
        %dma_start3A_20 = tpu.memref_slice %arg8[%add3A_19, %dma_start3A] : memref<163840x16xf32, #tpu.memory_space<hbm>> -> memref<128x16xf32, #tpu.memory_space<hbm>>
        %dma_start3A_21 = arith.constant 0 : i32
        %dma_start3A_22 = tpu.memref_slice %arg8[%add3A_19, %dma_start3A_21] : memref<163840x16xf32, #tpu.memory_space<hbm>> -> memref<128x16xf32, #tpu.memory_space<hbm>>
        tpu.enqueue_dma source(%arg15 : memref<128x16xf32, #tpu.memory_space<vmem>>) target(%dma_start3A_22 : memref<128x16xf32, #tpu.memory_space<hbm>>) target_semaphore(%run_scoped3A : memref<!tpu.dma_semaphore, #tpu.memory_space<semaphore_mem>>)
        %dma_wait3A = arith.constant 0 : i32
        %dma_wait3A_23 = tpu.memref_slice %arg8[%add3A_19, %dma_wait3A] : memref<163840x16xf32, #tpu.memory_space<hbm>> -> memref<128x16xf32, #tpu.memory_space<hbm>>
        %dma_wait3A_24 = arith.constant 0 : i32
        %dma_wait3A_25 = tpu.memref_slice %arg8[%add3A_19, %dma_wait3A_24] : memref<163840x16xf32, #tpu.memory_space<hbm>> -> memref<128x16xf32, #tpu.memory_space<hbm>>
        tpu.wait_dma2 semaphore(%run_scoped3A : memref<!tpu.dma_semaphore, #tpu.memory_space<semaphore_mem>>) src(%arg15 : memref<128x16xf32, #tpu.memory_space<vmem>>) dst(%dma_wait3A_25 : memref<128x16xf32, #tpu.memory_space<hbm>>)
        tpu.yield
      }) : () -> ()
    }
    %scan3A_6 = arith.constant 40 : i32
    return
  }
}

#map = affine_map<(d0, d1) -> (0, 0)>
#map1 = affine_map<(d0, d1) -> (0, 0, 0)>
module attributes {stable_mosaic.version = 14 : i64} {
  func.func @k(%arg0: i32, %arg1: i32, %arg2: memref<163840x128xf32, #tpu.memory_space<hbm>>, %arg3: memref<163840x16xf32, #tpu.memory_space<hbm>>, %arg4: memref<16x80x128xi32, #tpu.memory_space<hbm>>, %arg5: memref<10240x128xf32, #tpu.memory_space<hbm>>, %arg6: memref<10240x128xf32, #tpu.memory_space<hbm>>, %arg7: memref<80x128xi32, #tpu.memory_space<vmem>>, %arg8: memref<128xi32, #tpu.memory_space<vmem>>, %arg9: memref<128xi32, #tpu.memory_space<vmem>>, %arg10: memref<128x128xf32, #tpu.memory_space<vmem>>, %arg11: memref<128x128xf32, #tpu.memory_space<vmem>>, %arg12: memref<128x128xf32, #tpu.memory_space<vmem>>, %arg13: memref<128x16xf32, #tpu.memory_space<vmem>>, %arg14: memref<128x16xf32, #tpu.memory_space<vmem>>, %arg15: memref<5248x128xf32, #tpu.memory_space<vmem_shared>>, %arg16: memref<!tpu.dma_semaphore, #tpu.memory_space<semaphore_mem>>, %arg17: memref<!tpu.dma_semaphore, #tpu.memory_space<semaphore_mem>>) attributes {dimension_semantics = [#tpu.dimension_semantics<core_parallel>, #tpu.dimension_semantics<subcore_parallel>], iteration_bounds = array<i64: 2, 16>, scalar_prefetch = 0 : i64, scratch_operands = 11 : i64, tpu.core_type = #tpu.core_type<sc_vector_subcore>, window_params = [{transform_indices = #map}, {transform_indices = #map}, {transform_indices = #map1}, {transform_indices = #map}, {transform_indices = #map}]} {
    %mul3A = arith.constant 5120 : i32
    %mul3A_0 = arith.muli %arg0, %mul3A : i32
    %mul3A_1 = arith.constant 80 : i32
    %mul3A_2 = arith.muli %arg1, %mul3A_1 : i32
    %mul3A_3 = arith.constant 128 : i32
    %mul3A_4 = arith.muli %mul3A_2, %mul3A_3 : i32
    "tpu.region"() ({
      %run_scoped3A = tpu.sem_alloc : memref<!tpu.dma_semaphore, #tpu.memory_space<semaphore_mem>>
      %dma_start3A = arith.constant 0 : i32
      %dma_start3A_54 = arith.constant 0 : i32
      %dma_start3A_55 = tpu.memref_slice %arg4[%arg1, %dma_start3A, %dma_start3A_54] : memref<16x80x128xi32, #tpu.memory_space<hbm>> -> memref<1x80x128xi32, #tpu.memory_space<hbm>>
      %dma_start3A_56 = tpu.memref_squeeze %dma_start3A_55 : memref<1x80x128xi32, #tpu.memory_space<hbm>> -> memref<80x128xi32, #tpu.memory_space<hbm>>
      %dma_start3A_57 = arith.constant 0 : i32
      %dma_start3A_58 = arith.constant 0 : i32
      %dma_start3A_59 = tpu.memref_slice %arg4[%arg1, %dma_start3A_57, %dma_start3A_58] : memref<16x80x128xi32, #tpu.memory_space<hbm>> -> memref<1x80x128xi32, #tpu.memory_space<hbm>>
      %dma_start3A_60 = tpu.memref_squeeze %dma_start3A_59 : memref<1x80x128xi32, #tpu.memory_space<hbm>> -> memref<80x128xi32, #tpu.memory_space<hbm>>
      tpu.enqueue_dma source(%dma_start3A_60 : memref<80x128xi32, #tpu.memory_space<hbm>>) target(%arg7 : memref<80x128xi32, #tpu.memory_space<vmem>>) target_semaphore(%run_scoped3A : memref<!tpu.dma_semaphore, #tpu.memory_space<semaphore_mem>>)
      %dma_wait3A = arith.constant 0 : i32
      %dma_wait3A_61 = arith.constant 0 : i32
      %dma_wait3A_62 = tpu.memref_slice %arg4[%arg1, %dma_wait3A, %dma_wait3A_61] : memref<16x80x128xi32, #tpu.memory_space<hbm>> -> memref<1x80x128xi32, #tpu.memory_space<hbm>>
      %dma_wait3A_63 = tpu.memref_squeeze %dma_wait3A_62 : memref<1x80x128xi32, #tpu.memory_space<hbm>> -> memref<80x128xi32, #tpu.memory_space<hbm>>
      %dma_wait3A_64 = arith.constant 0 : i32
      %dma_wait3A_65 = arith.constant 0 : i32
      %dma_wait3A_66 = tpu.memref_slice %arg4[%arg1, %dma_wait3A_64, %dma_wait3A_65] : memref<16x80x128xi32, #tpu.memory_space<hbm>> -> memref<1x80x128xi32, #tpu.memory_space<hbm>>
      %dma_wait3A_67 = tpu.memref_squeeze %dma_wait3A_66 : memref<1x80x128xi32, #tpu.memory_space<hbm>> -> memref<80x128xi32, #tpu.memory_space<hbm>>
      tpu.wait_dma2 semaphore(%run_scoped3A : memref<!tpu.dma_semaphore, #tpu.memory_space<semaphore_mem>>) src(%dma_wait3A_67 : memref<80x128xi32, #tpu.memory_space<hbm>>) dst(%arg7 : memref<80x128xi32, #tpu.memory_space<vmem>>)
      tpu.yield
    }) : () -> ()
    %scan3A = arith.constant 0 : i32
    %scan3A_5 = arith.constant 128 : i32
    %scan3A_6 = arith.addi %scan3A, %scan3A_5 : i32
    %scan3A_7 = arith.constant 1 : i32
    scf.for %scan3A_54 = %scan3A to %scan3A_6 step %scan3A_7  : i32 {
      %mul3A_55 = arith.constant 1 : i32
      %mul3A_56 = arith.muli %scan3A_54, %mul3A_55 : i32
      %add3A_57 = arith.constant 0 : i32
      %add3A_58 = arith.addi %add3A_57, %mul3A_56 : i32
      %broadcast_in_dim3A = arith.constant 0.000000e+00 : f32
      %broadcast_in_dim3A_59 = vector.broadcast %broadcast_in_dim3A : f32 to vector<16xf32>
      %swap3A = arith.index_cast %add3A_58 : i32 to index
      %swap3A_60 = arith.constant 0 : index
      %swap3A_61 = tpu.vector_load %arg12[%swap3A, %swap3A_60] {strides = array<i32>} : memref<128x128xf32, #tpu.memory_space<vmem>>, vector<1x16xf32>,
      %swap3A_62 = vector.shape_cast %swap3A_61 : vector<1x16xf32> to vector<16xf32>
      %swap3A_63 = vector.shape_cast %broadcast_in_dim3A_59 : vector<16xf32> to vector<1x16xf32>
      tpu.vector_store %arg12[%swap3A, %swap3A_60], %swap3A_63 {strides = array<i32>} : memref<128x128xf32, #tpu.memory_space<vmem>>, vector<1x16xf32>,
      %broadcast_in_dim3A_64 = arith.constant 0.000000e+00 : f32
      %broadcast_in_dim3A_65 = vector.broadcast %broadcast_in_dim3A_64 : f32 to vector<16xf32>
      %swap3A_66 = arith.index_cast %add3A_58 : i32 to index
      %swap3A_67 = arith.constant 16 : index
      %swap3A_68 = tpu.vector_load %arg12[%swap3A_66, %swap3A_67] {strides = array<i32>} : memref<128x128xf32, #tpu.memory_space<vmem>>, vector<1x16xf32>,
      %swap3A_69 = vector.shape_cast %swap3A_68 : vector<1x16xf32> to vector<16xf32>
      %swap3A_70 = vector.shape_cast %broadcast_in_dim3A_65 : vector<16xf32> to vector<1x16xf32>
      tpu.vector_store %arg12[%swap3A_66, %swap3A_67], %swap3A_70 {strides = array<i32>} : memref<128x128xf32, #tpu.memory_space<vmem>>, vector<1x16xf32>,
      %broadcast_in_dim3A_71 = arith.constant 0.000000e+00 : f32
      %broadcast_in_dim3A_72 = vector.broadcast %broadcast_in_dim3A_71 : f32 to vector<16xf32>
      %swap3A_73 = arith.index_cast %add3A_58 : i32 to index
      %swap3A_74 = arith.constant 32 : index
      %swap3A_75 = tpu.vector_load %arg12[%swap3A_73, %swap3A_74] {strides = array<i32>} : memref<128x128xf32, #tpu.memory_space<vmem>>, vector<1x16xf32>,
      %swap3A_76 = vector.shape_cast %swap3A_75 : vector<1x16xf32> to vector<16xf32>
      %swap3A_77 = vector.shape_cast %broadcast_in_dim3A_72 : vector<16xf32> to vector<1x16xf32>
      tpu.vector_store %arg12[%swap3A_73, %swap3A_74], %swap3A_77 {strides = array<i32>} : memref<128x128xf32, #tpu.memory_space<vmem>>, vector<1x16xf32>,
      %broadcast_in_dim3A_78 = arith.constant 0.000000e+00 : f32
      %broadcast_in_dim3A_79 = vector.broadcast %broadcast_in_dim3A_78 : f32 to vector<16xf32>
      %swap3A_80 = arith.index_cast %add3A_58 : i32 to index
      %swap3A_81 = arith.constant 48 : index
      %swap3A_82 = tpu.vector_load %arg12[%swap3A_80, %swap3A_81] {strides = array<i32>} : memref<128x128xf32, #tpu.memory_space<vmem>>, vector<1x16xf32>,
      %swap3A_83 = vector.shape_cast %swap3A_82 : vector<1x16xf32> to vector<16xf32>
      %swap3A_84 = vector.shape_cast %broadcast_in_dim3A_79 : vector<16xf32> to vector<1x16xf32>
      tpu.vector_store %arg12[%swap3A_80, %swap3A_81], %swap3A_84 {strides = array<i32>} : memref<128x128xf32, #tpu.memory_space<vmem>>, vector<1x16xf32>,
      %broadcast_in_dim3A_85 = arith.constant 0.000000e+00 : f32
      %broadcast_in_dim3A_86 = vector.broadcast %broadcast_in_dim3A_85 : f32 to vector<16xf32>
      %swap3A_87 = arith.index_cast %add3A_58 : i32 to index
      %swap3A_88 = arith.constant 64 : index
      %swap3A_89 = tpu.vector_load %arg12[%swap3A_87, %swap3A_88] {strides = array<i32>} : memref<128x128xf32, #tpu.memory_space<vmem>>, vector<1x16xf32>,
      %swap3A_90 = vector.shape_cast %swap3A_89 : vector<1x16xf32> to vector<16xf32>
      %swap3A_91 = vector.shape_cast %broadcast_in_dim3A_86 : vector<16xf32> to vector<1x16xf32>
      tpu.vector_store %arg12[%swap3A_87, %swap3A_88], %swap3A_91 {strides = array<i32>} : memref<128x128xf32, #tpu.memory_space<vmem>>, vector<1x16xf32>,
      %broadcast_in_dim3A_92 = arith.constant 0.000000e+00 : f32
      %broadcast_in_dim3A_93 = vector.broadcast %broadcast_in_dim3A_92 : f32 to vector<16xf32>
      %swap3A_94 = arith.index_cast %add3A_58 : i32 to index
      %swap3A_95 = arith.constant 80 : index
      %swap3A_96 = tpu.vector_load %arg12[%swap3A_94, %swap3A_95] {strides = array<i32>} : memref<128x128xf32, #tpu.memory_space<vmem>>, vector<1x16xf32>,
      %swap3A_97 = vector.shape_cast %swap3A_96 : vector<1x16xf32> to vector<16xf32>
      %swap3A_98 = vector.shape_cast %broadcast_in_dim3A_93 : vector<16xf32> to vector<1x16xf32>
      tpu.vector_store %arg12[%swap3A_94, %swap3A_95], %swap3A_98 {strides = array<i32>} : memref<128x128xf32, #tpu.memory_space<vmem>>, vector<1x16xf32>,
      %broadcast_in_dim3A_99 = arith.constant 0.000000e+00 : f32
      %broadcast_in_dim3A_100 = vector.broadcast %broadcast_in_dim3A_99 : f32 to vector<16xf32>
      %swap3A_101 = arith.index_cast %add3A_58 : i32 to index
      %swap3A_102 = arith.constant 96 : index
      %swap3A_103 = tpu.vector_load %arg12[%swap3A_101, %swap3A_102] {strides = array<i32>} : memref<128x128xf32, #tpu.memory_space<vmem>>, vector<1x16xf32>,
      %swap3A_104 = vector.shape_cast %swap3A_103 : vector<1x16xf32> to vector<16xf32>
      %swap3A_105 = vector.shape_cast %broadcast_in_dim3A_100 : vector<16xf32> to vector<1x16xf32>
      tpu.vector_store %arg12[%swap3A_101, %swap3A_102], %swap3A_105 {strides = array<i32>} : memref<128x128xf32, #tpu.memory_space<vmem>>, vector<1x16xf32>,
      %broadcast_in_dim3A_106 = arith.constant 0.000000e+00 : f32
      %broadcast_in_dim3A_107 = vector.broadcast %broadcast_in_dim3A_106 : f32 to vector<16xf32>
      %swap3A_108 = arith.index_cast %add3A_58 : i32 to index
      %swap3A_109 = arith.constant 112 : index
      %swap3A_110 = tpu.vector_load %arg12[%swap3A_108, %swap3A_109] {strides = array<i32>} : memref<128x128xf32, #tpu.memory_space<vmem>>, vector<1x16xf32>,
      %swap3A_111 = vector.shape_cast %swap3A_110 : vector<1x16xf32> to vector<16xf32>
      %swap3A_112 = vector.shape_cast %broadcast_in_dim3A_107 : vector<16xf32> to vector<1x16xf32>
      tpu.vector_store %arg12[%swap3A_108, %swap3A_109], %swap3A_112 {strides = array<i32>} : memref<128x128xf32, #tpu.memory_space<vmem>>, vector<1x16xf32>,
    }
    %scan3A_8 = arith.constant 128 : i32
    %mul3A_9 = arith.constant 320 : i32
    %mul3A_10 = arith.muli %arg1, %mul3A_9 : i32
    %add3A = arith.constant 0 : i32
    %add3A_11 = arith.addi %mul3A_10, %add3A : i32
    "tpu.region"() ({
      %run_scoped3A = tpu.sem_alloc : memref<!tpu.dma_semaphore, #tpu.memory_space<semaphore_mem>>
      %dma_start3A = arith.constant 0 : i32
      %dma_start3A_54 = tpu.memref_slice %arg15[%add3A_11, %dma_start3A] : memref<5248x128xf32, #tpu.memory_space<vmem_shared>> -> memref<128x128xf32, #tpu.memory_space<vmem_shared>>
      %dma_start3A_55 = arith.constant 0 : i32
      %dma_start3A_56 = tpu.memref_slice %arg15[%add3A_11, %dma_start3A_55] : memref<5248x128xf32, #tpu.memory_space<vmem_shared>> -> memref<128x128xf32, #tpu.memory_space<vmem_shared>>
      tpu.enqueue_dma source(%arg12 : memref<128x128xf32, #tpu.memory_space<vmem>>) target(%dma_start3A_56 : memref<128x128xf32, #tpu.memory_space<vmem_shared>>) target_semaphore(%run_scoped3A : memref<!tpu.dma_semaphore, #tpu.memory_space<semaphore_mem>>)
      %dma_wait3A = arith.constant 0 : i32
      %dma_wait3A_57 = tpu.memref_slice %arg15[%add3A_11, %dma_wait3A] : memref<5248x128xf32, #tpu.memory_space<vmem_shared>> -> memref<128x128xf32, #tpu.memory_space<vmem_shared>>
      %dma_wait3A_58 = arith.constant 0 : i32
      %dma_wait3A_59 = tpu.memref_slice %arg15[%add3A_11, %dma_wait3A_58] : memref<5248x128xf32, #tpu.memory_space<vmem_shared>> -> memref<128x128xf32, #tpu.memory_space<vmem_shared>>
      tpu.wait_dma2 semaphore(%run_scoped3A : memref<!tpu.dma_semaphore, #tpu.memory_space<semaphore_mem>>) src(%arg12 : memref<128x128xf32, #tpu.memory_space<vmem>>) dst(%dma_wait3A_59 : memref<128x128xf32, #tpu.memory_space<vmem_shared>>)
      tpu.yield
    }) : () -> ()
    %add3A_12 = arith.constant 128 : i32
    %add3A_13 = arith.addi %mul3A_10, %add3A_12 : i32
    "tpu.region"() ({
      %run_scoped3A = tpu.sem_alloc : memref<!tpu.dma_semaphore, #tpu.memory_space<semaphore_mem>>
      %dma_start3A = arith.constant 0 : i32
      %dma_start3A_54 = tpu.memref_slice %arg15[%add3A_13, %dma_start3A] : memref<5248x128xf32, #tpu.memory_space<vmem_shared>> -> memref<128x128xf32, #tpu.memory_space<vmem_shared>>
      %dma_start3A_55 = arith.constant 0 : i32
      %dma_start3A_56 = tpu.memref_slice %arg15[%add3A_13, %dma_start3A_55] : memref<5248x128xf32, #tpu.memory_space<vmem_shared>> -> memref<128x128xf32, #tpu.memory_space<vmem_shared>>
      tpu.enqueue_dma source(%arg12 : memref<128x128xf32, #tpu.memory_space<vmem>>) target(%dma_start3A_56 : memref<128x128xf32, #tpu.memory_space<vmem_shared>>) target_semaphore(%run_scoped3A : memref<!tpu.dma_semaphore, #tpu.memory_space<semaphore_mem>>)
      %dma_wait3A = arith.constant 0 : i32
      %dma_wait3A_57 = tpu.memref_slice %arg15[%add3A_13, %dma_wait3A] : memref<5248x128xf32, #tpu.memory_space<vmem_shared>> -> memref<128x128xf32, #tpu.memory_space<vmem_shared>>
      %dma_wait3A_58 = arith.constant 0 : i32
      %dma_wait3A_59 = tpu.memref_slice %arg15[%add3A_13, %dma_wait3A_58] : memref<5248x128xf32, #tpu.memory_space<vmem_shared>> -> memref<128x128xf32, #tpu.memory_space<vmem_shared>>
      tpu.wait_dma2 semaphore(%run_scoped3A : memref<!tpu.dma_semaphore, #tpu.memory_space<semaphore_mem>>) src(%arg12 : memref<128x128xf32, #tpu.memory_space<vmem>>) dst(%dma_wait3A_59 : memref<128x128xf32, #tpu.memory_space<vmem_shared>>)
      tpu.yield
    }) : () -> ()
    %add3A_14 = arith.constant 256 : i32
    %add3A_15 = arith.addi %mul3A_10, %add3A_14 : i32
    "tpu.region"() ({
      %run_scoped3A = tpu.sem_alloc : memref<!tpu.dma_semaphore, #tpu.memory_space<semaphore_mem>>
      %dma_start3A = arith.constant 0 : i32
      %dma_start3A_54 = arith.constant 0 : i32
      %dma_start3A_55 = tpu.memref_slice %arg12[%dma_start3A, %dma_start3A_54] : memref<128x128xf32, #tpu.memory_space<vmem>> -> memref<64x128xf32, #tpu.memory_space<vmem>>
      %dma_start3A_56 = arith.constant 0 : i32
      %dma_start3A_57 = tpu.memref_slice %arg15[%add3A_15, %dma_start3A_56] : memref<5248x128xf32, #tpu.memory_space<vmem_shared>> -> memref<64x128xf32, #tpu.memory_space<vmem_shared>>
      %dma_start3A_58 = arith.constant 0 : i32
      %dma_start3A_59 = tpu.memref_slice %arg15[%add3A_15, %dma_start3A_58] : memref<5248x128xf32, #tpu.memory_space<vmem_shared>> -> memref<64x128xf32, #tpu.memory_space<vmem_shared>>
      %dma_start3A_60 = arith.constant 0 : i32
      %dma_start3A_61 = arith.constant 0 : i32
      %dma_start3A_62 = tpu.memref_slice %arg12[%dma_start3A_60, %dma_start3A_61] : memref<128x128xf32, #tpu.memory_space<vmem>> -> memref<64x128xf32, #tpu.memory_space<vmem>>
      tpu.enqueue_dma source(%dma_start3A_62 : memref<64x128xf32, #tpu.memory_space<vmem>>) target(%dma_start3A_59 : memref<64x128xf32, #tpu.memory_space<vmem_shared>>) target_semaphore(%run_scoped3A : memref<!tpu.dma_semaphore, #tpu.memory_space<semaphore_mem>>)
      %dma_wait3A = arith.constant 0 : i32
      %dma_wait3A_63 = arith.constant 0 : i32
      %dma_wait3A_64 = tpu.memref_slice %arg12[%dma_wait3A, %dma_wait3A_63] : memref<128x128xf32, #tpu.memory_space<vmem>> -> memref<64x128xf32, #tpu.memory_space<vmem>>
      %dma_wait3A_65 = arith.constant 0 : i32
      %dma_wait3A_66 = tpu.memref_slice %arg15[%add3A_15, %dma_wait3A_65] : memref<5248x128xf32, #tpu.memory_space<vmem_shared>> -> memref<64x128xf32, #tpu.memory_space<vmem_shared>>
      %dma_wait3A_67 = arith.constant 0 : i32
      %dma_wait3A_68 = tpu.memref_slice %arg15[%add3A_15, %dma_wait3A_67] : memref<5248x128xf32, #tpu.memory_space<vmem_shared>> -> memref<64x128xf32, #tpu.memory_space<vmem_shared>>
      %dma_wait3A_69 = arith.constant 0 : i32
      %dma_wait3A_70 = arith.constant 0 : i32
      %dma_wait3A_71 = tpu.memref_slice %arg12[%dma_wait3A_69, %dma_wait3A_70] : memref<128x128xf32, #tpu.memory_space<vmem>> -> memref<64x128xf32, #tpu.memory_space<vmem>>
      tpu.wait_dma2 semaphore(%run_scoped3A : memref<!tpu.dma_semaphore, #tpu.memory_space<semaphore_mem>>) src(%dma_wait3A_71 : memref<64x128xf32, #tpu.memory_space<vmem>>) dst(%dma_wait3A_68 : memref<64x128xf32, #tpu.memory_space<vmem_shared>>)
      tpu.yield
    }) : () -> ()
    %eq3A = arith.constant 0 : i32
    %eq3A_16 = arith.cmpi eq, %arg1, %eq3A : i32
    %convert_element_type3A = arith.extui %eq3A_16 : i1 to i32
    %cond3A = arith.constant 0 : i32
    %cond3A_17 = arith.cmpi ne, %convert_element_type3A, %cond3A : i32
    scf.if %cond3A_17 {
      "tpu.region"() ({
        %run_scoped3A = tpu.sem_alloc : memref<!tpu.dma_semaphore, #tpu.memory_space<semaphore_mem>>
        %dma_start3A = arith.constant 5120 : i32
        %dma_start3A_54 = arith.constant 0 : i32
        %dma_start3A_55 = tpu.memref_slice %arg15[%dma_start3A, %dma_start3A_54] : memref<5248x128xf32, #tpu.memory_space<vmem_shared>> -> memref<128x128xf32, #tpu.memory_space<vmem_shared>>
        %dma_start3A_56 = arith.constant 5120 : i32
        %dma_start3A_57 = arith.constant 0 : i32
        %dma_start3A_58 = tpu.memref_slice %arg15[%dma_start3A_56, %dma_start3A_57] : memref<5248x128xf32, #tpu.memory_space<vmem_shared>> -> memref<128x128xf32, #tpu.memory_space<vmem_shared>>
        tpu.enqueue_dma source(%arg12 : memref<128x128xf32, #tpu.memory_space<vmem>>) target(%dma_start3A_58 : memref<128x128xf32, #tpu.memory_space<vmem_shared>>) target_semaphore(%run_scoped3A : memref<!tpu.dma_semaphore, #tpu.memory_space<semaphore_mem>>)
        %dma_wait3A = arith.constant 5120 : i32
        %dma_wait3A_59 = arith.constant 0 : i32
        %dma_wait3A_60 = tpu.memref_slice %arg15[%dma_wait3A, %dma_wait3A_59] : memref<5248x128xf32, #tpu.memory_space<vmem_shared>> -> memref<128x128xf32, #tpu.memory_space<vmem_shared>>
        %dma_wait3A_61 = arith.constant 5120 : i32
        %dma_wait3A_62 = arith.constant 0 : i32
        %dma_wait3A_63 = tpu.memref_slice %arg15[%dma_wait3A_61, %dma_wait3A_62] : memref<5248x128xf32, #tpu.memory_space<vmem_shared>> -> memref<128x128xf32, #tpu.memory_space<vmem_shared>>
        tpu.wait_dma2 semaphore(%run_scoped3A : memref<!tpu.dma_semaphore, #tpu.memory_space<semaphore_mem>>) src(%arg12 : memref<128x128xf32, #tpu.memory_space<vmem>>) dst(%dma_wait3A_63 : memref<128x128xf32, #tpu.memory_space<vmem_shared>>)
        tpu.yield
      }) : () -> ()
    } else {
    }
    %barrier3A = arith.constant 0 : index
    tpu.barrier barrier_id(%barrier3A)
    %scan3A_18 = arith.constant 0 : i32
    %scan3A_19 = arith.constant 80 : i32
    %scan3A_20 = arith.addi %scan3A_18, %scan3A_19 : i32
    %scan3A_21 = arith.constant 1 : i32
    scf.for %scan3A_54 = %scan3A_18 to %scan3A_20 step %scan3A_21  : i32 {
      %mul3A_55 = arith.constant 1 : i32
      %mul3A_56 = arith.muli %scan3A_54, %mul3A_55 : i32
      %add3A_57 = arith.constant 0 : i32
      %add3A_58 = arith.addi %add3A_57, %mul3A_56 : i32
      %get3A = arith.index_cast %add3A_58 : i32 to index
      %get3A_59 = arith.constant 0 : index
      %get3A_60 = tpu.vector_load %arg7[%get3A, %get3A_59] {strides = array<i32>} : memref<80x128xi32, #tpu.memory_space<vmem>>, vector<1x16xi32>,
      %get3A_61 = vector.shape_cast %get3A_60 : vector<1x16xi32> to vector<16xi32>
      %ge3A = vector.broadcast %mul3A_0 : i32 to vector<16xi32>
      %ge3A_62 = arith.cmpi sge, %get3A_61, %ge3A : vector<16xi32>
      %add3A_63 = arith.constant 5120 : i32
      %add3A_64 = arith.addi %mul3A_0, %add3A_63 : i32
      %lt3A = vector.broadcast %add3A_64 : i32 to vector<16xi32>
      %lt3A_65 = arith.cmpi slt, %get3A_61, %lt3A : vector<16xi32>
      %and3A = arith.andi %ge3A_62, %lt3A_65 : vector<16xi1>
      %sub3A = vector.broadcast %mul3A_0 : i32 to vector<16xi32>
      %sub3A_66 = arith.subi %get3A_61, %sub3A : vector<16xi32>
      %jit3A = arith.constant 5120 : i32
      %broadcast_in_dim3A = vector.broadcast %jit3A : i32 to vector<16xi32>
      %select_n3A = arith.select %and3A, %sub3A_66, %broadcast_in_dim3A : vector<16xi1>, vector<16xi32>
      %swap3A = arith.constant 0 : index
      %swap3A_67 = tpu.vector_load %arg8[%swap3A] {strides = array<i32>} : memref<128xi32, #tpu.memory_space<vmem>>, vector<16xi32>,
      %swap3A_68 = vector.shape_cast %swap3A_67 : vector<16xi32> to vector<16xi32>
      %swap3A_69 = vector.shape_cast %select_n3A : vector<16xi32> to vector<16xi32>
      tpu.vector_store %arg8[%swap3A], %swap3A_69 {strides = array<i32>} : memref<128xi32, #tpu.memory_space<vmem>>, vector<16xi32>,
      %get3A_70 = arith.index_cast %add3A_58 : i32 to index
      %get3A_71 = arith.constant 16 : index
      %get3A_72 = tpu.vector_load %arg7[%get3A_70, %get3A_71] {strides = array<i32>} : memref<80x128xi32, #tpu.memory_space<vmem>>, vector<1x16xi32>,
      %get3A_73 = vector.shape_cast %get3A_72 : vector<1x16xi32> to vector<16xi32>
      %ge3A_74 = vector.broadcast %mul3A_0 : i32 to vector<16xi32>
      %ge3A_75 = arith.cmpi sge, %get3A_73, %ge3A_74 : vector<16xi32>
      %add3A_76 = arith.constant 5120 : i32
      %add3A_77 = arith.addi %mul3A_0, %add3A_76 : i32
      %lt3A_78 = vector.broadcast %add3A_77 : i32 to vector<16xi32>
      %lt3A_79 = arith.cmpi slt, %get3A_73, %lt3A_78 : vector<16xi32>
      %and3A_80 = arith.andi %ge3A_75, %lt3A_79 : vector<16xi1>
      %sub3A_81 = vector.broadcast %mul3A_0 : i32 to vector<16xi32>
      %sub3A_82 = arith.subi %get3A_73, %sub3A_81 : vector<16xi32>
      %jit3A_83 = arith.constant 5120 : i32
      %broadcast_in_dim3A_84 = vector.broadcast %jit3A_83 : i32 to vector<16xi32>
      %select_n3A_85 = arith.select %and3A_80, %sub3A_82, %broadcast_in_dim3A_84 : vector<16xi1>, vector<16xi32>
      %swap3A_86 = arith.constant 16 : index
      %swap3A_87 = tpu.vector_load %arg8[%swap3A_86] {strides = array<i32>} : memref<128xi32, #tpu.memory_space<vmem>>, vector<16xi32>,
      %swap3A_88 = vector.shape_cast %swap3A_87 : vector<16xi32> to vector<16xi32>
      %swap3A_89 = vector.shape_cast %select_n3A_85 : vector<16xi32> to vector<16xi32>
      tpu.vector_store %arg8[%swap3A_86], %swap3A_89 {strides = array<i32>} : memref<128xi32, #tpu.memory_space<vmem>>, vector<16xi32>,
      %get3A_90 = arith.index_cast %add3A_58 : i32 to index
      %get3A_91 = arith.constant 32 : index
      %get3A_92 = tpu.vector_load %arg7[%get3A_90, %get3A_91] {strides = array<i32>} : memref<80x128xi32, #tpu.memory_space<vmem>>, vector<1x16xi32>,
      %get3A_93 = vector.shape_cast %get3A_92 : vector<1x16xi32> to vector<16xi32>
      %ge3A_94 = vector.broadcast %mul3A_0 : i32 to vector<16xi32>
      %ge3A_95 = arith.cmpi sge, %get3A_93, %ge3A_94 : vector<16xi32>
      %add3A_96 = arith.constant 5120 : i32
      %add3A_97 = arith.addi %mul3A_0, %add3A_96 : i32
      %lt3A_98 = vector.broadcast %add3A_97 : i32 to vector<16xi32>
      %lt3A_99 = arith.cmpi slt, %get3A_93, %lt3A_98 : vector<16xi32>
      %and3A_100 = arith.andi %ge3A_95, %lt3A_99 : vector<16xi1>
      %sub3A_101 = vector.broadcast %mul3A_0 : i32 to vector<16xi32>
      %sub3A_102 = arith.subi %get3A_93, %sub3A_101 : vector<16xi32>
      %jit3A_103 = arith.constant 5120 : i32
      %broadcast_in_dim3A_104 = vector.broadcast %jit3A_103 : i32 to vector<16xi32>
      %select_n3A_105 = arith.select %and3A_100, %sub3A_102, %broadcast_in_dim3A_104 : vector<16xi1>, vector<16xi32>
      %swap3A_106 = arith.constant 32 : index
      %swap3A_107 = tpu.vector_load %arg8[%swap3A_106] {strides = array<i32>} : memref<128xi32, #tpu.memory_space<vmem>>, vector<16xi32>,
      %swap3A_108 = vector.shape_cast %swap3A_107 : vector<16xi32> to vector<16xi32>
      %swap3A_109 = vector.shape_cast %select_n3A_105 : vector<16xi32> to vector<16xi32>
      tpu.vector_store %arg8[%swap3A_106], %swap3A_109 {strides = array<i32>} : memref<128xi32, #tpu.memory_space<vmem>>, vector<16xi32>,
      %get3A_110 = arith.index_cast %add3A_58 : i32 to index
      %get3A_111 = arith.constant 48 : index
      %get3A_112 = tpu.vector_load %arg7[%get3A_110, %get3A_111] {strides = array<i32>} : memref<80x128xi32, #tpu.memory_space<vmem>>, vector<1x16xi32>,
      %get3A_113 = vector.shape_cast %get3A_112 : vector<1x16xi32> to vector<16xi32>
      %ge3A_114 = vector.broadcast %mul3A_0 : i32 to vector<16xi32>
      %ge3A_115 = arith.cmpi sge, %get3A_113, %ge3A_114 : vector<16xi32>
      %add3A_116 = arith.constant 5120 : i32
      %add3A_117 = arith.addi %mul3A_0, %add3A_116 : i32
      %lt3A_118 = vector.broadcast %add3A_117 : i32 to vector<16xi32>
      %lt3A_119 = arith.cmpi slt, %get3A_113, %lt3A_118 : vector<16xi32>
      %and3A_120 = arith.andi %ge3A_115, %lt3A_119 : vector<16xi1>
      %sub3A_121 = vector.broadcast %mul3A_0 : i32 to vector<16xi32>
      %sub3A_122 = arith.subi %get3A_113, %sub3A_121 : vector<16xi32>
      %jit3A_123 = arith.constant 5120 : i32
      %broadcast_in_dim3A_124 = vector.broadcast %jit3A_123 : i32 to vector<16xi32>
      %select_n3A_125 = arith.select %and3A_120, %sub3A_122, %broadcast_in_dim3A_124 : vector<16xi1>, vector<16xi32>
      %swap3A_126 = arith.constant 48 : index
      %swap3A_127 = tpu.vector_load %arg8[%swap3A_126] {strides = array<i32>} : memref<128xi32, #tpu.memory_space<vmem>>, vector<16xi32>,
      %swap3A_128 = vector.shape_cast %swap3A_127 : vector<16xi32> to vector<16xi32>
      %swap3A_129 = vector.shape_cast %select_n3A_125 : vector<16xi32> to vector<16xi32>
      tpu.vector_store %arg8[%swap3A_126], %swap3A_129 {strides = array<i32>} : memref<128xi32, #tpu.memory_space<vmem>>, vector<16xi32>,
      %get3A_130 = arith.index_cast %add3A_58 : i32 to index
      %get3A_131 = arith.constant 64 : index
      %get3A_132 = tpu.vector_load %arg7[%get3A_130, %get3A_131] {strides = array<i32>} : memref<80x128xi32, #tpu.memory_space<vmem>>, vector<1x16xi32>,
      %get3A_133 = vector.shape_cast %get3A_132 : vector<1x16xi32> to vector<16xi32>
      %ge3A_134 = vector.broadcast %mul3A_0 : i32 to vector<16xi32>
      %ge3A_135 = arith.cmpi sge, %get3A_133, %ge3A_134 : vector<16xi32>
      %add3A_136 = arith.constant 5120 : i32
      %add3A_137 = arith.addi %mul3A_0, %add3A_136 : i32
      %lt3A_138 = vector.broadcast %add3A_137 : i32 to vector<16xi32>
      %lt3A_139 = arith.cmpi slt, %get3A_133, %lt3A_138 : vector<16xi32>
      %and3A_140 = arith.andi %ge3A_135, %lt3A_139 : vector<16xi1>
      %sub3A_141 = vector.broadcast %mul3A_0 : i32 to vector<16xi32>
      %sub3A_142 = arith.subi %get3A_133, %sub3A_141 : vector<16xi32>
      %jit3A_143 = arith.constant 5120 : i32
      %broadcast_in_dim3A_144 = vector.broadcast %jit3A_143 : i32 to vector<16xi32>
      %select_n3A_145 = arith.select %and3A_140, %sub3A_142, %broadcast_in_dim3A_144 : vector<16xi1>, vector<16xi32>
      %swap3A_146 = arith.constant 64 : index
      %swap3A_147 = tpu.vector_load %arg8[%swap3A_146] {strides = array<i32>} : memref<128xi32, #tpu.memory_space<vmem>>, vector<16xi32>,
      %swap3A_148 = vector.shape_cast %swap3A_147 : vector<16xi32> to vector<16xi32>
      %swap3A_149 = vector.shape_cast %select_n3A_145 : vector<16xi32> to vector<16xi32>
      tpu.vector_store %arg8[%swap3A_146], %swap3A_149 {strides = array<i32>} : memref<128xi32, #tpu.memory_space<vmem>>, vector<16xi32>,
      %get3A_150 = arith.index_cast %add3A_58 : i32 to index
      %get3A_151 = arith.constant 80 : index
      %get3A_152 = tpu.vector_load %arg7[%get3A_150, %get3A_151] {strides = array<i32>} : memref<80x128xi32, #tpu.memory_space<vmem>>, vector<1x16xi32>,
      %get3A_153 = vector.shape_cast %get3A_152 : vector<1x16xi32> to vector<16xi32>
      %ge3A_154 = vector.broadcast %mul3A_0 : i32 to vector<16xi32>
      %ge3A_155 = arith.cmpi sge, %get3A_153, %ge3A_154 : vector<16xi32>
      %add3A_156 = arith.constant 5120 : i32
      %add3A_157 = arith.addi %mul3A_0, %add3A_156 : i32
      %lt3A_158 = vector.broadcast %add3A_157 : i32 to vector<16xi32>
      %lt3A_159 = arith.cmpi slt, %get3A_153, %lt3A_158 : vector<16xi32>
      %and3A_160 = arith.andi %ge3A_155, %lt3A_159 : vector<16xi1>
      %sub3A_161 = vector.broadcast %mul3A_0 : i32 to vector<16xi32>
      %sub3A_162 = arith.subi %get3A_153, %sub3A_161 : vector<16xi32>
      %jit3A_163 = arith.constant 5120 : i32
      %broadcast_in_dim3A_164 = vector.broadcast %jit3A_163 : i32 to vector<16xi32>
      %select_n3A_165 = arith.select %and3A_160, %sub3A_162, %broadcast_in_dim3A_164 : vector<16xi1>, vector<16xi32>
      %swap3A_166 = arith.constant 80 : index
      %swap3A_167 = tpu.vector_load %arg8[%swap3A_166] {strides = array<i32>} : memref<128xi32, #tpu.memory_space<vmem>>, vector<16xi32>,
      %swap3A_168 = vector.shape_cast %swap3A_167 : vector<16xi32> to vector<16xi32>
      %swap3A_169 = vector.shape_cast %select_n3A_165 : vector<16xi32> to vector<16xi32>
      tpu.vector_store %arg8[%swap3A_166], %swap3A_169 {strides = array<i32>} : memref<128xi32, #tpu.memory_space<vmem>>, vector<16xi32>,
      %get3A_170 = arith.index_cast %add3A_58 : i32 to index
      %get3A_171 = arith.constant 96 : index
      %get3A_172 = tpu.vector_load %arg7[%get3A_170, %get3A_171] {strides = array<i32>} : memref<80x128xi32, #tpu.memory_space<vmem>>, vector<1x16xi32>,
      %get3A_173 = vector.shape_cast %get3A_172 : vector<1x16xi32> to vector<16xi32>
      %ge3A_174 = vector.broadcast %mul3A_0 : i32 to vector<16xi32>
      %ge3A_175 = arith.cmpi sge, %get3A_173, %ge3A_174 : vector<16xi32>
      %add3A_176 = arith.constant 5120 : i32
      %add3A_177 = arith.addi %mul3A_0, %add3A_176 : i32
      %lt3A_178 = vector.broadcast %add3A_177 : i32 to vector<16xi32>
      %lt3A_179 = arith.cmpi slt, %get3A_173, %lt3A_178 : vector<16xi32>
      %and3A_180 = arith.andi %ge3A_175, %lt3A_179 : vector<16xi1>
      %sub3A_181 = vector.broadcast %mul3A_0 : i32 to vector<16xi32>
      %sub3A_182 = arith.subi %get3A_173, %sub3A_181 : vector<16xi32>
      %jit3A_183 = arith.constant 5120 : i32
      %broadcast_in_dim3A_184 = vector.broadcast %jit3A_183 : i32 to vector<16xi32>
      %select_n3A_185 = arith.select %and3A_180, %sub3A_182, %broadcast_in_dim3A_184 : vector<16xi1>, vector<16xi32>
      %swap3A_186 = arith.constant 96 : index
      %swap3A_187 = tpu.vector_load %arg8[%swap3A_186] {strides = array<i32>} : memref<128xi32, #tpu.memory_space<vmem>>, vector<16xi32>,
      %swap3A_188 = vector.shape_cast %swap3A_187 : vector<16xi32> to vector<16xi32>
      %swap3A_189 = vector.shape_cast %select_n3A_185 : vector<16xi32> to vector<16xi32>
      tpu.vector_store %arg8[%swap3A_186], %swap3A_189 {strides = array<i32>} : memref<128xi32, #tpu.memory_space<vmem>>, vector<16xi32>,
      %get3A_190 = arith.index_cast %add3A_58 : i32 to index
      %get3A_191 = arith.constant 112 : index
      %get3A_192 = tpu.vector_load %arg7[%get3A_190, %get3A_191] {strides = array<i32>} : memref<80x128xi32, #tpu.memory_space<vmem>>, vector<1x16xi32>,
      %get3A_193 = vector.shape_cast %get3A_192 : vector<1x16xi32> to vector<16xi32>
      %ge3A_194 = vector.broadcast %mul3A_0 : i32 to vector<16xi32>
      %ge3A_195 = arith.cmpi sge, %get3A_193, %ge3A_194 : vector<16xi32>
      %add3A_196 = arith.constant 5120 : i32
      %add3A_197 = arith.addi %mul3A_0, %add3A_196 : i32
      %lt3A_198 = vector.broadcast %add3A_197 : i32 to vector<16xi32>
      %lt3A_199 = arith.cmpi slt, %get3A_193, %lt3A_198 : vector<16xi32>
      %and3A_200 = arith.andi %ge3A_195, %lt3A_199 : vector<16xi1>
      %sub3A_201 = vector.broadcast %mul3A_0 : i32 to vector<16xi32>
      %sub3A_202 = arith.subi %get3A_193, %sub3A_201 : vector<16xi32>
      %jit3A_203 = arith.constant 5120 : i32
      %broadcast_in_dim3A_204 = vector.broadcast %jit3A_203 : i32 to vector<16xi32>
      %select_n3A_205 = arith.select %and3A_200, %sub3A_202, %broadcast_in_dim3A_204 : vector<16xi1>, vector<16xi32>
      %swap3A_206 = arith.constant 112 : index
      %swap3A_207 = tpu.vector_load %arg8[%swap3A_206] {strides = array<i32>} : memref<128xi32, #tpu.memory_space<vmem>>, vector<16xi32>,
      %swap3A_208 = vector.shape_cast %swap3A_207 : vector<16xi32> to vector<16xi32>
      %swap3A_209 = vector.shape_cast %select_n3A_205 : vector<16xi32> to vector<16xi32>
      tpu.vector_store %arg8[%swap3A_206], %swap3A_209 {strides = array<i32>} : memref<128xi32, #tpu.memory_space<vmem>>, vector<16xi32>,
      %mul3A_210 = arith.constant 128 : i32
      %mul3A_211 = arith.muli %add3A_58, %mul3A_210 : i32
      %add3A_212 = arith.addi %mul3A_4, %mul3A_211 : i32
      "tpu.region"() ({
        %run_scoped3A = tpu.sem_alloc : memref<!tpu.dma_semaphore, #tpu.memory_space<semaphore_mem>>
        %dma_start3A = arith.constant 0 : i32
        %dma_start3A_213 = tpu.memref_slice %arg2[%add3A_212, %dma_start3A] : memref<163840x128xf32, #tpu.memory_space<hbm>> -> memref<128x128xf32, #tpu.memory_space<hbm>>
        %dma_start3A_214 = arith.constant 0 : i32
        %dma_start3A_215 = tpu.memref_slice %arg2[%add3A_212, %dma_start3A_214] : memref<163840x128xf32, #tpu.memory_space<hbm>> -> memref<128x128xf32, #tpu.memory_space<hbm>>
        tpu.enqueue_dma source(%dma_start3A_215 : memref<128x128xf32, #tpu.memory_space<hbm>>) target(%arg10 : memref<128x128xf32, #tpu.memory_space<vmem>>) target_semaphore(%run_scoped3A : memref<!tpu.dma_semaphore, #tpu.memory_space<semaphore_mem>>)
        %dma_wait3A = arith.constant 0 : i32
        %dma_wait3A_216 = tpu.memref_slice %arg2[%add3A_212, %dma_wait3A] : memref<163840x128xf32, #tpu.memory_space<hbm>> -> memref<128x128xf32, #tpu.memory_space<hbm>>
        %dma_wait3A_217 = arith.constant 0 : i32
        %dma_wait3A_218 = tpu.memref_slice %arg2[%add3A_212, %dma_wait3A_217] : memref<163840x128xf32, #tpu.memory_space<hbm>> -> memref<128x128xf32, #tpu.memory_space<hbm>>
        tpu.wait_dma2 semaphore(%run_scoped3A : memref<!tpu.dma_semaphore, #tpu.memory_space<semaphore_mem>>) src(%dma_wait3A_218 : memref<128x128xf32, #tpu.memory_space<hbm>>) dst(%arg10 : memref<128x128xf32, #tpu.memory_space<vmem>>)
        tpu.yield
      }) : () -> ()
      "tpu.region"() ({
        %run_scoped3A = tpu.sem_alloc : memref<!tpu.dma_semaphore, #tpu.memory_space<semaphore_mem>>
        %dma_start3A = arith.constant 0 : i32
        %dma_start3A_213 = arith.constant 0 : i32
        %dma_start3A_214 = tpu.memref_slice %arg15[%dma_start3A, %dma_start3A_213] : memref<5248x128xf32, #tpu.memory_space<vmem_shared>> -> memref<5248x128xf32, #tpu.memory_space<vmem_shared>>
        tpu.enqueue_indirect_dma source(%arg10 : memref<128x128xf32, #tpu.memory_space<vmem>>) target(%dma_start3A_214 : memref<5248x128xf32, #tpu.memory_space<vmem_shared>>) offsets(%arg8 : memref<128xi32, #tpu.memory_space<vmem>>) semaphore(%run_scoped3A : memref<!tpu.dma_semaphore, #tpu.memory_space<semaphore_mem>>) {add = true}
        %dma_wait3A = arith.constant 0 : i32
        %dma_wait3A_215 = arith.constant 0 : i32
        %dma_wait3A_216 = tpu.memref_slice %arg15[%dma_wait3A, %dma_wait3A_215] : memref<5248x128xf32, #tpu.memory_space<vmem_shared>> -> memref<5248x128xf32, #tpu.memory_space<vmem_shared>>
        tpu.wait_indirect_dma semaphore(%run_scoped3A : memref<!tpu.dma_semaphore, #tpu.memory_space<semaphore_mem>>) src(%arg10 : memref<128x128xf32, #tpu.memory_space<vmem>>) dst(%dma_wait3A_216 : memref<5248x128xf32, #tpu.memory_space<vmem_shared>>)
        tpu.yield
      }) : () -> ()
    }
    %scan3A_22 = arith.constant 80 : i32
    %barrier3A_23 = arith.constant 0 : index
    tpu.barrier barrier_id(%barrier3A_23)
    %mul3A_24 = arith.constant 320 : i32
    %mul3A_25 = arith.muli %arg1, %mul3A_24 : i32
    %add3A_26 = arith.addi %mul3A_0, %mul3A_25 : i32
    "tpu.region"() ({
      %run_scoped3A = tpu.sem_alloc : memref<!tpu.dma_semaphore, #tpu.memory_space<semaphore_mem>>
      %dma_start3A = arith.constant 0 : i32
      %dma_start3A_54 = tpu.memref_slice %arg5[%add3A_26, %dma_start3A] : memref<10240x128xf32, #tpu.memory_space<hbm>> -> memref<320x128xf32, #tpu.memory_space<hbm>>
      %dma_start3A_55 = arith.constant 0 : i32
      %dma_start3A_56 = tpu.memref_slice %arg15[%mul3A_25, %dma_start3A_55] : memref<5248x128xf32, #tpu.memory_space<vmem_shared>> -> memref<320x128xf32, #tpu.memory_space<vmem_shared>>
      tpu.enqueue_dma source(%dma_start3A_56 : memref<320x128xf32, #tpu.memory_space<vmem_shared>>) target(%dma_start3A_54 : memref<320x128xf32, #tpu.memory_space<hbm>>) target_semaphore(%run_scoped3A : memref<!tpu.dma_semaphore, #tpu.memory_space<semaphore_mem>>)
      %dma_wait3A = arith.constant 0 : i32
      %dma_wait3A_57 = tpu.memref_slice %arg5[%add3A_26, %dma_wait3A] : memref<10240x128xf32, #tpu.memory_space<hbm>> -> memref<320x128xf32, #tpu.memory_space<hbm>>
      %dma_wait3A_58 = arith.constant 0 : i32
      %dma_wait3A_59 = tpu.memref_slice %arg15[%mul3A_25, %dma_wait3A_58] : memref<5248x128xf32, #tpu.memory_space<vmem_shared>> -> memref<320x128xf32, #tpu.memory_space<vmem_shared>>
      tpu.wait_dma2 semaphore(%run_scoped3A : memref<!tpu.dma_semaphore, #tpu.memory_space<semaphore_mem>>) src(%dma_wait3A_59 : memref<320x128xf32, #tpu.memory_space<vmem_shared>>) dst(%dma_wait3A_57 : memref<320x128xf32, #tpu.memory_space<hbm>>)
      tpu.yield
    }) : () -> ()
    %barrier3A_27 = arith.constant 0 : index
    tpu.barrier barrier_id(%barrier3A_27)
    %mul3A_28 = arith.constant 320 : i32
    %mul3A_29 = arith.muli %arg1, %mul3A_28 : i32
    %add3A_30 = arith.constant 0 : i32
    %add3A_31 = arith.addi %mul3A_29, %add3A_30 : i32
    "tpu.region"() ({
      %run_scoped3A = tpu.sem_alloc : memref<!tpu.dma_semaphore, #tpu.memory_space<semaphore_mem>>
      %dma_start3A = arith.constant 0 : i32
      %dma_start3A_54 = tpu.memref_slice %arg15[%add3A_31, %dma_start3A] : memref<5248x128xf32, #tpu.memory_space<vmem_shared>> -> memref<128x128xf32, #tpu.memory_space<vmem_shared>>
      %dma_start3A_55 = arith.constant 0 : i32
      %dma_start3A_56 = tpu.memref_slice %arg15[%add3A_31, %dma_start3A_55] : memref<5248x128xf32, #tpu.memory_space<vmem_shared>> -> memref<128x128xf32, #tpu.memory_space<vmem_shared>>
      tpu.enqueue_dma source(%arg12 : memref<128x128xf32, #tpu.memory_space<vmem>>) target(%dma_start3A_56 : memref<128x128xf32, #tpu.memory_space<vmem_shared>>) target_semaphore(%run_scoped3A : memref<!tpu.dma_semaphore, #tpu.memory_space<semaphore_mem>>)
      %dma_wait3A = arith.constant 0 : i32
      %dma_wait3A_57 = tpu.memref_slice %arg15[%add3A_31, %dma_wait3A] : memref<5248x128xf32, #tpu.memory_space<vmem_shared>> -> memref<128x128xf32, #tpu.memory_space<vmem_shared>>
      %dma_wait3A_58 = arith.constant 0 : i32
      %dma_wait3A_59 = tpu.memref_slice %arg15[%add3A_31, %dma_wait3A_58] : memref<5248x128xf32, #tpu.memory_space<vmem_shared>> -> memref<128x128xf32, #tpu.memory_space<vmem_shared>>
      tpu.wait_dma2 semaphore(%run_scoped3A : memref<!tpu.dma_semaphore, #tpu.memory_space<semaphore_mem>>) src(%arg12 : memref<128x128xf32, #tpu.memory_space<vmem>>) dst(%dma_wait3A_59 : memref<128x128xf32, #tpu.memory_space<vmem_shared>>)
      tpu.yield
    }) : () -> ()
    %add3A_32 = arith.constant 128 : i32
    %add3A_33 = arith.addi %mul3A_29, %add3A_32 : i32
    "tpu.region"() ({
      %run_scoped3A = tpu.sem_alloc : memref<!tpu.dma_semaphore, #tpu.memory_space<semaphore_mem>>
      %dma_start3A = arith.constant 0 : i32
      %dma_start3A_54 = tpu.memref_slice %arg15[%add3A_33, %dma_start3A] : memref<5248x128xf32, #tpu.memory_space<vmem_shared>> -> memref<128x128xf32, #tpu.memory_space<vmem_shared>>
      %dma_start3A_55 = arith.constant 0 : i32
      %dma_start3A_56 = tpu.memref_slice %arg15[%add3A_33, %dma_start3A_55] : memref<5248x128xf32, #tpu.memory_space<vmem_shared>> -> memref<128x128xf32, #tpu.memory_space<vmem_shared>>
      tpu.enqueue_dma source(%arg12 : memref<128x128xf32, #tpu.memory_space<vmem>>) target(%dma_start3A_56 : memref<128x128xf32, #tpu.memory_space<vmem_shared>>) target_semaphore(%run_scoped3A : memref<!tpu.dma_semaphore, #tpu.memory_space<semaphore_mem>>)
      %dma_wait3A = arith.constant 0 : i32
      %dma_wait3A_57 = tpu.memref_slice %arg15[%add3A_33, %dma_wait3A] : memref<5248x128xf32, #tpu.memory_space<vmem_shared>> -> memref<128x128xf32, #tpu.memory_space<vmem_shared>>
      %dma_wait3A_58 = arith.constant 0 : i32
      %dma_wait3A_59 = tpu.memref_slice %arg15[%add3A_33, %dma_wait3A_58] : memref<5248x128xf32, #tpu.memory_space<vmem_shared>> -> memref<128x128xf32, #tpu.memory_space<vmem_shared>>
      tpu.wait_dma2 semaphore(%run_scoped3A : memref<!tpu.dma_semaphore, #tpu.memory_space<semaphore_mem>>) src(%arg12 : memref<128x128xf32, #tpu.memory_space<vmem>>) dst(%dma_wait3A_59 : memref<128x128xf32, #tpu.memory_space<vmem_shared>>)
      tpu.yield
    }) : () -> ()
    %add3A_34 = arith.constant 256 : i32
    %add3A_35 = arith.addi %mul3A_29, %add3A_34 : i32
    "tpu.region"() ({
      %run_scoped3A = tpu.sem_alloc : memref<!tpu.dma_semaphore, #tpu.memory_space<semaphore_mem>>
      %dma_start3A = arith.constant 0 : i32
      %dma_start3A_54 = arith.constant 0 : i32
      %dma_start3A_55 = tpu.memref_slice %arg12[%dma_start3A, %dma_start3A_54] : memref<128x128xf32, #tpu.memory_space<vmem>> -> memref<64x128xf32, #tpu.memory_space<vmem>>
      %dma_start3A_56 = arith.constant 0 : i32
      %dma_start3A_57 = tpu.memref_slice %arg15[%add3A_35, %dma_start3A_56] : memref<5248x128xf32, #tpu.memory_space<vmem_shared>> -> memref<64x128xf32, #tpu.memory_space<vmem_shared>>
      %dma_start3A_58 = arith.constant 0 : i32
      %dma_start3A_59 = tpu.memref_slice %arg15[%add3A_35, %dma_start3A_58] : memref<5248x128xf32, #tpu.memory_space<vmem_shared>> -> memref<64x128xf32, #tpu.memory_space<vmem_shared>>
      %dma_start3A_60 = arith.constant 0 : i32
      %dma_start3A_61 = arith.constant 0 : i32
      %dma_start3A_62 = tpu.memref_slice %arg12[%dma_start3A_60, %dma_start3A_61] : memref<128x128xf32, #tpu.memory_space<vmem>> -> memref<64x128xf32, #tpu.memory_space<vmem>>
      tpu.enqueue_dma source(%dma_start3A_62 : memref<64x128xf32, #tpu.memory_space<vmem>>) target(%dma_start3A_59 : memref<64x128xf32, #tpu.memory_space<vmem_shared>>) target_semaphore(%run_scoped3A : memref<!tpu.dma_semaphore, #tpu.memory_space<semaphore_mem>>)
      %dma_wait3A = arith.constant 0 : i32
      %dma_wait3A_63 = arith.constant 0 : i32
      %dma_wait3A_64 = tpu.memref_slice %arg12[%dma_wait3A, %dma_wait3A_63] : memref<128x128xf32, #tpu.memory_space<vmem>> -> memref<64x128xf32, #tpu.memory_space<vmem>>
      %dma_wait3A_65 = arith.constant 0 : i32
      %dma_wait3A_66 = tpu.memref_slice %arg15[%add3A_35, %dma_wait3A_65] : memref<5248x128xf32, #tpu.memory_space<vmem_shared>> -> memref<64x128xf32, #tpu.memory_space<vmem_shared>>
      %dma_wait3A_67 = arith.constant 0 : i32
      %dma_wait3A_68 = tpu.memref_slice %arg15[%add3A_35, %dma_wait3A_67] : memref<5248x128xf32, #tpu.memory_space<vmem_shared>> -> memref<64x128xf32, #tpu.memory_space<vmem_shared>>
      %dma_wait3A_69 = arith.constant 0 : i32
      %dma_wait3A_70 = arith.constant 0 : i32
      %dma_wait3A_71 = tpu.memref_slice %arg12[%dma_wait3A_69, %dma_wait3A_70] : memref<128x128xf32, #tpu.memory_space<vmem>> -> memref<64x128xf32, #tpu.memory_space<vmem>>
      tpu.wait_dma2 semaphore(%run_scoped3A : memref<!tpu.dma_semaphore, #tpu.memory_space<semaphore_mem>>) src(%dma_wait3A_71 : memref<64x128xf32, #tpu.memory_space<vmem>>) dst(%dma_wait3A_68 : memref<64x128xf32, #tpu.memory_space<vmem_shared>>)
      tpu.yield
    }) : () -> ()
    %eq3A_36 = arith.constant 0 : i32
    %eq3A_37 = arith.cmpi eq, %arg1, %eq3A_36 : i32
    %convert_element_type3A_38 = arith.extui %eq3A_37 : i1 to i32
    %cond3A_39 = arith.constant 0 : i32
    %cond3A_40 = arith.cmpi ne, %convert_element_type3A_38, %cond3A_39 : i32
    scf.if %cond3A_40 {
      "tpu.region"() ({
        %run_scoped3A = tpu.sem_alloc : memref<!tpu.dma_semaphore, #tpu.memory_space<semaphore_mem>>
        %dma_start3A = arith.constant 5120 : i32
        %dma_start3A_54 = arith.constant 0 : i32
        %dma_start3A_55 = tpu.memref_slice %arg15[%dma_start3A, %dma_start3A_54] : memref<5248x128xf32, #tpu.memory_space<vmem_shared>> -> memref<128x128xf32, #tpu.memory_space<vmem_shared>>
        %dma_start3A_56 = arith.constant 5120 : i32
        %dma_start3A_57 = arith.constant 0 : i32
        %dma_start3A_58 = tpu.memref_slice %arg15[%dma_start3A_56, %dma_start3A_57] : memref<5248x128xf32, #tpu.memory_space<vmem_shared>> -> memref<128x128xf32, #tpu.memory_space<vmem_shared>>
        tpu.enqueue_dma source(%arg12 : memref<128x128xf32, #tpu.memory_space<vmem>>) target(%dma_start3A_58 : memref<128x128xf32, #tpu.memory_space<vmem_shared>>) target_semaphore(%run_scoped3A : memref<!tpu.dma_semaphore, #tpu.memory_space<semaphore_mem>>)
        %dma_wait3A = arith.constant 5120 : i32
        %dma_wait3A_59 = arith.constant 0 : i32
        %dma_wait3A_60 = tpu.memref_slice %arg15[%dma_wait3A, %dma_wait3A_59] : memref<5248x128xf32, #tpu.memory_space<vmem_shared>> -> memref<128x128xf32, #tpu.memory_space<vmem_shared>>
        %dma_wait3A_61 = arith.constant 5120 : i32
        %dma_wait3A_62 = arith.constant 0 : i32
        %dma_wait3A_63 = tpu.memref_slice %arg15[%dma_wait3A_61, %dma_wait3A_62] : memref<5248x128xf32, #tpu.memory_space<vmem_shared>> -> memref<128x128xf32, #tpu.memory_space<vmem_shared>>
        tpu.wait_dma2 semaphore(%run_scoped3A : memref<!tpu.dma_semaphore, #tpu.memory_space<semaphore_mem>>) src(%arg12 : memref<128x128xf32, #tpu.memory_space<vmem>>) dst(%dma_wait3A_63 : memref<128x128xf32, #tpu.memory_space<vmem_shared>>)
        tpu.yield
      }) : () -> ()
    } else {
    }
    %scan3A_41 = arith.constant 0 : i32
    %scan3A_42 = arith.constant 128 : i32
    %scan3A_43 = arith.addi %scan3A_41, %scan3A_42 : i32
    %scan3A_44 = arith.constant 1 : i32
    scf.for %scan3A_54 = %scan3A_41 to %scan3A_43 step %scan3A_44  : i32 {
      %mul3A_55 = arith.constant 1 : i32
      %mul3A_56 = arith.muli %scan3A_54, %mul3A_55 : i32
      %add3A_57 = arith.constant 0 : i32
      %add3A_58 = arith.addi %add3A_57, %mul3A_56 : i32
      %broadcast_in_dim3A = arith.constant 0.000000e+00 : f32
      %broadcast_in_dim3A_59 = vector.broadcast %broadcast_in_dim3A : f32 to vector<16xf32>
      %swap3A = arith.index_cast %add3A_58 : i32 to index
      %swap3A_60 = arith.constant 0 : index
      %swap3A_61 = tpu.vector_load %arg10[%swap3A, %swap3A_60] {strides = array<i32>} : memref<128x128xf32, #tpu.memory_space<vmem>>, vector<1x16xf32>,
      %swap3A_62 = vector.shape_cast %swap3A_61 : vector<1x16xf32> to vector<16xf32>
      %swap3A_63 = vector.shape_cast %broadcast_in_dim3A_59 : vector<16xf32> to vector<1x16xf32>
      tpu.vector_store %arg10[%swap3A, %swap3A_60], %swap3A_63 {strides = array<i32>} : memref<128x128xf32, #tpu.memory_space<vmem>>, vector<1x16xf32>,
      %broadcast_in_dim3A_64 = arith.constant 0.000000e+00 : f32
      %broadcast_in_dim3A_65 = vector.broadcast %broadcast_in_dim3A_64 : f32 to vector<16xf32>
      %swap3A_66 = arith.index_cast %add3A_58 : i32 to index
      %swap3A_67 = arith.constant 0 : index
      %swap3A_68 = tpu.vector_load %arg11[%swap3A_66, %swap3A_67] {strides = array<i32>} : memref<128x128xf32, #tpu.memory_space<vmem>>, vector<1x16xf32>,
      %swap3A_69 = vector.shape_cast %swap3A_68 : vector<1x16xf32> to vector<16xf32>
      %swap3A_70 = vector.shape_cast %broadcast_in_dim3A_65 : vector<16xf32> to vector<1x16xf32>
      tpu.vector_store %arg11[%swap3A_66, %swap3A_67], %swap3A_70 {strides = array<i32>} : memref<128x128xf32, #tpu.memory_space<vmem>>, vector<1x16xf32>,
      %broadcast_in_dim3A_71 = arith.constant 0.000000e+00 : f32
      %broadcast_in_dim3A_72 = vector.broadcast %broadcast_in_dim3A_71 : f32 to vector<16xf32>
      %swap3A_73 = arith.index_cast %add3A_58 : i32 to index
      %swap3A_74 = arith.constant 16 : index
      %swap3A_75 = tpu.vector_load %arg10[%swap3A_73, %swap3A_74] {strides = array<i32>} : memref<128x128xf32, #tpu.memory_space<vmem>>, vector<1x16xf32>,
      %swap3A_76 = vector.shape_cast %swap3A_75 : vector<1x16xf32> to vector<16xf32>
      %swap3A_77 = vector.shape_cast %broadcast_in_dim3A_72 : vector<16xf32> to vector<1x16xf32>
      tpu.vector_store %arg10[%swap3A_73, %swap3A_74], %swap3A_77 {strides = array<i32>} : memref<128x128xf32, #tpu.memory_space<vmem>>, vector<1x16xf32>,
      %broadcast_in_dim3A_78 = arith.constant 0.000000e+00 : f32
      %broadcast_in_dim3A_79 = vector.broadcast %broadcast_in_dim3A_78 : f32 to vector<16xf32>
      %swap3A_80 = arith.index_cast %add3A_58 : i32 to index
      %swap3A_81 = arith.constant 16 : index
      %swap3A_82 = tpu.vector_load %arg11[%swap3A_80, %swap3A_81] {strides = array<i32>} : memref<128x128xf32, #tpu.memory_space<vmem>>, vector<1x16xf32>,
      %swap3A_83 = vector.shape_cast %swap3A_82 : vector<1x16xf32> to vector<16xf32>
      %swap3A_84 = vector.shape_cast %broadcast_in_dim3A_79 : vector<16xf32> to vector<1x16xf32>
      tpu.vector_store %arg11[%swap3A_80, %swap3A_81], %swap3A_84 {strides = array<i32>} : memref<128x128xf32, #tpu.memory_space<vmem>>, vector<1x16xf32>,
      %broadcast_in_dim3A_85 = arith.constant 0.000000e+00 : f32
      %broadcast_in_dim3A_86 = vector.broadcast %broadcast_in_dim3A_85 : f32 to vector<16xf32>
      %swap3A_87 = arith.index_cast %add3A_58 : i32 to index
      %swap3A_88 = arith.constant 32 : index
      %swap3A_89 = tpu.vector_load %arg10[%swap3A_87, %swap3A_88] {strides = array<i32>} : memref<128x128xf32, #tpu.memory_space<vmem>>, vector<1x16xf32>,
      %swap3A_90 = vector.shape_cast %swap3A_89 : vector<1x16xf32> to vector<16xf32>
      %swap3A_91 = vector.shape_cast %broadcast_in_dim3A_86 : vector<16xf32> to vector<1x16xf32>
      tpu.vector_store %arg10[%swap3A_87, %swap3A_88], %swap3A_91 {strides = array<i32>} : memref<128x128xf32, #tpu.memory_space<vmem>>, vector<1x16xf32>,
      %broadcast_in_dim3A_92 = arith.constant 0.000000e+00 : f32
      %broadcast_in_dim3A_93 = vector.broadcast %broadcast_in_dim3A_92 : f32 to vector<16xf32>
      %swap3A_94 = arith.index_cast %add3A_58 : i32 to index
      %swap3A_95 = arith.constant 32 : index
      %swap3A_96 = tpu.vector_load %arg11[%swap3A_94, %swap3A_95] {strides = array<i32>} : memref<128x128xf32, #tpu.memory_space<vmem>>, vector<1x16xf32>,
      %swap3A_97 = vector.shape_cast %swap3A_96 : vector<1x16xf32> to vector<16xf32>
      %swap3A_98 = vector.shape_cast %broadcast_in_dim3A_93 : vector<16xf32> to vector<1x16xf32>
      tpu.vector_store %arg11[%swap3A_94, %swap3A_95], %swap3A_98 {strides = array<i32>} : memref<128x128xf32, #tpu.memory_space<vmem>>, vector<1x16xf32>,
      %broadcast_in_dim3A_99 = arith.constant 0.000000e+00 : f32
      %broadcast_in_dim3A_100 = vector.broadcast %broadcast_in_dim3A_99 : f32 to vector<16xf32>
      %swap3A_101 = arith.index_cast %add3A_58 : i32 to index
      %swap3A_102 = arith.constant 48 : index
      %swap3A_103 = tpu.vector_load %arg10[%swap3A_101, %swap3A_102] {strides = array<i32>} : memref<128x128xf32, #tpu.memory_space<vmem>>, vector<1x16xf32>,
      %swap3A_104 = vector.shape_cast %swap3A_103 : vector<1x16xf32> to vector<16xf32>
      %swap3A_105 = vector.shape_cast %broadcast_in_dim3A_100 : vector<16xf32> to vector<1x16xf32>
      tpu.vector_store %arg10[%swap3A_101, %swap3A_102], %swap3A_105 {strides = array<i32>} : memref<128x128xf32, #tpu.memory_space<vmem>>, vector<1x16xf32>,
      %broadcast_in_dim3A_106 = arith.constant 0.000000e+00 : f32
      %broadcast_in_dim3A_107 = vector.broadcast %broadcast_in_dim3A_106 : f32 to vector<16xf32>
      %swap3A_108 = arith.index_cast %add3A_58 : i32 to index
      %swap3A_109 = arith.constant 48 : index
      %swap3A_110 = tpu.vector_load %arg11[%swap3A_108, %swap3A_109] {strides = array<i32>} : memref<128x128xf32, #tpu.memory_space<vmem>>, vector<1x16xf32>,
      %swap3A_111 = vector.shape_cast %swap3A_110 : vector<1x16xf32> to vector<16xf32>
      %swap3A_112 = vector.shape_cast %broadcast_in_dim3A_107 : vector<16xf32> to vector<1x16xf32>
      tpu.vector_store %arg11[%swap3A_108, %swap3A_109], %swap3A_112 {strides = array<i32>} : memref<128x128xf32, #tpu.memory_space<vmem>>, vector<1x16xf32>,
      %broadcast_in_dim3A_113 = arith.constant 0.000000e+00 : f32
      %broadcast_in_dim3A_114 = vector.broadcast %broadcast_in_dim3A_113 : f32 to vector<16xf32>
      %swap3A_115 = arith.index_cast %add3A_58 : i32 to index
      %swap3A_116 = arith.constant 64 : index
      %swap3A_117 = tpu.vector_load %arg10[%swap3A_115, %swap3A_116] {strides = array<i32>} : memref<128x128xf32, #tpu.memory_space<vmem>>, vector<1x16xf32>,
      %swap3A_118 = vector.shape_cast %swap3A_117 : vector<1x16xf32> to vector<16xf32>
      %swap3A_119 = vector.shape_cast %broadcast_in_dim3A_114 : vector<16xf32> to vector<1x16xf32>
      tpu.vector_store %arg10[%swap3A_115, %swap3A_116], %swap3A_119 {strides = array<i32>} : memref<128x128xf32, #tpu.memory_space<vmem>>, vector<1x16xf32>,
      %broadcast_in_dim3A_120 = arith.constant 0.000000e+00 : f32
      %broadcast_in_dim3A_121 = vector.broadcast %broadcast_in_dim3A_120 : f32 to vector<16xf32>
      %swap3A_122 = arith.index_cast %add3A_58 : i32 to index
      %swap3A_123 = arith.constant 64 : index
      %swap3A_124 = tpu.vector_load %arg11[%swap3A_122, %swap3A_123] {strides = array<i32>} : memref<128x128xf32, #tpu.memory_space<vmem>>, vector<1x16xf32>,
      %swap3A_125 = vector.shape_cast %swap3A_124 : vector<1x16xf32> to vector<16xf32>
      %swap3A_126 = vector.shape_cast %broadcast_in_dim3A_121 : vector<16xf32> to vector<1x16xf32>
      tpu.vector_store %arg11[%swap3A_122, %swap3A_123], %swap3A_126 {strides = array<i32>} : memref<128x128xf32, #tpu.memory_space<vmem>>, vector<1x16xf32>,
      %broadcast_in_dim3A_127 = arith.constant 0.000000e+00 : f32
      %broadcast_in_dim3A_128 = vector.broadcast %broadcast_in_dim3A_127 : f32 to vector<16xf32>
      %swap3A_129 = arith.index_cast %add3A_58 : i32 to index
      %swap3A_130 = arith.constant 80 : index
      %swap3A_131 = tpu.vector_load %arg10[%swap3A_129, %swap3A_130] {strides = array<i32>} : memref<128x128xf32, #tpu.memory_space<vmem>>, vector<1x16xf32>,
      %swap3A_132 = vector.shape_cast %swap3A_131 : vector<1x16xf32> to vector<16xf32>
      %swap3A_133 = vector.shape_cast %broadcast_in_dim3A_128 : vector<16xf32> to vector<1x16xf32>
      tpu.vector_store %arg10[%swap3A_129, %swap3A_130], %swap3A_133 {strides = array<i32>} : memref<128x128xf32, #tpu.memory_space<vmem>>, vector<1x16xf32>,
      %broadcast_in_dim3A_134 = arith.constant 0.000000e+00 : f32
      %broadcast_in_dim3A_135 = vector.broadcast %broadcast_in_dim3A_134 : f32 to vector<16xf32>
      %swap3A_136 = arith.index_cast %add3A_58 : i32 to index
      %swap3A_137 = arith.constant 80 : index
      %swap3A_138 = tpu.vector_load %arg11[%swap3A_136, %swap3A_137] {strides = array<i32>} : memref<128x128xf32, #tpu.memory_space<vmem>>, vector<1x16xf32>,
      %swap3A_139 = vector.shape_cast %swap3A_138 : vector<1x16xf32> to vector<16xf32>
      %swap3A_140 = vector.shape_cast %broadcast_in_dim3A_135 : vector<16xf32> to vector<1x16xf32>
      tpu.vector_store %arg11[%swap3A_136, %swap3A_137], %swap3A_140 {strides = array<i32>} : memref<128x128xf32, #tpu.memory_space<vmem>>, vector<1x16xf32>,
      %broadcast_in_dim3A_141 = arith.constant 0.000000e+00 : f32
      %broadcast_in_dim3A_142 = vector.broadcast %broadcast_in_dim3A_141 : f32 to vector<16xf32>
      %swap3A_143 = arith.index_cast %add3A_58 : i32 to index
      %swap3A_144 = arith.constant 96 : index
      %swap3A_145 = tpu.vector_load %arg10[%swap3A_143, %swap3A_144] {strides = array<i32>} : memref<128x128xf32, #tpu.memory_space<vmem>>, vector<1x16xf32>,
      %swap3A_146 = vector.shape_cast %swap3A_145 : vector<1x16xf32> to vector<16xf32>
      %swap3A_147 = vector.shape_cast %broadcast_in_dim3A_142 : vector<16xf32> to vector<1x16xf32>
      tpu.vector_store %arg10[%swap3A_143, %swap3A_144], %swap3A_147 {strides = array<i32>} : memref<128x128xf32, #tpu.memory_space<vmem>>, vector<1x16xf32>,
      %broadcast_in_dim3A_148 = arith.constant 0.000000e+00 : f32
      %broadcast_in_dim3A_149 = vector.broadcast %broadcast_in_dim3A_148 : f32 to vector<16xf32>
      %swap3A_150 = arith.index_cast %add3A_58 : i32 to index
      %swap3A_151 = arith.constant 96 : index
      %swap3A_152 = tpu.vector_load %arg11[%swap3A_150, %swap3A_151] {strides = array<i32>} : memref<128x128xf32, #tpu.memory_space<vmem>>, vector<1x16xf32>,
      %swap3A_153 = vector.shape_cast %swap3A_152 : vector<1x16xf32> to vector<16xf32>
      %swap3A_154 = vector.shape_cast %broadcast_in_dim3A_149 : vector<16xf32> to vector<1x16xf32>
      tpu.vector_store %arg11[%swap3A_150, %swap3A_151], %swap3A_154 {strides = array<i32>} : memref<128x128xf32, #tpu.memory_space<vmem>>, vector<1x16xf32>,
      %broadcast_in_dim3A_155 = arith.constant 0.000000e+00 : f32
      %broadcast_in_dim3A_156 = vector.broadcast %broadcast_in_dim3A_155 : f32 to vector<16xf32>
      %swap3A_157 = arith.index_cast %add3A_58 : i32 to index
      %swap3A_158 = arith.constant 112 : index
      %swap3A_159 = tpu.vector_load %arg10[%swap3A_157, %swap3A_158] {strides = array<i32>} : memref<128x128xf32, #tpu.memory_space<vmem>>, vector<1x16xf32>,
      %swap3A_160 = vector.shape_cast %swap3A_159 : vector<1x16xf32> to vector<16xf32>
      %swap3A_161 = vector.shape_cast %broadcast_in_dim3A_156 : vector<16xf32> to vector<1x16xf32>
      tpu.vector_store %arg10[%swap3A_157, %swap3A_158], %swap3A_161 {strides = array<i32>} : memref<128x128xf32, #tpu.memory_space<vmem>>, vector<1x16xf32>,
      %broadcast_in_dim3A_162 = arith.constant 0.000000e+00 : f32
      %broadcast_in_dim3A_163 = vector.broadcast %broadcast_in_dim3A_162 : f32 to vector<16xf32>
      %swap3A_164 = arith.index_cast %add3A_58 : i32 to index
      %swap3A_165 = arith.constant 112 : index
      %swap3A_166 = tpu.vector_load %arg11[%swap3A_164, %swap3A_165] {strides = array<i32>} : memref<128x128xf32, #tpu.memory_space<vmem>>, vector<1x16xf32>,
      %swap3A_167 = vector.shape_cast %swap3A_166 : vector<1x16xf32> to vector<16xf32>
      %swap3A_168 = vector.shape_cast %broadcast_in_dim3A_163 : vector<16xf32> to vector<1x16xf32>
      tpu.vector_store %arg11[%swap3A_164, %swap3A_165], %swap3A_168 {strides = array<i32>} : memref<128x128xf32, #tpu.memory_space<vmem>>, vector<1x16xf32>,
    }
    %scan3A_45 = arith.constant 128 : i32
    %barrier3A_46 = arith.constant 0 : index
    tpu.barrier barrier_id(%barrier3A_46)
    %scan3A_47 = arith.constant 0 : i32
    %scan3A_48 = arith.constant 80 : i32
    %scan3A_49 = arith.addi %scan3A_47, %scan3A_48 : i32
    %scan3A_50 = arith.constant 1 : i32
    scf.for %scan3A_54 = %scan3A_47 to %scan3A_49 step %scan3A_50  : i32 {
      %mul3A_55 = arith.constant 1 : i32
      %mul3A_56 = arith.muli %scan3A_54, %mul3A_55 : i32
      %add3A_57 = arith.constant 0 : i32
      %add3A_58 = arith.addi %add3A_57, %mul3A_56 : i32
      %get3A = arith.index_cast %add3A_58 : i32 to index
      %get3A_59 = arith.constant 0 : index
      %get3A_60 = tpu.vector_load %arg7[%get3A, %get3A_59] {strides = array<i32>} : memref<80x128xi32, #tpu.memory_space<vmem>>, vector<1x16xi32>,
      %get3A_61 = vector.shape_cast %get3A_60 : vector<1x16xi32> to vector<16xi32>
      %ge3A = vector.broadcast %mul3A_0 : i32 to vector<16xi32>
      %ge3A_62 = arith.cmpi sge, %get3A_61, %ge3A : vector<16xi32>
      %add3A_63 = arith.constant 5120 : i32
      %add3A_64 = arith.addi %mul3A_0, %add3A_63 : i32
      %lt3A = vector.broadcast %add3A_64 : i32 to vector<16xi32>
      %lt3A_65 = arith.cmpi slt, %get3A_61, %lt3A : vector<16xi32>
      %and3A = arith.andi %ge3A_62, %lt3A_65 : vector<16xi1>
      %sub3A = vector.broadcast %mul3A_0 : i32 to vector<16xi32>
      %sub3A_66 = arith.subi %get3A_61, %sub3A : vector<16xi32>
      %jit3A = arith.constant 5120 : i32
      %broadcast_in_dim3A = vector.broadcast %jit3A : i32 to vector<16xi32>
      %select_n3A = arith.select %and3A, %sub3A_66, %broadcast_in_dim3A : vector<16xi1>, vector<16xi32>
      %swap3A = arith.constant 0 : index
      %swap3A_67 = tpu.vector_load %arg8[%swap3A] {strides = array<i32>} : memref<128xi32, #tpu.memory_space<vmem>>, vector<16xi32>,
      %swap3A_68 = vector.shape_cast %swap3A_67 : vector<16xi32> to vector<16xi32>
      %swap3A_69 = vector.shape_cast %select_n3A : vector<16xi32> to vector<16xi32>
      tpu.vector_store %arg8[%swap3A], %swap3A_69 {strides = array<i32>} : memref<128xi32, #tpu.memory_space<vmem>>, vector<16xi32>,
      %get3A_70 = arith.index_cast %add3A_58 : i32 to index
      %get3A_71 = arith.constant 16 : index
      %get3A_72 = tpu.vector_load %arg7[%get3A_70, %get3A_71] {strides = array<i32>} : memref<80x128xi32, #tpu.memory_space<vmem>>, vector<1x16xi32>,
      %get3A_73 = vector.shape_cast %get3A_72 : vector<1x16xi32> to vector<16xi32>
      %ge3A_74 = vector.broadcast %mul3A_0 : i32 to vector<16xi32>
      %ge3A_75 = arith.cmpi sge, %get3A_73, %ge3A_74 : vector<16xi32>
      %add3A_76 = arith.constant 5120 : i32
      %add3A_77 = arith.addi %mul3A_0, %add3A_76 : i32
      %lt3A_78 = vector.broadcast %add3A_77 : i32 to vector<16xi32>
      %lt3A_79 = arith.cmpi slt, %get3A_73, %lt3A_78 : vector<16xi32>
      %and3A_80 = arith.andi %ge3A_75, %lt3A_79 : vector<16xi1>
      %sub3A_81 = vector.broadcast %mul3A_0 : i32 to vector<16xi32>
      %sub3A_82 = arith.subi %get3A_73, %sub3A_81 : vector<16xi32>
      %jit3A_83 = arith.constant 5120 : i32
      %broadcast_in_dim3A_84 = vector.broadcast %jit3A_83 : i32 to vector<16xi32>
      %select_n3A_85 = arith.select %and3A_80, %sub3A_82, %broadcast_in_dim3A_84 : vector<16xi1>, vector<16xi32>
      %swap3A_86 = arith.constant 16 : index
      %swap3A_87 = tpu.vector_load %arg8[%swap3A_86] {strides = array<i32>} : memref<128xi32, #tpu.memory_space<vmem>>, vector<16xi32>,
      %swap3A_88 = vector.shape_cast %swap3A_87 : vector<16xi32> to vector<16xi32>
      %swap3A_89 = vector.shape_cast %select_n3A_85 : vector<16xi32> to vector<16xi32>
      tpu.vector_store %arg8[%swap3A_86], %swap3A_89 {strides = array<i32>} : memref<128xi32, #tpu.memory_space<vmem>>, vector<16xi32>,
      %get3A_90 = arith.index_cast %add3A_58 : i32 to index
      %get3A_91 = arith.constant 32 : index
      %get3A_92 = tpu.vector_load %arg7[%get3A_90, %get3A_91] {strides = array<i32>} : memref<80x128xi32, #tpu.memory_space<vmem>>, vector<1x16xi32>,
      %get3A_93 = vector.shape_cast %get3A_92 : vector<1x16xi32> to vector<16xi32>
      %ge3A_94 = vector.broadcast %mul3A_0 : i32 to vector<16xi32>
      %ge3A_95 = arith.cmpi sge, %get3A_93, %ge3A_94 : vector<16xi32>
      %add3A_96 = arith.constant 5120 : i32
      %add3A_97 = arith.addi %mul3A_0, %add3A_96 : i32
      %lt3A_98 = vector.broadcast %add3A_97 : i32 to vector<16xi32>
      %lt3A_99 = arith.cmpi slt, %get3A_93, %lt3A_98 : vector<16xi32>
      %and3A_100 = arith.andi %ge3A_95, %lt3A_99 : vector<16xi1>
      %sub3A_101 = vector.broadcast %mul3A_0 : i32 to vector<16xi32>
      %sub3A_102 = arith.subi %get3A_93, %sub3A_101 : vector<16xi32>
      %jit3A_103 = arith.constant 5120 : i32
      %broadcast_in_dim3A_104 = vector.broadcast %jit3A_103 : i32 to vector<16xi32>
      %select_n3A_105 = arith.select %and3A_100, %sub3A_102, %broadcast_in_dim3A_104 : vector<16xi1>, vector<16xi32>
      %swap3A_106 = arith.constant 32 : index
      %swap3A_107 = tpu.vector_load %arg8[%swap3A_106] {strides = array<i32>} : memref<128xi32, #tpu.memory_space<vmem>>, vector<16xi32>,
      %swap3A_108 = vector.shape_cast %swap3A_107 : vector<16xi32> to vector<16xi32>
      %swap3A_109 = vector.shape_cast %select_n3A_105 : vector<16xi32> to vector<16xi32>
      tpu.vector_store %arg8[%swap3A_106], %swap3A_109 {strides = array<i32>} : memref<128xi32, #tpu.memory_space<vmem>>, vector<16xi32>,
      %get3A_110 = arith.index_cast %add3A_58 : i32 to index
      %get3A_111 = arith.constant 48 : index
      %get3A_112 = tpu.vector_load %arg7[%get3A_110, %get3A_111] {strides = array<i32>} : memref<80x128xi32, #tpu.memory_space<vmem>>, vector<1x16xi32>,
      %get3A_113 = vector.shape_cast %get3A_112 : vector<1x16xi32> to vector<16xi32>
      %ge3A_114 = vector.broadcast %mul3A_0 : i32 to vector<16xi32>
      %ge3A_115 = arith.cmpi sge, %get3A_113, %ge3A_114 : vector<16xi32>
      %add3A_116 = arith.constant 5120 : i32
      %add3A_117 = arith.addi %mul3A_0, %add3A_116 : i32
      %lt3A_118 = vector.broadcast %add3A_117 : i32 to vector<16xi32>
      %lt3A_119 = arith.cmpi slt, %get3A_113, %lt3A_118 : vector<16xi32>
      %and3A_120 = arith.andi %ge3A_115, %lt3A_119 : vector<16xi1>
      %sub3A_121 = vector.broadcast %mul3A_0 : i32 to vector<16xi32>
      %sub3A_122 = arith.subi %get3A_113, %sub3A_121 : vector<16xi32>
      %jit3A_123 = arith.constant 5120 : i32
      %broadcast_in_dim3A_124 = vector.broadcast %jit3A_123 : i32 to vector<16xi32>
      %select_n3A_125 = arith.select %and3A_120, %sub3A_122, %broadcast_in_dim3A_124 : vector<16xi1>, vector<16xi32>
      %swap3A_126 = arith.constant 48 : index
      %swap3A_127 = tpu.vector_load %arg8[%swap3A_126] {strides = array<i32>} : memref<128xi32, #tpu.memory_space<vmem>>, vector<16xi32>,
      %swap3A_128 = vector.shape_cast %swap3A_127 : vector<16xi32> to vector<16xi32>
      %swap3A_129 = vector.shape_cast %select_n3A_125 : vector<16xi32> to vector<16xi32>
      tpu.vector_store %arg8[%swap3A_126], %swap3A_129 {strides = array<i32>} : memref<128xi32, #tpu.memory_space<vmem>>, vector<16xi32>,
      %get3A_130 = arith.index_cast %add3A_58 : i32 to index
      %get3A_131 = arith.constant 64 : index
      %get3A_132 = tpu.vector_load %arg7[%get3A_130, %get3A_131] {strides = array<i32>} : memref<80x128xi32, #tpu.memory_space<vmem>>, vector<1x16xi32>,
      %get3A_133 = vector.shape_cast %get3A_132 : vector<1x16xi32> to vector<16xi32>
      %ge3A_134 = vector.broadcast %mul3A_0 : i32 to vector<16xi32>
      %ge3A_135 = arith.cmpi sge, %get3A_133, %ge3A_134 : vector<16xi32>
      %add3A_136 = arith.constant 5120 : i32
      %add3A_137 = arith.addi %mul3A_0, %add3A_136 : i32
      %lt3A_138 = vector.broadcast %add3A_137 : i32 to vector<16xi32>
      %lt3A_139 = arith.cmpi slt, %get3A_133, %lt3A_138 : vector<16xi32>
      %and3A_140 = arith.andi %ge3A_135, %lt3A_139 : vector<16xi1>
      %sub3A_141 = vector.broadcast %mul3A_0 : i32 to vector<16xi32>
      %sub3A_142 = arith.subi %get3A_133, %sub3A_141 : vector<16xi32>
      %jit3A_143 = arith.constant 5120 : i32
      %broadcast_in_dim3A_144 = vector.broadcast %jit3A_143 : i32 to vector<16xi32>
      %select_n3A_145 = arith.select %and3A_140, %sub3A_142, %broadcast_in_dim3A_144 : vector<16xi1>, vector<16xi32>
      %swap3A_146 = arith.constant 64 : index
      %swap3A_147 = tpu.vector_load %arg8[%swap3A_146] {strides = array<i32>} : memref<128xi32, #tpu.memory_space<vmem>>, vector<16xi32>,
      %swap3A_148 = vector.shape_cast %swap3A_147 : vector<16xi32> to vector<16xi32>
      %swap3A_149 = vector.shape_cast %select_n3A_145 : vector<16xi32> to vector<16xi32>
      tpu.vector_store %arg8[%swap3A_146], %swap3A_149 {strides = array<i32>} : memref<128xi32, #tpu.memory_space<vmem>>, vector<16xi32>,
      %get3A_150 = arith.index_cast %add3A_58 : i32 to index
      %get3A_151 = arith.constant 80 : index
      %get3A_152 = tpu.vector_load %arg7[%get3A_150, %get3A_151] {strides = array<i32>} : memref<80x128xi32, #tpu.memory_space<vmem>>, vector<1x16xi32>,
      %get3A_153 = vector.shape_cast %get3A_152 : vector<1x16xi32> to vector<16xi32>
      %ge3A_154 = vector.broadcast %mul3A_0 : i32 to vector<16xi32>
      %ge3A_155 = arith.cmpi sge, %get3A_153, %ge3A_154 : vector<16xi32>
      %add3A_156 = arith.constant 5120 : i32
      %add3A_157 = arith.addi %mul3A_0, %add3A_156 : i32
      %lt3A_158 = vector.broadcast %add3A_157 : i32 to vector<16xi32>
      %lt3A_159 = arith.cmpi slt, %get3A_153, %lt3A_158 : vector<16xi32>
      %and3A_160 = arith.andi %ge3A_155, %lt3A_159 : vector<16xi1>
      %sub3A_161 = vector.broadcast %mul3A_0 : i32 to vector<16xi32>
      %sub3A_162 = arith.subi %get3A_153, %sub3A_161 : vector<16xi32>
      %jit3A_163 = arith.constant 5120 : i32
      %broadcast_in_dim3A_164 = vector.broadcast %jit3A_163 : i32 to vector<16xi32>
      %select_n3A_165 = arith.select %and3A_160, %sub3A_162, %broadcast_in_dim3A_164 : vector<16xi1>, vector<16xi32>
      %swap3A_166 = arith.constant 80 : index
      %swap3A_167 = tpu.vector_load %arg8[%swap3A_166] {strides = array<i32>} : memref<128xi32, #tpu.memory_space<vmem>>, vector<16xi32>,
      %swap3A_168 = vector.shape_cast %swap3A_167 : vector<16xi32> to vector<16xi32>
      %swap3A_169 = vector.shape_cast %select_n3A_165 : vector<16xi32> to vector<16xi32>
      tpu.vector_store %arg8[%swap3A_166], %swap3A_169 {strides = array<i32>} : memref<128xi32, #tpu.memory_space<vmem>>, vector<16xi32>,
      %get3A_170 = arith.index_cast %add3A_58 : i32 to index
      %get3A_171 = arith.constant 96 : index
      %get3A_172 = tpu.vector_load %arg7[%get3A_170, %get3A_171] {strides = array<i32>} : memref<80x128xi32, #tpu.memory_space<vmem>>, vector<1x16xi32>,
      %get3A_173 = vector.shape_cast %get3A_172 : vector<1x16xi32> to vector<16xi32>
      %ge3A_174 = vector.broadcast %mul3A_0 : i32 to vector<16xi32>
      %ge3A_175 = arith.cmpi sge, %get3A_173, %ge3A_174 : vector<16xi32>
      %add3A_176 = arith.constant 5120 : i32
      %add3A_177 = arith.addi %mul3A_0, %add3A_176 : i32
      %lt3A_178 = vector.broadcast %add3A_177 : i32 to vector<16xi32>
      %lt3A_179 = arith.cmpi slt, %get3A_173, %lt3A_178 : vector<16xi32>
      %and3A_180 = arith.andi %ge3A_175, %lt3A_179 : vector<16xi1>
      %sub3A_181 = vector.broadcast %mul3A_0 : i32 to vector<16xi32>
      %sub3A_182 = arith.subi %get3A_173, %sub3A_181 : vector<16xi32>
      %jit3A_183 = arith.constant 5120 : i32
      %broadcast_in_dim3A_184 = vector.broadcast %jit3A_183 : i32 to vector<16xi32>
      %select_n3A_185 = arith.select %and3A_180, %sub3A_182, %broadcast_in_dim3A_184 : vector<16xi1>, vector<16xi32>
      %swap3A_186 = arith.constant 96 : index
      %swap3A_187 = tpu.vector_load %arg8[%swap3A_186] {strides = array<i32>} : memref<128xi32, #tpu.memory_space<vmem>>, vector<16xi32>,
      %swap3A_188 = vector.shape_cast %swap3A_187 : vector<16xi32> to vector<16xi32>
      %swap3A_189 = vector.shape_cast %select_n3A_185 : vector<16xi32> to vector<16xi32>
      tpu.vector_store %arg8[%swap3A_186], %swap3A_189 {strides = array<i32>} : memref<128xi32, #tpu.memory_space<vmem>>, vector<16xi32>,
      %get3A_190 = arith.index_cast %add3A_58 : i32 to index
      %get3A_191 = arith.constant 112 : index
      %get3A_192 = tpu.vector_load %arg7[%get3A_190, %get3A_191] {strides = array<i32>} : memref<80x128xi32, #tpu.memory_space<vmem>>, vector<1x16xi32>,
      %get3A_193 = vector.shape_cast %get3A_192 : vector<1x16xi32> to vector<16xi32>
      %ge3A_194 = vector.broadcast %mul3A_0 : i32 to vector<16xi32>
      %ge3A_195 = arith.cmpi sge, %get3A_193, %ge3A_194 : vector<16xi32>
      %add3A_196 = arith.constant 5120 : i32
      %add3A_197 = arith.addi %mul3A_0, %add3A_196 : i32
      %lt3A_198 = vector.broadcast %add3A_197 : i32 to vector<16xi32>
      %lt3A_199 = arith.cmpi slt, %get3A_193, %lt3A_198 : vector<16xi32>
      %and3A_200 = arith.andi %ge3A_195, %lt3A_199 : vector<16xi1>
      %sub3A_201 = vector.broadcast %mul3A_0 : i32 to vector<16xi32>
      %sub3A_202 = arith.subi %get3A_193, %sub3A_201 : vector<16xi32>
      %jit3A_203 = arith.constant 5120 : i32
      %broadcast_in_dim3A_204 = vector.broadcast %jit3A_203 : i32 to vector<16xi32>
      %select_n3A_205 = arith.select %and3A_200, %sub3A_202, %broadcast_in_dim3A_204 : vector<16xi1>, vector<16xi32>
      %swap3A_206 = arith.constant 112 : index
      %swap3A_207 = tpu.vector_load %arg8[%swap3A_206] {strides = array<i32>} : memref<128xi32, #tpu.memory_space<vmem>>, vector<16xi32>,
      %swap3A_208 = vector.shape_cast %swap3A_207 : vector<16xi32> to vector<16xi32>
      %swap3A_209 = vector.shape_cast %select_n3A_205 : vector<16xi32> to vector<16xi32>
      tpu.vector_store %arg8[%swap3A_206], %swap3A_209 {strides = array<i32>} : memref<128xi32, #tpu.memory_space<vmem>>, vector<16xi32>,
      %mul3A_210 = arith.constant 128 : i32
      %mul3A_211 = arith.muli %add3A_58, %mul3A_210 : i32
      %add3A_212 = arith.addi %mul3A_4, %mul3A_211 : i32
      "tpu.region"() ({
        %run_scoped3A = tpu.sem_alloc : memref<!tpu.dma_semaphore, #tpu.memory_space<semaphore_mem>>
        %dma_start3A = arith.constant 0 : i32
        %dma_start3A_218 = tpu.memref_slice %arg3[%add3A_212, %dma_start3A] : memref<163840x16xf32, #tpu.memory_space<hbm>> -> memref<128x16xf32, #tpu.memory_space<hbm>>
        %dma_start3A_219 = arith.constant 0 : i32
        %dma_start3A_220 = tpu.memref_slice %arg3[%add3A_212, %dma_start3A_219] : memref<163840x16xf32, #tpu.memory_space<hbm>> -> memref<128x16xf32, #tpu.memory_space<hbm>>
        tpu.enqueue_dma source(%dma_start3A_220 : memref<128x16xf32, #tpu.memory_space<hbm>>) target(%arg13 : memref<128x16xf32, #tpu.memory_space<vmem>>) target_semaphore(%run_scoped3A : memref<!tpu.dma_semaphore, #tpu.memory_space<semaphore_mem>>)
        %dma_wait3A = arith.constant 0 : i32
        %dma_wait3A_221 = tpu.memref_slice %arg3[%add3A_212, %dma_wait3A] : memref<163840x16xf32, #tpu.memory_space<hbm>> -> memref<128x16xf32, #tpu.memory_space<hbm>>
        %dma_wait3A_222 = arith.constant 0 : i32
        %dma_wait3A_223 = tpu.memref_slice %arg3[%add3A_212, %dma_wait3A_222] : memref<163840x16xf32, #tpu.memory_space<hbm>> -> memref<128x16xf32, #tpu.memory_space<hbm>>
        tpu.wait_dma2 semaphore(%run_scoped3A : memref<!tpu.dma_semaphore, #tpu.memory_space<semaphore_mem>>) src(%dma_wait3A_223 : memref<128x16xf32, #tpu.memory_space<hbm>>) dst(%arg13 : memref<128x16xf32, #tpu.memory_space<vmem>>)
        tpu.yield
      }) : () -> ()
      %scan3A_213 = arith.constant 0 : i32
      %scan3A_214 = arith.constant 128 : i32
      %scan3A_215 = arith.addi %scan3A_213, %scan3A_214 : i32
      %scan3A_216 = arith.constant 1 : i32
      scf.for %scan3A_218 = %scan3A_213 to %scan3A_215 step %scan3A_216  : i32 {
        %mul3A_219 = arith.constant 1 : i32
        %mul3A_220 = arith.muli %scan3A_218, %mul3A_219 : i32
        %add3A_221 = arith.constant 0 : i32
        %add3A_222 = arith.addi %add3A_221, %mul3A_220 : i32
        %get3A_223 = arith.index_cast %add3A_222 : i32 to index
        %get3A_224 = arith.constant 0 : index
        %get3A_225 = tpu.vector_load %arg13[%get3A_223, %get3A_224] {strides = array<i32>} : memref<128x16xf32, #tpu.memory_space<vmem>>, vector<1x16xf32>,
        %get3A_226 = vector.shape_cast %get3A_225 : vector<1x16xf32> to vector<16xf32>
        %swap3A_227 = arith.index_cast %add3A_222 : i32 to index
        %swap3A_228 = arith.constant 0 : index
        %swap3A_229 = tpu.vector_load %arg10[%swap3A_227, %swap3A_228] {strides = array<i32>} : memref<128x128xf32, #tpu.memory_space<vmem>>, vector<1x16xf32>,
        %swap3A_230 = vector.shape_cast %swap3A_229 : vector<1x16xf32> to vector<16xf32>
        %swap3A_231 = vector.shape_cast %get3A_226 : vector<16xf32> to vector<1x16xf32>
        tpu.vector_store %arg10[%swap3A_227, %swap3A_228], %swap3A_231 {strides = array<i32>} : memref<128x128xf32, #tpu.memory_space<vmem>>, vector<1x16xf32>,
      }
      %scan3A_217 = arith.constant 128 : i32
      "tpu.region"() ({
        %run_scoped3A = tpu.sem_alloc : memref<!tpu.dma_semaphore, #tpu.memory_space<semaphore_mem>>
        %dma_start3A = arith.constant 0 : i32
        %dma_start3A_218 = arith.constant 0 : i32
        %dma_start3A_219 = tpu.memref_slice %arg15[%dma_start3A, %dma_start3A_218] : memref<5248x128xf32, #tpu.memory_space<vmem_shared>> -> memref<5248x128xf32, #tpu.memory_space<vmem_shared>>
        tpu.enqueue_indirect_dma source(%arg10 : memref<128x128xf32, #tpu.memory_space<vmem>>) target(%dma_start3A_219 : memref<5248x128xf32, #tpu.memory_space<vmem_shared>>) offsets(%arg8 : memref<128xi32, #tpu.memory_space<vmem>>) semaphore(%run_scoped3A : memref<!tpu.dma_semaphore, #tpu.memory_space<semaphore_mem>>) {add = true}
        %dma_wait3A = arith.constant 0 : i32
        %dma_wait3A_220 = arith.constant 0 : i32
        %dma_wait3A_221 = tpu.memref_slice %arg15[%dma_wait3A, %dma_wait3A_220] : memref<5248x128xf32, #tpu.memory_space<vmem_shared>> -> memref<5248x128xf32, #tpu.memory_space<vmem_shared>>
        tpu.wait_indirect_dma semaphore(%run_scoped3A : memref<!tpu.dma_semaphore, #tpu.memory_space<semaphore_mem>>) src(%arg10 : memref<128x128xf32, #tpu.memory_space<vmem>>) dst(%dma_wait3A_221 : memref<5248x128xf32, #tpu.memory_space<vmem_shared>>)
        tpu.yield
      }) : () -> ()
    }
    %scan3A_51 = arith.constant 80 : i32
    %barrier3A_52 = arith.constant 0 : index
    tpu.barrier barrier_id(%barrier3A_52)
    %add3A_53 = arith.addi %mul3A_0, %mul3A_25 : i32
    "tpu.region"() ({
      %run_scoped3A = tpu.sem_alloc : memref<!tpu.dma_semaphore, #tpu.memory_space<semaphore_mem>>
      %dma_start3A = arith.constant 0 : i32
      %dma_start3A_54 = tpu.memref_slice %arg6[%add3A_53, %dma_start3A] : memref<10240x128xf32, #tpu.memory_space<hbm>> -> memref<320x128xf32, #tpu.memory_space<hbm>>
      %dma_start3A_55 = arith.constant 0 : i32
      %dma_start3A_56 = tpu.memref_slice %arg15[%mul3A_25, %dma_start3A_55] : memref<5248x128xf32, #tpu.memory_space<vmem_shared>> -> memref<320x128xf32, #tpu.memory_space<vmem_shared>>
      tpu.enqueue_dma source(%dma_start3A_56 : memref<320x128xf32, #tpu.memory_space<vmem_shared>>) target(%dma_start3A_54 : memref<320x128xf32, #tpu.memory_space<hbm>>) target_semaphore(%run_scoped3A : memref<!tpu.dma_semaphore, #tpu.memory_space<semaphore_mem>>)
      %dma_wait3A = arith.constant 0 : i32
      %dma_wait3A_57 = tpu.memref_slice %arg6[%add3A_53, %dma_wait3A] : memref<10240x128xf32, #tpu.memory_space<hbm>> -> memref<320x128xf32, #tpu.memory_space<hbm>>
      %dma_wait3A_58 = arith.constant 0 : i32
      %dma_wait3A_59 = tpu.memref_slice %arg15[%mul3A_25, %dma_wait3A_58] : memref<5248x128xf32, #tpu.memory_space<vmem_shared>> -> memref<320x128xf32, #tpu.memory_space<vmem_shared>>
      tpu.wait_dma2 semaphore(%run_scoped3A : memref<!tpu.dma_semaphore, #tpu.memory_space<semaphore_mem>>) src(%dma_wait3A_59 : memref<320x128xf32, #tpu.memory_space<vmem_shared>>) dst(%dma_wait3A_57 : memref<320x128xf32, #tpu.memory_space<hbm>>)
      tpu.yield
    }) : () -> ()
    return
  }
}

#map = affine_map<(d0, d1) -> (0, 0)>
#map1 = affine_map<(d0, d1) -> (0)>
module attributes {stable_mosaic.version = 14 : i64} {
  func.func @k(%arg0: i32, %arg1: i32, %arg2: memref<10240x128xf32, #tpu.memory_space<hbm>>, %arg3: memref<512xi32, #tpu.memory_space<hbm>>, %arg4: memref<512x128xf32, #tpu.memory_space<hbm>>, %arg5: memref<16xi32, #tpu.memory_space<vmem>>, %arg6: memref<16x128xf32, #tpu.memory_space<vmem>>) attributes {dimension_semantics = [#tpu.dimension_semantics<core_parallel>, #tpu.dimension_semantics<subcore_parallel>], iteration_bounds = array<i64: 2, 16>, scalar_prefetch = 0 : i64, scratch_operands = 2 : i64, tpu.core_type = #tpu.core_type<sc_vector_subcore>, window_params = [{transform_indices = #map}, {transform_indices = #map1}, {transform_indices = #map}]} {
    %mul3A = arith.constant 16 : i32
    %mul3A_0 = arith.muli %arg0, %mul3A : i32
    %add3A = arith.addi %mul3A_0, %arg1 : i32
    %mul3A_1 = arith.constant 16 : i32
    %mul3A_2 = arith.muli %add3A, %mul3A_1 : i32
    "tpu.region"() ({
      %run_scoped3A = tpu.sem_alloc : memref<!tpu.dma_semaphore, #tpu.memory_space<semaphore_mem>>
      %dma_start3A = tpu.memref_slice %arg3[%mul3A_2] : memref<512xi32, #tpu.memory_space<hbm>> -> memref<16xi32, #tpu.memory_space<hbm>>
      %dma_start3A_5 = tpu.memref_slice %arg3[%mul3A_2] : memref<512xi32, #tpu.memory_space<hbm>> -> memref<16xi32, #tpu.memory_space<hbm>>
      tpu.enqueue_dma source(%dma_start3A_5 : memref<16xi32, #tpu.memory_space<hbm>>) target(%arg5 : memref<16xi32, #tpu.memory_space<vmem>>) target_semaphore(%run_scoped3A : memref<!tpu.dma_semaphore, #tpu.memory_space<semaphore_mem>>)
      %dma_wait3A = tpu.memref_slice %arg3[%mul3A_2] : memref<512xi32, #tpu.memory_space<hbm>> -> memref<16xi32, #tpu.memory_space<hbm>>
      %dma_wait3A_6 = tpu.memref_slice %arg3[%mul3A_2] : memref<512xi32, #tpu.memory_space<hbm>> -> memref<16xi32, #tpu.memory_space<hbm>>
      tpu.wait_dma2 semaphore(%run_scoped3A : memref<!tpu.dma_semaphore, #tpu.memory_space<semaphore_mem>>) src(%dma_wait3A_6 : memref<16xi32, #tpu.memory_space<hbm>>) dst(%arg5 : memref<16xi32, #tpu.memory_space<vmem>>)
      tpu.yield
    }) : () -> ()
    "tpu.region"() ({
      %run_scoped3A = tpu.sem_alloc : memref<!tpu.dma_semaphore, #tpu.memory_space<semaphore_mem>>
      %dma_start3A = arith.constant 0 : i32
      %dma_start3A_5 = arith.constant 0 : i32
      %dma_start3A_6 = tpu.memref_slice %arg2[%dma_start3A, %dma_start3A_5] : memref<10240x128xf32, #tpu.memory_space<hbm>> -> memref<10240x128xf32, #tpu.memory_space<hbm>>
      tpu.enqueue_indirect_dma source(%dma_start3A_6 : memref<10240x128xf32, #tpu.memory_space<hbm>>) target(%arg6 : memref<16x128xf32, #tpu.memory_space<vmem>>) offsets(%arg5 : memref<16xi32, #tpu.memory_space<vmem>>) semaphore(%run_scoped3A : memref<!tpu.dma_semaphore, #tpu.memory_space<semaphore_mem>>)
      %dma_wait3A = arith.constant 0 : i32
      %dma_wait3A_7 = arith.constant 0 : i32
      %dma_wait3A_8 = tpu.memref_slice %arg2[%dma_wait3A, %dma_wait3A_7] : memref<10240x128xf32, #tpu.memory_space<hbm>> -> memref<10240x128xf32, #tpu.memory_space<hbm>>
      tpu.wait_indirect_dma semaphore(%run_scoped3A : memref<!tpu.dma_semaphore, #tpu.memory_space<semaphore_mem>>) src(%dma_wait3A_8 : memref<10240x128xf32, #tpu.memory_space<hbm>>) dst(%arg6 : memref<16x128xf32, #tpu.memory_space<vmem>>)
      tpu.yield
    }) : () -> ()
    %mul3A_3 = arith.constant 16 : i32
    %mul3A_4 = arith.muli %add3A, %mul3A_3 : i32
    "tpu.region"() ({
      %run_scoped3A = tpu.sem_alloc : memref<!tpu.dma_semaphore, #tpu.memory_space<semaphore_mem>>
      %dma_start3A = arith.constant 0 : i32
      %dma_start3A_5 = tpu.memref_slice %arg4[%mul3A_4, %dma_start3A] : memref<512x128xf32, #tpu.memory_space<hbm>> -> memref<16x128xf32, #tpu.memory_space<hbm>>
      %dma_start3A_6 = arith.constant 0 : i32
      %dma_start3A_7 = tpu.memref_slice %arg4[%mul3A_4, %dma_start3A_6] : memref<512x128xf32, #tpu.memory_space<hbm>> -> memref<16x128xf32, #tpu.memory_space<hbm>>
      tpu.enqueue_dma source(%arg6 : memref<16x128xf32, #tpu.memory_space<vmem>>) target(%dma_start3A_7 : memref<16x128xf32, #tpu.memory_space<hbm>>) target_semaphore(%run_scoped3A : memref<!tpu.dma_semaphore, #tpu.memory_space<semaphore_mem>>)
      %dma_wait3A = arith.constant 0 : i32
      %dma_wait3A_8 = tpu.memref_slice %arg4[%mul3A_4, %dma_wait3A] : memref<512x128xf32, #tpu.memory_space<hbm>> -> memref<16x128xf32, #tpu.memory_space<hbm>>
      %dma_wait3A_9 = arith.constant 0 : i32
      %dma_wait3A_10 = tpu.memref_slice %arg4[%mul3A_4, %dma_wait3A_9] : memref<512x128xf32, #tpu.memory_space<hbm>> -> memref<16x128xf32, #tpu.memory_space<hbm>>
      tpu.wait_dma2 semaphore(%run_scoped3A : memref<!tpu.dma_semaphore, #tpu.memory_space<semaphore_mem>>) src(%arg6 : memref<16x128xf32, #tpu.memory_space<vmem>>) dst(%dma_wait3A_10 : memref<16x128xf32, #tpu.memory_space<hbm>>)
      tpu.yield
    }) : () -> ()
    return
  }
}

module attributes {stable_mosaic.version = 14 : i64} {
  func.func @body(%arg0: i32, %arg1: memref<1024x128xf32, #tpu.memory_space<vmem>>, %arg2: memref<1024x128xf32, #tpu.memory_space<vmem>>, %arg3: memref<1024x16xf32, #tpu.memory_space<vmem>>, %arg4: memref<1024x16xf32, #tpu.memory_space<vmem>>, %arg5: memref<273x128xf32, #tpu.memory_space<vmem>>, %arg6: memref<1x128xf32, #tpu.memory_space<vmem>>, %arg7: memref<128x128xf32, #tpu.memory_space<vmem>>, %arg8: memref<1x128xf32, #tpu.memory_space<vmem>>, %arg9: memref<128x128xf32, #tpu.memory_space<vmem>>, %arg10: memref<1x128xf32, #tpu.memory_space<vmem>>, %arg11: memref<128x1xf32, #tpu.memory_space<vmem>>, %arg12: memref<1024x128xf32, #tpu.memory_space<vmem>>, %arg13: memref<1024x16xf32, #tpu.memory_space<vmem>>) attributes {dimension_semantics = [#tpu.dimension_semantics<arbitrary>], iteration_bounds = array<i64: 160>, scalar_prefetch = 0 : i64, scratch_operands = 0 : i64, tpu.core_type = #tpu.core_type<tc>, window_params = [{transform_indices = @transform_0, window_bounds = array<i64: 1024, 128>}, {transform_indices = @transform_1, window_bounds = array<i64: 1024, 128>}, {transform_indices = @transform_2, window_bounds = array<i64: 1024, 16>}, {transform_indices = @transform_3, window_bounds = array<i64: 1024, 16>}, {pipeline_mode = #tpu.pipeline_mode<synchronous>, transform_indices = @transform_4, window_bounds = array<i64: 273, 128>}, {pipeline_mode = #tpu.pipeline_mode<synchronous>, transform_indices = @transform_5, window_bounds = array<i64: 1, 128>}, {pipeline_mode = #tpu.pipeline_mode<synchronous>, transform_indices = @transform_6, window_bounds = array<i64: 128, 128>}, {pipeline_mode = #tpu.pipeline_mode<synchronous>, transform_indices = @transform_7, window_bounds = array<i64: 1, 128>}, {pipeline_mode = #tpu.pipeline_mode<synchronous>, transform_indices = @transform_8, window_bounds = array<i64: 128, 128>}, {pipeline_mode = #tpu.pipeline_mode<synchronous>, transform_indices = @transform_9, window_bounds = array<i64: 1, 128>}, {pipeline_mode = #tpu.pipeline_mode<synchronous>, transform_indices = @transform_10, window_bounds = array<i64: 128, 1>}, {transform_indices = @transform_11, window_bounds = array<i64: 1024, 128>}, {transform_indices = @transform_12, window_bounds = array<i64: 1024, 16>}]} {
    %get3A = arith.constant 0 : index
    %get3A_0 = arith.constant 0 : index
    %get3A_1 = vector.load %arg3[%get3A, %get3A_0] : memref<1024x16xf32, #tpu.memory_space<vmem>>, vector<1024x3xf32>
    %mul3A = arith.mulf %get3A_1, %get3A_1 : vector<1024x3xf32>
    %reduce_sum3A = arith.constant dense<0.000000e+00> : vector<1024xf32>
    %reduce_sum3A_2 = vector.multi_reduction <add>, %mul3A, %reduce_sum3A [1] : vector<1024x3xf32> to vector<1024xf32>
    %broadcast_in_dim3A = vector.shape_cast %reduce_sum3A_2 : vector<1024xf32> to vector<1024x1xf32>
    %get3A_3 = arith.constant 0 : index
    %get3A_4 = arith.constant 0 : index
    %get3A_5 = vector.load %arg1[%get3A_3, %get3A_4] : memref<1024x128xf32, #tpu.memory_space<vmem>>, vector<1024x128xf32>
    %get3A_6 = arith.constant 0 : index
    %get3A_7 = arith.constant 0 : index
    %get3A_8 = vector.load %arg2[%get3A_6, %get3A_7] : memref<1024x128xf32, #tpu.memory_space<vmem>>, vector<1024x128xf32>
    %get3A_9 = arith.constant 0 : index
    %get3A_10 = arith.constant 0 : index
    %get3A_11 = vector.load %arg4[%get3A_9, %get3A_10] : memref<1024x16xf32, #tpu.memory_space<vmem>>, vector<1024x16xf32>
    %concatenate3A = tpu.concatenate %get3A_5, %get3A_8, %broadcast_in_dim3A, %get3A_11 in 1 : vector<1024x128xf32>, vector<1024x128xf32>, vector<1024x1xf32>, vector<1024x16xf32> -> vector<1024x273xf32>
    %get3A_12 = arith.constant 0 : index
    %get3A_13 = arith.constant 0 : index
    %get3A_14 = vector.load %arg5[%get3A_12, %get3A_13] : memref<273x128xf32, #tpu.memory_space<vmem>>, vector<273x128xf32>
    %dot_general3A = arith.constant dense<0.000000e+00> : vector<1024x128xf32>
    %dot_general3A_15 = tpu.matmul %concatenate3A, %get3A_14, %dot_general3A {dimension_numbers = #tpu.dot_dimension_numbers<[1], [0], [0], [1], [0, 0, 1, 1], [], []>, transpose_lhs_hint = false} : vector<1024x273xf32>, vector<273x128xf32>, vector<1024x128xf32> -> vector<1024x128xf32>
    %get3A_16 = arith.constant 0 : index
    %get3A_17 = arith.constant 0 : index
    %get3A_18 = vector.load %arg6[%get3A_16, %get3A_17] : memref<1x128xf32, #tpu.memory_space<vmem>>, vector<1x128xf32>
    %add3A = vector.broadcast %get3A_18 : vector<1x128xf32> to vector<1024x128xf32>
    %add3A_19 = arith.addf %dot_general3A_15, %add3A : vector<1024x128xf32>
    %logistic3A = arith.negf %add3A_19 : vector<1024x128xf32>
    %logistic3A_20 = math.exp %logistic3A : vector<1024x128xf32>
    %logistic3A_21 = arith.constant 1.000000e+00 : f32
    %logistic3A_22 = vector.broadcast %logistic3A_21 : f32 to vector<1024x128xf32>
    %logistic3A_23 = arith.addf %logistic3A_22, %logistic3A_20 : vector<1024x128xf32>
    %logistic3A_24 = arith.divf %logistic3A_22, %logistic3A_23 : vector<1024x128xf32>
    %mul3A_25 = arith.mulf %add3A_19, %logistic3A_24 : vector<1024x128xf32>
    %get3A_26 = arith.constant 0 : index
    %get3A_27 = arith.constant 0 : index
    %get3A_28 = vector.load %arg7[%get3A_26, %get3A_27] : memref<128x128xf32, #tpu.memory_space<vmem>>, vector<128x128xf32>
    %dot_general3A_29 = arith.constant dense<0.000000e+00> : vector<1024x128xf32>
    %dot_general3A_30 = tpu.matmul %mul3A_25, %get3A_28, %dot_general3A_29 {dimension_numbers = #tpu.dot_dimension_numbers<[1], [0], [0], [1], [0, 0, 1, 1], [], []>, transpose_lhs_hint = false} : vector<1024x128xf32>, vector<128x128xf32>, vector<1024x128xf32> -> vector<1024x128xf32>
    %get3A_31 = arith.constant 0 : index
    %get3A_32 = arith.constant 0 : index
    %get3A_33 = vector.load %arg8[%get3A_31, %get3A_32] : memref<1x128xf32, #tpu.memory_space<vmem>>, vector<1x128xf32>
    %add3A_34 = vector.broadcast %get3A_33 : vector<1x128xf32> to vector<1024x128xf32>
    %add3A_35 = arith.addf %dot_general3A_30, %add3A_34 : vector<1024x128xf32>
    %logistic3A_36 = arith.negf %add3A_35 : vector<1024x128xf32>
    %logistic3A_37 = math.exp %logistic3A_36 : vector<1024x128xf32>
    %logistic3A_38 = arith.constant 1.000000e+00 : f32
    %logistic3A_39 = vector.broadcast %logistic3A_38 : f32 to vector<1024x128xf32>
    %logistic3A_40 = arith.addf %logistic3A_39, %logistic3A_37 : vector<1024x128xf32>
    %logistic3A_41 = arith.divf %logistic3A_39, %logistic3A_40 : vector<1024x128xf32>
    %mul3A_42 = arith.mulf %add3A_35, %logistic3A_41 : vector<1024x128xf32>
    %get3A_43 = arith.constant 0 : index
    %get3A_44 = arith.constant 0 : index
    %get3A_45 = vector.load %arg9[%get3A_43, %get3A_44] : memref<128x128xf32, #tpu.memory_space<vmem>>, vector<128x128xf32>
    %dot_general3A_46 = arith.constant dense<0.000000e+00> : vector<1024x128xf32>
    %dot_general3A_47 = tpu.matmul %mul3A_42, %get3A_45, %dot_general3A_46 {dimension_numbers = #tpu.dot_dimension_numbers<[1], [0], [0], [1], [0, 0, 1, 1], [], []>, transpose_lhs_hint = false} : vector<1024x128xf32>, vector<128x128xf32>, vector<1024x128xf32> -> vector<1024x128xf32>
    %get3A_48 = arith.constant 0 : index
    %get3A_49 = arith.constant 0 : index
    %get3A_50 = vector.load %arg10[%get3A_48, %get3A_49] : memref<1x128xf32, #tpu.memory_space<vmem>>, vector<1x128xf32>
    %add3A_51 = vector.broadcast %get3A_50 : vector<1x128xf32> to vector<1024x128xf32>
    %add3A_52 = arith.addf %dot_general3A_47, %add3A_51 : vector<1024x128xf32>
    %logistic3A_53 = arith.negf %add3A_52 : vector<1024x128xf32>
    %logistic3A_54 = math.exp %logistic3A_53 : vector<1024x128xf32>
    %logistic3A_55 = arith.constant 1.000000e+00 : f32
    %logistic3A_56 = vector.broadcast %logistic3A_55 : f32 to vector<1024x128xf32>
    %logistic3A_57 = arith.addf %logistic3A_56, %logistic3A_54 : vector<1024x128xf32>
    %logistic3A_58 = arith.divf %logistic3A_56, %logistic3A_57 : vector<1024x128xf32>
    %mul3A_59 = arith.mulf %add3A_52, %logistic3A_58 : vector<1024x128xf32>
    %get3A_60 = arith.constant 0 : index
    %get3A_61 = arith.constant 0 : index
    %get3A_62 = vector.load %arg11[%get3A_60, %get3A_61] : memref<128x1xf32, #tpu.memory_space<vmem>>, vector<128x1xf32>
    %dot_general3A_63 = arith.constant dense<0.000000e+00> : vector<1024x1xf32>
    %dot_general3A_64 = tpu.matmul %mul3A_59, %get3A_62, %dot_general3A_63 {dimension_numbers = #tpu.dot_dimension_numbers<[1], [0], [0], [1], [0, 0, 1, 1], [], []>, transpose_lhs_hint = false} : vector<1024x128xf32>, vector<128x1xf32>, vector<1024x1xf32> -> vector<1024x1xf32>
    %sqrt3A = math.sqrt %broadcast_in_dim3A : vector<1024x1xf32>
    %add3A_65 = arith.constant 1.000000e-30 : f32
    %add3A_66 = vector.broadcast %add3A_65 : f32 to vector<1024x1xf32>
    %add3A_67 = arith.addf %sqrt3A, %add3A_66 : vector<1024x1xf32>
    %div3A = arith.constant 1.000000e+00 : f32
    %div3A_68 = vector.broadcast %div3A : f32 to vector<1024x1xf32>
    %div3A_69 = arith.divf %div3A_68, %add3A_67 : vector<1024x1xf32>
    %mul3A_70 = vector.broadcast %dot_general3A_64 : vector<1024x1xf32> to vector<1024x3xf32>
    %mul3A_71 = arith.mulf %mul3A_70, %get3A_1 : vector<1024x3xf32>
    %mul3A_72 = vector.broadcast %div3A_69 : vector<1024x1xf32> to vector<1024x3xf32>
    %mul3A_73 = arith.mulf %mul3A_71, %mul3A_72 : vector<1024x3xf32>
    %swap3A = arith.constant 0 : index
    %swap3A_74 = arith.constant 0 : index
    %swap3A_75 = vector.load %arg12[%swap3A, %swap3A_74] : memref<1024x128xf32, #tpu.memory_space<vmem>>, vector<1024x128xf32>
    tpu.vector_store %arg12[%swap3A, %swap3A_74], %mul3A_42 {strides = array<i32>} : memref<1024x128xf32, #tpu.memory_space<vmem>>, vector<1024x128xf32>,
    %broadcast_in_dim3A_76 = arith.constant 1.000000e+00 : f32
    %broadcast_in_dim3A_77 = vector.broadcast %broadcast_in_dim3A_76 : f32 to vector<1024x1xf32>
    %broadcast_in_dim3A_78 = arith.constant 0.000000e+00 : f32
    %broadcast_in_dim3A_79 = vector.broadcast %broadcast_in_dim3A_78 : f32 to vector<1024x12xf32>
    %concatenate3A_80 = tpu.concatenate %mul3A_73, %broadcast_in_dim3A_77, %broadcast_in_dim3A_79 in 1 : vector<1024x3xf32>, vector<1024x1xf32>, vector<1024x12xf32> -> vector<1024x16xf32>
    %swap3A_81 = arith.constant 0 : index
    %swap3A_82 = arith.constant 0 : index
    %swap3A_83 = vector.load %arg13[%swap3A_81, %swap3A_82] : memref<1024x16xf32, #tpu.memory_space<vmem>>, vector<1024x16xf32>
    tpu.vector_store %arg13[%swap3A_81, %swap3A_82], %concatenate3A_80 {strides = array<i32>} : memref<1024x16xf32, #tpu.memory_space<vmem>>, vector<1024x16xf32>,
    return
  }
  func.func @transform_0(%arg0: i32) -> (i32, i32) {
    %c0_i32 = arith.constant 0 : i32
    %c0_i32_0 = arith.constant 0 : i32
    return %arg0, %c0_i32 : i32, i32
  }
  func.func @transform_1(%arg0: i32) -> (i32, i32) {
    %c0_i32 = arith.constant 0 : i32
    %c0_i32_0 = arith.constant 0 : i32
    return %arg0, %c0_i32 : i32, i32
  }
  func.func @transform_2(%arg0: i32) -> (i32, i32) {
    %c0_i32 = arith.constant 0 : i32
    %c0_i32_0 = arith.constant 0 : i32
    return %arg0, %c0_i32 : i32, i32
  }
  func.func @transform_3(%arg0: i32) -> (i32, i32) {
    %c0_i32 = arith.constant 0 : i32
    %c0_i32_0 = arith.constant 0 : i32
    return %arg0, %c0_i32 : i32, i32
  }
  func.func @transform_4(%arg0: i32) -> (i32, i32) {
    %c0_i32 = arith.constant 0 : i32
    %c0_i32_0 = arith.constant 0 : i32
    %c0_i32_1 = arith.constant 0 : i32
    return %c0_i32, %c0_i32_0 : i32, i32
  }
  func.func @transform_5(%arg0: i32) -> (i32, i32) {
    %c0_i32 = arith.constant 0 : i32
    %c0_i32_0 = arith.constant 0 : i32
    %c0_i32_1 = arith.constant 0 : i32
    return %c0_i32, %c0_i32_0 : i32, i32
  }
  func.func @transform_6(%arg0: i32) -> (i32, i32) {
    %c0_i32 = arith.constant 0 : i32
    %c0_i32_0 = arith.constant 0 : i32
    %c0_i32_1 = arith.constant 0 : i32
    return %c0_i32, %c0_i32_0 : i32, i32
  }
  func.func @transform_7(%arg0: i32) -> (i32, i32) {
    %c0_i32 = arith.constant 0 : i32
    %c0_i32_0 = arith.constant 0 : i32
    %c0_i32_1 = arith.constant 0 : i32
    return %c0_i32, %c0_i32_0 : i32, i32
  }
  func.func @transform_8(%arg0: i32) -> (i32, i32) {
    %c0_i32 = arith.constant 0 : i32
    %c0_i32_0 = arith.constant 0 : i32
    %c0_i32_1 = arith.constant 0 : i32
    return %c0_i32, %c0_i32_0 : i32, i32
  }
  func.func @transform_9(%arg0: i32) -> (i32, i32) {
    %c0_i32 = arith.constant 0 : i32
    %c0_i32_0 = arith.constant 0 : i32
    %c0_i32_1 = arith.constant 0 : i32
    return %c0_i32, %c0_i32_0 : i32, i32
  }
  func.func @transform_10(%arg0: i32) -> (i32, i32) {
    %c0_i32 = arith.constant 0 : i32
    %c0_i32_0 = arith.constant 0 : i32
    %c0_i32_1 = arith.constant 0 : i32
    return %c0_i32, %c0_i32_0 : i32, i32
  }
  func.func @transform_11(%arg0: i32) -> (i32, i32) {
    %c0_i32 = arith.constant 0 : i32
    %c0_i32_0 = arith.constant 0 : i32
    return %arg0, %c0_i32 : i32, i32
  }
  func.func @transform_12(%arg0: i32) -> (i32, i32) {
    %c0_i32 = arith.constant 0 : i32
    %c0_i32_0 = arith.constant 0 : i32
    return %arg0, %c0_i32 : i32, i32
  }
}

module attributes {stable_mosaic.version = 14 : i64} {
  func.func @body(%arg0: i32, %arg1: memref<1024x128xf32, #tpu.memory_space<vmem>>, %arg2: memref<1024x128xf32, #tpu.memory_space<vmem>>, %arg3: memref<1024x128xf32, #tpu.memory_space<vmem>>, %arg4: memref<1024x128xf32, #tpu.memory_space<vmem>>, %arg5: memref<256x128xf32, #tpu.memory_space<vmem>>, %arg6: memref<1x128xf32, #tpu.memory_space<vmem>>, %arg7: memref<128x128xf32, #tpu.memory_space<vmem>>, %arg8: memref<1x128xf32, #tpu.memory_space<vmem>>, %arg9: memref<1024x128xf32, #tpu.memory_space<vmem>>, %arg10: memref<1024x128xf32, #tpu.memory_space<vmem>>) attributes {dimension_semantics = [#tpu.dimension_semantics<arbitrary>], iteration_bounds = array<i64: 10>, scalar_prefetch = 0 : i64, scratch_operands = 0 : i64, tpu.core_type = #tpu.core_type<tc>, window_params = [{transform_indices = @transform_0, window_bounds = array<i64: 1024, 128>}, {transform_indices = @transform_1, window_bounds = array<i64: 1024, 128>}, {transform_indices = @transform_2, window_bounds = array<i64: 1024, 128>}, {transform_indices = @transform_3, window_bounds = array<i64: 1024, 128>}, {pipeline_mode = #tpu.pipeline_mode<synchronous>, transform_indices = @transform_4, window_bounds = array<i64: 256, 128>}, {pipeline_mode = #tpu.pipeline_mode<synchronous>, transform_indices = @transform_5, window_bounds = array<i64: 1, 128>}, {pipeline_mode = #tpu.pipeline_mode<synchronous>, transform_indices = @transform_6, window_bounds = array<i64: 128, 128>}, {pipeline_mode = #tpu.pipeline_mode<synchronous>, transform_indices = @transform_7, window_bounds = array<i64: 1, 128>}, {transform_indices = @transform_8, window_bounds = array<i64: 1024, 128>}, {transform_indices = @transform_9, window_bounds = array<i64: 1024, 128>}]} {
    %get3A = arith.constant 0 : index
    %get3A_0 = arith.constant 0 : index
    %get3A_1 = vector.load %arg1[%get3A, %get3A_0] : memref<1024x128xf32, #tpu.memory_space<vmem>>, vector<1024x128xf32>
    %get3A_2 = arith.constant 0 : index
    %get3A_3 = arith.constant 0 : index
    %get3A_4 = vector.load %arg2[%get3A_2, %get3A_3] : memref<1024x128xf32, #tpu.memory_space<vmem>>, vector<1024x128xf32>
    %slice3A = vector.extract_strided_slice %get3A_4 {offsets = [0, 3], sizes = [1024, 1], strides = [1, 1]} : vector<1024x128xf32> to vector<1024x1xf32>
    %max3A = arith.constant 1.000000e+00 : f32
    %max3A_5 = vector.broadcast %max3A : f32 to vector<1024x1xf32>
    %max3A_6 = arith.maximumf %slice3A, %max3A_5 : vector<1024x1xf32>
    %get3A_7 = arith.constant 0 : index
    %get3A_8 = arith.constant 0 : index
    %get3A_9 = vector.load %arg3[%get3A_7, %get3A_8] : memref<1024x128xf32, #tpu.memory_space<vmem>>, vector<1024x128xf32>
    %concatenate3A = tpu.concatenate %get3A_9, %get3A_1 in 1 : vector<1024x128xf32>, vector<1024x128xf32> -> vector<1024x256xf32>
    %get3A_10 = arith.constant 0 : index
    %get3A_11 = arith.constant 0 : index
    %get3A_12 = vector.load %arg5[%get3A_10, %get3A_11] : memref<256x128xf32, #tpu.memory_space<vmem>>, vector<256x128xf32>
    %dot_general3A = arith.constant dense<0.000000e+00> : vector<1024x128xf32>
    %dot_general3A_13 = tpu.matmul %concatenate3A, %get3A_12, %dot_general3A {dimension_numbers = #tpu.dot_dimension_numbers<[1], [0], [0], [1], [0, 0, 1, 1], [], []>, transpose_lhs_hint = false} : vector<1024x256xf32>, vector<256x128xf32>, vector<1024x128xf32> -> vector<1024x128xf32>
    %get3A_14 = arith.constant 0 : index
    %get3A_15 = arith.constant 0 : index
    %get3A_16 = vector.load %arg6[%get3A_14, %get3A_15] : memref<1x128xf32, #tpu.memory_space<vmem>>, vector<1x128xf32>
    %add3A = vector.broadcast %get3A_16 : vector<1x128xf32> to vector<1024x128xf32>
    %add3A_17 = arith.addf %dot_general3A_13, %add3A : vector<1024x128xf32>
    %logistic3A = arith.negf %add3A_17 : vector<1024x128xf32>
    %logistic3A_18 = math.exp %logistic3A : vector<1024x128xf32>
    %logistic3A_19 = arith.constant 1.000000e+00 : f32
    %logistic3A_20 = vector.broadcast %logistic3A_19 : f32 to vector<1024x128xf32>
    %logistic3A_21 = arith.addf %logistic3A_20, %logistic3A_18 : vector<1024x128xf32>
    %logistic3A_22 = arith.divf %logistic3A_20, %logistic3A_21 : vector<1024x128xf32>
    %mul3A = arith.mulf %add3A_17, %logistic3A_22 : vector<1024x128xf32>
    %get3A_23 = arith.constant 0 : index
    %get3A_24 = arith.constant 0 : index
    %get3A_25 = vector.load %arg7[%get3A_23, %get3A_24] : memref<128x128xf32, #tpu.memory_space<vmem>>, vector<128x128xf32>
    %dot_general3A_26 = arith.constant dense<0.000000e+00> : vector<1024x128xf32>
    %dot_general3A_27 = tpu.matmul %mul3A, %get3A_25, %dot_general3A_26 {dimension_numbers = #tpu.dot_dimension_numbers<[1], [0], [0], [1], [0, 0, 1, 1], [], []>, transpose_lhs_hint = false} : vector<1024x128xf32>, vector<128x128xf32>, vector<1024x128xf32> -> vector<1024x128xf32>
    %get3A_28 = arith.constant 0 : index
    %get3A_29 = arith.constant 0 : index
    %get3A_30 = vector.load %arg8[%get3A_28, %get3A_29] : memref<1x128xf32, #tpu.memory_space<vmem>>, vector<1x128xf32>
    %add3A_31 = vector.broadcast %get3A_30 : vector<1x128xf32> to vector<1024x128xf32>
    %add3A_32 = arith.addf %dot_general3A_27, %add3A_31 : vector<1024x128xf32>
    %swap3A = arith.constant 0 : index
    %swap3A_33 = arith.constant 0 : index
    %swap3A_34 = vector.load %arg9[%swap3A, %swap3A_33] : memref<1024x128xf32, #tpu.memory_space<vmem>>, vector<1024x128xf32>
    tpu.vector_store %arg9[%swap3A, %swap3A_33], %add3A_32 {strides = array<i32>} : memref<1024x128xf32, #tpu.memory_space<vmem>>, vector<1024x128xf32>,
    %slice3A_35 = vector.extract_strided_slice %get3A_4 {offsets = [0, 0], sizes = [1024, 3], strides = [1, 1]} : vector<1024x128xf32> to vector<1024x3xf32>
    %div3A = vector.broadcast %max3A_6 : vector<1024x1xf32> to vector<1024x3xf32>
    %div3A_36 = arith.divf %slice3A_35, %div3A : vector<1024x3xf32>
    %broadcast_in_dim3A = arith.constant 0.000000e+00 : f32
    %broadcast_in_dim3A_37 = vector.broadcast %broadcast_in_dim3A : f32 to vector<1024x125xf32>
    %get3A_38 = arith.constant 0 : index
    %get3A_39 = arith.constant 0 : index
    %get3A_40 = vector.load %arg4[%get3A_38, %get3A_39] : memref<1024x128xf32, #tpu.memory_space<vmem>>, vector<1024x128xf32>
    %concatenate3A_41 = tpu.concatenate %div3A_36, %broadcast_in_dim3A_37 in 1 : vector<1024x3xf32>, vector<1024x125xf32> -> vector<1024x128xf32>
    %add3A_42 = arith.addf %get3A_40, %concatenate3A_41 : vector<1024x128xf32>
    %swap3A_43 = arith.constant 0 : index
    %swap3A_44 = arith.constant 0 : index
    %swap3A_45 = vector.load %arg10[%swap3A_43, %swap3A_44] : memref<1024x128xf32, #tpu.memory_space<vmem>>, vector<1024x128xf32>
    tpu.vector_store %arg10[%swap3A_43, %swap3A_44], %add3A_42 {strides = array<i32>} : memref<1024x128xf32, #tpu.memory_space<vmem>>, vector<1024x128xf32>,
    return
  }
  func.func @transform_0(%arg0: i32) -> (i32, i32) {
    %c0_i32 = arith.constant 0 : i32
    %c0_i32_0 = arith.constant 0 : i32
    return %arg0, %c0_i32 : i32, i32
  }
  func.func @transform_1(%arg0: i32) -> (i32, i32) {
    %c0_i32 = arith.constant 0 : i32
    %c0_i32_0 = arith.constant 0 : i32
    return %arg0, %c0_i32 : i32, i32
  }
  func.func @transform_2(%arg0: i32) -> (i32, i32) {
    %c0_i32 = arith.constant 0 : i32
    %c0_i32_0 = arith.constant 0 : i32
    return %arg0, %c0_i32 : i32, i32
  }
  func.func @transform_3(%arg0: i32) -> (i32, i32) {
    %c0_i32 = arith.constant 0 : i32
    %c0_i32_0 = arith.constant 0 : i32
    return %arg0, %c0_i32 : i32, i32
  }
  func.func @transform_4(%arg0: i32) -> (i32, i32) {
    %c0_i32 = arith.constant 0 : i32
    %c0_i32_0 = arith.constant 0 : i32
    %c0_i32_1 = arith.constant 0 : i32
    return %c0_i32, %c0_i32_0 : i32, i32
  }
  func.func @transform_5(%arg0: i32) -> (i32, i32) {
    %c0_i32 = arith.constant 0 : i32
    %c0_i32_0 = arith.constant 0 : i32
    %c0_i32_1 = arith.constant 0 : i32
    return %c0_i32, %c0_i32_0 : i32, i32
  }
  func.func @transform_6(%arg0: i32) -> (i32, i32) {
    %c0_i32 = arith.constant 0 : i32
    %c0_i32_0 = arith.constant 0 : i32
    %c0_i32_1 = arith.constant 0 : i32
    return %c0_i32, %c0_i32_0 : i32, i32
  }
  func.func @transform_7(%arg0: i32) -> (i32, i32) {
    %c0_i32 = arith.constant 0 : i32
    %c0_i32_0 = arith.constant 0 : i32
    %c0_i32_1 = arith.constant 0 : i32
    return %c0_i32, %c0_i32_0 : i32, i32
  }
  func.func @transform_8(%arg0: i32) -> (i32, i32) {
    %c0_i32 = arith.constant 0 : i32
    %c0_i32_0 = arith.constant 0 : i32
    return %arg0, %c0_i32 : i32, i32
  }
  func.func @transform_9(%arg0: i32) -> (i32, i32) {
    %c0_i32 = arith.constant 0 : i32
    %c0_i32_0 = arith.constant 0 : i32
    return %arg0, %c0_i32 : i32, i32
  }
}

module attributes {stable_mosaic.version = 14 : i64} {
  func.func @body(%arg0: i32, %arg1: memref<1024x128xf32, #tpu.memory_space<vmem>>, %arg2: memref<1024x128xf32, #tpu.memory_space<vmem>>, %arg3: memref<1024x128xf32, #tpu.memory_space<vmem>>, %arg4: memref<1024x128xf32, #tpu.memory_space<vmem>>, %arg5: memref<256x128xf32, #tpu.memory_space<vmem>>, %arg6: memref<1x128xf32, #tpu.memory_space<vmem>>, %arg7: memref<128x128xf32, #tpu.memory_space<vmem>>, %arg8: memref<1x128xf32, #tpu.memory_space<vmem>>, %arg9: memref<1024x128xf32, #tpu.memory_space<vmem>>, %arg10: memref<1024x128xf32, #tpu.memory_space<vmem>>) attributes {dimension_semantics = [#tpu.dimension_semantics<arbitrary>], iteration_bounds = array<i64: 10>, scalar_prefetch = 0 : i64, scratch_operands = 0 : i64, tpu.core_type = #tpu.core_type<tc>, window_params = [{transform_indices = @transform_0, window_bounds = array<i64: 1024, 128>}, {transform_indices = @transform_1, window_bounds = array<i64: 1024, 128>}, {transform_indices = @transform_2, window_bounds = array<i64: 1024, 128>}, {transform_indices = @transform_3, window_bounds = array<i64: 1024, 128>}, {pipeline_mode = #tpu.pipeline_mode<synchronous>, transform_indices = @transform_4, window_bounds = array<i64: 256, 128>}, {pipeline_mode = #tpu.pipeline_mode<synchronous>, transform_indices = @transform_5, window_bounds = array<i64: 1, 128>}, {pipeline_mode = #tpu.pipeline_mode<synchronous>, transform_indices = @transform_6, window_bounds = array<i64: 128, 128>}, {pipeline_mode = #tpu.pipeline_mode<synchronous>, transform_indices = @transform_7, window_bounds = array<i64: 1, 128>}, {transform_indices = @transform_8, window_bounds = array<i64: 1024, 128>}, {transform_indices = @transform_9, window_bounds = array<i64: 1024, 128>}]} {
    %get3A = arith.constant 0 : index
    %get3A_0 = arith.constant 0 : index
    %get3A_1 = vector.load %arg1[%get3A, %get3A_0] : memref<1024x128xf32, #tpu.memory_space<vmem>>, vector<1024x128xf32>
    %get3A_2 = arith.constant 0 : index
    %get3A_3 = arith.constant 0 : index
    %get3A_4 = vector.load %arg2[%get3A_2, %get3A_3] : memref<1024x128xf32, #tpu.memory_space<vmem>>, vector<1024x128xf32>
    %slice3A = vector.extract_strided_slice %get3A_4 {offsets = [0, 3], sizes = [1024, 1], strides = [1, 1]} : vector<1024x128xf32> to vector<1024x1xf32>
    %max3A = arith.constant 1.000000e+00 : f32
    %max3A_5 = vector.broadcast %max3A : f32 to vector<1024x1xf32>
    %max3A_6 = arith.maximumf %slice3A, %max3A_5 : vector<1024x1xf32>
    %get3A_7 = arith.constant 0 : index
    %get3A_8 = arith.constant 0 : index
    %get3A_9 = vector.load %arg3[%get3A_7, %get3A_8] : memref<1024x128xf32, #tpu.memory_space<vmem>>, vector<1024x128xf32>
    %concatenate3A = tpu.concatenate %get3A_9, %get3A_1 in 1 : vector<1024x128xf32>, vector<1024x128xf32> -> vector<1024x256xf32>
    %get3A_10 = arith.constant 0 : index
    %get3A_11 = arith.constant 0 : index
    %get3A_12 = vector.load %arg5[%get3A_10, %get3A_11] : memref<256x128xf32, #tpu.memory_space<vmem>>, vector<256x128xf32>
    %dot_general3A = arith.constant dense<0.000000e+00> : vector<1024x128xf32>
    %dot_general3A_13 = tpu.matmul %concatenate3A, %get3A_12, %dot_general3A {dimension_numbers = #tpu.dot_dimension_numbers<[1], [0], [0], [1], [0, 0, 1, 1], [], []>, transpose_lhs_hint = false} : vector<1024x256xf32>, vector<256x128xf32>, vector<1024x128xf32> -> vector<1024x128xf32>
    %get3A_14 = arith.constant 0 : index
    %get3A_15 = arith.constant 0 : index
    %get3A_16 = vector.load %arg6[%get3A_14, %get3A_15] : memref<1x128xf32, #tpu.memory_space<vmem>>, vector<1x128xf32>
    %add3A = vector.broadcast %get3A_16 : vector<1x128xf32> to vector<1024x128xf32>
    %add3A_17 = arith.addf %dot_general3A_13, %add3A : vector<1024x128xf32>
    %logistic3A = arith.negf %add3A_17 : vector<1024x128xf32>
    %logistic3A_18 = math.exp %logistic3A : vector<1024x128xf32>
    %logistic3A_19 = arith.constant 1.000000e+00 : f32
    %logistic3A_20 = vector.broadcast %logistic3A_19 : f32 to vector<1024x128xf32>
    %logistic3A_21 = arith.addf %logistic3A_20, %logistic3A_18 : vector<1024x128xf32>
    %logistic3A_22 = arith.divf %logistic3A_20, %logistic3A_21 : vector<1024x128xf32>
    %mul3A = arith.mulf %add3A_17, %logistic3A_22 : vector<1024x128xf32>
    %get3A_23 = arith.constant 0 : index
    %get3A_24 = arith.constant 0 : index
    %get3A_25 = vector.load %arg7[%get3A_23, %get3A_24] : memref<128x128xf32, #tpu.memory_space<vmem>>, vector<128x128xf32>
    %dot_general3A_26 = arith.constant dense<0.000000e+00> : vector<1024x128xf32>
    %dot_general3A_27 = tpu.matmul %mul3A, %get3A_25, %dot_general3A_26 {dimension_numbers = #tpu.dot_dimension_numbers<[1], [0], [0], [1], [0, 0, 1, 1], [], []>, transpose_lhs_hint = false} : vector<1024x128xf32>, vector<128x128xf32>, vector<1024x128xf32> -> vector<1024x128xf32>
    %get3A_28 = arith.constant 0 : index
    %get3A_29 = arith.constant 0 : index
    %get3A_30 = vector.load %arg8[%get3A_28, %get3A_29] : memref<1x128xf32, #tpu.memory_space<vmem>>, vector<1x128xf32>
    %add3A_31 = vector.broadcast %get3A_30 : vector<1x128xf32> to vector<1024x128xf32>
    %add3A_32 = arith.addf %dot_general3A_27, %add3A_31 : vector<1024x128xf32>
    %swap3A = arith.constant 0 : index
    %swap3A_33 = arith.constant 0 : index
    %swap3A_34 = vector.load %arg9[%swap3A, %swap3A_33] : memref<1024x128xf32, #tpu.memory_space<vmem>>, vector<1024x128xf32>
    tpu.vector_store %arg9[%swap3A, %swap3A_33], %add3A_32 {strides = array<i32>} : memref<1024x128xf32, #tpu.memory_space<vmem>>, vector<1024x128xf32>,
    %slice3A_35 = vector.extract_strided_slice %get3A_4 {offsets = [0, 0], sizes = [1024, 3], strides = [1, 1]} : vector<1024x128xf32> to vector<1024x3xf32>
    %div3A = vector.broadcast %max3A_6 : vector<1024x1xf32> to vector<1024x3xf32>
    %div3A_36 = arith.divf %slice3A_35, %div3A : vector<1024x3xf32>
    %broadcast_in_dim3A = arith.constant 0.000000e+00 : f32
    %broadcast_in_dim3A_37 = vector.broadcast %broadcast_in_dim3A : f32 to vector<1024x125xf32>
    %get3A_38 = arith.constant 0 : index
    %get3A_39 = arith.constant 0 : index
    %get3A_40 = vector.load %arg4[%get3A_38, %get3A_39] : memref<1024x128xf32, #tpu.memory_space<vmem>>, vector<1024x128xf32>
    %concatenate3A_41 = tpu.concatenate %div3A_36, %broadcast_in_dim3A_37 in 1 : vector<1024x3xf32>, vector<1024x125xf32> -> vector<1024x128xf32>
    %add3A_42 = arith.addf %get3A_40, %concatenate3A_41 : vector<1024x128xf32>
    %swap3A_43 = arith.constant 0 : index
    %swap3A_44 = arith.constant 0 : index
    %swap3A_45 = vector.load %arg10[%swap3A_43, %swap3A_44] : memref<1024x128xf32, #tpu.memory_space<vmem>>, vector<1024x128xf32>
    tpu.vector_store %arg10[%swap3A_43, %swap3A_44], %add3A_42 {strides = array<i32>} : memref<1024x128xf32, #tpu.memory_space<vmem>>, vector<1024x128xf32>,
    return
  }
  func.func @transform_0(%arg0: i32) -> (i32, i32) {
    %c0_i32 = arith.constant 0 : i32
    %c0_i32_0 = arith.constant 0 : i32
    return %arg0, %c0_i32 : i32, i32
  }
  func.func @transform_1(%arg0: i32) -> (i32, i32) {
    %c0_i32 = arith.constant 0 : i32
    %c0_i32_0 = arith.constant 0 : i32
    return %arg0, %c0_i32 : i32, i32
  }
  func.func @transform_2(%arg0: i32) -> (i32, i32) {
    %c0_i32 = arith.constant 0 : i32
    %c0_i32_0 = arith.constant 0 : i32
    return %arg0, %c0_i32 : i32, i32
  }
  func.func @transform_3(%arg0: i32) -> (i32, i32) {
    %c0_i32 = arith.constant 0 : i32
    %c0_i32_0 = arith.constant 0 : i32
    return %arg0, %c0_i32 : i32, i32
  }
  func.func @transform_4(%arg0: i32) -> (i32, i32) {
    %c0_i32 = arith.constant 0 : i32
    %c0_i32_0 = arith.constant 0 : i32
    %c0_i32_1 = arith.constant 0 : i32
    return %c0_i32, %c0_i32_0 : i32, i32
  }
  func.func @transform_5(%arg0: i32) -> (i32, i32) {
    %c0_i32 = arith.constant 0 : i32
    %c0_i32_0 = arith.constant 0 : i32
    %c0_i32_1 = arith.constant 0 : i32
    return %c0_i32, %c0_i32_0 : i32, i32
  }
  func.func @transform_6(%arg0: i32) -> (i32, i32) {
    %c0_i32 = arith.constant 0 : i32
    %c0_i32_0 = arith.constant 0 : i32
    %c0_i32_1 = arith.constant 0 : i32
    return %c0_i32, %c0_i32_0 : i32, i32
  }
  func.func @transform_7(%arg0: i32) -> (i32, i32) {
    %c0_i32 = arith.constant 0 : i32
    %c0_i32_0 = arith.constant 0 : i32
    %c0_i32_1 = arith.constant 0 : i32
    return %c0_i32, %c0_i32_0 : i32, i32
  }
  func.func @transform_8(%arg0: i32) -> (i32, i32) {
    %c0_i32 = arith.constant 0 : i32
    %c0_i32_0 = arith.constant 0 : i32
    return %arg0, %c0_i32 : i32, i32
  }
  func.func @transform_9(%arg0: i32) -> (i32, i32) {
    %c0_i32 = arith.constant 0 : i32
    %c0_i32_0 = arith.constant 0 : i32
    return %arg0, %c0_i32 : i32, i32
  }
}

module attributes {stable_mosaic.version = 14 : i64} {
  func.func @body(%arg0: memref<256x256xf32, #tpu.memory_space<vmem>>, %arg1: memref<256x128xf32, #tpu.memory_space<vmem>>, %arg2: memref<1x128xf32, #tpu.memory_space<vmem>>, %arg3: memref<128x1xf32, #tpu.memory_space<vmem>>, %arg4: memref<1x1xf32, #tpu.memory_space<vmem>>, %arg5: memref<256x1xf32, #tpu.memory_space<vmem>>) attributes {dimension_semantics = [], scalar_prefetch = 0 : i64, scratch_operands = 0 : i64, tpu.core_type = #tpu.core_type<tc>} {
    %get3A = arith.constant 0 : index
    %get3A_0 = arith.constant 0 : index
    %get3A_1 = vector.load %arg0[%get3A, %get3A_0] : memref<256x256xf32, #tpu.memory_space<vmem>>, vector<256x256xf32>
    %get3A_2 = arith.constant 0 : index
    %get3A_3 = arith.constant 0 : index
    %get3A_4 = vector.load %arg1[%get3A_2, %get3A_3] : memref<256x128xf32, #tpu.memory_space<vmem>>, vector<256x128xf32>
    %dot_general3A = arith.constant dense<0.000000e+00> : vector<256x128xf32>
    %dot_general3A_5 = tpu.matmul %get3A_1, %get3A_4, %dot_general3A {dimension_numbers = #tpu.dot_dimension_numbers<[1], [0], [0], [1], [0, 0, 1, 1], [], []>, transpose_lhs_hint = false} : vector<256x256xf32>, vector<256x128xf32>, vector<256x128xf32> -> vector<256x128xf32>
    %get3A_6 = arith.constant 0 : index
    %get3A_7 = arith.constant 0 : index
    %get3A_8 = vector.load %arg2[%get3A_6, %get3A_7] : memref<1x128xf32, #tpu.memory_space<vmem>>, vector<1x128xf32>
    %add3A = vector.broadcast %get3A_8 : vector<1x128xf32> to vector<256x128xf32>
    %add3A_9 = arith.addf %dot_general3A_5, %add3A : vector<256x128xf32>
    %logistic3A = arith.negf %add3A_9 : vector<256x128xf32>
    %logistic3A_10 = math.exp %logistic3A : vector<256x128xf32>
    %logistic3A_11 = arith.constant 1.000000e+00 : f32
    %logistic3A_12 = vector.broadcast %logistic3A_11 : f32 to vector<256x128xf32>
    %logistic3A_13 = arith.addf %logistic3A_12, %logistic3A_10 : vector<256x128xf32>
    %logistic3A_14 = arith.divf %logistic3A_12, %logistic3A_13 : vector<256x128xf32>
    %mul3A = arith.mulf %add3A_9, %logistic3A_14 : vector<256x128xf32>
    %get3A_15 = arith.constant 0 : index
    %get3A_16 = arith.constant 0 : index
    %get3A_17 = vector.load %arg3[%get3A_15, %get3A_16] : memref<128x1xf32, #tpu.memory_space<vmem>>, vector<128x1xf32>
    %dot_general3A_18 = arith.constant dense<0.000000e+00> : vector<256x1xf32>
    %dot_general3A_19 = tpu.matmul %mul3A, %get3A_17, %dot_general3A_18 {dimension_numbers = #tpu.dot_dimension_numbers<[1], [0], [0], [1], [0, 0, 1, 1], [], []>, transpose_lhs_hint = false} : vector<256x128xf32>, vector<128x1xf32>, vector<256x1xf32> -> vector<256x1xf32>
    %get3A_20 = arith.constant 0 : index
    %get3A_21 = arith.constant 0 : index
    %get3A_22 = vector.load %arg4[%get3A_20, %get3A_21] : memref<1x1xf32, #tpu.memory_space<vmem>>, vector<1x1xf32>
    %add3A_23 = vector.broadcast %get3A_22 : vector<1x1xf32> to vector<256x1xf32>
    %add3A_24 = arith.addf %dot_general3A_19, %add3A_23 : vector<256x1xf32>
    %swap3A = arith.constant 0 : index
    %swap3A_25 = arith.constant 0 : index
    %swap3A_26 = vector.load %arg5[%swap3A, %swap3A_25] : memref<256x1xf32, #tpu.memory_space<vmem>>, vector<256x1xf32>
    tpu.vector_store %arg5[%swap3A, %swap3A_25], %add3A_24 {strides = array<i32>} : memref<256x1xf32, #tpu.memory_space<vmem>>, vector<256x1xf32>,
    return
  }
}

</mosaic_0001>

<sc_bundles>
// kernel: kernel.16.cloned.1.call-start
scs
__scs_entry_jumppad:
0x0: {  	(pc) =	sbr.rel $0x88, $3  }
0x1: {  	(tag) =	ssettag $0x0;
	lr =	simm.s32 $0x1  }
0x2: {  	[smem:$0x3F77] =	sst lr;
	_ =	strace $0xD0000000  }
0x3: {  	_ = 	snop  }
0x4: {  	_ = 	snop  }
0x5: {  	_ = 	snop  }
0x6: {  	_ = 	snop  }
0x7: {  	_ = 	snop  }
__scs_overlays_trampoline_lowered:
0x8: {  	[smem:$0x3F86] =	sst s0  }
0x9: {  	[smem:$0x3F87] =	sst s1  }
0xa: {  	[smem:$0x3F88] =	sst s2  }
0xb: {  	[smem:$0x3F89] =	sst s3  }
0xc: {  	[smem:$0x3F8A] =	sst s4  }
0xd: {  	[smem:$0x3F8B] =	sst s5  }
0xe: {  	[smem:$0x3F8C] =	sst s6  }
0xf: {  	[smem:$0x3F8D] =	sst s7  }
0x10: {  	[smem:$0x3F8E] =	sst s8  }
0x11: {  	[smem:$0x3F8F] =	sst s9;
	s0 =	simm.s32 @!p0 $0x0  }
0x12: {  	s1 =	sld [smem:$0x3F75];
	s0 =	simm.s32 @p0 $0x1  }
0x13: {  	[smem:$0x3F90] =	sst s0;
	s0 =	simm.s32 @!p1 $0x0  }
0x14: {  	s2 =	sld [smem:$0x3F74];
	s0 =	simm.s32 @p1 $0x1  }
0x15: {  	[smem:$0x3F91] =	sst s0;
	s0 =	simm.s32 @!p2 $0x0  }
0x16: {  	s3 =	sld [smem:$0x3FDB];
	s0 =	simm.s32 @p2 $0x1  }
0x17: {  	s4 =	simm.s32 $0x1BF5;
	[smem:$0x3F93] =	sst s0  }
0x18: {  	s0 =	sld [smem:$0x3F76];
	_ =	swait.ge [sflag:s4], $0x0  }
0x19: {  	s7 =	sld [smem:$0x3F77]  }
0x1a: {  	s8 =	sadd.s32 $0xFFFFE003, lr  }
0x1b: {  	s9 =	sadd.s32 $0xFFFFFEF7, lr;
	s5 =	simm.s32 $0xFFFFFFFF;
	p2 =	slt.u32 s8, $0xFFFFF086  }
0x1c: {  	p1 =	slt.u32 s9, $0xF7A;
	s5 =	simm.s32 @!p2 $0x0  }
0x1d: {  	s5 =	simm.s32 @p1 $0x1;
	p0 =	seq.s32 s7, s2  }
0x1e: {  	s7 =	smul.u32 @!p0 $0xF7A, s2;
	p2 =	seq.s32 @!p0 s5, $0x0  }
0x1f: {  	s9 =	smul.u32 $0xF7A, s1;
	s8 =	simm.s32 @!p0 $0x1BF5;
	p2 =	por !p2, p0  }
0x20: {  	[sflag:s8] =	ssyncset.s32 @!p0 $0xFFFFF086;
	s6 =	sadd.s32 @!p0 s3, s7;
	s7 =	simm.s32 @!p0 $0x108  }
0x21: {  	s3 =	sadd.s32 s3, s9;
	s6 =	sadd.s32 @!p0 $0x88, s6;
	s7 =	simm.s32 @p2 $0x1082  }
0x22: {  	[simem:s7], [sflag:s8] =	dma.local @!p0 [hbm:s6], $0xF7A  }
0x23: {  	s9 =	sor.u32 $0xD0000000, s2;
	s6 =	simm.s32 $0x108;
	_ =	swait.ge @!p0 [sflag:s8], $0x0  }
0x24: {  	s3 =	sadd.s32 $0x88, s3;
	s6 =	simm.s32 @!p1 $0x1082;
	[sflag:s4] =	ssyncset.s32 $0xFFFFF086  }
0x25: {  	[simem:s6], [sflag:s4] =	dma.local [hbm:s3], $0xF7A  }
0x26: {  	[smem:$0x3F77] =	sst s1;
	(tag) =	ssettag s2;
	_ =	strace s9  }
0x27: {  	s1 =	sld [smem:$0x3F87]  }
0x28: {  	s2 =	sld [smem:$0x3F88]  }
0x29: {  	s4 =	sld [smem:$0x3F8A]  }
0x2a: {  	p0 =	seq.s32 s5, $0x0;
	s5 =	sld [smem:$0x3F8B]  }
0x2b: {  	s6 =	sld [smem:$0x3F8C]  }
0x2c: {  	s7 =	sld [smem:$0x3F8D]  }
0x2d: {  	s3 =	simm.s32 $0x108;
	s8 =	sld [smem:$0x3F8E]  }
0x2e: {  	s3 =	simm.s32 @!p0 $0x1082;
	s9 =	sld [smem:$0x3F8F]  }
0x2f: {  	lr =	sadd.s32 s0, s3;
	s0 =	sld [smem:$0x3F86]  }
0x30: {  	s3 =	sld [smem:$0x3F89]  }
0x31: {  	[smem:$0x3F92] =	sst s10  }
0x32: {  	s10 =	sld [smem:$0x3F90];
	_ =	sdelay $0x3  }
0x33: {  	p0 =	seq.s32 s10, $0x1;
	s10 =	sld [smem:$0x3F92];
	_ =	sdelay $0x3  }
0x34: {  	[smem:$0x3F92] =	sst s10  }
0x35: {  	s10 =	sld [smem:$0x3F91];
	_ =	sdelay $0x3  }
0x36: {  	p1 =	seq.s32 s10, $0x1;
	s10 =	sld [smem:$0x3F92];
	_ =	sdelay $0x3  }
0x37: {  	[smem:$0x3F92] =	sst s10  }
0x38: {  	s10 =	sld [smem:$0x3F93]  }
0x39: {  	_ = 	snop;
	(pc) =	sbr.ind lr, $3  }
0x3a: {  	_ = 	snop  }
0x3b: {  	_ = 	snop  }
0x3c: {  	p2 =	seq.s32 s10, $0x1;
	s10 =	sld [smem:$0x3F92]  }
0x3d: {  	_ =	shalt  }
0x3e: {  	_ =	shalt  }
0x3f: {  	_ =	shalt  }
0x40: {  	_ =	shalt  }
0x41: {  	_ =	shalt  }
0x42: {  	_ =	shalt  }
0x43: {  	_ =	shalt  }
0x44: {  	_ =	shalt  }
0x45: {  	_ =	shalt  }
0x46: {  	_ =	shalt  }
0x47: {  	_ =	shalt  }
0x48: {  	_ =	shalt  }
0x49: {  	_ =	shalt  }
0x4a: {  	_ =	shalt  }
0x4b: {  	_ =	shalt  }
0x4c: {  	_ =	shalt  }
0x4d: {  	_ =	shalt  }
0x4e: {  	_ =	shalt  }
0x4f: {  	_ =	shalt  }
0x50: {  	_ =	shalt  }
0x51: {  	_ =	shalt  }
0x52: {  	_ =	shalt  }
0x53: {  	_ =	shalt  }
0x54: {  	_ =	shalt  }
0x55: {  	_ =	shalt  }
0x56: {  	_ =	shalt  }
0x57: {  	_ =	shalt  }
0x58: {  	_ =	shalt  }
0x59: {  	_ =	shalt  }
0x5a: {  	_ =	shalt  }
0x5b: {  	_ =	shalt  }
0x5c: {  	_ =	shalt  }
0x5d: {  	_ =	shalt  }
0x5e: {  	_ =	shalt  }
0x5f: {  	_ =	shalt  }
0x60: {  	_ =	shalt  }
0x61: {  	_ =	shalt  }
0x62: {  	_ =	shalt  }
0x63: {  	_ =	shalt  }
0x64: {  	_ =	shalt  }
0x65: {  	_ =	shalt  }
0x66: {  	_ =	shalt  }
0x67: {  	_ =	shalt  }
0x68: {  	_ =	shalt  }
0x69: {  	_ =	shalt  }
0x6a: {  	_ =	shalt  }
0x6b: {  	_ =	shalt  }
0x6c: {  	_ =	shalt  }
0x6d: {  	_ =	shalt  }
0x6e: {  	_ =	shalt  }
0x6f: {  	_ =	shalt  }
0x70: {  	_ =	shalt  }
0x71: {  	_ =	shalt  }
0x72: {  	_ =	shalt  }
0x73: {  	_ =	shalt  }
0x74: {  	_ =	shalt  }
0x75: {  	_ =	shalt  }
0x76: {  	_ =	shalt  }
0x77: {  	_ =	shalt  }
0x78: {  	_ =	shalt  }
0x79: {  	_ =	shalt  }
0x7a: {  	_ =	shalt  }
0x7b: {  	_ =	shalt  }
0x7c: {  	_ =	shalt  }
0x7d: {  	_ =	shalt  }
0x7e: {  	_ =	shalt  }
0x7f: {  	_ =	shalt  }
0x80: {  	_ =	shalt  }
0x81: {  	_ =	shalt  }
0x82: {  	_ =	shalt  }
0x83: {  	_ =	shalt  }
0x84: {  	_ =	shalt  }
0x85: {  	_ =	shalt  }
0x86: {  	_ =	shalt  }
0x87: {  	_ =	shalt  }
.Lfunc_end0:
.L_simem_size_0:
called_computation_lowered:
.L_overlay_start_0:
0x88: {  	s2 =	sld [smem:$0x3FD9]  }
0x89: {  	s3 =	sld [smem:$0x3FFE];
	_ =	sdelay $0x1  }
0x8a: {  	s1 =	srdreg.scid  }
0x8b: {  	s0 =	sand.u32 $0x1, s1  }
0x8c: {  	s16 =	sshll.u32 s0, $0xA;
	s2 =	sadd.s32 s3, s2  }
0x8d: {  	s2 =	sadd.s32 s2, s16  }
0x8e: {  	[smem:$0x3F9E] =	sst s2  }
0x8f: {  	_ = 	snop  }
0x90: {  	(tm) =	ssettm $0x1  }
0x91: {  	s17 =	sld [smem:$0x3FFB];
	_ =	sdelay $0x3  }
0x92: {  	_ =	strace s17  }
0x93: {  	s2 =	sld [smem:$0x3FFC];
	_ =	sdelay $0x3  }
0x94: {  	_ =	strace s2  }
0x95: {  	s2 =	sld [smem:$0x3FFD];
	_ =	sdelay $0x3  }
0x96: {  	_ =	strace s2  }
0x97: {  	_ =	strace $0x8FFFFFFF  }
0x98: {  	s18 =	sld [smem:$0x3FDB];
	_ =	sdelay $0x1  }
0x99: {  	s19 =	simm.s32 $_scs_section_size  }
0x9a: {  	s4 =	simm.s32 $_size__tile_overlayer_lowered;
	s5 =	simm.s32 $_tile_overlayer_lowered  }
0x9b: {  	s22 =	simm.s32 $0x1BFF;
	s21 =	sshll.u32 s5, $0x1;
	s2 =	sadd.s32 s19, s18  }
0x9c: {  	s6 =	simm.s32 $0x0;
	s20 =	sshll.u32 s4, $0x1;
	s4 =	sadd.s32 s21, s2  }
0x9d: {  	[timem:s6], [sflag:s22] =	dma.local [hbm:s4], s20  }
0x9e: {  	_ =	swait.ge [sflag:s22], s20  }
0x9f: {  	s3 =	ssub.s32 $0x0, s20;
	[sflag:s22] =	ssyncset.done $0x0  }
0xa0: {  	[sflag:s22] =	ssyncadd.s32 s3;
	_ =	sdelay $0x1  }
0xa1: {  	s23 =	simm.s32 $0x1B8B  }
0xa2: {  	_ =	swait.ge [sflag:s23], $0x1  }
0xa3: {  	[sflag:s23] =	ssyncset.done $0x0  }
0xa4: {  	s25 =	simm.s32 $0x1B8E;
	s24 =	sld [smem:$0x3FFE];
	[sflag:s23] =	ssyncadd.s32 $0xFFFFFFFF  }
0xa5: {  	s26 =	simm.s32 $execute0_lowered;
	[smem:$0x3FD2] =	sst s25  }
0xa6: {  	s4 =	sshll.u32 s26, $0x1;
	_ =	strace $0x80000046;
	[dreg:$0x1] =	wrdreg $0xFFFFFFFF  }
0xa7: {  	s28 =	simm.s32 $_size_execute0_lowered;
	s2 =	sadd.s32 s2, s4;
	[dreg:$0x0] =	wrdreg $0x0  }
0xa8: {  	s4 =	sshll.u32 s28, $0x1;
	[dreg:$0x2] =	wrdreg s2  }
0xa9: {  	[dreg:$0x3] =	wrdreg s4  }
0xaa: {  	[dreg:$0x4] =	wrdreg $0xC0  }
0xab: {  	_ =	task [dreg:s6], $0x5FFFF  }
0xac: {  	[dreg:$0x1] =	wrdreg $0xFFFFFFFF  }
0xad: {  	[dreg:$0x0] =	wrdreg $0x60  }
0xae: {  	[dreg:$0x2] =	wrdreg s24  }
0xaf: {  	[dreg:$0x3] =	wrdreg $0x9  }
0xb0: {  	_ =	task.clear_ibuf [dreg:s6], $0x4FFFF;
	_ =	strace $0x90000046  }
0xb1: {  	s29 =	simm.s32 $0x9;
	_ =	strace $0x80000048  }
0xb2: {  	_ =	swait.ge [sflag:s29], $0x1  }
0xb3: {  	[sflag:s29] =	ssyncadd.s32 $0xFFFFFFFF  }
0xb4: {  	_ =	strace $0x90000048  }
0xb5: {  	_ =	sfence  }
0xb6: {  	s30 =	sld [smem:$0x0];
	_ =	sdelay $0x2  }
0xb7: {  	s31 =	sshll.u32 s1, $0xD;
	s1 =	sshrl.u32 s1, $0x2  }
0xb8: {  	s3 =	sand.u32 $0x4000, s31;
	s1 =	sadd.s32 s1, s30  }
0xb9: {  	s0 =	sor.u32 s3, s0;
	s1 =	sshll.u32 s1, $0x11  }
0xba: {  	s0 =	sor.u32 s1, s0  }
0xbb: {  	s0 =	sadd.s32 $0x8F2B, s0  }
0xbc: {  	[sflag:s0] =	ssyncadd.remote.s32 $0x1  }
0xbd: {  	_ =	sfence.sel $0xFFFF  }
0xbe: {  	[dreg:$0x0] =	wrdreg $0xFFFFFFFF;
	(pc) =	sbr.abs _section_cstart, $3  }
0xbf: {  	[dreg:$0x1] =	wrdreg $0xFFFFFFFF  }
0xc0: {  	_ =	task.clear_ibuf [dreg:s6], $0x2FFFF;
	_ =	strace $0x9FFFFFFF  }
0xc1: {  	(tm) =	ssettm $0x7FFFFFFF  }
tec
execute0_lowered:
.L_overlay_start_1:
0x0: {  	(tag) =	ssettag $0x1  }
0x1: {  	s0 =	srdreg.scid  }
0x2: {  	s8 =	rddreg [dreg:$0x0];
	s1 =	stileid.u32  }
0x3: {  	s2 =	simm.s32 $0x0;
	s12 =	simm.s32 $0x1;
	s13 =	simm.s32 $0x1400  }
0x4: {  	s14 =	simm.s32 $0x80;
	s15 =	simm.s32 $0x2800;
	s16 =	simm.s32 $0x6800  }
0x5: {  	s17 =	simm.s32 $0xA800;
	s18 =	simm.s32 $0xE800;
	s6 =	sand.u32 $0x1, s0  }
0x6: {  	s19 =	simm.s32 $0x12800;
	s0 =	rddreg [dreg:$0x1];
	s3 =	sshll.u32 s6, $0x4  }
0x7: {  	s20 =	simm.s32 $0x0;
	[smem:$0x7FF] =	sst s2;
	s3 =	sor.u32 s1, s3  }
0x8: {  	s4 =	sadd.s32 $0x30A00, s8;
	s9 =	ssub.s32 $0x2, s6;
	s3 =	smul.u32 $0x1400, s3  }
0x9: {  	s5 =	sadd.s32 $0x8A00, s8;
	_ =	strace $0x80000047;
	s11 =	sshrl.u32 s9, $0x1  }
0xa: {  	s6 =	sadd.s32 $0x62A00, s8;
	s11 =	ssub.s32 s9, s11;
	s7 =	sshrl.u32 s3, $0x3  }
0xb: {  	s11 =	smax.u32 s11, $0x1;
	s10 =	sadd.s32 s7, s8;
	s7 =	sadd.s32 $0x2E2A00, s8  }
0xc: {  	s8 =	sadd.s32 $0x562A00, s8;
	s9 =	sadd.s32 $0x5DA00, s10;
	s10 =	sadd.s32 $0x58A00, s10  }
.LBB2_1:
0xd: {  	[tilespmem:s2], [sflag:$0x1] =	stream.linear.gather [hbm4b:s9+s2], $0x1400, $0x38;
	[tilespmem:$0x16800] =	vst v63  }
0xe: {  	_ =	swait.ge [sflag:s12], $0x1400  }
0xf: {  	[sflag:s12] =	ssyncset.done $0x0  }
0x10: {  	[sflag:s12] =	ssyncadd.s32 $0xFFFFEC00  }
0x11: {  	[tilespmem:s13], [sflag:$0x1] =	stream.linear.gather [hbm4b:s10+s2], $0x1400, $0x38;
	[tilespmem:$0x16800] =	vst v63  }
0x12: {  	_ =	swait.ge [sflag:s12], $0x1400  }
0x13: {  	[sflag:s12] =	ssyncset.done $0x0  }
0x14: {  	s21 =	simm.s32 $0x0;
	[sflag:s12] =	ssyncadd.s32 $0xFFFFEC00  }
.LBB2_2:
0x15: {  	s22 =	sshll.u32 s21, $0x7  }
0x16: {  	[tilespmem:s15], [sflag:$0x1] =	stream.indirect.gather [hbm4b:s4+s14], $0x80, s22, s14, $0xb8;
	[tilespmem:$0x16800] =	vst v63  }
0x17: {  	_ =	swait.ge [sflag:s12], $0x4000  }
0x18: {  	[sflag:s12] =	ssyncset.done $0x0  }
0x19: {  	s23 =	sadd.s32 $0x1400, s22;
	[sflag:s12] =	ssyncadd.s32 $0xFFFFC000  }
0x1a: {  	[tilespmem:s16], [sflag:$0x1] =	stream.indirect.gather [hbm4b:s4+s14], $0x80, s23, s14, $0xb8;
	[tilespmem:$0x16800] =	vst v63  }
0x1b: {  	_ =	swait.ge [sflag:s12], $0x4000  }
0x1c: {  	[sflag:s12] =	ssyncset.done $0x0  }
0x1d: {  	[sflag:s12] =	ssyncadd.s32 $0xFFFFC000  }
0x1e: {  	[tilespmem:s17], [sflag:$0x1] =	stream.indirect.gather [hbm4b:s5+s14], $0x80, s22, s14, $0xb8;
	[tilespmem:$0x16800] =	vst v63  }
0x1f: {  	_ =	swait.ge [sflag:s12], $0x4000  }
0x20: {  	[sflag:s12] =	ssyncset.done $0x0  }
0x21: {  	[sflag:s12] =	ssyncadd.s32 $0xFFFFC000  }
0x22: {  	[tilespmem:s18], [sflag:$0x1] =	stream.indirect.gather [hbm4b:s5+s14], $0x80, s23, s14, $0xb8;
	[tilespmem:$0x16800] =	vst v63  }
0x23: {  	_ =	swait.ge [sflag:s12], $0x4000  }
0x24: {  	[sflag:s12] =	ssyncset.done $0x0  }
0x25: {  	s23 =	simm.s32 $0x0;
	[sflag:s12] =	ssyncadd.s32 $0xFFFFC000  }
0x26: {  	v0 =	vld [tilespmem:s23+$0xA800]  }
0x27: {  	s24 =	simm.s32 $0x200;
	v1 =	vld [tilespmem:s23+$0xE800]  }
.LBB2_3:
0x28: {  	_ = 	snop  }
0x29: {  	p0 =	sne.s32 s24, $0xFE00  }
.Ltmp0:
0x2a: {  	_ = 	snop;
	(pc) =	sbr.rel @p0 .LBB2_3-.Ltmp0, $4  }
0x2b: {  	_ = 	snop  }
0x2c: {  	s25 =	sshra.s32 s24, $0x2;
	v2 =	vsub.f32 v0, v1  }
0x2d: {  	v0 =	vld [tilespmem:s25+$0xA800]  }
0x2e: {  	s24 =	sadd.s32 $0x200, s24;
	v1 =	vld [tilespmem:s25+$0xE800];
	[tilespmem:s23+$0x12800] =	vst v2;
	s23 =	smov.u32 s25  }
0x2f: {  	_ =	sdelay $0x3  }
0x30: {  	s22 =	sadd.s32 s3, s22;
	v0 =	vsub.f32 v0, v1  }
0x31: {  	s22 =	sshll.u32 s22, $0x4  }
0x32: {  	s30 =	sadd.s32 s6, s22;
	[tilespmem:s23+$0x12800] =	vst v0  }
0x33: {  	[hbm4b:s30+s2] =	stream.linear.scatter [tilespmem:s15], [sflag:$0x1], $0x4000, $0x38;
	[tilespmem:$0x16800] =	vst v63  }
0x34: {  	_ =	swait.ge [sflag:s12], $0x4000  }
0x35: {  	[sflag:s12] =	ssyncset.done $0x0  }
0x36: {  	s31 =	sadd.s32 s7, s22;
	[sflag:s12] =	ssyncadd.s32 $0xFFFFC000  }
0x37: {  	[hbm4b:s31+s2] =	stream.linear.scatter [tilespmem:s16], [sflag:$0x1], $0x4000, $0x38;
	[tilespmem:$0x16800] =	vst v63  }
0x38: {  	s21 =	sadd.s32 $0x1, s21;
	_ =	swait.ge [sflag:s12], $0x4000  }
0x39: {  	p0 =	sne.s32 s21, $0x28;
	[sflag:s12] =	ssyncset.done $0x0  }
.Ltmp1:
0x3a: {  	s22 =	sadd.s32 s8, s22;
	[sflag:s12] =	ssyncadd.s32 $0xFFFFC000;
	(pc) =	sbr.rel @p0 .LBB2_2-.Ltmp1, $4  }
0x3b: {  	[hbm4b:s22+s2] =	stream.linear.scatter [tilespmem:s19], [sflag:$0x1], $0x4000, $0x38;
	[tilespmem:$0x16800] =	vst v63  }
0x3c: {  	_ =	swait.ge [sflag:s12], $0x4000  }
0x3d: {  	[sflag:s12] =	ssyncset.done $0x0  }
0x3e: {  	[sflag:s12] =	ssyncadd.s32 $0xFFFFC000  }
0x3f: {  	s20 =	sadd.s32 $0x1, s20  }
0x40: {  	p0 =	sne.s32 s20, s11  }
.Ltmp2:
0x41: {  	_ = 	snop;
	(pc) =	sbr.rel @p0 .LBB2_1-.Ltmp2, $1  }
0x42: {  	_ =	sdelay $0x3  }
0x43: {  	_ =	sfence.sel $0x180000  }
0x44: {  	[bflag:$0x0] =	sbarrier.arrive $0xFFFF  }
0x45: {  	p0 =	sne.s32 s1, $0x0;
	_ =	strace $0x90000047  }
0x46: {  	s0 =	sadd.s32 @!p0 $0x100000, s0;
	[bflag:$0x2] =	sbarrier.arrive $0xFFFF  }
0x47: {  	[sflag:s0] =	ssyncadd.tile.s32 @!p0 $0x1;
	_ =	shalt  }
.Lfunc_end2:
_tile_overlayer_lowered:
.L_overlay_start_2:
0x48: {  	(tag) =	ssettag $0x2  }
0x49: {  	s0 =	rddreg [dreg:$0x0];
	s2 =	stileid.u32  }
0x4a: {  	s1 =	rddreg [dreg:$0x1];
	p0 =	sne.s32 s2, $0x0  }
0x4b: {  	s3 =	rddreg [dreg:$0x2];
	[bflag:$0x3] =	sbarrier.arrive $0xFFFF;
	s2 =	simm.s32 @!p0 $0x1C01  }
0x4c: {  	[timem:s3], [sflag:s2] =	dma.local @!p0 [hbm:s0], s1  }
0x4d: {  	s0 =	simm.s32 @!p0 $0x1  }
0x4e: {  	_ =	swait.ge @!p0 [sflag:s0], s1  }
0x4f: {  	s1 =	ssub.s32 @!p0 $0x0, s1;
	[sflag:s0] =	ssyncset.done @!p0 $0x0  }
0x50: {  	[sflag:s0] =	ssyncadd.s32 @!p0 s1  }
0x51: {  	[bflag:$0x3] =	sbarrier.arrive $0xFFFF  }
0x52: {  	_ =	shalt  }

// kernel: kernel.19.cloned.1.call-start
scs
__scs_entry_jumppad:
0x0: {  	(pc) =	sbr.rel $0x88, $3  }
0x1: {  	(tag) =	ssettag $0x0;
	lr =	simm.s32 $0x1  }
0x2: {  	[smem:$0x3F77] =	sst lr;
	_ =	strace $0xD0000000  }
0x3: {  	_ = 	snop  }
0x4: {  	_ = 	snop  }
0x5: {  	_ = 	snop  }
0x6: {  	_ = 	snop  }
0x7: {  	_ = 	snop  }
__scs_overlays_trampoline_lowered:
0x8: {  	[smem:$0x3F86] =	sst s0  }
0x9: {  	[smem:$0x3F87] =	sst s1  }
0xa: {  	[smem:$0x3F88] =	sst s2  }
0xb: {  	[smem:$0x3F89] =	sst s3  }
0xc: {  	[smem:$0x3F8A] =	sst s4  }
0xd: {  	[smem:$0x3F8B] =	sst s5  }
0xe: {  	[smem:$0x3F8C] =	sst s6  }
0xf: {  	[smem:$0x3F8D] =	sst s7  }
0x10: {  	[smem:$0x3F8E] =	sst s8  }
0x11: {  	[smem:$0x3F8F] =	sst s9;
	s0 =	simm.s32 @!p0 $0x0  }
0x12: {  	s1 =	sld [smem:$0x3F75];
	s0 =	simm.s32 @p0 $0x1  }
0x13: {  	[smem:$0x3F90] =	sst s0;
	s0 =	simm.s32 @!p1 $0x0  }
0x14: {  	s2 =	sld [smem:$0x3F74];
	s0 =	simm.s32 @p1 $0x1  }
0x15: {  	[smem:$0x3F91] =	sst s0;
	s0 =	simm.s32 @!p2 $0x0  }
0x16: {  	s3 =	sld [smem:$0x3FDB];
	s0 =	simm.s32 @p2 $0x1  }
0x17: {  	s4 =	simm.s32 $0x1BF5;
	[smem:$0x3F93] =	sst s0  }
0x18: {  	s0 =	sld [smem:$0x3F76];
	_ =	swait.ge [sflag:s4], $0x0  }
0x19: {  	s7 =	sld [smem:$0x3F77]  }
0x1a: {  	s8 =	sadd.s32 $0xFFFFE003, lr  }
0x1b: {  	s9 =	sadd.s32 $0xFFFFFEF7, lr;
	s5 =	simm.s32 $0xFFFFFFFF;
	p2 =	slt.u32 s8, $0xFFFFF086  }
0x1c: {  	p1 =	slt.u32 s9, $0xF7A;
	s5 =	simm.s32 @!p2 $0x0  }
0x1d: {  	s5 =	simm.s32 @p1 $0x1;
	p0 =	seq.s32 s7, s2  }
0x1e: {  	s7 =	smul.u32 @!p0 $0xF7A, s2;
	p2 =	seq.s32 @!p0 s5, $0x0  }
0x1f: {  	s9 =	smul.u32 $0xF7A, s1;
	s8 =	simm.s32 @!p0 $0x1BF5;
	p2 =	por !p2, p0  }
0x20: {  	[sflag:s8] =	ssyncset.s32 @!p0 $0xFFFFF086;
	s6 =	sadd.s32 @!p0 s3, s7;
	s7 =	simm.s32 @!p0 $0x108  }
0x21: {  	s3 =	sadd.s32 s3, s9;
	s6 =	sadd.s32 @!p0 $0x88, s6;
	s7 =	simm.s32 @p2 $0x1082  }
0x22: {  	[simem:s7], [sflag:s8] =	dma.local @!p0 [hbm:s6], $0xF7A  }
0x23: {  	s9 =	sor.u32 $0xD0000000, s2;
	s6 =	simm.s32 $0x108;
	_ =	swait.ge @!p0 [sflag:s8], $0x0  }
0x24: {  	s3 =	sadd.s32 $0x88, s3;
	s6 =	simm.s32 @!p1 $0x1082;
	[sflag:s4] =	ssyncset.s32 $0xFFFFF086  }
0x25: {  	[simem:s6], [sflag:s4] =	dma.local [hbm:s3], $0xF7A  }
0x26: {  	[smem:$0x3F77] =	sst s1;
	(tag) =	ssettag s2;
	_ =	strace s9  }
0x27: {  	s1 =	sld [smem:$0x3F87]  }
0x28: {  	s2 =	sld [smem:$0x3F88]  }
0x29: {  	s4 =	sld [smem:$0x3F8A]  }
0x2a: {  	p0 =	seq.s32 s5, $0x0;
	s5 =	sld [smem:$0x3F8B]  }
0x2b: {  	s6 =	sld [smem:$0x3F8C]  }
0x2c: {  	s7 =	sld [smem:$0x3F8D]  }
0x2d: {  	s3 =	simm.s32 $0x108;
	s8 =	sld [smem:$0x3F8E]  }
0x2e: {  	s3 =	simm.s32 @!p0 $0x1082;
	s9 =	sld [smem:$0x3F8F]  }
0x2f: {  	lr =	sadd.s32 s0, s3;
	s0 =	sld [smem:$0x3F86]  }
0x30: {  	s3 =	sld [smem:$0x3F89]  }
0x31: {  	[smem:$0x3F92] =	sst s10  }
0x32: {  	s10 =	sld [smem:$0x3F90];
	_ =	sdelay $0x3  }
0x33: {  	p0 =	seq.s32 s10, $0x1;
	s10 =	sld [smem:$0x3F92];
	_ =	sdelay $0x3  }
0x34: {  	[smem:$0x3F92] =	sst s10  }
0x35: {  	s10 =	sld [smem:$0x3F91];
	_ =	sdelay $0x3  }
0x36: {  	p1 =	seq.s32 s10, $0x1;
	s10 =	sld [smem:$0x3F92];
	_ =	sdelay $0x3  }
0x37: {  	[smem:$0x3F92] =	sst s10  }
0x38: {  	s10 =	sld [smem:$0x3F93]  }
0x39: {  	_ = 	snop;
	(pc) =	sbr.ind lr, $3  }
0x3a: {  	_ = 	snop  }
0x3b: {  	_ = 	snop  }
0x3c: {  	p2 =	seq.s32 s10, $0x1;
	s10 =	sld [smem:$0x3F92]  }
0x3d: {  	_ =	shalt  }
0x3e: {  	_ =	shalt  }
0x3f: {  	_ =	shalt  }
0x40: {  	_ =	shalt  }
0x41: {  	_ =	shalt  }
0x42: {  	_ =	shalt  }
0x43: {  	_ =	shalt  }
0x44: {  	_ =	shalt  }
0x45: {  	_ =	shalt  }
0x46: {  	_ =	shalt  }
0x47: {  	_ =	shalt  }
0x48: {  	_ =	shalt  }
0x49: {  	_ =	shalt  }
0x4a: {  	_ =	shalt  }
0x4b: {  	_ =	shalt  }
0x4c: {  	_ =	shalt  }
0x4d: {  	_ =	shalt  }
0x4e: {  	_ =	shalt  }
0x4f: {  	_ =	shalt  }
0x50: {  	_ =	shalt  }
0x51: {  	_ =	shalt  }
0x52: {  	_ =	shalt  }
0x53: {  	_ =	shalt  }
0x54: {  	_ =	shalt  }
0x55: {  	_ =	shalt  }
0x56: {  	_ =	shalt  }
0x57: {  	_ =	shalt  }
0x58: {  	_ =	shalt  }
0x59: {  	_ =	shalt  }
0x5a: {  	_ =	shalt  }
0x5b: {  	_ =	shalt  }
0x5c: {  	_ =	shalt  }
0x5d: {  	_ =	shalt  }
0x5e: {  	_ =	shalt  }
0x5f: {  	_ =	shalt  }
0x60: {  	_ =	shalt  }
0x61: {  	_ =	shalt  }
0x62: {  	_ =	shalt  }
0x63: {  	_ =	shalt  }
0x64: {  	_ =	shalt  }
0x65: {  	_ =	shalt  }
0x66: {  	_ =	shalt  }
0x67: {  	_ =	shalt  }
0x68: {  	_ =	shalt  }
0x69: {  	_ =	shalt  }
0x6a: {  	_ =	shalt  }
0x6b: {  	_ =	shalt  }
0x6c: {  	_ =	shalt  }
0x6d: {  	_ =	shalt  }
0x6e: {  	_ =	shalt  }
0x6f: {  	_ =	shalt  }
0x70: {  	_ =	shalt  }
0x71: {  	_ =	shalt  }
0x72: {  	_ =	shalt  }
0x73: {  	_ =	shalt  }
0x74: {  	_ =	shalt  }
0x75: {  	_ =	shalt  }
0x76: {  	_ =	shalt  }
0x77: {  	_ =	shalt  }
0x78: {  	_ =	shalt  }
0x79: {  	_ =	shalt  }
0x7a: {  	_ =	shalt  }
0x7b: {  	_ =	shalt  }
0x7c: {  	_ =	shalt  }
0x7d: {  	_ =	shalt  }
0x7e: {  	_ =	shalt  }
0x7f: {  	_ =	shalt  }
0x80: {  	_ =	shalt  }
0x81: {  	_ =	shalt  }
0x82: {  	_ =	shalt  }
0x83: {  	_ =	shalt  }
0x84: {  	_ =	shalt  }
0x85: {  	_ =	shalt  }
0x86: {  	_ =	shalt  }
0x87: {  	_ =	shalt  }
.Lfunc_end0:
.L_simem_size_0:
called_computation.1_lowered:
.L_overlay_start_0:
0x88: {  	s2 =	sld [smem:$0x3FD9]  }
0x89: {  	s3 =	sld [smem:$0x3FFE];
	_ =	sdelay $0x1  }
0x8a: {  	s1 =	srdreg.scid  }
0x8b: {  	s0 =	sand.u32 $0x1, s1  }
0x8c: {  	s16 =	sshll.u32 s0, $0xA;
	s2 =	sadd.s32 s3, s2  }
0x8d: {  	s2 =	sadd.s32 s2, s16  }
0x8e: {  	[smem:$0x3F9E] =	sst s2  }
0x8f: {  	_ = 	snop  }
0x90: {  	(tm) =	ssettm $0x1  }
0x91: {  	s17 =	sld [smem:$0x3FFB];
	_ =	sdelay $0x3  }
0x92: {  	_ =	strace s17  }
0x93: {  	s2 =	sld [smem:$0x3FFC];
	_ =	sdelay $0x3  }
0x94: {  	_ =	strace s2  }
0x95: {  	s2 =	sld [smem:$0x3FFD];
	_ =	sdelay $0x3  }
0x96: {  	_ =	strace s2  }
0x97: {  	_ =	strace $0x8FFFFFFF  }
0x98: {  	s18 =	sld [smem:$0x3FDB];
	_ =	sdelay $0x1  }
0x99: {  	s19 =	simm.s32 $_scs_section_size  }
0x9a: {  	s4 =	simm.s32 $_size__tile_overlayer_lowered;
	s5 =	simm.s32 $_tile_overlayer_lowered  }
0x9b: {  	s22 =	simm.s32 $0x1BFF;
	s21 =	sshll.u32 s5, $0x1;
	s2 =	sadd.s32 s19, s18  }
0x9c: {  	s6 =	simm.s32 $0x0;
	s20 =	sshll.u32 s4, $0x1;
	s4 =	sadd.s32 s21, s2  }
0x9d: {  	[timem:s6], [sflag:s22] =	dma.local [hbm:s4], s20  }
0x9e: {  	_ =	swait.ge [sflag:s22], s20  }
0x9f: {  	s3 =	ssub.s32 $0x0, s20;
	[sflag:s22] =	ssyncset.done $0x0  }
0xa0: {  	[sflag:s22] =	ssyncadd.s32 s3;
	_ =	sdelay $0x1  }
0xa1: {  	s23 =	simm.s32 $0x1B8B  }
0xa2: {  	_ =	swait.ge [sflag:s23], $0x1  }
0xa3: {  	[sflag:s23] =	ssyncset.done $0x0  }
0xa4: {  	s25 =	simm.s32 $0x1B8E;
	s24 =	sld [smem:$0x3FFE];
	[sflag:s23] =	ssyncadd.s32 $0xFFFFFFFF  }
0xa5: {  	s26 =	simm.s32 $execute0_lowered;
	[smem:$0x3FD2] =	sst s25  }
0xa6: {  	s4 =	sshll.u32 s26, $0x1;
	_ =	strace $0x80000049;
	[dreg:$0x1] =	wrdreg $0xFFFFFFFF  }
0xa7: {  	s28 =	simm.s32 $_size_execute0_lowered;
	s2 =	sadd.s32 s2, s4;
	[dreg:$0x0] =	wrdreg $0x0  }
0xa8: {  	s4 =	sshll.u32 s28, $0x1;
	[dreg:$0x2] =	wrdreg s2  }
0xa9: {  	[dreg:$0x3] =	wrdreg s4  }
0xaa: {  	[dreg:$0x4] =	wrdreg $0xC0  }
0xab: {  	_ =	task [dreg:s6], $0x5FFFF  }
0xac: {  	[dreg:$0x1] =	wrdreg $0xFFFFFFFF  }
0xad: {  	[dreg:$0x0] =	wrdreg $0x60  }
0xae: {  	[dreg:$0x2] =	wrdreg s24  }
0xaf: {  	[dreg:$0x3] =	wrdreg $0x128800  }
0xb0: {  	[dreg:$0x4] =	wrdreg $0x9  }
0xb1: {  	_ =	task.clear_ibuf [dreg:s6], $0x5FFFF;
	_ =	strace $0x90000049  }
0xb2: {  	s29 =	simm.s32 $0x9;
	_ =	strace $0x8000004B  }
0xb3: {  	_ =	swait.ge [sflag:s29], $0x1  }
0xb4: {  	[sflag:s29] =	ssyncadd.s32 $0xFFFFFFFF  }
0xb5: {  	_ =	strace $0x9000004B  }
0xb6: {  	_ =	sfence  }
0xb7: {  	s30 =	sld [smem:$0x0];
	_ =	sdelay $0x2  }
0xb8: {  	s31 =	sshll.u32 s1, $0xD;
	s1 =	sshrl.u32 s1, $0x2  }
0xb9: {  	s3 =	sand.u32 $0x4000, s31;
	s1 =	sadd.s32 s1, s30  }
0xba: {  	s0 =	sor.u32 s3, s0;
	s1 =	sshll.u32 s1, $0x11  }
0xbb: {  	s0 =	sor.u32 s1, s0  }
0xbc: {  	s0 =	sadd.s32 $0x8F2B, s0  }
0xbd: {  	[sflag:s0] =	ssyncadd.remote.s32 $0x1  }
0xbe: {  	_ =	sfence.sel $0xFFFF  }
0xbf: {  	[dreg:$0x0] =	wrdreg $0xFFFFFFFF;
	(pc) =	sbr.abs _section_cstart, $3  }
0xc0: {  	[dreg:$0x1] =	wrdreg $0xFFFFFFFF  }
0xc1: {  	_ =	task.clear_ibuf [dreg:s6], $0x2FFFF;
	_ =	strace $0x9FFFFFFF  }
0xc2: {  	(tm) =	ssettm $0x7FFFFFFF  }
0xc3: {  	_ =	shalt  }
tec
execute0_lowered:
.L_overlay_start_1:
0x0: {  	(tag) =	ssettag $0x1  }
0x1: {  	s6 =	rddreg [dreg:$0x0]  }
0x2: {  	s0 =	stileid.u32;
	s1 =	srdreg.scid  }
0x3: {  	s2 =	rddreg [dreg:$0x1];
	s4 =	simm.s32 $0x0;
	s15 =	simm.s32 $0x1  }
0x4: {  	s16 =	simm.s32 $0xA880;
	s17 =	simm.s32 $0x2880;
	s18 =	simm.s32 $0x80  }
0x5: {  	s7 =	smul.u32 $0x28000, s0;
	s8 =	sand.u32 $0x1, s1;
	s1 =	rddreg [dreg:$0x2]  }
0x6: {  	s21 =	simm.s32 $0x0;
	s3 =	smul.u32 $0x2800, s0;
	[smem:$0x7FF] =	sst s4  }
0x7: {  	s9 =	smul.u32 $0x140, s0;
	s5 =	sadd.s32 $0xF53A00, s6;
	p0 =	sne.s32 s0, $0x0  }
0x8: {  	s19 =	smul.u32 $0x1400, s8;
	_ =	strace $0x8000004A;
	s8 =	ssub.s32 $0x2, s8  }
0x9: {  	s14 =	sadd.s32 s7, s6;
	s10 =	sshrl.u32 s3, $0x3;
	s7 =	sshrl.u32 s7, $0x2  }
0xa: {  	s31 =	sshrl.u32 s8, $0x1;
	s10 =	sadd.s32 s10, s6;
	s9 =	sadd.s32 s9, s19  }
0xb: {  	s13 =	ssub.s32 s8, s31;
	s20 =	sadd.s32 $0x1400, s19;
	s14 =	sadd.s32 $0xCD3A00, s14  }
0xc: {  	v0 =	vmov s19;
	s19 =	simm.s32 $0x2800;
	s9 =	sshll.u32 s9, $0x4;
	s13 =	smax.u32 s13, $0x1  }
0xd: {  	v1 =	vmov s20;
	s20 =	simm.s32 $0xE880;
	s12 =	sadd.s32 s9, s6;
	s6 =	sadd.s32 s7, s2  }
0xe: {  	s7 =	sadd.s32 $0x58A00, s10;
	s10 =	sadd.s32 $0xA0000, s2;
	s8 =	sadd.s32 $0x4000, s6  }
0xf: {  	v2 =	vimm.f32 $0.0e+00;
	s9 =	sadd.s32 $0x8000, s6;
	s11 =	sadd.s32 $0x62A00, s12;
	s12 =	sadd.s32 $0x8AA00, s12  }
.LBB2_1:
0x10: {  	[tilespmem:s4], [sflag:$0x1] =	stream.linear.gather [hbm4b:s7+s4], $0x2800, $0x38;
	[tilespmem:$0x1CC80] =	vst v63  }
0x11: {  	_ =	swait.ge [sflag:s15], $0x2800  }
0x12: {  	[sflag:s15] =	ssyncset.done $0x0  }
0x13: {  	s22 =	simm.s32 $0x0;
	s23 =	simm.s32 $0x200;
	[sflag:s15] =	ssyncadd.s32 $0xFFFFD800  }
.LBB2_2:
0x14: {  	p1 =	sne.s32 s23, $0xFE00;
	[tilespmem:s22+$0xA8F0] =	vst v2  }
0x15: {  	[tilespmem:s22+$0xA880] =	vst v2  }
0x16: {  	[tilespmem:s22+$0xA890] =	vst v2  }
.Ltmp0:
0x17: {  	[tilespmem:s22+$0xA8A0] =	vst v2;
	(pc) =	sbr.rel @p1 .LBB2_2-.Ltmp0, $4  }
0x18: {  	[tilespmem:s22+$0xA8B0] =	vst v2  }
0x19: {  	[tilespmem:s22+$0xA8C0] =	vst v2  }
0x1a: {  	[tilespmem:s22+$0xA8D0] =	vst v2  }
0x1b: {  	[tilespmem:s22+$0xA8E0] =	vst v2;
	s22 =	sshra.s32 s23, $0x2;
	s23 =	sadd.s32 $0x200, s23  }
0x1c: {  	[tilespmem:s22+$0xA8F0] =	vst v2  }
0x1d: {  	[tilespmem:s22+$0xA880] =	vst v2  }
0x1e: {  	[tilespmem:s22+$0xA890] =	vst v2  }
0x1f: {  	[tilespmem:s22+$0xA8A0] =	vst v2  }
0x20: {  	[tilespmem:s22+$0xA8B0] =	vst v2  }
0x21: {  	[tilespmem:s22+$0xA8C0] =	vst v2  }
0x22: {  	[tilespmem:s22+$0xA8D0] =	vst v2  }
0x23: {  	[tilespmem:s22+$0xA8E0] =	vst v2  }
0x24: {  	[spmem:s6] =	stream.linear.scatter [tilespmem:s16], [sflag:$0x1], $0x4000, $0x38;
	[tilespmem:$0x1CC80] =	vst v63  }
0x25: {  	_ =	swait.ge [sflag:s15], $0x4000  }
0x26: {  	[sflag:s15] =	ssyncset.done $0x0  }
0x27: {  	[sflag:s15] =	ssyncadd.s32 $0xFFFFC000  }
0x28: {  	[spmem:s8] =	stream.linear.scatter [tilespmem:s16], [sflag:$0x1], $0x4000, $0x38;
	[tilespmem:$0x1CC80] =	vst v63  }
0x29: {  	_ =	swait.ge [sflag:s15], $0x4000  }
0x2a: {  	[sflag:s15] =	ssyncset.done $0x0  }
0x2b: {  	[sflag:s15] =	ssyncadd.s32 $0xFFFFC000  }
0x2c: {  	[spmem:s9] =	stream.linear.scatter [tilespmem:s16], [sflag:$0x1], $0x2000, $0x38;
	[tilespmem:$0x1CC80] =	vst v63  }
0x2d: {  	_ =	swait.ge [sflag:s15], $0x2000  }
0x2e: {  	[sflag:s15] =	ssyncset.done $0x0  }
0x2f: {  	s22 =	simm.s32 @!p0 $0xA880;
	[sflag:s15] =	ssyncadd.s32 $0xFFFFE000  }
0x30: {  	[spmem:s10] =	stream.linear.scatter @!p0 [tilespmem:s22], [sflag:$0x1], $0x4000, $0x38;
	[tilespmem:$0x1CC80] =	vst v63  }
0x31: {  	s22 =	simm.s32 @!p0 $0x1  }
0x32: {  	_ =	swait.ge @!p0 [sflag:s22], $0x4000  }
0x33: {  	[sflag:s22] =	ssyncset.done @!p0 $0x0  }
0x34: {  	[sflag:s22] =	ssyncadd.s32 @!p0 $0xFFFFC000  }
0x35: {  	s22 =	simm.s32 $0x40;
	[bflag:$0x0] =	sbarrier.arrive $0xFFFF  }
0x36: {  	v3 =	vld [tilespmem:s22+$0xFFFFFFC0];
	_ =	sdelay $0x4  }
0x37: {  	vm0 =	vge.s32 v3, v0;
	vm1 =	vlt.s32 v3, v1  }
0x38: {  	v3 =	vsub.s32 v3, v0;
	vm0 =	vmand vm0, vm1  }
0x39: {  	v3 =	vnsel vm0, $0x1400, v3  }
0x3a: {  	[tilespmem:$0x2800] =	vst v3  }
0x3b: {  	v3 =	vld [tilespmem:s22+$0xFFFFFFD0];
	_ =	sdelay $0x4  }
0x3c: {  	vm14 =	vge.s32 v3, v0;
	vm15 =	vlt.s32 v3, v1  }
0x3d: {  	v3 =	vsub.s32 v3, v0;
	vm0 =	vmand vm14, vm15  }
0x3e: {  	v3 =	vnsel vm0, $0x1400, v3  }
0x3f: {  	[tilespmem:$0x2810] =	vst v3  }
0x40: {  	v3 =	vld [tilespmem:s22+$0xFFFFFFE0];
	_ =	sdelay $0x4  }
0x41: {  	vm4 =	vge.s32 v3, v0;
	vm5 =	vlt.s32 v3, v1  }
0x42: {  	v3 =	vsub.s32 v3, v0;
	vm0 =	vmand vm4, vm5  }
0x43: {  	v3 =	vnsel vm0, $0x1400, v3  }
0x44: {  	[tilespmem:$0x2820] =	vst v3  }
0x45: {  	v3 =	vld [tilespmem:s22+$0xFFFFFFF0];
	_ =	sdelay $0x4  }
0x46: {  	vm6 =	vge.s32 v3, v0;
	vm7 =	vlt.s32 v3, v1  }
0x47: {  	v3 =	vsub.s32 v3, v0;
	vm0 =	vmand vm6, vm7  }
0x48: {  	v3 =	vnsel vm0, $0x1400, v3  }
0x49: {  	[tilespmem:$0x2830] =	vst v3  }
0x4a: {  	v3 =	vld [tilespmem:s22+$0x0];
	_ =	sdelay $0x4  }
0x4b: {  	vm8 =	vge.s32 v3, v0;
	vm9 =	vlt.s32 v3, v1  }
0x4c: {  	v3 =	vsub.s32 v3, v0;
	vm0 =	vmand vm8, vm9  }
0x4d: {  	v3 =	vnsel vm0, $0x1400, v3  }
0x4e: {  	[tilespmem:$0x2840] =	vst v3  }
0x4f: {  	v3 =	vld [tilespmem:s22+$0x10];
	_ =	sdelay $0x4  }
0x50: {  	vm10 =	vge.s32 v3, v0;
	vm11 =	vlt.s32 v3, v1  }
0x51: {  	v3 =	vsub.s32 v3, v0;
	vm0 =	vmand vm10, vm11  }
0x52: {  	v3 =	vnsel vm0, $0x1400, v3  }
0x53: {  	[tilespmem:$0x2850] =	vst v3  }
0x54: {  	v3 =	vld [tilespmem:s22+$0x20];
	_ =	sdelay $0x4  }
0x55: {  	vm12 =	vge.s32 v3, v0;
	vm13 =	vlt.s32 v3, v1  }
0x56: {  	v3 =	vsub.s32 v3, v0;
	vm0 =	vmand vm12, vm13  }
0x57: {  	v3 =	vnsel vm0, $0x1400, v3  }
0x58: {  	[tilespmem:$0x2860] =	vst v3  }
0x59: {  	v3 =	vld [tilespmem:s22+$0x30];
	_ =	sdelay $0x4  }
0x5a: {  	vm14 =	vge.s32 v3, v0;
	vm15 =	vlt.s32 v3, v1  }
0x5b: {  	v3 =	vsub.s32 v3, v0;
	vm0 =	vmand vm14, vm15  }
0x5c: {  	v3 =	vnsel vm0, $0x1400, v3  }
0x5d: {  	s23 =	sadd.s32 $0x0, s14;
	[tilespmem:$0x2870] =	vst v3  }
0x5e: {  	[tilespmem:s17], [sflag:$0x1] =	stream.linear.gather [hbm4b:s23+s4], $0x4000, $0x38;
	[tilespmem:$0x1CC80] =	vst v63  }
0x5f: {  	_ =	swait.ge [sflag:s15], $0x4000  }
0x60: {  	[sflag:s15] =	ssyncset.done $0x0  }
0x61: {  	[sflag:s15] =	ssyncadd.s32 $0xFFFFC000  }
0x62: {  	[spmem:s2] =	stream.indirect.scatter.add.f32 [tilespmem:s17], [sflag:$0x1], $0x80, s19, s18, $0xb8;
	[tilespmem:$0x1CC80] =	vst v63  }
0x63: {  	_ =	swait.ge [sflag:s15], $0x4000  }
0x64: {  	s23 =	simm.s32 $0x800;
	[sflag:s15] =	ssyncset.done $0x0  }
.LBB2_4:
0x65: {  	p1 =	sne.s32 s23, $0x27800;
	[sflag:s15] =	ssyncadd.s32 $0xFFFFC000;
	s22 =	sadd.s32 $0x80, s22  }
0x66: {  	s24 =	smov.u32 s23;
	s23 =	sadd.s32 $0x800, s23;
	v3 =	vld [tilespmem:s22+$0xFFFFFFC0];
	_ =	sdelay $0x4  }
0x67: {  	vm0 =	vge.s32 v3, v0;
	vm1 =	vlt.s32 v3, v1  }
0x68: {  	v3 =	vsub.s32 v3, v0;
	vm0 =	vmand vm0, vm1  }
0x69: {  	v3 =	vnsel vm0, $0x1400, v3  }
0x6a: {  	[tilespmem:$0x2800] =	vst v3  }
0x6b: {  	v3 =	vld [tilespmem:s22+$0xFFFFFFD0];
	_ =	sdelay $0x4  }
0x6c: {  	vm0 =	vge.s32 v3, v0;
	vm1 =	vlt.s32 v3, v1  }
0x6d: {  	v3 =	vsub.s32 v3, v0;
	vm0 =	vmand vm0, vm1  }
0x6e: {  	v3 =	vnsel vm0, $0x1400, v3  }
0x6f: {  	[tilespmem:$0x2810] =	vst v3  }
0x70: {  	v3 =	vld [tilespmem:s22+$0xFFFFFFE0];
	_ =	sdelay $0x4  }
0x71: {  	vm0 =	vge.s32 v3, v0;
	vm1 =	vlt.s32 v3, v1  }
0x72: {  	v3 =	vsub.s32 v3, v0;
	vm0 =	vmand vm0, vm1  }
0x73: {  	v3 =	vnsel vm0, $0x1400, v3  }
0x74: {  	[tilespmem:$0x2820] =	vst v3  }
0x75: {  	v3 =	vld [tilespmem:s22+$0xFFFFFFF0];
	_ =	sdelay $0x4  }
0x76: {  	vm0 =	vge.s32 v3, v0;
	vm1 =	vlt.s32 v3, v1  }
0x77: {  	v3 =	vsub.s32 v3, v0;
	vm0 =	vmand vm0, vm1  }
0x78: {  	v3 =	vnsel vm0, $0x1400, v3  }
0x79: {  	[tilespmem:$0x2830] =	vst v3  }
0x7a: {  	v3 =	vld [tilespmem:s22+$0x0];
	_ =	sdelay $0x4  }
0x7b: {  	vm0 =	vge.s32 v3, v0;
	vm1 =	vlt.s32 v3, v1  }
0x7c: {  	v3 =	vsub.s32 v3, v0;
	vm0 =	vmand vm0, vm1  }
0x7d: {  	v3 =	vnsel vm0, $0x1400, v3  }
0x7e: {  	[tilespmem:$0x2840] =	vst v3  }
0x7f: {  	v3 =	vld [tilespmem:s22+$0x10];
	_ =	sdelay $0x4  }
0x80: {  	vm0 =	vge.s32 v3, v0;
	vm1 =	vlt.s32 v3, v1  }
0x81: {  	v3 =	vsub.s32 v3, v0;
	vm0 =	vmand vm0, vm1  }
0x82: {  	v3 =	vnsel vm0, $0x1400, v3  }
0x83: {  	[tilespmem:$0x2850] =	vst v3  }
0x84: {  	v3 =	vld [tilespmem:s22+$0x20];
	_ =	sdelay $0x4  }
0x85: {  	vm0 =	vge.s32 v3, v0;
	vm1 =	vlt.s32 v3, v1  }
0x86: {  	v3 =	vsub.s32 v3, v0;
	vm0 =	vmand vm0, vm1  }
0x87: {  	v3 =	vnsel vm0, $0x1400, v3  }
0x88: {  	[tilespmem:$0x2860] =	vst v3  }
0x89: {  	v3 =	vld [tilespmem:s22+$0x30];
	_ =	sdelay $0x4  }
0x8a: {  	vm0 =	vge.s32 v3, v0;
	vm1 =	vlt.s32 v3, v1  }
0x8b: {  	v3 =	vsub.s32 v3, v0;
	vm0 =	vmand vm0, vm1  }
0x8c: {  	v3 =	vnsel vm0, $0x1400, v3  }
0x8d: {  	s24 =	sadd.s32 s24, s14;
	[tilespmem:$0x2870] =	vst v3  }
0x8e: {  	[tilespmem:s17], [sflag:$0x1] =	stream.linear.gather [hbm4b:s24+s4], $0x4000, $0x38;
	[tilespmem:$0x1CC80] =	vst v63  }
0x8f: {  	_ =	swait.ge [sflag:s15], $0x4000  }
.Ltmp1:
0x90: {  	[sflag:s15] =	ssyncset.done $0x0;
	(pc) =	sbr.rel @p1 .LBB2_4-.Ltmp1, $4  }
0x91: {  	[sflag:s15] =	ssyncadd.s32 $0xFFFFC000  }
0x92: {  	[spmem:s2] =	stream.indirect.scatter.add.f32 [tilespmem:s17], [sflag:$0x1], $0x80, s19, s18, $0xb8;
	[tilespmem:$0x1CC80] =	vst v63  }
0x93: {  	_ =	swait.ge [sflag:s15], $0x4000  }
0x94: {  	[sflag:s15] =	ssyncset.done $0x0  }
0x95: {  	[sflag:s15] =	ssyncadd.s32 $0xFFFFC000;
	s22 =	sshll.u32 s0, $0x6  }
0x96: {  	s23 =	sshrl.u32 s6, $0x3;
	[bflag:$0x0] =	sbarrier.arrive $0xFFFF;
	s22 =	sor.u32 $0x1C01, s22  }
0x97: {  	[hbm:s11], [sflag:s22] =	dma.local [spmem:s23], $0x1400  }
0x98: {  	_ =	swait.ge [sflag:s15], $0x1400  }
0x99: {  	[sflag:s15] =	ssyncset.done $0x0  }
0x9a: {  	[sflag:s15] =	ssyncadd.s32 $0xFFFFEC00  }
0x9b: {  	[bflag:$0x0] =	sbarrier.arrive $0xFFFF  }
0x9c: {  	[spmem:s6] =	stream.linear.scatter [tilespmem:s16], [sflag:$0x1], $0x4000, $0x38;
	[tilespmem:$0x1CC80] =	vst v63  }
0x9d: {  	_ =	swait.ge [sflag:s15], $0x4000  }
0x9e: {  	[sflag:s15] =	ssyncset.done $0x0  }
0x9f: {  	[sflag:s15] =	ssyncadd.s32 $0xFFFFC000  }
0xa0: {  	[spmem:s8] =	stream.linear.scatter [tilespmem:s16], [sflag:$0x1], $0x4000, $0x38;
	[tilespmem:$0x1CC80] =	vst v63  }
0xa1: {  	_ =	swait.ge [sflag:s15], $0x4000  }
0xa2: {  	[sflag:s15] =	ssyncset.done $0x0  }
0xa3: {  	[sflag:s15] =	ssyncadd.s32 $0xFFFFC000  }
0xa4: {  	[spmem:s9] =	stream.linear.scatter [tilespmem:s16], [sflag:$0x1], $0x2000, $0x38;
	[tilespmem:$0x1CC80] =	vst v63  }
0xa5: {  	_ =	swait.ge [sflag:s15], $0x2000  }
0xa6: {  	[sflag:s15] =	ssyncset.done $0x0  }
0xa7: {  	s24 =	simm.s32 @!p0 $0xA880;
	[sflag:s15] =	ssyncadd.s32 $0xFFFFE000  }
0xa8: {  	[spmem:s10] =	stream.linear.scatter @!p0 [tilespmem:s24], [sflag:$0x1], $0x4000, $0x38;
	[tilespmem:$0x1CC80] =	vst v63  }
0xa9: {  	s24 =	simm.s32 @!p0 $0x1  }
0xaa: {  	_ =	swait.ge @!p0 [sflag:s24], $0x4000  }
0xab: {  	[sflag:s24] =	ssyncset.done @!p0 $0x0  }
0xac: {  	s25 =	simm.s32 $0x200;
	[sflag:s24] =	ssyncadd.s32 @!p0 $0xFFFFC000;
	s24 =	simm.s32 $0x0  }
.LBB2_6:
0xad: {  	p1 =	sne.s32 s25, $0xFE00;
	[tilespmem:s24+$0x68F0] =	vst v2  }
0xae: {  	[tilespmem:s24+$0x2880] =	vst v2  }
0xaf: {  	[tilespmem:s24+$0x6880] =	vst v2  }
0xb0: {  	[tilespmem:s24+$0x2890] =	vst v2  }
0xb1: {  	[tilespmem:s24+$0x6890] =	vst v2  }
0xb2: {  	[tilespmem:s24+$0x28A0] =	vst v2  }
0xb3: {  	[tilespmem:s24+$0x68A0] =	vst v2  }
0xb4: {  	[tilespmem:s24+$0x28B0] =	vst v2  }
0xb5: {  	[tilespmem:s24+$0x68B0] =	vst v2  }
0xb6: {  	[tilespmem:s24+$0x28C0] =	vst v2  }
0xb7: {  	[tilespmem:s24+$0x68C0] =	vst v2  }
.Ltmp2:
0xb8: {  	[tilespmem:s24+$0x28D0] =	vst v2;
	(pc) =	sbr.rel @p1 .LBB2_6-.Ltmp2, $4  }
0xb9: {  	[tilespmem:s24+$0x68D0] =	vst v2  }
0xba: {  	[tilespmem:s24+$0x28E0] =	vst v2  }
0xbb: {  	[tilespmem:s24+$0x68E0] =	vst v2  }
0xbc: {  	[tilespmem:s24+$0x28F0] =	vst v2;
	s24 =	sshra.s32 s25, $0x2;
	s25 =	sadd.s32 $0x200, s25  }
0xbd: {  	[tilespmem:s24+$0x68F0] =	vst v2  }
0xbe: {  	[tilespmem:s24+$0x2880] =	vst v2  }
0xbf: {  	[tilespmem:s24+$0x6880] =	vst v2  }
0xc0: {  	[tilespmem:s24+$0x2890] =	vst v2  }
0xc1: {  	[tilespmem:s24+$0x6890] =	vst v2  }
0xc2: {  	[tilespmem:s24+$0x28A0] =	vst v2  }
0xc3: {  	[tilespmem:s24+$0x68A0] =	vst v2  }
0xc4: {  	[tilespmem:s24+$0x28B0] =	vst v2  }
0xc5: {  	[tilespmem:s24+$0x68B0] =	vst v2  }
0xc6: {  	[tilespmem:s24+$0x28C0] =	vst v2  }
0xc7: {  	[tilespmem:s24+$0x68C0] =	vst v2  }
0xc8: {  	[tilespmem:s24+$0x28D0] =	vst v2  }
0xc9: {  	[tilespmem:s24+$0x68D0] =	vst v2  }
0xca: {  	[tilespmem:s24+$0x28E0] =	vst v2  }
0xcb: {  	[tilespmem:s24+$0x68E0] =	vst v2  }
0xcc: {  	[tilespmem:s24+$0x28F0] =	vst v2  }
0xcd: {  	s24 =	simm.s32 $0x0;
	s25 =	simm.s32 $0x0;
	[bflag:$0x0] =	sbarrier.arrive $0xFFFF  }
.LBB2_8:
0xce: {  	s26 =	sshll.u32 s25, $0x7  }
0xcf: {  	v3 =	vld [tilespmem:s26+$0x0];
	_ =	sdelay $0x4  }
0xd0: {  	vm0 =	vge.s32 v3, v0;
	vm1 =	vlt.s32 v3, v1  }
0xd1: {  	v3 =	vsub.s32 v3, v0;
	vm0 =	vmand vm0, vm1  }
0xd2: {  	v3 =	vnsel vm0, $0x1400, v3  }
0xd3: {  	[tilespmem:$0x2800] =	vst v3  }
0xd4: {  	v3 =	vld [tilespmem:s26+$0x10];
	_ =	sdelay $0x4  }
0xd5: {  	vm14 =	vge.s32 v3, v0;
	vm15 =	vlt.s32 v3, v1  }
0xd6: {  	v3 =	vsub.s32 v3, v0;
	vm0 =	vmand vm14, vm15  }
0xd7: {  	v3 =	vnsel vm0, $0x1400, v3  }
0xd8: {  	[tilespmem:$0x2810] =	vst v3  }
0xd9: {  	v3 =	vld [tilespmem:s26+$0x20];
	_ =	sdelay $0x4  }
0xda: {  	vm4 =	vge.s32 v3, v0;
	vm5 =	vlt.s32 v3, v1  }
0xdb: {  	v3 =	vsub.s32 v3, v0;
	vm0 =	vmand vm4, vm5  }
0xdc: {  	v3 =	vnsel vm0, $0x1400, v3  }
0xdd: {  	[tilespmem:$0x2820] =	vst v3  }
0xde: {  	v3 =	vld [tilespmem:s26+$0x30];
	_ =	sdelay $0x4  }
0xdf: {  	vm6 =	vge.s32 v3, v0;
	vm7 =	vlt.s32 v3, v1  }
0xe0: {  	v3 =	vsub.s32 v3, v0;
	vm0 =	vmand vm6, vm7  }
0xe1: {  	v3 =	vnsel vm0, $0x1400, v3  }
0xe2: {  	[tilespmem:$0x2830] =	vst v3  }
0xe3: {  	v3 =	vld [tilespmem:s26+$0x40];
	_ =	sdelay $0x4  }
0xe4: {  	vm8 =	vge.s32 v3, v0;
	vm9 =	vlt.s32 v3, v1  }
0xe5: {  	v3 =	vsub.s32 v3, v0;
	vm0 =	vmand vm8, vm9  }
0xe6: {  	v3 =	vnsel vm0, $0x1400, v3  }
0xe7: {  	[tilespmem:$0x2840] =	vst v3  }
0xe8: {  	v3 =	vld [tilespmem:s26+$0x50];
	_ =	sdelay $0x4  }
0xe9: {  	vm10 =	vge.s32 v3, v0;
	vm11 =	vlt.s32 v3, v1  }
0xea: {  	v3 =	vsub.s32 v3, v0;
	vm0 =	vmand vm10, vm11  }
0xeb: {  	v3 =	vnsel vm0, $0x1400, v3  }
0xec: {  	[tilespmem:$0x2850] =	vst v3  }
0xed: {  	v3 =	vld [tilespmem:s26+$0x60];
	_ =	sdelay $0x4  }
0xee: {  	vm12 =	vge.s32 v3, v0;
	vm13 =	vlt.s32 v3, v1  }
0xef: {  	v3 =	vsub.s32 v3, v0;
	vm0 =	vmand vm12, vm13  }
0xf0: {  	v3 =	vnsel vm0, $0x1400, v3  }
0xf1: {  	[tilespmem:$0x2860] =	vst v3  }
0xf2: {  	v3 =	vld [tilespmem:s26+$0x70];
	_ =	sdelay $0x4  }
0xf3: {  	vm14 =	vge.s32 v3, v0;
	vm15 =	vlt.s32 v3, v1  }
0xf4: {  	s26 =	sadd.s32 s3, s26;
	v3 =	vsub.s32 v3, v0;
	vm0 =	vmand vm14, vm15  }
0xf5: {  	s26 =	sshll.u32 s26, $0x4;
	v3 =	vnsel vm0, $0x1400, v3  }
0xf6: {  	s26 =	sadd.s32 s5, s26;
	[tilespmem:$0x2870] =	vst v3  }
0xf7: {  	[tilespmem:s20], [sflag:$0x1] =	stream.linear.gather [hbm4b:s26+s24], $0x4000, $0x38;
	[tilespmem:$0x1CC80] =	vst v63  }
0xf8: {  	_ =	swait.ge [sflag:s15], $0x4000  }
0xf9: {  	[sflag:s15] =	ssyncset.done $0x0  }
0xfa: {  	s26 =	simm.s32 $0x0;
	[sflag:s15] =	ssyncadd.s32 $0xFFFFC000  }
0xfb: {  	s28 =	simm.s32 $0x200;
	v3 =	vld [tilespmem:s26+$0xE880]  }
.LBB2_9:
0xfc: {  	p1 =	sne.s32 s28, $0xFE00  }
.Ltmp3:
0xfd: {  	_ = 	snop;
	(pc) =	sbr.rel @p1 .LBB2_9-.Ltmp3, $3  }
0xfe: {  	_ =	sdelay $0x1  }
0xff: {  	[tilespmem:s26+$0x2880] =	vst v3;
	s26 =	sshra.s32 s28, $0x2;
	s28 =	sadd.s32 $0x200, s28  }
0x100: {  	v3 =	vld [tilespmem:s26+$0xE880]  }
0x101: {  	_ =	sdelay $0x1  }
0x102: {  	s25 =	sadd.s32 $0x1, s25  }
0x103: {  	p1 =	sne.s32 s25, $0x50  }
.Ltmp4:
0x104: {  	[tilespmem:s26+$0x2880] =	vst v3;
	(pc) =	sbr.rel @p1 .LBB2_8-.Ltmp4, $4  }
0x105: {  	[spmem:s2] =	stream.indirect.scatter.add.f32 [tilespmem:s17], [sflag:$0x1], $0x80, s19, s18, $0xb8;
	[tilespmem:$0x1CC80] =	vst v63  }
0x106: {  	_ =	swait.ge [sflag:s15], $0x4000  }
0x107: {  	[sflag:s15] =	ssyncset.done $0x0  }
0x108: {  	[sflag:s15] =	ssyncadd.s32 $0xFFFFC000  }
0x109: {  	s21 =	sadd.s32 $0x1, s21  }
0x10a: {  	p1 =	sne.s32 s21, s13  }
.Ltmp5:
0x10b: {  	[bflag:$0x0] =	sbarrier.arrive $0xFFFF;
	(pc) =	sbr.rel @p1 .LBB2_1-.Ltmp5, $4  }
0x10c: {  	[hbm:s12], [sflag:s22] =	dma.local [spmem:s23], $0x1400  }
0x10d: {  	_ =	swait.ge [sflag:s15], $0x1400  }
0x10e: {  	[sflag:s15] =	ssyncset.done $0x0  }
0x10f: {  	[sflag:s15] =	ssyncadd.s32 $0xFFFFEC00  }
0x110: {  	_ =	sfence.sel $0x180000  }
0x111: {  	[bflag:$0x0] =	sbarrier.arrive $0xFFFF  }
0x112: {  	_ =	strace $0x9000004A  }
0x113: {  	s0 =	sadd.s32 @!p0 $0x100000, s1;
	[bflag:$0x2] =	sbarrier.arrive $0xFFFF  }
0x114: {  	[sflag:s0] =	ssyncadd.tile.s32 @!p0 $0x1;
	_ =	shalt  }
.Lfunc_end2:
_tile_overlayer_lowered:
.L_overlay_start_2:
0x115: {  	(tag) =	ssettag $0x2  }
0x116: {  	s0 =	rddreg [dreg:$0x0];
	s2 =	stileid.u32  }
0x117: {  	s1 =	rddreg [dreg:$0x1];
	p0 =	sne.s32 s2, $0x0  }
0x118: {  	s3 =	rddreg [dreg:$0x2];
	[bflag:$0x3] =	sbarrier.arrive $0xFFFF;
	s2 =	simm.s32 @!p0 $0x1C01  }
0x119: {  	[timem:s3], [sflag:s2] =	dma.local @!p0 [hbm:s0], s1  }
0x11a: {  	s0 =	simm.s32 @!p0 $0x1  }
0x11b: {  	_ =	swait.ge @!p0 [sflag:s0], s1  }
0x11c: {  	s1 =	ssub.s32 @!p0 $0x0, s1;
	[sflag:s0] =	ssyncset.done @!p0 $0x0  }
0x11d: {  	[sflag:s0] =	ssyncadd.s32 @!p0 s1  }
0x11e: {  	[bflag:$0x3] =	sbarrier.arrive $0xFFFF  }
0x11f: {  	_ =	shalt  }

// kernel: kernel.22.cloned.1.call-start
scs
__scs_entry_jumppad:
0x0: {  	(pc) =	sbr.rel $0x88, $3  }
0x1: {  	(tag) =	ssettag $0x0;
	lr =	simm.s32 $0x1  }
0x2: {  	[smem:$0x3F77] =	sst lr;
	_ =	strace $0xD0000000  }
0x3: {  	_ = 	snop  }
0x4: {  	_ = 	snop  }
0x5: {  	_ = 	snop  }
0x6: {  	_ = 	snop  }
0x7: {  	_ = 	snop  }
__scs_overlays_trampoline_lowered:
0x8: {  	[smem:$0x3F86] =	sst s0  }
0x9: {  	[smem:$0x3F87] =	sst s1  }
0xa: {  	[smem:$0x3F88] =	sst s2  }
0xb: {  	[smem:$0x3F89] =	sst s3  }
0xc: {  	[smem:$0x3F8A] =	sst s4  }
0xd: {  	[smem:$0x3F8B] =	sst s5  }
0xe: {  	[smem:$0x3F8C] =	sst s6  }
0xf: {  	[smem:$0x3F8D] =	sst s7  }
0x10: {  	[smem:$0x3F8E] =	sst s8  }
0x11: {  	[smem:$0x3F8F] =	sst s9;
	s0 =	simm.s32 @!p0 $0x0  }
0x12: {  	s1 =	sld [smem:$0x3F75];
	s0 =	simm.s32 @p0 $0x1  }
0x13: {  	[smem:$0x3F90] =	sst s0;
	s0 =	simm.s32 @!p1 $0x0  }
0x14: {  	s2 =	sld [smem:$0x3F74];
	s0 =	simm.s32 @p1 $0x1  }
0x15: {  	[smem:$0x3F91] =	sst s0;
	s0 =	simm.s32 @!p2 $0x0  }
0x16: {  	s3 =	sld [smem:$0x3FDB];
	s0 =	simm.s32 @p2 $0x1  }
0x17: {  	s4 =	simm.s32 $0x1BF5;
	[smem:$0x3F93] =	sst s0  }
0x18: {  	s0 =	sld [smem:$0x3F76];
	_ =	swait.ge [sflag:s4], $0x0  }
0x19: {  	s7 =	sld [smem:$0x3F77]  }
0x1a: {  	s8 =	sadd.s32 $0xFFFFE003, lr  }
0x1b: {  	s9 =	sadd.s32 $0xFFFFFEF7, lr;
	s5 =	simm.s32 $0xFFFFFFFF;
	p2 =	slt.u32 s8, $0xFFFFF086  }
0x1c: {  	p1 =	slt.u32 s9, $0xF7A;
	s5 =	simm.s32 @!p2 $0x0  }
0x1d: {  	s5 =	simm.s32 @p1 $0x1;
	p0 =	seq.s32 s7, s2  }
0x1e: {  	s7 =	smul.u32 @!p0 $0xF7A, s2;
	p2 =	seq.s32 @!p0 s5, $0x0  }
0x1f: {  	s9 =	smul.u32 $0xF7A, s1;
	s8 =	simm.s32 @!p0 $0x1BF5;
	p2 =	por !p2, p0  }
0x20: {  	[sflag:s8] =	ssyncset.s32 @!p0 $0xFFFFF086;
	s6 =	sadd.s32 @!p0 s3, s7;
	s7 =	simm.s32 @!p0 $0x108  }
0x21: {  	s3 =	sadd.s32 s3, s9;
	s6 =	sadd.s32 @!p0 $0x88, s6;
	s7 =	simm.s32 @p2 $0x1082  }
0x22: {  	[simem:s7], [sflag:s8] =	dma.local @!p0 [hbm:s6], $0xF7A  }
0x23: {  	s9 =	sor.u32 $0xD0000000, s2;
	s6 =	simm.s32 $0x108;
	_ =	swait.ge @!p0 [sflag:s8], $0x0  }
0x24: {  	s3 =	sadd.s32 $0x88, s3;
	s6 =	simm.s32 @!p1 $0x1082;
	[sflag:s4] =	ssyncset.s32 $0xFFFFF086  }
0x25: {  	[simem:s6], [sflag:s4] =	dma.local [hbm:s3], $0xF7A  }
0x26: {  	[smem:$0x3F77] =	sst s1;
	(tag) =	ssettag s2;
	_ =	strace s9  }
0x27: {  	s1 =	sld [smem:$0x3F87]  }
0x28: {  	s2 =	sld [smem:$0x3F88]  }
0x29: {  	s4 =	sld [smem:$0x3F8A]  }
0x2a: {  	p0 =	seq.s32 s5, $0x0;
	s5 =	sld [smem:$0x3F8B]  }
0x2b: {  	s6 =	sld [smem:$0x3F8C]  }
0x2c: {  	s7 =	sld [smem:$0x3F8D]  }
0x2d: {  	s3 =	simm.s32 $0x108;
	s8 =	sld [smem:$0x3F8E]  }
0x2e: {  	s3 =	simm.s32 @!p0 $0x1082;
	s9 =	sld [smem:$0x3F8F]  }
0x2f: {  	lr =	sadd.s32 s0, s3;
	s0 =	sld [smem:$0x3F86]  }
0x30: {  	s3 =	sld [smem:$0x3F89]  }
0x31: {  	[smem:$0x3F92] =	sst s10  }
0x32: {  	s10 =	sld [smem:$0x3F90];
	_ =	sdelay $0x3  }
0x33: {  	p0 =	seq.s32 s10, $0x1;
	s10 =	sld [smem:$0x3F92];
	_ =	sdelay $0x3  }
0x34: {  	[smem:$0x3F92] =	sst s10  }
0x35: {  	s10 =	sld [smem:$0x3F91];
	_ =	sdelay $0x3  }
0x36: {  	p1 =	seq.s32 s10, $0x1;
	s10 =	sld [smem:$0x3F92];
	_ =	sdelay $0x3  }
0x37: {  	[smem:$0x3F92] =	sst s10  }
0x38: {  	s10 =	sld [smem:$0x3F93]  }
0x39: {  	_ = 	snop;
	(pc) =	sbr.ind lr, $3  }
0x3a: {  	_ = 	snop  }
0x3b: {  	_ = 	snop  }
0x3c: {  	p2 =	seq.s32 s10, $0x1;
	s10 =	sld [smem:$0x3F92]  }
0x3d: {  	_ =	shalt  }
0x3e: {  	_ =	shalt  }
0x3f: {  	_ =	shalt  }
0x40: {  	_ =	shalt  }
0x41: {  	_ =	shalt  }
0x42: {  	_ =	shalt  }
0x43: {  	_ =	shalt  }
0x44: {  	_ =	shalt  }
0x45: {  	_ =	shalt  }
0x46: {  	_ =	shalt  }
0x47: {  	_ =	shalt  }
0x48: {  	_ =	shalt  }
0x49: {  	_ =	shalt  }
0x4a: {  	_ =	shalt  }
0x4b: {  	_ =	shalt  }
0x4c: {  	_ =	shalt  }
0x4d: {  	_ =	shalt  }
0x4e: {  	_ =	shalt  }
0x4f: {  	_ =	shalt  }
0x50: {  	_ =	shalt  }
0x51: {  	_ =	shalt  }
0x52: {  	_ =	shalt  }
0x53: {  	_ =	shalt  }
0x54: {  	_ =	shalt  }
0x55: {  	_ =	shalt  }
0x56: {  	_ =	shalt  }
0x57: {  	_ =	shalt  }
0x58: {  	_ =	shalt  }
0x59: {  	_ =	shalt  }
0x5a: {  	_ =	shalt  }
0x5b: {  	_ =	shalt  }
0x5c: {  	_ =	shalt  }
0x5d: {  	_ =	shalt  }
0x5e: {  	_ =	shalt  }
0x5f: {  	_ =	shalt  }
0x60: {  	_ =	shalt  }
0x61: {  	_ =	shalt  }
0x62: {  	_ =	shalt  }
0x63: {  	_ =	shalt  }
0x64: {  	_ =	shalt  }
0x65: {  	_ =	shalt  }
0x66: {  	_ =	shalt  }
0x67: {  	_ =	shalt  }
0x68: {  	_ =	shalt  }
0x69: {  	_ =	shalt  }
0x6a: {  	_ =	shalt  }
0x6b: {  	_ =	shalt  }
0x6c: {  	_ =	shalt  }
0x6d: {  	_ =	shalt  }
0x6e: {  	_ =	shalt  }
0x6f: {  	_ =	shalt  }
0x70: {  	_ =	shalt  }
0x71: {  	_ =	shalt  }
0x72: {  	_ =	shalt  }
0x73: {  	_ =	shalt  }
0x74: {  	_ =	shalt  }
0x75: {  	_ =	shalt  }
0x76: {  	_ =	shalt  }
0x77: {  	_ =	shalt  }
0x78: {  	_ =	shalt  }
0x79: {  	_ =	shalt  }
0x7a: {  	_ =	shalt  }
0x7b: {  	_ =	shalt  }
0x7c: {  	_ =	shalt  }
0x7d: {  	_ =	shalt  }
0x7e: {  	_ =	shalt  }
0x7f: {  	_ =	shalt  }
0x80: {  	_ =	shalt  }
0x81: {  	_ =	shalt  }
0x82: {  	_ =	shalt  }
0x83: {  	_ =	shalt  }
0x84: {  	_ =	shalt  }
0x85: {  	_ =	shalt  }
0x86: {  	_ =	shalt  }
0x87: {  	_ =	shalt  }
.Lfunc_end0:
.L_simem_size_0:
called_computation.2_lowered:
.L_overlay_start_0:
0x88: {  	s2 =	sld [smem:$0x3FD9]  }
0x89: {  	s3 =	sld [smem:$0x3FFE];
	_ =	sdelay $0x1  }
0x8a: {  	s1 =	srdreg.scid  }
0x8b: {  	s0 =	sand.u32 $0x1, s1  }
0x8c: {  	s16 =	sshll.u32 s0, $0xA;
	s2 =	sadd.s32 s3, s2  }
0x8d: {  	s2 =	sadd.s32 s2, s16  }
0x8e: {  	[smem:$0x3F9E] =	sst s2  }
0x8f: {  	_ = 	snop  }
0x90: {  	(tm) =	ssettm $0x1  }
0x91: {  	s17 =	sld [smem:$0x3FFB];
	_ =	sdelay $0x3  }
0x92: {  	_ =	strace s17  }
0x93: {  	s2 =	sld [smem:$0x3FFC];
	_ =	sdelay $0x3  }
0x94: {  	_ =	strace s2  }
0x95: {  	s2 =	sld [smem:$0x3FFD];
	_ =	sdelay $0x3  }
0x96: {  	_ =	strace s2  }
0x97: {  	_ =	strace $0x8FFFFFFF  }
0x98: {  	s18 =	sld [smem:$0x3FDB];
	_ =	sdelay $0x1  }
0x99: {  	s19 =	simm.s32 $_scs_section_size  }
0x9a: {  	s4 =	simm.s32 $_size__tile_overlayer_lowered;
	s5 =	simm.s32 $_tile_overlayer_lowered  }
0x9b: {  	s22 =	simm.s32 $0x1BFF;
	s21 =	sshll.u32 s5, $0x1;
	s2 =	sadd.s32 s19, s18  }
0x9c: {  	s6 =	simm.s32 $0x0;
	s20 =	sshll.u32 s4, $0x1;
	s4 =	sadd.s32 s21, s2  }
0x9d: {  	[timem:s6], [sflag:s22] =	dma.local [hbm:s4], s20  }
0x9e: {  	_ =	swait.ge [sflag:s22], s20  }
0x9f: {  	s3 =	ssub.s32 $0x0, s20;
	[sflag:s22] =	ssyncset.done $0x0  }
0xa0: {  	[sflag:s22] =	ssyncadd.s32 s3;
	_ =	sdelay $0x1  }
0xa1: {  	s23 =	simm.s32 $0x1B8B  }
0xa2: {  	_ =	swait.ge [sflag:s23], $0x1  }
0xa3: {  	[sflag:s23] =	ssyncset.done $0x0  }
0xa4: {  	s25 =	simm.s32 $0x1B8E;
	s24 =	sld [smem:$0x3FFE];
	[sflag:s23] =	ssyncadd.s32 $0xFFFFFFFF  }
0xa5: {  	s26 =	simm.s32 $execute0_lowered;
	[smem:$0x3FD2] =	sst s25  }
0xa6: {  	s4 =	sshll.u32 s26, $0x1;
	_ =	strace $0x8000004C;
	[dreg:$0x1] =	wrdreg $0xFFFFFFFF  }
0xa7: {  	s28 =	simm.s32 $_size_execute0_lowered;
	s2 =	sadd.s32 s2, s4;
	[dreg:$0x0] =	wrdreg $0x0  }
0xa8: {  	s4 =	sshll.u32 s28, $0x1;
	[dreg:$0x2] =	wrdreg s2  }
0xa9: {  	[dreg:$0x3] =	wrdreg s4  }
0xaa: {  	[dreg:$0x4] =	wrdreg $0xC0  }
0xab: {  	_ =	task [dreg:s6], $0x5FFFF  }
0xac: {  	[dreg:$0x1] =	wrdreg $0xFFFFFFFF  }
0xad: {  	[dreg:$0x0] =	wrdreg $0x60  }
0xae: {  	[dreg:$0x2] =	wrdreg s24  }
0xaf: {  	[dreg:$0x3] =	wrdreg $0x9  }
0xb0: {  	_ =	task.clear_ibuf [dreg:s6], $0x4FFFF;
	_ =	strace $0x9000004C  }
0xb1: {  	s29 =	simm.s32 $0x9;
	_ =	strace $0x8000004E  }
0xb2: {  	_ =	swait.ge [sflag:s29], $0x1  }
0xb3: {  	[sflag:s29] =	ssyncadd.s32 $0xFFFFFFFF  }
0xb4: {  	_ =	strace $0x9000004E  }
0xb5: {  	_ =	sfence  }
0xb6: {  	s30 =	sld [smem:$0x0];
	_ =	sdelay $0x2  }
0xb7: {  	s31 =	sshll.u32 s1, $0xD;
	s1 =	sshrl.u32 s1, $0x2  }
0xb8: {  	s3 =	sand.u32 $0x4000, s31;
	s1 =	sadd.s32 s1, s30  }
0xb9: {  	s0 =	sor.u32 s3, s0;
	s1 =	sshll.u32 s1, $0x11  }
0xba: {  	s0 =	sor.u32 s1, s0  }
0xbb: {  	s0 =	sadd.s32 $0x8F2B, s0  }
0xbc: {  	[sflag:s0] =	ssyncadd.remote.s32 $0x1  }
0xbd: {  	_ =	sfence.sel $0xFFFF  }
0xbe: {  	[dreg:$0x0] =	wrdreg $0xFFFFFFFF;
	(pc) =	sbr.abs _section_cstart, $3  }
0xbf: {  	[dreg:$0x1] =	wrdreg $0xFFFFFFFF  }
0xc0: {  	_ =	task.clear_ibuf [dreg:s6], $0x2FFFF;
	_ =	strace $0x9FFFFFFF  }
0xc1: {  	(tm) =	ssettm $0x7FFFFFFF  }
tec
execute0_lowered:
.L_overlay_start_1:
0x0: {  	(tag) =	ssettag $0x1  }
0x1: {  	s0 =	srdreg.scid  }
0x2: {  	s8 =	rddreg [dreg:$0x0];
	s1 =	stileid.u32  }
0x3: {  	s2 =	simm.s32 $0x0;
	s12 =	simm.s32 $0x1;
	s13 =	simm.s32 $0x1400  }
0x4: {  	s14 =	simm.s32 $0x80;
	s15 =	simm.s32 $0x2800;
	s16 =	simm.s32 $0x6800  }
0x5: {  	s17 =	simm.s32 $0xA800;
	s18 =	simm.s32 $0xE800;
	s6 =	sand.u32 $0x1, s0  }
0x6: {  	s19 =	simm.s32 $0x12800;
	s0 =	rddreg [dreg:$0x1];
	s3 =	sshll.u32 s6, $0x4  }
0x7: {  	s20 =	simm.s32 $0x0;
	[smem:$0x7FF] =	sst s2;
	s3 =	sor.u32 s1, s3  }
0x8: {  	s4 =	sadd.s32 $0x8A00, s8;
	s9 =	ssub.s32 $0x2, s6;
	s3 =	smul.u32 $0x1400, s3  }
0x9: {  	s5 =	sadd.s32 $0x30A00, s8;
	_ =	strace $0x8000004D;
	s11 =	sshrl.u32 s9, $0x1  }
0xa: {  	s6 =	sadd.s32 $0x62A00, s8;
	s11 =	ssub.s32 s9, s11;
	s7 =	sshrl.u32 s3, $0x3  }
0xb: {  	s11 =	smax.u32 s11, $0x1;
	s10 =	sadd.s32 s7, s8;
	s7 =	sadd.s32 $0x2E2A00, s8  }
0xc: {  	s8 =	sadd.s32 $0x562A00, s8;
	s9 =	sadd.s32 $0x5DA00, s10;
	s10 =	sadd.s32 $0x58A00, s10  }
.LBB2_1:
0xd: {  	[tilespmem:s2], [sflag:$0x1] =	stream.linear.gather [hbm4b:s9+s2], $0x1400, $0x38;
	[tilespmem:$0x16800] =	vst v63  }
0xe: {  	_ =	swait.ge [sflag:s12], $0x1400  }
0xf: {  	[sflag:s12] =	ssyncset.done $0x0  }
0x10: {  	[sflag:s12] =	ssyncadd.s32 $0xFFFFEC00  }
0x11: {  	[tilespmem:s13], [sflag:$0x1] =	stream.linear.gather [hbm4b:s10+s2], $0x1400, $0x38;
	[tilespmem:$0x16800] =	vst v63  }
0x12: {  	_ =	swait.ge [sflag:s12], $0x1400  }
0x13: {  	[sflag:s12] =	ssyncset.done $0x0  }
0x14: {  	s21 =	simm.s32 $0x0;
	[sflag:s12] =	ssyncadd.s32 $0xFFFFEC00  }
.LBB2_2:
0x15: {  	s22 =	sshll.u32 s21, $0x7  }
0x16: {  	[tilespmem:s15], [sflag:$0x1] =	stream.indirect.gather [hbm4b:s4+s14], $0x80, s22, s14, $0xb8;
	[tilespmem:$0x16800] =	vst v63  }
0x17: {  	_ =	swait.ge [sflag:s12], $0x4000  }
0x18: {  	[sflag:s12] =	ssyncset.done $0x0  }
0x19: {  	s23 =	sadd.s32 $0x1400, s22;
	[sflag:s12] =	ssyncadd.s32 $0xFFFFC000  }
0x1a: {  	[tilespmem:s16], [sflag:$0x1] =	stream.indirect.gather [hbm4b:s4+s14], $0x80, s23, s14, $0xb8;
	[tilespmem:$0x16800] =	vst v63  }
0x1b: {  	_ =	swait.ge [sflag:s12], $0x4000  }
0x1c: {  	[sflag:s12] =	ssyncset.done $0x0  }
0x1d: {  	[sflag:s12] =	ssyncadd.s32 $0xFFFFC000  }
0x1e: {  	[tilespmem:s17], [sflag:$0x1] =	stream.indirect.gather [hbm4b:s5+s14], $0x80, s22, s14, $0xb8;
	[tilespmem:$0x16800] =	vst v63  }
0x1f: {  	_ =	swait.ge [sflag:s12], $0x4000  }
0x20: {  	[sflag:s12] =	ssyncset.done $0x0  }
0x21: {  	[sflag:s12] =	ssyncadd.s32 $0xFFFFC000  }
0x22: {  	[tilespmem:s18], [sflag:$0x1] =	stream.indirect.gather [hbm4b:s5+s14], $0x80, s23, s14, $0xb8;
	[tilespmem:$0x16800] =	vst v63  }
0x23: {  	_ =	swait.ge [sflag:s12], $0x4000  }
0x24: {  	[sflag:s12] =	ssyncset.done $0x0  }
0x25: {  	s23 =	simm.s32 $0x0;
	[sflag:s12] =	ssyncadd.s32 $0xFFFFC000  }
0x26: {  	v0 =	vld [tilespmem:s23+$0xA800]  }
0x27: {  	s24 =	simm.s32 $0x200;
	v1 =	vld [tilespmem:s23+$0xE800]  }
.LBB2_3:
0x28: {  	_ = 	snop  }
0x29: {  	p0 =	sne.s32 s24, $0xFE00  }
.Ltmp0:
0x2a: {  	_ = 	snop;
	(pc) =	sbr.rel @p0 .LBB2_3-.Ltmp0, $4  }
0x2b: {  	_ = 	snop  }
0x2c: {  	s25 =	sshra.s32 s24, $0x2;
	v2 =	vsub.f32 v0, v1  }
0x2d: {  	v0 =	vld [tilespmem:s25+$0xA800]  }
0x2e: {  	s24 =	sadd.s32 $0x200, s24;
	v1 =	vld [tilespmem:s25+$0xE800];
	[tilespmem:s23+$0x12800] =	vst v2;
	s23 =	smov.u32 s25  }
0x2f: {  	_ =	sdelay $0x3  }
0x30: {  	s22 =	sadd.s32 s3, s22;
	v0 =	vsub.f32 v0, v1  }
0x31: {  	s22 =	sshll.u32 s22, $0x4  }
0x32: {  	s30 =	sadd.s32 s6, s22;
	[tilespmem:s23+$0x12800] =	vst v0  }
0x33: {  	[hbm4b:s30+s2] =	stream.linear.scatter [tilespmem:s15], [sflag:$0x1], $0x4000, $0x38;
	[tilespmem:$0x16800] =	vst v63  }
0x34: {  	_ =	swait.ge [sflag:s12], $0x4000  }
0x35: {  	[sflag:s12] =	ssyncset.done $0x0  }
0x36: {  	s31 =	sadd.s32 s7, s22;
	[sflag:s12] =	ssyncadd.s32 $0xFFFFC000  }
0x37: {  	[hbm4b:s31+s2] =	stream.linear.scatter [tilespmem:s16], [sflag:$0x1], $0x4000, $0x38;
	[tilespmem:$0x16800] =	vst v63  }
0x38: {  	s21 =	sadd.s32 $0x1, s21;
	_ =	swait.ge [sflag:s12], $0x4000  }
0x39: {  	p0 =	sne.s32 s21, $0x28;
	[sflag:s12] =	ssyncset.done $0x0  }
.Ltmp1:
0x3a: {  	s22 =	sadd.s32 s8, s22;
	[sflag:s12] =	ssyncadd.s32 $0xFFFFC000;
	(pc) =	sbr.rel @p0 .LBB2_2-.Ltmp1, $4  }
0x3b: {  	[hbm4b:s22+s2] =	stream.linear.scatter [tilespmem:s19], [sflag:$0x1], $0x4000, $0x38;
	[tilespmem:$0x16800] =	vst v63  }
0x3c: {  	_ =	swait.ge [sflag:s12], $0x4000  }
0x3d: {  	[sflag:s12] =	ssyncset.done $0x0  }
0x3e: {  	[sflag:s12] =	ssyncadd.s32 $0xFFFFC000  }
0x3f: {  	s20 =	sadd.s32 $0x1, s20  }
0x40: {  	p0 =	sne.s32 s20, s11  }
.Ltmp2:
0x41: {  	_ = 	snop;
	(pc) =	sbr.rel @p0 .LBB2_1-.Ltmp2, $1  }
0x42: {  	_ =	sdelay $0x3  }
0x43: {  	_ =	sfence.sel $0x180000  }
0x44: {  	[bflag:$0x0] =	sbarrier.arrive $0xFFFF  }
0x45: {  	p0 =	sne.s32 s1, $0x0;
	_ =	strace $0x9000004D  }
0x46: {  	s0 =	sadd.s32 @!p0 $0x100000, s0;
	[bflag:$0x2] =	sbarrier.arrive $0xFFFF  }
0x47: {  	[sflag:s0] =	ssyncadd.tile.s32 @!p0 $0x1;
	_ =	shalt  }
.Lfunc_end2:
_tile_overlayer_lowered:
.L_overlay_start_2:
0x48: {  	(tag) =	ssettag $0x2  }
0x49: {  	s0 =	rddreg [dreg:$0x0];
	s2 =	stileid.u32  }
0x4a: {  	s1 =	rddreg [dreg:$0x1];
	p0 =	sne.s32 s2, $0x0  }
0x4b: {  	s3 =	rddreg [dreg:$0x2];
	[bflag:$0x3] =	sbarrier.arrive $0xFFFF;
	s2 =	simm.s32 @!p0 $0x1C01  }
0x4c: {  	[timem:s3], [sflag:s2] =	dma.local @!p0 [hbm:s0], s1  }
0x4d: {  	s0 =	simm.s32 @!p0 $0x1  }
0x4e: {  	_ =	swait.ge @!p0 [sflag:s0], s1  }
0x4f: {  	s1 =	ssub.s32 @!p0 $0x0, s1;
	[sflag:s0] =	ssyncset.done @!p0 $0x0  }
0x50: {  	[sflag:s0] =	ssyncadd.s32 @!p0 s1  }
0x51: {  	[bflag:$0x3] =	sbarrier.arrive $0xFFFF  }
0x52: {  	_ =	shalt  }

// kernel: kernel.25.cloned.1.call-start
scs
__scs_entry_jumppad:
0x0: {  	(pc) =	sbr.rel $0x88, $3  }
0x1: {  	(tag) =	ssettag $0x0;
	lr =	simm.s32 $0x1  }
0x2: {  	[smem:$0x3F77] =	sst lr;
	_ =	strace $0xD0000000  }
0x3: {  	_ = 	snop  }
0x4: {  	_ = 	snop  }
0x5: {  	_ = 	snop  }
0x6: {  	_ = 	snop  }
0x7: {  	_ = 	snop  }
__scs_overlays_trampoline_lowered:
0x8: {  	[smem:$0x3F86] =	sst s0  }
0x9: {  	[smem:$0x3F87] =	sst s1  }
0xa: {  	[smem:$0x3F88] =	sst s2  }
0xb: {  	[smem:$0x3F89] =	sst s3  }
0xc: {  	[smem:$0x3F8A] =	sst s4  }
0xd: {  	[smem:$0x3F8B] =	sst s5  }
0xe: {  	[smem:$0x3F8C] =	sst s6  }
0xf: {  	[smem:$0x3F8D] =	sst s7  }
0x10: {  	[smem:$0x3F8E] =	sst s8  }
0x11: {  	[smem:$0x3F8F] =	sst s9;
	s0 =	simm.s32 @!p0 $0x0  }
0x12: {  	s1 =	sld [smem:$0x3F75];
	s0 =	simm.s32 @p0 $0x1  }
0x13: {  	[smem:$0x3F90] =	sst s0;
	s0 =	simm.s32 @!p1 $0x0  }
0x14: {  	s2 =	sld [smem:$0x3F74];
	s0 =	simm.s32 @p1 $0x1  }
0x15: {  	[smem:$0x3F91] =	sst s0;
	s0 =	simm.s32 @!p2 $0x0  }
0x16: {  	s3 =	sld [smem:$0x3FDB];
	s0 =	simm.s32 @p2 $0x1  }
0x17: {  	s4 =	simm.s32 $0x1BF5;
	[smem:$0x3F93] =	sst s0  }
0x18: {  	s0 =	sld [smem:$0x3F76];
	_ =	swait.ge [sflag:s4], $0x0  }
0x19: {  	s7 =	sld [smem:$0x3F77]  }
0x1a: {  	s8 =	sadd.s32 $0xFFFFE003, lr  }
0x1b: {  	s9 =	sadd.s32 $0xFFFFFEF7, lr;
	s5 =	simm.s32 $0xFFFFFFFF;
	p2 =	slt.u32 s8, $0xFFFFF086  }
0x1c: {  	p1 =	slt.u32 s9, $0xF7A;
	s5 =	simm.s32 @!p2 $0x0  }
0x1d: {  	s5 =	simm.s32 @p1 $0x1;
	p0 =	seq.s32 s7, s2  }
0x1e: {  	s7 =	smul.u32 @!p0 $0xF7A, s2;
	p2 =	seq.s32 @!p0 s5, $0x0  }
0x1f: {  	s9 =	smul.u32 $0xF7A, s1;
	s8 =	simm.s32 @!p0 $0x1BF5;
	p2 =	por !p2, p0  }
0x20: {  	[sflag:s8] =	ssyncset.s32 @!p0 $0xFFFFF086;
	s6 =	sadd.s32 @!p0 s3, s7;
	s7 =	simm.s32 @!p0 $0x108  }
0x21: {  	s3 =	sadd.s32 s3, s9;
	s6 =	sadd.s32 @!p0 $0x88, s6;
	s7 =	simm.s32 @p2 $0x1082  }
0x22: {  	[simem:s7], [sflag:s8] =	dma.local @!p0 [hbm:s6], $0xF7A  }
0x23: {  	s9 =	sor.u32 $0xD0000000, s2;
	s6 =	simm.s32 $0x108;
	_ =	swait.ge @!p0 [sflag:s8], $0x0  }
0x24: {  	s3 =	sadd.s32 $0x88, s3;
	s6 =	simm.s32 @!p1 $0x1082;
	[sflag:s4] =	ssyncset.s32 $0xFFFFF086  }
0x25: {  	[simem:s6], [sflag:s4] =	dma.local [hbm:s3], $0xF7A  }
0x26: {  	[smem:$0x3F77] =	sst s1;
	(tag) =	ssettag s2;
	_ =	strace s9  }
0x27: {  	s1 =	sld [smem:$0x3F87]  }
0x28: {  	s2 =	sld [smem:$0x3F88]  }
0x29: {  	s4 =	sld [smem:$0x3F8A]  }
0x2a: {  	p0 =	seq.s32 s5, $0x0;
	s5 =	sld [smem:$0x3F8B]  }
0x2b: {  	s6 =	sld [smem:$0x3F8C]  }
0x2c: {  	s7 =	sld [smem:$0x3F8D]  }
0x2d: {  	s3 =	simm.s32 $0x108;
	s8 =	sld [smem:$0x3F8E]  }
0x2e: {  	s3 =	simm.s32 @!p0 $0x1082;
	s9 =	sld [smem:$0x3F8F]  }
0x2f: {  	lr =	sadd.s32 s0, s3;
	s0 =	sld [smem:$0x3F86]  }
0x30: {  	s3 =	sld [smem:$0x3F89]  }
0x31: {  	[smem:$0x3F92] =	sst s10  }
0x32: {  	s10 =	sld [smem:$0x3F90];
	_ =	sdelay $0x3  }
0x33: {  	p0 =	seq.s32 s10, $0x1;
	s10 =	sld [smem:$0x3F92];
	_ =	sdelay $0x3  }
0x34: {  	[smem:$0x3F92] =	sst s10  }
0x35: {  	s10 =	sld [smem:$0x3F91];
	_ =	sdelay $0x3  }
0x36: {  	p1 =	seq.s32 s10, $0x1;
	s10 =	sld [smem:$0x3F92];
	_ =	sdelay $0x3  }
0x37: {  	[smem:$0x3F92] =	sst s10  }
0x38: {  	s10 =	sld [smem:$0x3F93]  }
0x39: {  	_ = 	snop;
	(pc) =	sbr.ind lr, $3  }
0x3a: {  	_ = 	snop  }
0x3b: {  	_ = 	snop  }
0x3c: {  	p2 =	seq.s32 s10, $0x1;
	s10 =	sld [smem:$0x3F92]  }
0x3d: {  	_ =	shalt  }
0x3e: {  	_ =	shalt  }
0x3f: {  	_ =	shalt  }
0x40: {  	_ =	shalt  }
0x41: {  	_ =	shalt  }
0x42: {  	_ =	shalt  }
0x43: {  	_ =	shalt  }
0x44: {  	_ =	shalt  }
0x45: {  	_ =	shalt  }
0x46: {  	_ =	shalt  }
0x47: {  	_ =	shalt  }
0x48: {  	_ =	shalt  }
0x49: {  	_ =	shalt  }
0x4a: {  	_ =	shalt  }
0x4b: {  	_ =	shalt  }
0x4c: {  	_ =	shalt  }
0x4d: {  	_ =	shalt  }
0x4e: {  	_ =	shalt  }
0x4f: {  	_ =	shalt  }
0x50: {  	_ =	shalt  }
0x51: {  	_ =	shalt  }
0x52: {  	_ =	shalt  }
0x53: {  	_ =	shalt  }
0x54: {  	_ =	shalt  }
0x55: {  	_ =	shalt  }
0x56: {  	_ =	shalt  }
0x57: {  	_ =	shalt  }
0x58: {  	_ =	shalt  }
0x59: {  	_ =	shalt  }
0x5a: {  	_ =	shalt  }
0x5b: {  	_ =	shalt  }
0x5c: {  	_ =	shalt  }
0x5d: {  	_ =	shalt  }
0x5e: {  	_ =	shalt  }
0x5f: {  	_ =	shalt  }
0x60: {  	_ =	shalt  }
0x61: {  	_ =	shalt  }
0x62: {  	_ =	shalt  }
0x63: {  	_ =	shalt  }
0x64: {  	_ =	shalt  }
0x65: {  	_ =	shalt  }
0x66: {  	_ =	shalt  }
0x67: {  	_ =	shalt  }
0x68: {  	_ =	shalt  }
0x69: {  	_ =	shalt  }
0x6a: {  	_ =	shalt  }
0x6b: {  	_ =	shalt  }
0x6c: {  	_ =	shalt  }
0x6d: {  	_ =	shalt  }
0x6e: {  	_ =	shalt  }
0x6f: {  	_ =	shalt  }
0x70: {  	_ =	shalt  }
0x71: {  	_ =	shalt  }
0x72: {  	_ =	shalt  }
0x73: {  	_ =	shalt  }
0x74: {  	_ =	shalt  }
0x75: {  	_ =	shalt  }
0x76: {  	_ =	shalt  }
0x77: {  	_ =	shalt  }
0x78: {  	_ =	shalt  }
0x79: {  	_ =	shalt  }
0x7a: {  	_ =	shalt  }
0x7b: {  	_ =	shalt  }
0x7c: {  	_ =	shalt  }
0x7d: {  	_ =	shalt  }
0x7e: {  	_ =	shalt  }
0x7f: {  	_ =	shalt  }
0x80: {  	_ =	shalt  }
0x81: {  	_ =	shalt  }
0x82: {  	_ =	shalt  }
0x83: {  	_ =	shalt  }
0x84: {  	_ =	shalt  }
0x85: {  	_ =	shalt  }
0x86: {  	_ =	shalt  }
0x87: {  	_ =	shalt  }
.Lfunc_end0:
.L_simem_size_0:
called_computation.3_lowered:
.L_overlay_start_0:
0x88: {  	s2 =	sld [smem:$0x3FD9]  }
0x89: {  	s3 =	sld [smem:$0x3FFE];
	_ =	sdelay $0x1  }
0x8a: {  	s1 =	srdreg.scid  }
0x8b: {  	s0 =	sand.u32 $0x1, s1  }
0x8c: {  	s16 =	sshll.u32 s0, $0xA;
	s2 =	sadd.s32 s3, s2  }
0x8d: {  	s2 =	sadd.s32 s2, s16  }
0x8e: {  	[smem:$0x3F9E] =	sst s2  }
0x8f: {  	_ = 	snop  }
0x90: {  	(tm) =	ssettm $0x1  }
0x91: {  	s17 =	sld [smem:$0x3FFB];
	_ =	sdelay $0x3  }
0x92: {  	_ =	strace s17  }
0x93: {  	s2 =	sld [smem:$0x3FFC];
	_ =	sdelay $0x3  }
0x94: {  	_ =	strace s2  }
0x95: {  	s2 =	sld [smem:$0x3FFD];
	_ =	sdelay $0x3  }
0x96: {  	_ =	strace s2  }
0x97: {  	_ =	strace $0x8FFFFFFF  }
0x98: {  	s18 =	sld [smem:$0x3FDB];
	_ =	sdelay $0x1  }
0x99: {  	s19 =	simm.s32 $_scs_section_size  }
0x9a: {  	s4 =	simm.s32 $_size__tile_overlayer_lowered;
	s5 =	simm.s32 $_tile_overlayer_lowered  }
0x9b: {  	s22 =	simm.s32 $0x1BFF;
	s21 =	sshll.u32 s5, $0x1;
	s2 =	sadd.s32 s19, s18  }
0x9c: {  	s6 =	simm.s32 $0x0;
	s20 =	sshll.u32 s4, $0x1;
	s4 =	sadd.s32 s21, s2  }
0x9d: {  	[timem:s6], [sflag:s22] =	dma.local [hbm:s4], s20  }
0x9e: {  	_ =	swait.ge [sflag:s22], s20  }
0x9f: {  	s3 =	ssub.s32 $0x0, s20;
	[sflag:s22] =	ssyncset.done $0x0  }
0xa0: {  	[sflag:s22] =	ssyncadd.s32 s3;
	_ =	sdelay $0x1  }
0xa1: {  	s23 =	simm.s32 $0x1B8B  }
0xa2: {  	_ =	swait.ge [sflag:s23], $0x1  }
0xa3: {  	[sflag:s23] =	ssyncset.done $0x0  }
0xa4: {  	s25 =	simm.s32 $0x1B8E;
	s24 =	sld [smem:$0x3FFE];
	[sflag:s23] =	ssyncadd.s32 $0xFFFFFFFF  }
0xa5: {  	s26 =	simm.s32 $execute0_lowered;
	[smem:$0x3FD2] =	sst s25  }
0xa6: {  	s4 =	sshll.u32 s26, $0x1;
	_ =	strace $0x8000004F;
	[dreg:$0x1] =	wrdreg $0xFFFFFFFF  }
0xa7: {  	s28 =	simm.s32 $_size_execute0_lowered;
	s2 =	sadd.s32 s2, s4;
	[dreg:$0x0] =	wrdreg $0x0  }
0xa8: {  	s4 =	sshll.u32 s28, $0x1;
	[dreg:$0x2] =	wrdreg s2  }
0xa9: {  	[dreg:$0x3] =	wrdreg s4  }
0xaa: {  	[dreg:$0x4] =	wrdreg $0xC0  }
0xab: {  	_ =	task [dreg:s6], $0x5FFFF  }
0xac: {  	[dreg:$0x1] =	wrdreg $0xFFFFFFFF  }
0xad: {  	[dreg:$0x0] =	wrdreg $0x60  }
0xae: {  	[dreg:$0x2] =	wrdreg s24  }
0xaf: {  	[dreg:$0x3] =	wrdreg $0x128800  }
0xb0: {  	[dreg:$0x4] =	wrdreg $0x9  }
0xb1: {  	_ =	task.clear_ibuf [dreg:s6], $0x5FFFF;
	_ =	strace $0x9000004F  }
0xb2: {  	s29 =	simm.s32 $0x9;
	_ =	strace $0x80000051  }
0xb3: {  	_ =	swait.ge [sflag:s29], $0x1  }
0xb4: {  	[sflag:s29] =	ssyncadd.s32 $0xFFFFFFFF  }
0xb5: {  	_ =	strace $0x90000051  }
0xb6: {  	_ =	sfence  }
0xb7: {  	s30 =	sld [smem:$0x0];
	_ =	sdelay $0x2  }
0xb8: {  	s31 =	sshll.u32 s1, $0xD;
	s1 =	sshrl.u32 s1, $0x2  }
0xb9: {  	s3 =	sand.u32 $0x4000, s31;
	s1 =	sadd.s32 s1, s30  }
0xba: {  	s0 =	sor.u32 s3, s0;
	s1 =	sshll.u32 s1, $0x11  }
0xbb: {  	s0 =	sor.u32 s1, s0  }
0xbc: {  	s0 =	sadd.s32 $0x8F2B, s0  }
0xbd: {  	[sflag:s0] =	ssyncadd.remote.s32 $0x1  }
0xbe: {  	_ =	sfence.sel $0xFFFF  }
0xbf: {  	[dreg:$0x0] =	wrdreg $0xFFFFFFFF;
	(pc) =	sbr.abs _section_cstart, $3  }
0xc0: {  	[dreg:$0x1] =	wrdreg $0xFFFFFFFF  }
0xc1: {  	_ =	task.clear_ibuf [dreg:s6], $0x2FFFF;
	_ =	strace $0x9FFFFFFF  }
0xc2: {  	(tm) =	ssettm $0x7FFFFFFF  }
0xc3: {  	_ =	shalt  }
tec
execute0_lowered:
.L_overlay_start_1:
0x0: {  	(tag) =	ssettag $0x1  }
0x1: {  	s6 =	rddreg [dreg:$0x0]  }
0x2: {  	s0 =	stileid.u32;
	s1 =	srdreg.scid  }
0x3: {  	s2 =	rddreg [dreg:$0x1];
	s4 =	simm.s32 $0x0;
	s15 =	simm.s32 $0x1  }
0x4: {  	s16 =	simm.s32 $0xA880;
	s17 =	simm.s32 $0x2880;
	s18 =	simm.s32 $0x80  }
0x5: {  	s7 =	smul.u32 $0x28000, s0;
	s8 =	sand.u32 $0x1, s1;
	s1 =	rddreg [dreg:$0x2]  }
0x6: {  	s21 =	simm.s32 $0x0;
	s3 =	smul.u32 $0x2800, s0;
	[smem:$0x7FF] =	sst s4  }
0x7: {  	s9 =	smul.u32 $0x140, s0;
	s5 =	sadd.s32 $0xF53A00, s6;
	p0 =	sne.s32 s0, $0x0  }
0x8: {  	s19 =	smul.u32 $0x1400, s8;
	_ =	strace $0x80000050;
	s8 =	ssub.s32 $0x2, s8  }
0x9: {  	s14 =	sadd.s32 s7, s6;
	s10 =	sshrl.u32 s3, $0x3;
	s7 =	sshrl.u32 s7, $0x2  }
0xa: {  	s31 =	sshrl.u32 s8, $0x1;
	s10 =	sadd.s32 s10, s6;
	s9 =	sadd.s32 s9, s19  }
0xb: {  	s13 =	ssub.s32 s8, s31;
	s20 =	sadd.s32 $0x1400, s19;
	s14 =	sadd.s32 $0xCD3A00, s14  }
0xc: {  	v0 =	vmov s19;
	s19 =	simm.s32 $0x2800;
	s9 =	sshll.u32 s9, $0x4;
	s13 =	smax.u32 s13, $0x1  }
0xd: {  	v1 =	vmov s20;
	s20 =	simm.s32 $0xE880;
	s12 =	sadd.s32 s9, s6;
	s6 =	sadd.s32 s7, s2  }
0xe: {  	s7 =	sadd.s32 $0x58A00, s10;
	s10 =	sadd.s32 $0xA0000, s2;
	s8 =	sadd.s32 $0x4000, s6  }
0xf: {  	v2 =	vimm.f32 $0.0e+00;
	s9 =	sadd.s32 $0x8000, s6;
	s11 =	sadd.s32 $0x62A00, s12;
	s12 =	sadd.s32 $0x8AA00, s12  }
.LBB2_1:
0x10: {  	[tilespmem:s4], [sflag:$0x1] =	stream.linear.gather [hbm4b:s7+s4], $0x2800, $0x38;
	[tilespmem:$0x1CC80] =	vst v63  }
0x11: {  	_ =	swait.ge [sflag:s15], $0x2800  }
0x12: {  	[sflag:s15] =	ssyncset.done $0x0  }
0x13: {  	s22 =	simm.s32 $0x0;
	s23 =	simm.s32 $0x200;
	[sflag:s15] =	ssyncadd.s32 $0xFFFFD800  }
.LBB2_2:
0x14: {  	p1 =	sne.s32 s23, $0xFE00;
	[tilespmem:s22+$0xA8F0] =	vst v2  }
0x15: {  	[tilespmem:s22+$0xA880] =	vst v2  }
0x16: {  	[tilespmem:s22+$0xA890] =	vst v2  }
.Ltmp0:
0x17: {  	[tilespmem:s22+$0xA8A0] =	vst v2;
	(pc) =	sbr.rel @p1 .LBB2_2-.Ltmp0, $4  }
0x18: {  	[tilespmem:s22+$0xA8B0] =	vst v2  }
0x19: {  	[tilespmem:s22+$0xA8C0] =	vst v2  }
0x1a: {  	[tilespmem:s22+$0xA8D0] =	vst v2  }
0x1b: {  	[tilespmem:s22+$0xA8E0] =	vst v2;
	s22 =	sshra.s32 s23, $0x2;
	s23 =	sadd.s32 $0x200, s23  }
0x1c: {  	[tilespmem:s22+$0xA8F0] =	vst v2  }
0x1d: {  	[tilespmem:s22+$0xA880] =	vst v2  }
0x1e: {  	[tilespmem:s22+$0xA890] =	vst v2  }
0x1f: {  	[tilespmem:s22+$0xA8A0] =	vst v2  }
0x20: {  	[tilespmem:s22+$0xA8B0] =	vst v2  }
0x21: {  	[tilespmem:s22+$0xA8C0] =	vst v2  }
0x22: {  	[tilespmem:s22+$0xA8D0] =	vst v2  }
0x23: {  	[tilespmem:s22+$0xA8E0] =	vst v2  }
0x24: {  	[spmem:s6] =	stream.linear.scatter [tilespmem:s16], [sflag:$0x1], $0x4000, $0x38;
	[tilespmem:$0x1CC80] =	vst v63  }
0x25: {  	_ =	swait.ge [sflag:s15], $0x4000  }
0x26: {  	[sflag:s15] =	ssyncset.done $0x0  }
0x27: {  	[sflag:s15] =	ssyncadd.s32 $0xFFFFC000  }
0x28: {  	[spmem:s8] =	stream.linear.scatter [tilespmem:s16], [sflag:$0x1], $0x4000, $0x38;
	[tilespmem:$0x1CC80] =	vst v63  }
0x29: {  	_ =	swait.ge [sflag:s15], $0x4000  }
0x2a: {  	[sflag:s15] =	ssyncset.done $0x0  }
0x2b: {  	[sflag:s15] =	ssyncadd.s32 $0xFFFFC000  }
0x2c: {  	[spmem:s9] =	stream.linear.scatter [tilespmem:s16], [sflag:$0x1], $0x2000, $0x38;
	[tilespmem:$0x1CC80] =	vst v63  }
0x2d: {  	_ =	swait.ge [sflag:s15], $0x2000  }
0x2e: {  	[sflag:s15] =	ssyncset.done $0x0  }
0x2f: {  	s22 =	simm.s32 @!p0 $0xA880;
	[sflag:s15] =	ssyncadd.s32 $0xFFFFE000  }
0x30: {  	[spmem:s10] =	stream.linear.scatter @!p0 [tilespmem:s22], [sflag:$0x1], $0x4000, $0x38;
	[tilespmem:$0x1CC80] =	vst v63  }
0x31: {  	s22 =	simm.s32 @!p0 $0x1  }
0x32: {  	_ =	swait.ge @!p0 [sflag:s22], $0x4000  }
0x33: {  	[sflag:s22] =	ssyncset.done @!p0 $0x0  }
0x34: {  	[sflag:s22] =	ssyncadd.s32 @!p0 $0xFFFFC000  }
0x35: {  	s22 =	simm.s32 $0x40;
	[bflag:$0x0] =	sbarrier.arrive $0xFFFF  }
0x36: {  	v3 =	vld [tilespmem:s22+$0xFFFFFFC0];
	_ =	sdelay $0x4  }
0x37: {  	vm0 =	vge.s32 v3, v0;
	vm1 =	vlt.s32 v3, v1  }
0x38: {  	v3 =	vsub.s32 v3, v0;
	vm0 =	vmand vm0, vm1  }
0x39: {  	v3 =	vnsel vm0, $0x1400, v3  }
0x3a: {  	[tilespmem:$0x2800] =	vst v3  }
0x3b: {  	v3 =	vld [tilespmem:s22+$0xFFFFFFD0];
	_ =	sdelay $0x4  }
0x3c: {  	vm14 =	vge.s32 v3, v0;
	vm15 =	vlt.s32 v3, v1  }
0x3d: {  	v3 =	vsub.s32 v3, v0;
	vm0 =	vmand vm14, vm15  }
0x3e: {  	v3 =	vnsel vm0, $0x1400, v3  }
0x3f: {  	[tilespmem:$0x2810] =	vst v3  }
0x40: {  	v3 =	vld [tilespmem:s22+$0xFFFFFFE0];
	_ =	sdelay $0x4  }
0x41: {  	vm4 =	vge.s32 v3, v0;
	vm5 =	vlt.s32 v3, v1  }
0x42: {  	v3 =	vsub.s32 v3, v0;
	vm0 =	vmand vm4, vm5  }
0x43: {  	v3 =	vnsel vm0, $0x1400, v3  }
0x44: {  	[tilespmem:$0x2820] =	vst v3  }
0x45: {  	v3 =	vld [tilespmem:s22+$0xFFFFFFF0];
	_ =	sdelay $0x4  }
0x46: {  	vm6 =	vge.s32 v3, v0;
	vm7 =	vlt.s32 v3, v1  }
0x47: {  	v3 =	vsub.s32 v3, v0;
	vm0 =	vmand vm6, vm7  }
0x48: {  	v3 =	vnsel vm0, $0x1400, v3  }
0x49: {  	[tilespmem:$0x2830] =	vst v3  }
0x4a: {  	v3 =	vld [tilespmem:s22+$0x0];
	_ =	sdelay $0x4  }
0x4b: {  	vm8 =	vge.s32 v3, v0;
	vm9 =	vlt.s32 v3, v1  }
0x4c: {  	v3 =	vsub.s32 v3, v0;
	vm0 =	vmand vm8, vm9  }
0x4d: {  	v3 =	vnsel vm0, $0x1400, v3  }
0x4e: {  	[tilespmem:$0x2840] =	vst v3  }
0x4f: {  	v3 =	vld [tilespmem:s22+$0x10];
	_ =	sdelay $0x4  }
0x50: {  	vm10 =	vge.s32 v3, v0;
	vm11 =	vlt.s32 v3, v1  }
0x51: {  	v3 =	vsub.s32 v3, v0;
	vm0 =	vmand vm10, vm11  }
0x52: {  	v3 =	vnsel vm0, $0x1400, v3  }
0x53: {  	[tilespmem:$0x2850] =	vst v3  }
0x54: {  	v3 =	vld [tilespmem:s22+$0x20];
	_ =	sdelay $0x4  }
0x55: {  	vm12 =	vge.s32 v3, v0;
	vm13 =	vlt.s32 v3, v1  }
0x56: {  	v3 =	vsub.s32 v3, v0;
	vm0 =	vmand vm12, vm13  }
0x57: {  	v3 =	vnsel vm0, $0x1400, v3  }
0x58: {  	[tilespmem:$0x2860] =	vst v3  }
0x59: {  	v3 =	vld [tilespmem:s22+$0x30];
	_ =	sdelay $0x4  }
0x5a: {  	vm14 =	vge.s32 v3, v0;
	vm15 =	vlt.s32 v3, v1  }
0x5b: {  	v3 =	vsub.s32 v3, v0;
	vm0 =	vmand vm14, vm15  }
0x5c: {  	v3 =	vnsel vm0, $0x1400, v3  }
0x5d: {  	s23 =	sadd.s32 $0x0, s14;
	[tilespmem:$0x2870] =	vst v3  }
0x5e: {  	[tilespmem:s17], [sflag:$0x1] =	stream.linear.gather [hbm4b:s23+s4], $0x4000, $0x38;
	[tilespmem:$0x1CC80] =	vst v63  }
0x5f: {  	_ =	swait.ge [sflag:s15], $0x4000  }
0x60: {  	[sflag:s15] =	ssyncset.done $0x0  }
0x61: {  	[sflag:s15] =	ssyncadd.s32 $0xFFFFC000  }
0x62: {  	[spmem:s2] =	stream.indirect.scatter.add.f32 [tilespmem:s17], [sflag:$0x1], $0x80, s19, s18, $0xb8;
	[tilespmem:$0x1CC80] =	vst v63  }
0x63: {  	_ =	swait.ge [sflag:s15], $0x4000  }
0x64: {  	s23 =	simm.s32 $0x800;
	[sflag:s15] =	ssyncset.done $0x0  }
.LBB2_4:
0x65: {  	p1 =	sne.s32 s23, $0x27800;
	[sflag:s15] =	ssyncadd.s32 $0xFFFFC000;
	s22 =	sadd.s32 $0x80, s22  }
0x66: {  	s24 =	smov.u32 s23;
	s23 =	sadd.s32 $0x800, s23;
	v3 =	vld [tilespmem:s22+$0xFFFFFFC0];
	_ =	sdelay $0x4  }
0x67: {  	vm0 =	vge.s32 v3, v0;
	vm1 =	vlt.s32 v3, v1  }
0x68: {  	v3 =	vsub.s32 v3, v0;
	vm0 =	vmand vm0, vm1  }
0x69: {  	v3 =	vnsel vm0, $0x1400, v3  }
0x6a: {  	[tilespmem:$0x2800] =	vst v3  }
0x6b: {  	v3 =	vld [tilespmem:s22+$0xFFFFFFD0];
	_ =	sdelay $0x4  }
0x6c: {  	vm0 =	vge.s32 v3, v0;
	vm1 =	vlt.s32 v3, v1  }
0x6d: {  	v3 =	vsub.s32 v3, v0;
	vm0 =	vmand vm0, vm1  }
0x6e: {  	v3 =	vnsel vm0, $0x1400, v3  }
0x6f: {  	[tilespmem:$0x2810] =	vst v3  }
0x70: {  	v3 =	vld [tilespmem:s22+$0xFFFFFFE0];
	_ =	sdelay $0x4  }
0x71: {  	vm0 =	vge.s32 v3, v0;
	vm1 =	vlt.s32 v3, v1  }
0x72: {  	v3 =	vsub.s32 v3, v0;
	vm0 =	vmand vm0, vm1  }
0x73: {  	v3 =	vnsel vm0, $0x1400, v3  }
0x74: {  	[tilespmem:$0x2820] =	vst v3  }
0x75: {  	v3 =	vld [tilespmem:s22+$0xFFFFFFF0];
	_ =	sdelay $0x4  }
0x76: {  	vm0 =	vge.s32 v3, v0;
	vm1 =	vlt.s32 v3, v1  }
0x77: {  	v3 =	vsub.s32 v3, v0;
	vm0 =	vmand vm0, vm1  }
0x78: {  	v3 =	vnsel vm0, $0x1400, v3  }
0x79: {  	[tilespmem:$0x2830] =	vst v3  }
0x7a: {  	v3 =	vld [tilespmem:s22+$0x0];
	_ =	sdelay $0x4  }
0x7b: {  	vm0 =	vge.s32 v3, v0;
	vm1 =	vlt.s32 v3, v1  }
0x7c: {  	v3 =	vsub.s32 v3, v0;
	vm0 =	vmand vm0, vm1  }
0x7d: {  	v3 =	vnsel vm0, $0x1400, v3  }
0x7e: {  	[tilespmem:$0x2840] =	vst v3  }
0x7f: {  	v3 =	vld [tilespmem:s22+$0x10];
	_ =	sdelay $0x4  }
0x80: {  	vm0 =	vge.s32 v3, v0;
	vm1 =	vlt.s32 v3, v1  }
0x81: {  	v3 =	vsub.s32 v3, v0;
	vm0 =	vmand vm0, vm1  }
0x82: {  	v3 =	vnsel vm0, $0x1400, v3  }
0x83: {  	[tilespmem:$0x2850] =	vst v3  }
0x84: {  	v3 =	vld [tilespmem:s22+$0x20];
	_ =	sdelay $0x4  }
0x85: {  	vm0 =	vge.s32 v3, v0;
	vm1 =	vlt.s32 v3, v1  }
0x86: {  	v3 =	vsub.s32 v3, v0;
	vm0 =	vmand vm0, vm1  }
0x87: {  	v3 =	vnsel vm0, $0x1400, v3  }
0x88: {  	[tilespmem:$0x2860] =	vst v3  }
0x89: {  	v3 =	vld [tilespmem:s22+$0x30];
	_ =	sdelay $0x4  }
0x8a: {  	vm0 =	vge.s32 v3, v0;
	vm1 =	vlt.s32 v3, v1  }
0x8b: {  	v3 =	vsub.s32 v3, v0;
	vm0 =	vmand vm0, vm1  }
0x8c: {  	v3 =	vnsel vm0, $0x1400, v3  }
0x8d: {  	s24 =	sadd.s32 s24, s14;
	[tilespmem:$0x2870] =	vst v3  }
0x8e: {  	[tilespmem:s17], [sflag:$0x1] =	stream.linear.gather [hbm4b:s24+s4], $0x4000, $0x38;
	[tilespmem:$0x1CC80] =	vst v63  }
0x8f: {  	_ =	swait.ge [sflag:s15], $0x4000  }
.Ltmp1:
0x90: {  	[sflag:s15] =	ssyncset.done $0x0;
	(pc) =	sbr.rel @p1 .LBB2_4-.Ltmp1, $4  }
0x91: {  	[sflag:s15] =	ssyncadd.s32 $0xFFFFC000  }
0x92: {  	[spmem:s2] =	stream.indirect.scatter.add.f32 [tilespmem:s17], [sflag:$0x1], $0x80, s19, s18, $0xb8;
	[tilespmem:$0x1CC80] =	vst v63  }
0x93: {  	_ =	swait.ge [sflag:s15], $0x4000  }
0x94: {  	[sflag:s15] =	ssyncset.done $0x0  }
0x95: {  	[sflag:s15] =	ssyncadd.s32 $0xFFFFC000;
	s22 =	sshll.u32 s0, $0x6  }
0x96: {  	s23 =	sshrl.u32 s6, $0x3;
	[bflag:$0x0] =	sbarrier.arrive $0xFFFF;
	s22 =	sor.u32 $0x1C01, s22  }
0x97: {  	[hbm:s11], [sflag:s22] =	dma.local [spmem:s23], $0x1400  }
0x98: {  	_ =	swait.ge [sflag:s15], $0x1400  }
0x99: {  	[sflag:s15] =	ssyncset.done $0x0  }
0x9a: {  	[sflag:s15] =	ssyncadd.s32 $0xFFFFEC00  }
0x9b: {  	[bflag:$0x0] =	sbarrier.arrive $0xFFFF  }
0x9c: {  	[spmem:s6] =	stream.linear.scatter [tilespmem:s16], [sflag:$0x1], $0x4000, $0x38;
	[tilespmem:$0x1CC80] =	vst v63  }
0x9d: {  	_ =	swait.ge [sflag:s15], $0x4000  }
0x9e: {  	[sflag:s15] =	ssyncset.done $0x0  }
0x9f: {  	[sflag:s15] =	ssyncadd.s32 $0xFFFFC000  }
0xa0: {  	[spmem:s8] =	stream.linear.scatter [tilespmem:s16], [sflag:$0x1], $0x4000, $0x38;
	[tilespmem:$0x1CC80] =	vst v63  }
0xa1: {  	_ =	swait.ge [sflag:s15], $0x4000  }
0xa2: {  	[sflag:s15] =	ssyncset.done $0x0  }
0xa3: {  	[sflag:s15] =	ssyncadd.s32 $0xFFFFC000  }
0xa4: {  	[spmem:s9] =	stream.linear.scatter [tilespmem:s16], [sflag:$0x1], $0x2000, $0x38;
	[tilespmem:$0x1CC80] =	vst v63  }
0xa5: {  	_ =	swait.ge [sflag:s15], $0x2000  }
0xa6: {  	[sflag:s15] =	ssyncset.done $0x0  }
0xa7: {  	s24 =	simm.s32 @!p0 $0xA880;
	[sflag:s15] =	ssyncadd.s32 $0xFFFFE000  }
0xa8: {  	[spmem:s10] =	stream.linear.scatter @!p0 [tilespmem:s24], [sflag:$0x1], $0x4000, $0x38;
	[tilespmem:$0x1CC80] =	vst v63  }
0xa9: {  	s24 =	simm.s32 @!p0 $0x1  }
0xaa: {  	_ =	swait.ge @!p0 [sflag:s24], $0x4000  }
0xab: {  	[sflag:s24] =	ssyncset.done @!p0 $0x0  }
0xac: {  	s25 =	simm.s32 $0x200;
	[sflag:s24] =	ssyncadd.s32 @!p0 $0xFFFFC000;
	s24 =	simm.s32 $0x0  }
.LBB2_6:
0xad: {  	p1 =	sne.s32 s25, $0xFE00;
	[tilespmem:s24+$0x68F0] =	vst v2  }
0xae: {  	[tilespmem:s24+$0x2880] =	vst v2  }
0xaf: {  	[tilespmem:s24+$0x6880] =	vst v2  }
0xb0: {  	[tilespmem:s24+$0x2890] =	vst v2  }
0xb1: {  	[tilespmem:s24+$0x6890] =	vst v2  }
0xb2: {  	[tilespmem:s24+$0x28A0] =	vst v2  }
0xb3: {  	[tilespmem:s24+$0x68A0] =	vst v2  }
0xb4: {  	[tilespmem:s24+$0x28B0] =	vst v2  }
0xb5: {  	[tilespmem:s24+$0x68B0] =	vst v2  }
0xb6: {  	[tilespmem:s24+$0x28C0] =	vst v2  }
0xb7: {  	[tilespmem:s24+$0x68C0] =	vst v2  }
.Ltmp2:
0xb8: {  	[tilespmem:s24+$0x28D0] =	vst v2;
	(pc) =	sbr.rel @p1 .LBB2_6-.Ltmp2, $4  }
0xb9: {  	[tilespmem:s24+$0x68D0] =	vst v2  }
0xba: {  	[tilespmem:s24+$0x28E0] =	vst v2  }
0xbb: {  	[tilespmem:s24+$0x68E0] =	vst v2  }
0xbc: {  	[tilespmem:s24+$0x28F0] =	vst v2;
	s24 =	sshra.s32 s25, $0x2;
	s25 =	sadd.s32 $0x200, s25  }
0xbd: {  	[tilespmem:s24+$0x68F0] =	vst v2  }
0xbe: {  	[tilespmem:s24+$0x2880] =	vst v2  }
0xbf: {  	[tilespmem:s24+$0x6880] =	vst v2  }
0xc0: {  	[tilespmem:s24+$0x2890] =	vst v2  }
0xc1: {  	[tilespmem:s24+$0x6890] =	vst v2  }
0xc2: {  	[tilespmem:s24+$0x28A0] =	vst v2  }
0xc3: {  	[tilespmem:s24+$0x68A0] =	vst v2  }
0xc4: {  	[tilespmem:s24+$0x28B0] =	vst v2  }
0xc5: {  	[tilespmem:s24+$0x68B0] =	vst v2  }
0xc6: {  	[tilespmem:s24+$0x28C0] =	vst v2  }
0xc7: {  	[tilespmem:s24+$0x68C0] =	vst v2  }
0xc8: {  	[tilespmem:s24+$0x28D0] =	vst v2  }
0xc9: {  	[tilespmem:s24+$0x68D0] =	vst v2  }
0xca: {  	[tilespmem:s24+$0x28E0] =	vst v2  }
0xcb: {  	[tilespmem:s24+$0x68E0] =	vst v2  }
0xcc: {  	[tilespmem:s24+$0x28F0] =	vst v2  }
0xcd: {  	s24 =	simm.s32 $0x0;
	s25 =	simm.s32 $0x0;
	[bflag:$0x0] =	sbarrier.arrive $0xFFFF  }
.LBB2_8:
0xce: {  	s26 =	sshll.u32 s25, $0x7  }
0xcf: {  	v3 =	vld [tilespmem:s26+$0x0];
	_ =	sdelay $0x4  }
0xd0: {  	vm0 =	vge.s32 v3, v0;
	vm1 =	vlt.s32 v3, v1  }
0xd1: {  	v3 =	vsub.s32 v3, v0;
	vm0 =	vmand vm0, vm1  }
0xd2: {  	v3 =	vnsel vm0, $0x1400, v3  }
0xd3: {  	[tilespmem:$0x2800] =	vst v3  }
0xd4: {  	v3 =	vld [tilespmem:s26+$0x10];
	_ =	sdelay $0x4  }
0xd5: {  	vm14 =	vge.s32 v3, v0;
	vm15 =	vlt.s32 v3, v1  }
0xd6: {  	v3 =	vsub.s32 v3, v0;
	vm0 =	vmand vm14, vm15  }
0xd7: {  	v3 =	vnsel vm0, $0x1400, v3  }
0xd8: {  	[tilespmem:$0x2810] =	vst v3  }
0xd9: {  	v3 =	vld [tilespmem:s26+$0x20];
	_ =	sdelay $0x4  }
0xda: {  	vm4 =	vge.s32 v3, v0;
	vm5 =	vlt.s32 v3, v1  }
0xdb: {  	v3 =	vsub.s32 v3, v0;
	vm0 =	vmand vm4, vm5  }
0xdc: {  	v3 =	vnsel vm0, $0x1400, v3  }
0xdd: {  	[tilespmem:$0x2820] =	vst v3  }
0xde: {  	v3 =	vld [tilespmem:s26+$0x30];
	_ =	sdelay $0x4  }
0xdf: {  	vm6 =	vge.s32 v3, v0;
	vm7 =	vlt.s32 v3, v1  }
0xe0: {  	v3 =	vsub.s32 v3, v0;
	vm0 =	vmand vm6, vm7  }
0xe1: {  	v3 =	vnsel vm0, $0x1400, v3  }
0xe2: {  	[tilespmem:$0x2830] =	vst v3  }
0xe3: {  	v3 =	vld [tilespmem:s26+$0x40];
	_ =	sdelay $0x4  }
0xe4: {  	vm8 =	vge.s32 v3, v0;
	vm9 =	vlt.s32 v3, v1  }
0xe5: {  	v3 =	vsub.s32 v3, v0;
	vm0 =	vmand vm8, vm9  }
0xe6: {  	v3 =	vnsel vm0, $0x1400, v3  }
0xe7: {  	[tilespmem:$0x2840] =	vst v3  }
0xe8: {  	v3 =	vld [tilespmem:s26+$0x50];
	_ =	sdelay $0x4  }
0xe9: {  	vm10 =	vge.s32 v3, v0;
	vm11 =	vlt.s32 v3, v1  }
0xea: {  	v3 =	vsub.s32 v3, v0;
	vm0 =	vmand vm10, vm11  }
0xeb: {  	v3 =	vnsel vm0, $0x1400, v3  }
0xec: {  	[tilespmem:$0x2850] =	vst v3  }
0xed: {  	v3 =	vld [tilespmem:s26+$0x60];
	_ =	sdelay $0x4  }
0xee: {  	vm12 =	vge.s32 v3, v0;
	vm13 =	vlt.s32 v3, v1  }
0xef: {  	v3 =	vsub.s32 v3, v0;
	vm0 =	vmand vm12, vm13  }
0xf0: {  	v3 =	vnsel vm0, $0x1400, v3  }
0xf1: {  	[tilespmem:$0x2860] =	vst v3  }
0xf2: {  	v3 =	vld [tilespmem:s26+$0x70];
	_ =	sdelay $0x4  }
0xf3: {  	vm14 =	vge.s32 v3, v0;
	vm15 =	vlt.s32 v3, v1  }
0xf4: {  	s26 =	sadd.s32 s3, s26;
	v3 =	vsub.s32 v3, v0;
	vm0 =	vmand vm14, vm15  }
0xf5: {  	s26 =	sshll.u32 s26, $0x4;
	v3 =	vnsel vm0, $0x1400, v3  }
0xf6: {  	s26 =	sadd.s32 s5, s26;
	[tilespmem:$0x2870] =	vst v3  }
0xf7: {  	[tilespmem:s20], [sflag:$0x1] =	stream.linear.gather [hbm4b:s26+s24], $0x4000, $0x38;
	[tilespmem:$0x1CC80] =	vst v63  }
0xf8: {  	_ =	swait.ge [sflag:s15], $0x4000  }
0xf9: {  	[sflag:s15] =	ssyncset.done $0x0  }
0xfa: {  	s26 =	simm.s32 $0x0;
	[sflag:s15] =	ssyncadd.s32 $0xFFFFC000  }
0xfb: {  	s28 =	simm.s32 $0x200;
	v3 =	vld [tilespmem:s26+$0xE880]  }
.LBB2_9:
0xfc: {  	p1 =	sne.s32 s28, $0xFE00  }
.Ltmp3:
0xfd: {  	_ = 	snop;
	(pc) =	sbr.rel @p1 .LBB2_9-.Ltmp3, $3  }
0xfe: {  	_ =	sdelay $0x1  }
0xff: {  	[tilespmem:s26+$0x2880] =	vst v3;
	s26 =	sshra.s32 s28, $0x2;
	s28 =	sadd.s32 $0x200, s28  }
0x100: {  	v3 =	vld [tilespmem:s26+$0xE880]  }
0x101: {  	_ =	sdelay $0x1  }
0x102: {  	s25 =	sadd.s32 $0x1, s25  }
0x103: {  	p1 =	sne.s32 s25, $0x50  }
.Ltmp4:
0x104: {  	[tilespmem:s26+$0x2880] =	vst v3;
	(pc) =	sbr.rel @p1 .LBB2_8-.Ltmp4, $4  }
0x105: {  	[spmem:s2] =	stream.indirect.scatter.add.f32 [tilespmem:s17], [sflag:$0x1], $0x80, s19, s18, $0xb8;
	[tilespmem:$0x1CC80] =	vst v63  }
0x106: {  	_ =	swait.ge [sflag:s15], $0x4000  }
0x107: {  	[sflag:s15] =	ssyncset.done $0x0  }
0x108: {  	[sflag:s15] =	ssyncadd.s32 $0xFFFFC000  }
0x109: {  	s21 =	sadd.s32 $0x1, s21  }
0x10a: {  	p1 =	sne.s32 s21, s13  }
.Ltmp5:
0x10b: {  	[bflag:$0x0] =	sbarrier.arrive $0xFFFF;
	(pc) =	sbr.rel @p1 .LBB2_1-.Ltmp5, $4  }
0x10c: {  	[hbm:s12], [sflag:s22] =	dma.local [spmem:s23], $0x1400  }
0x10d: {  	_ =	swait.ge [sflag:s15], $0x1400  }
0x10e: {  	[sflag:s15] =	ssyncset.done $0x0  }
0x10f: {  	[sflag:s15] =	ssyncadd.s32 $0xFFFFEC00  }
0x110: {  	_ =	sfence.sel $0x180000  }
0x111: {  	[bflag:$0x0] =	sbarrier.arrive $0xFFFF  }
0x112: {  	_ =	strace $0x90000050  }
0x113: {  	s0 =	sadd.s32 @!p0 $0x100000, s1;
	[bflag:$0x2] =	sbarrier.arrive $0xFFFF  }
0x114: {  	[sflag:s0] =	ssyncadd.tile.s32 @!p0 $0x1;
	_ =	shalt  }
.Lfunc_end2:
_tile_overlayer_lowered:
.L_overlay_start_2:
0x115: {  	(tag) =	ssettag $0x2  }
0x116: {  	s0 =	rddreg [dreg:$0x0];
	s2 =	stileid.u32  }
0x117: {  	s1 =	rddreg [dreg:$0x1];
	p0 =	sne.s32 s2, $0x0  }
0x118: {  	s3 =	rddreg [dreg:$0x2];
	[bflag:$0x3] =	sbarrier.arrive $0xFFFF;
	s2 =	simm.s32 @!p0 $0x1C01  }
0x119: {  	[timem:s3], [sflag:s2] =	dma.local @!p0 [hbm:s0], s1  }
0x11a: {  	s0 =	simm.s32 @!p0 $0x1  }
0x11b: {  	_ =	swait.ge @!p0 [sflag:s0], s1  }
0x11c: {  	s1 =	ssub.s32 @!p0 $0x0, s1;
	[sflag:s0] =	ssyncset.done @!p0 $0x0  }
0x11d: {  	[sflag:s0] =	ssyncadd.s32 @!p0 s1  }
0x11e: {  	[bflag:$0x3] =	sbarrier.arrive $0xFFFF  }
0x11f: {  	_ =	shalt  }

// kernel: kernel.28.cloned.1.call-start
scs
__scs_entry_jumppad:
0x0: {  	(pc) =	sbr.rel $0x88, $3  }
0x1: {  	(tag) =	ssettag $0x0;
	lr =	simm.s32 $0x1  }
0x2: {  	[smem:$0x3F77] =	sst lr;
	_ =	strace $0xD0000000  }
0x3: {  	_ = 	snop  }
0x4: {  	_ = 	snop  }
0x5: {  	_ = 	snop  }
0x6: {  	_ = 	snop  }
0x7: {  	_ = 	snop  }
__scs_overlays_trampoline_lowered:
0x8: {  	[smem:$0x3F86] =	sst s0  }
0x9: {  	[smem:$0x3F87] =	sst s1  }
0xa: {  	[smem:$0x3F88] =	sst s2  }
0xb: {  	[smem:$0x3F89] =	sst s3  }
0xc: {  	[smem:$0x3F8A] =	sst s4  }
0xd: {  	[smem:$0x3F8B] =	sst s5  }
0xe: {  	[smem:$0x3F8C] =	sst s6  }
0xf: {  	[smem:$0x3F8D] =	sst s7  }
0x10: {  	[smem:$0x3F8E] =	sst s8  }
0x11: {  	[smem:$0x3F8F] =	sst s9;
	s0 =	simm.s32 @!p0 $0x0  }
0x12: {  	s1 =	sld [smem:$0x3F75];
	s0 =	simm.s32 @p0 $0x1  }
0x13: {  	[smem:$0x3F90] =	sst s0;
	s0 =	simm.s32 @!p1 $0x0  }
0x14: {  	s2 =	sld [smem:$0x3F74];
	s0 =	simm.s32 @p1 $0x1  }
0x15: {  	[smem:$0x3F91] =	sst s0;
	s0 =	simm.s32 @!p2 $0x0  }
0x16: {  	s3 =	sld [smem:$0x3FDB];
	s0 =	simm.s32 @p2 $0x1  }
0x17: {  	s4 =	simm.s32 $0x1BF5;
	[smem:$0x3F93] =	sst s0  }
0x18: {  	s0 =	sld [smem:$0x3F76];
	_ =	swait.ge [sflag:s4], $0x0  }
0x19: {  	s7 =	sld [smem:$0x3F77]  }
0x1a: {  	s8 =	sadd.s32 $0xFFFFE003, lr  }
0x1b: {  	s9 =	sadd.s32 $0xFFFFFEF7, lr;
	s5 =	simm.s32 $0xFFFFFFFF;
	p2 =	slt.u32 s8, $0xFFFFF086  }
0x1c: {  	p1 =	slt.u32 s9, $0xF7A;
	s5 =	simm.s32 @!p2 $0x0  }
0x1d: {  	s5 =	simm.s32 @p1 $0x1;
	p0 =	seq.s32 s7, s2  }
0x1e: {  	s7 =	smul.u32 @!p0 $0xF7A, s2;
	p2 =	seq.s32 @!p0 s5, $0x0  }
0x1f: {  	s9 =	smul.u32 $0xF7A, s1;
	s8 =	simm.s32 @!p0 $0x1BF5;
	p2 =	por !p2, p0  }
0x20: {  	[sflag:s8] =	ssyncset.s32 @!p0 $0xFFFFF086;
	s6 =	sadd.s32 @!p0 s3, s7;
	s7 =	simm.s32 @!p0 $0x108  }
0x21: {  	s3 =	sadd.s32 s3, s9;
	s6 =	sadd.s32 @!p0 $0x88, s6;
	s7 =	simm.s32 @p2 $0x1082  }
0x22: {  	[simem:s7], [sflag:s8] =	dma.local @!p0 [hbm:s6], $0xF7A  }
0x23: {  	s9 =	sor.u32 $0xD0000000, s2;
	s6 =	simm.s32 $0x108;
	_ =	swait.ge @!p0 [sflag:s8], $0x0  }
0x24: {  	s3 =	sadd.s32 $0x88, s3;
	s6 =	simm.s32 @!p1 $0x1082;
	[sflag:s4] =	ssyncset.s32 $0xFFFFF086  }
0x25: {  	[simem:s6], [sflag:s4] =	dma.local [hbm:s3], $0xF7A  }
0x26: {  	[smem:$0x3F77] =	sst s1;
	(tag) =	ssettag s2;
	_ =	strace s9  }
0x27: {  	s1 =	sld [smem:$0x3F87]  }
0x28: {  	s2 =	sld [smem:$0x3F88]  }
0x29: {  	s4 =	sld [smem:$0x3F8A]  }
0x2a: {  	p0 =	seq.s32 s5, $0x0;
	s5 =	sld [smem:$0x3F8B]  }
0x2b: {  	s6 =	sld [smem:$0x3F8C]  }
0x2c: {  	s7 =	sld [smem:$0x3F8D]  }
0x2d: {  	s3 =	simm.s32 $0x108;
	s8 =	sld [smem:$0x3F8E]  }
0x2e: {  	s3 =	simm.s32 @!p0 $0x1082;
	s9 =	sld [smem:$0x3F8F]  }
0x2f: {  	lr =	sadd.s32 s0, s3;
	s0 =	sld [smem:$0x3F86]  }
0x30: {  	s3 =	sld [smem:$0x3F89]  }
0x31: {  	[smem:$0x3F92] =	sst s10  }
0x32: {  	s10 =	sld [smem:$0x3F90];
	_ =	sdelay $0x3  }
0x33: {  	p0 =	seq.s32 s10, $0x1;
	s10 =	sld [smem:$0x3F92];
	_ =	sdelay $0x3  }
0x34: {  	[smem:$0x3F92] =	sst s10  }
0x35: {  	s10 =	sld [smem:$0x3F91];
	_ =	sdelay $0x3  }
0x36: {  	p1 =	seq.s32 s10, $0x1;
	s10 =	sld [smem:$0x3F92];
	_ =	sdelay $0x3  }
0x37: {  	[smem:$0x3F92] =	sst s10  }
0x38: {  	s10 =	sld [smem:$0x3F93]  }
0x39: {  	_ = 	snop;
	(pc) =	sbr.ind lr, $3  }
0x3a: {  	_ = 	snop  }
0x3b: {  	_ = 	snop  }
0x3c: {  	p2 =	seq.s32 s10, $0x1;
	s10 =	sld [smem:$0x3F92]  }
0x3d: {  	_ =	shalt  }
0x3e: {  	_ =	shalt  }
0x3f: {  	_ =	shalt  }
0x40: {  	_ =	shalt  }
0x41: {  	_ =	shalt  }
0x42: {  	_ =	shalt  }
0x43: {  	_ =	shalt  }
0x44: {  	_ =	shalt  }
0x45: {  	_ =	shalt  }
0x46: {  	_ =	shalt  }
0x47: {  	_ =	shalt  }
0x48: {  	_ =	shalt  }
0x49: {  	_ =	shalt  }
0x4a: {  	_ =	shalt  }
0x4b: {  	_ =	shalt  }
0x4c: {  	_ =	shalt  }
0x4d: {  	_ =	shalt  }
0x4e: {  	_ =	shalt  }
0x4f: {  	_ =	shalt  }
0x50: {  	_ =	shalt  }
0x51: {  	_ =	shalt  }
0x52: {  	_ =	shalt  }
0x53: {  	_ =	shalt  }
0x54: {  	_ =	shalt  }
0x55: {  	_ =	shalt  }
0x56: {  	_ =	shalt  }
0x57: {  	_ =	shalt  }
0x58: {  	_ =	shalt  }
0x59: {  	_ =	shalt  }
0x5a: {  	_ =	shalt  }
0x5b: {  	_ =	shalt  }
0x5c: {  	_ =	shalt  }
0x5d: {  	_ =	shalt  }
0x5e: {  	_ =	shalt  }
0x5f: {  	_ =	shalt  }
0x60: {  	_ =	shalt  }
0x61: {  	_ =	shalt  }
0x62: {  	_ =	shalt  }
0x63: {  	_ =	shalt  }
0x64: {  	_ =	shalt  }
0x65: {  	_ =	shalt  }
0x66: {  	_ =	shalt  }
0x67: {  	_ =	shalt  }
0x68: {  	_ =	shalt  }
0x69: {  	_ =	shalt  }
0x6a: {  	_ =	shalt  }
0x6b: {  	_ =	shalt  }
0x6c: {  	_ =	shalt  }
0x6d: {  	_ =	shalt  }
0x6e: {  	_ =	shalt  }
0x6f: {  	_ =	shalt  }
0x70: {  	_ =	shalt  }
0x71: {  	_ =	shalt  }
0x72: {  	_ =	shalt  }
0x73: {  	_ =	shalt  }
0x74: {  	_ =	shalt  }
0x75: {  	_ =	shalt  }
0x76: {  	_ =	shalt  }
0x77: {  	_ =	shalt  }
0x78: {  	_ =	shalt  }
0x79: {  	_ =	shalt  }
0x7a: {  	_ =	shalt  }
0x7b: {  	_ =	shalt  }
0x7c: {  	_ =	shalt  }
0x7d: {  	_ =	shalt  }
0x7e: {  	_ =	shalt  }
0x7f: {  	_ =	shalt  }
0x80: {  	_ =	shalt  }
0x81: {  	_ =	shalt  }
0x82: {  	_ =	shalt  }
0x83: {  	_ =	shalt  }
0x84: {  	_ =	shalt  }
0x85: {  	_ =	shalt  }
0x86: {  	_ =	shalt  }
0x87: {  	_ =	shalt  }
.Lfunc_end0:
.L_simem_size_0:
called_computation.4_lowered:
.L_overlay_start_0:
0x88: {  	s2 =	sld [smem:$0x3FD9]  }
0x89: {  	s3 =	sld [smem:$0x3FFE];
	_ =	sdelay $0x1  }
0x8a: {  	s1 =	srdreg.scid  }
0x8b: {  	s0 =	sand.u32 $0x1, s1  }
0x8c: {  	s16 =	sshll.u32 s0, $0xA;
	s2 =	sadd.s32 s3, s2  }
0x8d: {  	s2 =	sadd.s32 s2, s16  }
0x8e: {  	[smem:$0x3F9E] =	sst s2  }
0x8f: {  	_ = 	snop  }
0x90: {  	(tm) =	ssettm $0x1  }
0x91: {  	s17 =	sld [smem:$0x3FFB];
	_ =	sdelay $0x3  }
0x92: {  	_ =	strace s17  }
0x93: {  	s2 =	sld [smem:$0x3FFC];
	_ =	sdelay $0x3  }
0x94: {  	_ =	strace s2  }
0x95: {  	s2 =	sld [smem:$0x3FFD];
	_ =	sdelay $0x3  }
0x96: {  	_ =	strace s2  }
0x97: {  	_ =	strace $0x8FFFFFFF  }
0x98: {  	s18 =	sld [smem:$0x3FDB];
	_ =	sdelay $0x1  }
0x99: {  	s19 =	simm.s32 $_scs_section_size  }
0x9a: {  	s4 =	simm.s32 $_size__tile_overlayer_lowered;
	s5 =	simm.s32 $_tile_overlayer_lowered  }
0x9b: {  	s22 =	simm.s32 $0x1BFF;
	s21 =	sshll.u32 s5, $0x1;
	s2 =	sadd.s32 s19, s18  }
0x9c: {  	s6 =	simm.s32 $0x0;
	s20 =	sshll.u32 s4, $0x1;
	s4 =	sadd.s32 s21, s2  }
0x9d: {  	[timem:s6], [sflag:s22] =	dma.local [hbm:s4], s20  }
0x9e: {  	_ =	swait.ge [sflag:s22], s20  }
0x9f: {  	s3 =	ssub.s32 $0x0, s20;
	[sflag:s22] =	ssyncset.done $0x0  }
0xa0: {  	[sflag:s22] =	ssyncadd.s32 s3;
	_ =	sdelay $0x1  }
0xa1: {  	s23 =	simm.s32 $0x1B8B  }
0xa2: {  	_ =	swait.ge [sflag:s23], $0x1  }
0xa3: {  	[sflag:s23] =	ssyncset.done $0x0  }
0xa4: {  	s25 =	simm.s32 $0x1B8E;
	s24 =	sld [smem:$0x3FFE];
	[sflag:s23] =	ssyncadd.s32 $0xFFFFFFFF  }
0xa5: {  	s26 =	simm.s32 $execute0_lowered;
	[smem:$0x3FD2] =	sst s25  }
0xa6: {  	s4 =	sshll.u32 s26, $0x1;
	_ =	strace $0x80000052;
	[dreg:$0x1] =	wrdreg $0xFFFFFFFF  }
0xa7: {  	s28 =	simm.s32 $_size_execute0_lowered;
	s2 =	sadd.s32 s2, s4;
	[dreg:$0x0] =	wrdreg $0x0  }
0xa8: {  	s4 =	sshll.u32 s28, $0x1;
	[dreg:$0x2] =	wrdreg s2  }
0xa9: {  	[dreg:$0x3] =	wrdreg s4  }
0xaa: {  	[dreg:$0x4] =	wrdreg $0xC0  }
0xab: {  	_ =	task [dreg:s6], $0x5FFFF  }
0xac: {  	[dreg:$0x1] =	wrdreg $0xFFFFFFFF  }
0xad: {  	[dreg:$0x0] =	wrdreg $0x60  }
0xae: {  	[dreg:$0x2] =	wrdreg s24  }
0xaf: {  	[dreg:$0x3] =	wrdreg $0x9  }
0xb0: {  	_ =	task.clear_ibuf [dreg:s6], $0x4FFFF;
	_ =	strace $0x90000052  }
0xb1: {  	s29 =	simm.s32 $0x9;
	_ =	strace $0x80000054  }
0xb2: {  	_ =	swait.ge [sflag:s29], $0x1  }
0xb3: {  	[sflag:s29] =	ssyncadd.s32 $0xFFFFFFFF  }
0xb4: {  	_ =	strace $0x90000054  }
0xb5: {  	_ =	sfence  }
0xb6: {  	s30 =	sld [smem:$0x0];
	_ =	sdelay $0x2  }
0xb7: {  	s31 =	sshll.u32 s1, $0xD;
	s1 =	sshrl.u32 s1, $0x2  }
0xb8: {  	s3 =	sand.u32 $0x4000, s31;
	s1 =	sadd.s32 s1, s30  }
0xb9: {  	s0 =	sor.u32 s3, s0;
	s1 =	sshll.u32 s1, $0x11  }
0xba: {  	s0 =	sor.u32 s1, s0  }
0xbb: {  	s0 =	sadd.s32 $0x8F2B, s0  }
0xbc: {  	[sflag:s0] =	ssyncadd.remote.s32 $0x1  }
0xbd: {  	_ =	sfence.sel $0xFFFF  }
0xbe: {  	[dreg:$0x0] =	wrdreg $0xFFFFFFFF;
	(pc) =	sbr.abs _section_cstart, $3  }
0xbf: {  	[dreg:$0x1] =	wrdreg $0xFFFFFFFF  }
0xc0: {  	_ =	task.clear_ibuf [dreg:s6], $0x2FFFF;
	_ =	strace $0x9FFFFFFF  }
0xc1: {  	(tm) =	ssettm $0x7FFFFFFF  }
tec
execute0_lowered:
.L_overlay_start_1:
0x0: {  	(tag) =	ssettag $0x1  }
0x1: {  	s0 =	srdreg.scid  }
0x2: {  	s8 =	rddreg [dreg:$0x0];
	s1 =	stileid.u32  }
0x3: {  	s2 =	simm.s32 $0x0;
	s12 =	simm.s32 $0x1;
	s13 =	simm.s32 $0x1400  }
0x4: {  	s14 =	simm.s32 $0x80;
	s15 =	simm.s32 $0x2800;
	s16 =	simm.s32 $0x6800  }
0x5: {  	s17 =	simm.s32 $0xA800;
	s18 =	simm.s32 $0xE800;
	s6 =	sand.u32 $0x1, s0  }
0x6: {  	s19 =	simm.s32 $0x12800;
	s0 =	rddreg [dreg:$0x1];
	s3 =	sshll.u32 s6, $0x4  }
0x7: {  	s20 =	simm.s32 $0x0;
	[smem:$0x7FF] =	sst s2;
	s3 =	sor.u32 s1, s3  }
0x8: {  	s4 =	sadd.s32 $0x8A00, s8;
	s9 =	ssub.s32 $0x2, s6;
	s3 =	smul.u32 $0x1400, s3  }
0x9: {  	s5 =	sadd.s32 $0x30A00, s8;
	_ =	strace $0x80000053;
	s11 =	sshrl.u32 s9, $0x1  }
0xa: {  	s6 =	sadd.s32 $0x62A00, s8;
	s11 =	ssub.s32 s9, s11;
	s7 =	sshrl.u32 s3, $0x3  }
0xb: {  	s11 =	smax.u32 s11, $0x1;
	s10 =	sadd.s32 s7, s8;
	s7 =	sadd.s32 $0x2E2A00, s8  }
0xc: {  	s8 =	sadd.s32 $0x562A00, s8;
	s9 =	sadd.s32 $0x5DA00, s10;
	s10 =	sadd.s32 $0x58A00, s10  }
.LBB2_1:
0xd: {  	[tilespmem:s2], [sflag:$0x1] =	stream.linear.gather [hbm4b:s9+s2], $0x1400, $0x38;
	[tilespmem:$0x16800] =	vst v63  }
0xe: {  	_ =	swait.ge [sflag:s12], $0x1400  }
0xf: {  	[sflag:s12] =	ssyncset.done $0x0  }
0x10: {  	[sflag:s12] =	ssyncadd.s32 $0xFFFFEC00  }
0x11: {  	[tilespmem:s13], [sflag:$0x1] =	stream.linear.gather [hbm4b:s10+s2], $0x1400, $0x38;
	[tilespmem:$0x16800] =	vst v63  }
0x12: {  	_ =	swait.ge [sflag:s12], $0x1400  }
0x13: {  	[sflag:s12] =	ssyncset.done $0x0  }
0x14: {  	s21 =	simm.s32 $0x0;
	[sflag:s12] =	ssyncadd.s32 $0xFFFFEC00  }
.LBB2_2:
0x15: {  	s22 =	sshll.u32 s21, $0x7  }
0x16: {  	[tilespmem:s15], [sflag:$0x1] =	stream.indirect.gather [hbm4b:s4+s14], $0x80, s22, s14, $0xb8;
	[tilespmem:$0x16800] =	vst v63  }
0x17: {  	_ =	swait.ge [sflag:s12], $0x4000  }
0x18: {  	[sflag:s12] =	ssyncset.done $0x0  }
0x19: {  	s23 =	sadd.s32 $0x1400, s22;
	[sflag:s12] =	ssyncadd.s32 $0xFFFFC000  }
0x1a: {  	[tilespmem:s16], [sflag:$0x1] =	stream.indirect.gather [hbm4b:s4+s14], $0x80, s23, s14, $0xb8;
	[tilespmem:$0x16800] =	vst v63  }
0x1b: {  	_ =	swait.ge [sflag:s12], $0x4000  }
0x1c: {  	[sflag:s12] =	ssyncset.done $0x0  }
0x1d: {  	[sflag:s12] =	ssyncadd.s32 $0xFFFFC000  }
0x1e: {  	[tilespmem:s17], [sflag:$0x1] =	stream.indirect.gather [hbm4b:s5+s14], $0x80, s22, s14, $0xb8;
	[tilespmem:$0x16800] =	vst v63  }
0x1f: {  	_ =	swait.ge [sflag:s12], $0x4000  }
0x20: {  	[sflag:s12] =	ssyncset.done $0x0  }
0x21: {  	[sflag:s12] =	ssyncadd.s32 $0xFFFFC000  }
0x22: {  	[tilespmem:s18], [sflag:$0x1] =	stream.indirect.gather [hbm4b:s5+s14], $0x80, s23, s14, $0xb8;
	[tilespmem:$0x16800] =	vst v63  }
0x23: {  	_ =	swait.ge [sflag:s12], $0x4000  }
0x24: {  	[sflag:s12] =	ssyncset.done $0x0  }
0x25: {  	s23 =	simm.s32 $0x0;
	[sflag:s12] =	ssyncadd.s32 $0xFFFFC000  }
0x26: {  	v0 =	vld [tilespmem:s23+$0xA800]  }
0x27: {  	s24 =	simm.s32 $0x200;
	v1 =	vld [tilespmem:s23+$0xE800]  }
.LBB2_3:
0x28: {  	_ = 	snop  }
0x29: {  	p0 =	sne.s32 s24, $0xFE00  }
.Ltmp0:
0x2a: {  	_ = 	snop;
	(pc) =	sbr.rel @p0 .LBB2_3-.Ltmp0, $4  }
0x2b: {  	_ = 	snop  }
0x2c: {  	s25 =	sshra.s32 s24, $0x2;
	v2 =	vsub.f32 v0, v1  }
0x2d: {  	v0 =	vld [tilespmem:s25+$0xA800]  }
0x2e: {  	s24 =	sadd.s32 $0x200, s24;
	v1 =	vld [tilespmem:s25+$0xE800];
	[tilespmem:s23+$0x12800] =	vst v2;
	s23 =	smov.u32 s25  }
0x2f: {  	_ =	sdelay $0x3  }
0x30: {  	s22 =	sadd.s32 s3, s22;
	v0 =	vsub.f32 v0, v1  }
0x31: {  	s22 =	sshll.u32 s22, $0x4  }
0x32: {  	s30 =	sadd.s32 s6, s22;
	[tilespmem:s23+$0x12800] =	vst v0  }
0x33: {  	[hbm4b:s30+s2] =	stream.linear.scatter [tilespmem:s15], [sflag:$0x1], $0x4000, $0x38;
	[tilespmem:$0x16800] =	vst v63  }
0x34: {  	_ =	swait.ge [sflag:s12], $0x4000  }
0x35: {  	[sflag:s12] =	ssyncset.done $0x0  }
0x36: {  	s31 =	sadd.s32 s7, s22;
	[sflag:s12] =	ssyncadd.s32 $0xFFFFC000  }
0x37: {  	[hbm4b:s31+s2] =	stream.linear.scatter [tilespmem:s16], [sflag:$0x1], $0x4000, $0x38;
	[tilespmem:$0x16800] =	vst v63  }
0x38: {  	s21 =	sadd.s32 $0x1, s21;
	_ =	swait.ge [sflag:s12], $0x4000  }
0x39: {  	p0 =	sne.s32 s21, $0x28;
	[sflag:s12] =	ssyncset.done $0x0  }
.Ltmp1:
0x3a: {  	s22 =	sadd.s32 s8, s22;
	[sflag:s12] =	ssyncadd.s32 $0xFFFFC000;
	(pc) =	sbr.rel @p0 .LBB2_2-.Ltmp1, $4  }
0x3b: {  	[hbm4b:s22+s2] =	stream.linear.scatter [tilespmem:s19], [sflag:$0x1], $0x4000, $0x38;
	[tilespmem:$0x16800] =	vst v63  }
0x3c: {  	_ =	swait.ge [sflag:s12], $0x4000  }
0x3d: {  	[sflag:s12] =	ssyncset.done $0x0  }
0x3e: {  	[sflag:s12] =	ssyncadd.s32 $0xFFFFC000  }
0x3f: {  	s20 =	sadd.s32 $0x1, s20  }
0x40: {  	p0 =	sne.s32 s20, s11  }
.Ltmp2:
0x41: {  	_ = 	snop;
	(pc) =	sbr.rel @p0 .LBB2_1-.Ltmp2, $1  }
0x42: {  	_ =	sdelay $0x3  }
0x43: {  	_ =	sfence.sel $0x180000  }
0x44: {  	[bflag:$0x0] =	sbarrier.arrive $0xFFFF  }
0x45: {  	p0 =	sne.s32 s1, $0x0;
	_ =	strace $0x90000053  }
0x46: {  	s0 =	sadd.s32 @!p0 $0x100000, s0;
	[bflag:$0x2] =	sbarrier.arrive $0xFFFF  }
0x47: {  	[sflag:s0] =	ssyncadd.tile.s32 @!p0 $0x1;
	_ =	shalt  }
.Lfunc_end2:
_tile_overlayer_lowered:
.L_overlay_start_2:
0x48: {  	(tag) =	ssettag $0x2  }
0x49: {  	s0 =	rddreg [dreg:$0x0];
	s2 =	stileid.u32  }
0x4a: {  	s1 =	rddreg [dreg:$0x1];
	p0 =	sne.s32 s2, $0x0  }
0x4b: {  	s3 =	rddreg [dreg:$0x2];
	[bflag:$0x3] =	sbarrier.arrive $0xFFFF;
	s2 =	simm.s32 @!p0 $0x1C01  }
0x4c: {  	[timem:s3], [sflag:s2] =	dma.local @!p0 [hbm:s0], s1  }
0x4d: {  	s0 =	simm.s32 @!p0 $0x1  }
0x4e: {  	_ =	swait.ge @!p0 [sflag:s0], s1  }
0x4f: {  	s1 =	ssub.s32 @!p0 $0x0, s1;
	[sflag:s0] =	ssyncset.done @!p0 $0x0  }
0x50: {  	[sflag:s0] =	ssyncadd.s32 @!p0 s1  }
0x51: {  	[bflag:$0x3] =	sbarrier.arrive $0xFFFF  }
0x52: {  	_ =	shalt  }

// kernel: kernel.31.cloned.1.call-start
scs
__scs_entry_jumppad:
0x0: {  	(pc) =	sbr.rel $0x88, $3  }
0x1: {  	(tag) =	ssettag $0x0;
	lr =	simm.s32 $0x1  }
0x2: {  	[smem:$0x3F77] =	sst lr;
	_ =	strace $0xD0000000  }
0x3: {  	_ = 	snop  }
0x4: {  	_ = 	snop  }
0x5: {  	_ = 	snop  }
0x6: {  	_ = 	snop  }
0x7: {  	_ = 	snop  }
__scs_overlays_trampoline_lowered:
0x8: {  	[smem:$0x3F86] =	sst s0  }
0x9: {  	[smem:$0x3F87] =	sst s1  }
0xa: {  	[smem:$0x3F88] =	sst s2  }
0xb: {  	[smem:$0x3F89] =	sst s3  }
0xc: {  	[smem:$0x3F8A] =	sst s4  }
0xd: {  	[smem:$0x3F8B] =	sst s5  }
0xe: {  	[smem:$0x3F8C] =	sst s6  }
0xf: {  	[smem:$0x3F8D] =	sst s7  }
0x10: {  	[smem:$0x3F8E] =	sst s8  }
0x11: {  	[smem:$0x3F8F] =	sst s9;
	s0 =	simm.s32 @!p0 $0x0  }
0x12: {  	s1 =	sld [smem:$0x3F75];
	s0 =	simm.s32 @p0 $0x1  }
0x13: {  	[smem:$0x3F90] =	sst s0;
	s0 =	simm.s32 @!p1 $0x0  }
0x14: {  	s2 =	sld [smem:$0x3F74];
	s0 =	simm.s32 @p1 $0x1  }
0x15: {  	[smem:$0x3F91] =	sst s0;
	s0 =	simm.s32 @!p2 $0x0  }
0x16: {  	s3 =	sld [smem:$0x3FDB];
	s0 =	simm.s32 @p2 $0x1  }
0x17: {  	s4 =	simm.s32 $0x1BF5;
	[smem:$0x3F93] =	sst s0  }
0x18: {  	s0 =	sld [smem:$0x3F76];
	_ =	swait.ge [sflag:s4], $0x0  }
0x19: {  	s7 =	sld [smem:$0x3F77]  }
0x1a: {  	s8 =	sadd.s32 $0xFFFFE003, lr  }
0x1b: {  	s9 =	sadd.s32 $0xFFFFFEF7, lr;
	s5 =	simm.s32 $0xFFFFFFFF;
	p2 =	slt.u32 s8, $0xFFFFF086  }
0x1c: {  	p1 =	slt.u32 s9, $0xF7A;
	s5 =	simm.s32 @!p2 $0x0  }
0x1d: {  	s5 =	simm.s32 @p1 $0x1;
	p0 =	seq.s32 s7, s2  }
0x1e: {  	s7 =	smul.u32 @!p0 $0xF7A, s2;
	p2 =	seq.s32 @!p0 s5, $0x0  }
0x1f: {  	s9 =	smul.u32 $0xF7A, s1;
	s8 =	simm.s32 @!p0 $0x1BF5;
	p2 =	por !p2, p0  }
0x20: {  	[sflag:s8] =	ssyncset.s32 @!p0 $0xFFFFF086;
	s6 =	sadd.s32 @!p0 s3, s7;
	s7 =	simm.s32 @!p0 $0x108  }
0x21: {  	s3 =	sadd.s32 s3, s9;
	s6 =	sadd.s32 @!p0 $0x88, s6;
	s7 =	simm.s32 @p2 $0x1082  }
0x22: {  	[simem:s7], [sflag:s8] =	dma.local @!p0 [hbm:s6], $0xF7A  }
0x23: {  	s9 =	sor.u32 $0xD0000000, s2;
	s6 =	simm.s32 $0x108;
	_ =	swait.ge @!p0 [sflag:s8], $0x0  }
0x24: {  	s3 =	sadd.s32 $0x88, s3;
	s6 =	simm.s32 @!p1 $0x1082;
	[sflag:s4] =	ssyncset.s32 $0xFFFFF086  }
0x25: {  	[simem:s6], [sflag:s4] =	dma.local [hbm:s3], $0xF7A  }
0x26: {  	[smem:$0x3F77] =	sst s1;
	(tag) =	ssettag s2;
	_ =	strace s9  }
0x27: {  	s1 =	sld [smem:$0x3F87]  }
0x28: {  	s2 =	sld [smem:$0x3F88]  }
0x29: {  	s4 =	sld [smem:$0x3F8A]  }
0x2a: {  	p0 =	seq.s32 s5, $0x0;
	s5 =	sld [smem:$0x3F8B]  }
0x2b: {  	s6 =	sld [smem:$0x3F8C]  }
0x2c: {  	s7 =	sld [smem:$0x3F8D]  }
0x2d: {  	s3 =	simm.s32 $0x108;
	s8 =	sld [smem:$0x3F8E]  }
0x2e: {  	s3 =	simm.s32 @!p0 $0x1082;
	s9 =	sld [smem:$0x3F8F]  }
0x2f: {  	lr =	sadd.s32 s0, s3;
	s0 =	sld [smem:$0x3F86]  }
0x30: {  	s3 =	sld [smem:$0x3F89]  }
0x31: {  	[smem:$0x3F92] =	sst s10  }
0x32: {  	s10 =	sld [smem:$0x3F90];
	_ =	sdelay $0x3  }
0x33: {  	p0 =	seq.s32 s10, $0x1;
	s10 =	sld [smem:$0x3F92];
	_ =	sdelay $0x3  }
0x34: {  	[smem:$0x3F92] =	sst s10  }
0x35: {  	s10 =	sld [smem:$0x3F91];
	_ =	sdelay $0x3  }
0x36: {  	p1 =	seq.s32 s10, $0x1;
	s10 =	sld [smem:$0x3F92];
	_ =	sdelay $0x3  }
0x37: {  	[smem:$0x3F92] =	sst s10  }
0x38: {  	s10 =	sld [smem:$0x3F93]  }
0x39: {  	_ = 	snop;
	(pc) =	sbr.ind lr, $3  }
0x3a: {  	_ = 	snop  }
0x3b: {  	_ = 	snop  }
0x3c: {  	p2 =	seq.s32 s10, $0x1;
	s10 =	sld [smem:$0x3F92]  }
0x3d: {  	_ =	shalt  }
0x3e: {  	_ =	shalt  }
0x3f: {  	_ =	shalt  }
0x40: {  	_ =	shalt  }
0x41: {  	_ =	shalt  }
0x42: {  	_ =	shalt  }
0x43: {  	_ =	shalt  }
0x44: {  	_ =	shalt  }
0x45: {  	_ =	shalt  }
0x46: {  	_ =	shalt  }
0x47: {  	_ =	shalt  }
0x48: {  	_ =	shalt  }
0x49: {  	_ =	shalt  }
0x4a: {  	_ =	shalt  }
0x4b: {  	_ =	shalt  }
0x4c: {  	_ =	shalt  }
0x4d: {  	_ =	shalt  }
0x4e: {  	_ =	shalt  }
0x4f: {  	_ =	shalt  }
0x50: {  	_ =	shalt  }
0x51: {  	_ =	shalt  }
0x52: {  	_ =	shalt  }
0x53: {  	_ =	shalt  }
0x54: {  	_ =	shalt  }
0x55: {  	_ =	shalt  }
0x56: {  	_ =	shalt  }
0x57: {  	_ =	shalt  }
0x58: {  	_ =	shalt  }
0x59: {  	_ =	shalt  }
0x5a: {  	_ =	shalt  }
0x5b: {  	_ =	shalt  }
0x5c: {  	_ =	shalt  }
0x5d: {  	_ =	shalt  }
0x5e: {  	_ =	shalt  }
0x5f: {  	_ =	shalt  }
0x60: {  	_ =	shalt  }
0x61: {  	_ =	shalt  }
0x62: {  	_ =	shalt  }
0x63: {  	_ =	shalt  }
0x64: {  	_ =	shalt  }
0x65: {  	_ =	shalt  }
0x66: {  	_ =	shalt  }
0x67: {  	_ =	shalt  }
0x68: {  	_ =	shalt  }
0x69: {  	_ =	shalt  }
0x6a: {  	_ =	shalt  }
0x6b: {  	_ =	shalt  }
0x6c: {  	_ =	shalt  }
0x6d: {  	_ =	shalt  }
0x6e: {  	_ =	shalt  }
0x6f: {  	_ =	shalt  }
0x70: {  	_ =	shalt  }
0x71: {  	_ =	shalt  }
0x72: {  	_ =	shalt  }
0x73: {  	_ =	shalt  }
0x74: {  	_ =	shalt  }
0x75: {  	_ =	shalt  }
0x76: {  	_ =	shalt  }
0x77: {  	_ =	shalt  }
0x78: {  	_ =	shalt  }
0x79: {  	_ =	shalt  }
0x7a: {  	_ =	shalt  }
0x7b: {  	_ =	shalt  }
0x7c: {  	_ =	shalt  }
0x7d: {  	_ =	shalt  }
0x7e: {  	_ =	shalt  }
0x7f: {  	_ =	shalt  }
0x80: {  	_ =	shalt  }
0x81: {  	_ =	shalt  }
0x82: {  	_ =	shalt  }
0x83: {  	_ =	shalt  }
0x84: {  	_ =	shalt  }
0x85: {  	_ =	shalt  }
0x86: {  	_ =	shalt  }
0x87: {  	_ =	shalt  }
.Lfunc_end0:
.L_simem_size_0:
called_computation.5_lowered:
.L_overlay_start_0:
0x88: {  	s2 =	sld [smem:$0x3FD9]  }
0x89: {  	s3 =	sld [smem:$0x3FFE];
	_ =	sdelay $0x1  }
0x8a: {  	s1 =	srdreg.scid  }
0x8b: {  	s0 =	sand.u32 $0x1, s1  }
0x8c: {  	s16 =	sshll.u32 s0, $0xA;
	s2 =	sadd.s32 s3, s2  }
0x8d: {  	s2 =	sadd.s32 s2, s16  }
0x8e: {  	[smem:$0x3F9E] =	sst s2  }
0x8f: {  	_ = 	snop  }
0x90: {  	(tm) =	ssettm $0x1  }
0x91: {  	s17 =	sld [smem:$0x3FFB];
	_ =	sdelay $0x3  }
0x92: {  	_ =	strace s17  }
0x93: {  	s2 =	sld [smem:$0x3FFC];
	_ =	sdelay $0x3  }
0x94: {  	_ =	strace s2  }
0x95: {  	s2 =	sld [smem:$0x3FFD];
	_ =	sdelay $0x3  }
0x96: {  	_ =	strace s2  }
0x97: {  	_ =	strace $0x8FFFFFFF  }
0x98: {  	s18 =	sld [smem:$0x3FDB];
	_ =	sdelay $0x1  }
0x99: {  	s19 =	simm.s32 $_scs_section_size  }
0x9a: {  	s4 =	simm.s32 $_size__tile_overlayer_lowered;
	s5 =	simm.s32 $_tile_overlayer_lowered  }
0x9b: {  	s22 =	simm.s32 $0x1BFF;
	s21 =	sshll.u32 s5, $0x1;
	s2 =	sadd.s32 s19, s18  }
0x9c: {  	s6 =	simm.s32 $0x0;
	s20 =	sshll.u32 s4, $0x1;
	s4 =	sadd.s32 s21, s2  }
0x9d: {  	[timem:s6], [sflag:s22] =	dma.local [hbm:s4], s20  }
0x9e: {  	_ =	swait.ge [sflag:s22], s20  }
0x9f: {  	s3 =	ssub.s32 $0x0, s20;
	[sflag:s22] =	ssyncset.done $0x0  }
0xa0: {  	[sflag:s22] =	ssyncadd.s32 s3;
	_ =	sdelay $0x1  }
0xa1: {  	s23 =	simm.s32 $0x1B8B  }
0xa2: {  	_ =	swait.ge [sflag:s23], $0x1  }
0xa3: {  	[sflag:s23] =	ssyncset.done $0x0  }
0xa4: {  	s25 =	simm.s32 $0x1B8E;
	s24 =	sld [smem:$0x3FFE];
	[sflag:s23] =	ssyncadd.s32 $0xFFFFFFFF  }
0xa5: {  	s26 =	simm.s32 $execute0_lowered;
	[smem:$0x3FD2] =	sst s25  }
0xa6: {  	s4 =	sshll.u32 s26, $0x1;
	_ =	strace $0x80000055;
	[dreg:$0x1] =	wrdreg $0xFFFFFFFF  }
0xa7: {  	s28 =	simm.s32 $_size_execute0_lowered;
	s2 =	sadd.s32 s2, s4;
	[dreg:$0x0] =	wrdreg $0x0  }
0xa8: {  	s4 =	sshll.u32 s28, $0x1;
	[dreg:$0x2] =	wrdreg s2  }
0xa9: {  	[dreg:$0x3] =	wrdreg s4  }
0xaa: {  	[dreg:$0x4] =	wrdreg $0xC0  }
0xab: {  	_ =	task [dreg:s6], $0x5FFFF  }
0xac: {  	[dreg:$0x1] =	wrdreg $0xFFFFFFFF  }
0xad: {  	[dreg:$0x0] =	wrdreg $0x60  }
0xae: {  	[dreg:$0x2] =	wrdreg s24  }
0xaf: {  	[dreg:$0x3] =	wrdreg $0x128800  }
0xb0: {  	[dreg:$0x4] =	wrdreg $0x9  }
0xb1: {  	_ =	task.clear_ibuf [dreg:s6], $0x5FFFF;
	_ =	strace $0x90000055  }
0xb2: {  	s29 =	simm.s32 $0x9;
	_ =	strace $0x80000057  }
0xb3: {  	_ =	swait.ge [sflag:s29], $0x1  }
0xb4: {  	[sflag:s29] =	ssyncadd.s32 $0xFFFFFFFF  }
0xb5: {  	_ =	strace $0x90000057  }
0xb6: {  	_ =	sfence  }
0xb7: {  	s30 =	sld [smem:$0x0];
	_ =	sdelay $0x2  }
0xb8: {  	s31 =	sshll.u32 s1, $0xD;
	s1 =	sshrl.u32 s1, $0x2  }
0xb9: {  	s3 =	sand.u32 $0x4000, s31;
	s1 =	sadd.s32 s1, s30  }
0xba: {  	s0 =	sor.u32 s3, s0;
	s1 =	sshll.u32 s1, $0x11  }
0xbb: {  	s0 =	sor.u32 s1, s0  }
0xbc: {  	s0 =	sadd.s32 $0x8F2B, s0  }
0xbd: {  	[sflag:s0] =	ssyncadd.remote.s32 $0x1  }
0xbe: {  	_ =	sfence.sel $0xFFFF  }
0xbf: {  	[dreg:$0x0] =	wrdreg $0xFFFFFFFF;
	(pc) =	sbr.abs _section_cstart, $3  }
0xc0: {  	[dreg:$0x1] =	wrdreg $0xFFFFFFFF  }
0xc1: {  	_ =	task.clear_ibuf [dreg:s6], $0x2FFFF;
	_ =	strace $0x9FFFFFFF  }
0xc2: {  	(tm) =	ssettm $0x7FFFFFFF  }
0xc3: {  	_ =	shalt  }
tec
execute0_lowered:
.L_overlay_start_1:
0x0: {  	(tag) =	ssettag $0x1  }
0x1: {  	s6 =	rddreg [dreg:$0x0]  }
0x2: {  	s0 =	stileid.u32;
	s1 =	srdreg.scid  }
0x3: {  	s2 =	rddreg [dreg:$0x1];
	s4 =	simm.s32 $0x0;
	s15 =	simm.s32 $0x1  }
0x4: {  	s16 =	simm.s32 $0xA880;
	s17 =	simm.s32 $0x2880;
	s18 =	simm.s32 $0x80  }
0x5: {  	s7 =	smul.u32 $0x28000, s0;
	s8 =	sand.u32 $0x1, s1;
	s1 =	rddreg [dreg:$0x2]  }
0x6: {  	s21 =	simm.s32 $0x0;
	s3 =	smul.u32 $0x2800, s0;
	[smem:$0x7FF] =	sst s4  }
0x7: {  	s9 =	smul.u32 $0x140, s0;
	s5 =	sadd.s32 $0xF53A00, s6;
	p0 =	sne.s32 s0, $0x0  }
0x8: {  	s19 =	smul.u32 $0x1400, s8;
	_ =	strace $0x80000056;
	s8 =	ssub.s32 $0x2, s8  }
0x9: {  	s14 =	sadd.s32 s7, s6;
	s10 =	sshrl.u32 s3, $0x3;
	s7 =	sshrl.u32 s7, $0x2  }
0xa: {  	s31 =	sshrl.u32 s8, $0x1;
	s10 =	sadd.s32 s10, s6;
	s9 =	sadd.s32 s9, s19  }
0xb: {  	s13 =	ssub.s32 s8, s31;
	s20 =	sadd.s32 $0x1400, s19;
	s14 =	sadd.s32 $0xCD3A00, s14  }
0xc: {  	v0 =	vmov s19;
	s19 =	simm.s32 $0x2800;
	s9 =	sshll.u32 s9, $0x4;
	s13 =	smax.u32 s13, $0x1  }
0xd: {  	v1 =	vmov s20;
	s20 =	simm.s32 $0xE880;
	s12 =	sadd.s32 s9, s6;
	s6 =	sadd.s32 s7, s2  }
0xe: {  	s7 =	sadd.s32 $0x58A00, s10;
	s10 =	sadd.s32 $0xA0000, s2;
	s8 =	sadd.s32 $0x4000, s6  }
0xf: {  	v2 =	vimm.f32 $0.0e+00;
	s9 =	sadd.s32 $0x8000, s6;
	s11 =	sadd.s32 $0x5DA00, s12;
	s12 =	sadd.s32 $0x85A00, s12  }
.LBB2_1:
0x10: {  	[tilespmem:s4], [sflag:$0x1] =	stream.linear.gather [hbm4b:s7+s4], $0x2800, $0x38;
	[tilespmem:$0x1CC80] =	vst v63  }
0x11: {  	_ =	swait.ge [sflag:s15], $0x2800  }
0x12: {  	[sflag:s15] =	ssyncset.done $0x0  }
0x13: {  	s22 =	simm.s32 $0x0;
	s23 =	simm.s32 $0x200;
	[sflag:s15] =	ssyncadd.s32 $0xFFFFD800  }
.LBB2_2:
0x14: {  	p1 =	sne.s32 s23, $0xFE00;
	[tilespmem:s22+$0xA8F0] =	vst v2  }
0x15: {  	[tilespmem:s22+$0xA880] =	vst v2  }
0x16: {  	[tilespmem:s22+$0xA890] =	vst v2  }
.Ltmp0:
0x17: {  	[tilespmem:s22+$0xA8A0] =	vst v2;
	(pc) =	sbr.rel @p1 .LBB2_2-.Ltmp0, $4  }
0x18: {  	[tilespmem:s22+$0xA8B0] =	vst v2  }
0x19: {  	[tilespmem:s22+$0xA8C0] =	vst v2  }
0x1a: {  	[tilespmem:s22+$0xA8D0] =	vst v2  }
0x1b: {  	[tilespmem:s22+$0xA8E0] =	vst v2;
	s22 =	sshra.s32 s23, $0x2;
	s23 =	sadd.s32 $0x200, s23  }
0x1c: {  	[tilespmem:s22+$0xA8F0] =	vst v2  }
0x1d: {  	[tilespmem:s22+$0xA880] =	vst v2  }
0x1e: {  	[tilespmem:s22+$0xA890] =	vst v2  }
0x1f: {  	[tilespmem:s22+$0xA8A0] =	vst v2  }
0x20: {  	[tilespmem:s22+$0xA8B0] =	vst v2  }
0x21: {  	[tilespmem:s22+$0xA8C0] =	vst v2  }
0x22: {  	[tilespmem:s22+$0xA8D0] =	vst v2  }
0x23: {  	[tilespmem:s22+$0xA8E0] =	vst v2  }
0x24: {  	[spmem:s6] =	stream.linear.scatter [tilespmem:s16], [sflag:$0x1], $0x4000, $0x38;
	[tilespmem:$0x1CC80] =	vst v63  }
0x25: {  	_ =	swait.ge [sflag:s15], $0x4000  }
0x26: {  	[sflag:s15] =	ssyncset.done $0x0  }
0x27: {  	[sflag:s15] =	ssyncadd.s32 $0xFFFFC000  }
0x28: {  	[spmem:s8] =	stream.linear.scatter [tilespmem:s16], [sflag:$0x1], $0x4000, $0x38;
	[tilespmem:$0x1CC80] =	vst v63  }
0x29: {  	_ =	swait.ge [sflag:s15], $0x4000  }
0x2a: {  	[sflag:s15] =	ssyncset.done $0x0  }
0x2b: {  	[sflag:s15] =	ssyncadd.s32 $0xFFFFC000  }
0x2c: {  	[spmem:s9] =	stream.linear.scatter [tilespmem:s16], [sflag:$0x1], $0x2000, $0x38;
	[tilespmem:$0x1CC80] =	vst v63  }
0x2d: {  	_ =	swait.ge [sflag:s15], $0x2000  }
0x2e: {  	[sflag:s15] =	ssyncset.done $0x0  }
0x2f: {  	s22 =	simm.s32 @!p0 $0xA880;
	[sflag:s15] =	ssyncadd.s32 $0xFFFFE000  }
0x30: {  	[spmem:s10] =	stream.linear.scatter @!p0 [tilespmem:s22], [sflag:$0x1], $0x4000, $0x38;
	[tilespmem:$0x1CC80] =	vst v63  }
0x31: {  	s22 =	simm.s32 @!p0 $0x1  }
0x32: {  	_ =	swait.ge @!p0 [sflag:s22], $0x4000  }
0x33: {  	[sflag:s22] =	ssyncset.done @!p0 $0x0  }
0x34: {  	[sflag:s22] =	ssyncadd.s32 @!p0 $0xFFFFC000  }
0x35: {  	s22 =	simm.s32 $0x40;
	[bflag:$0x0] =	sbarrier.arrive $0xFFFF  }
0x36: {  	v3 =	vld [tilespmem:s22+$0xFFFFFFC0];
	_ =	sdelay $0x4  }
0x37: {  	vm0 =	vge.s32 v3, v0;
	vm1 =	vlt.s32 v3, v1  }
0x38: {  	v3 =	vsub.s32 v3, v0;
	vm0 =	vmand vm0, vm1  }
0x39: {  	v3 =	vnsel vm0, $0x1400, v3  }
0x3a: {  	[tilespmem:$0x2800] =	vst v3  }
0x3b: {  	v3 =	vld [tilespmem:s22+$0xFFFFFFD0];
	_ =	sdelay $0x4  }
0x3c: {  	vm14 =	vge.s32 v3, v0;
	vm15 =	vlt.s32 v3, v1  }
0x3d: {  	v3 =	vsub.s32 v3, v0;
	vm0 =	vmand vm14, vm15  }
0x3e: {  	v3 =	vnsel vm0, $0x1400, v3  }
0x3f: {  	[tilespmem:$0x2810] =	vst v3  }
0x40: {  	v3 =	vld [tilespmem:s22+$0xFFFFFFE0];
	_ =	sdelay $0x4  }
0x41: {  	vm4 =	vge.s32 v3, v0;
	vm5 =	vlt.s32 v3, v1  }
0x42: {  	v3 =	vsub.s32 v3, v0;
	vm0 =	vmand vm4, vm5  }
0x43: {  	v3 =	vnsel vm0, $0x1400, v3  }
0x44: {  	[tilespmem:$0x2820] =	vst v3  }
0x45: {  	v3 =	vld [tilespmem:s22+$0xFFFFFFF0];
	_ =	sdelay $0x4  }
0x46: {  	vm6 =	vge.s32 v3, v0;
	vm7 =	vlt.s32 v3, v1  }
0x47: {  	v3 =	vsub.s32 v3, v0;
	vm0 =	vmand vm6, vm7  }
0x48: {  	v3 =	vnsel vm0, $0x1400, v3  }
0x49: {  	[tilespmem:$0x2830] =	vst v3  }
0x4a: {  	v3 =	vld [tilespmem:s22+$0x0];
	_ =	sdelay $0x4  }
0x4b: {  	vm8 =	vge.s32 v3, v0;
	vm9 =	vlt.s32 v3, v1  }
0x4c: {  	v3 =	vsub.s32 v3, v0;
	vm0 =	vmand vm8, vm9  }
0x4d: {  	v3 =	vnsel vm0, $0x1400, v3  }
0x4e: {  	[tilespmem:$0x2840] =	vst v3  }
0x4f: {  	v3 =	vld [tilespmem:s22+$0x10];
	_ =	sdelay $0x4  }
0x50: {  	vm10 =	vge.s32 v3, v0;
	vm11 =	vlt.s32 v3, v1  }
0x51: {  	v3 =	vsub.s32 v3, v0;
	vm0 =	vmand vm10, vm11  }
0x52: {  	v3 =	vnsel vm0, $0x1400, v3  }
0x53: {  	[tilespmem:$0x2850] =	vst v3  }
0x54: {  	v3 =	vld [tilespmem:s22+$0x20];
	_ =	sdelay $0x4  }
0x55: {  	vm12 =	vge.s32 v3, v0;
	vm13 =	vlt.s32 v3, v1  }
0x56: {  	v3 =	vsub.s32 v3, v0;
	vm0 =	vmand vm12, vm13  }
0x57: {  	v3 =	vnsel vm0, $0x1400, v3  }
0x58: {  	[tilespmem:$0x2860] =	vst v3  }
0x59: {  	v3 =	vld [tilespmem:s22+$0x30];
	_ =	sdelay $0x4  }
0x5a: {  	vm14 =	vge.s32 v3, v0;
	vm15 =	vlt.s32 v3, v1  }
0x5b: {  	v3 =	vsub.s32 v3, v0;
	vm0 =	vmand vm14, vm15  }
0x5c: {  	v3 =	vnsel vm0, $0x1400, v3  }
0x5d: {  	s23 =	sadd.s32 $0x0, s14;
	[tilespmem:$0x2870] =	vst v3  }
0x5e: {  	[tilespmem:s17], [sflag:$0x1] =	stream.linear.gather [hbm4b:s23+s4], $0x4000, $0x38;
	[tilespmem:$0x1CC80] =	vst v63  }
0x5f: {  	_ =	swait.ge [sflag:s15], $0x4000  }
0x60: {  	[sflag:s15] =	ssyncset.done $0x0  }
0x61: {  	[sflag:s15] =	ssyncadd.s32 $0xFFFFC000  }
0x62: {  	[spmem:s2] =	stream.indirect.scatter.add.f32 [tilespmem:s17], [sflag:$0x1], $0x80, s19, s18, $0xb8;
	[tilespmem:$0x1CC80] =	vst v63  }
0x63: {  	_ =	swait.ge [sflag:s15], $0x4000  }
0x64: {  	s23 =	simm.s32 $0x800;
	[sflag:s15] =	ssyncset.done $0x0  }
.LBB2_4:
0x65: {  	p1 =	sne.s32 s23, $0x27800;
	[sflag:s15] =	ssyncadd.s32 $0xFFFFC000;
	s22 =	sadd.s32 $0x80, s22  }
0x66: {  	s24 =	smov.u32 s23;
	s23 =	sadd.s32 $0x800, s23;
	v3 =	vld [tilespmem:s22+$0xFFFFFFC0];
	_ =	sdelay $0x4  }
0x67: {  	vm0 =	vge.s32 v3, v0;
	vm1 =	vlt.s32 v3, v1  }
0x68: {  	v3 =	vsub.s32 v3, v0;
	vm0 =	vmand vm0, vm1  }
0x69: {  	v3 =	vnsel vm0, $0x1400, v3  }
0x6a: {  	[tilespmem:$0x2800] =	vst v3  }
0x6b: {  	v3 =	vld [tilespmem:s22+$0xFFFFFFD0];
	_ =	sdelay $0x4  }
0x6c: {  	vm0 =	vge.s32 v3, v0;
	vm1 =	vlt.s32 v3, v1  }
0x6d: {  	v3 =	vsub.s32 v3, v0;
	vm0 =	vmand vm0, vm1  }
0x6e: {  	v3 =	vnsel vm0, $0x1400, v3  }
0x6f: {  	[tilespmem:$0x2810] =	vst v3  }
0x70: {  	v3 =	vld [tilespmem:s22+$0xFFFFFFE0];
	_ =	sdelay $0x4  }
0x71: {  	vm0 =	vge.s32 v3, v0;
	vm1 =	vlt.s32 v3, v1  }
0x72: {  	v3 =	vsub.s32 v3, v0;
	vm0 =	vmand vm0, vm1  }
0x73: {  	v3 =	vnsel vm0, $0x1400, v3  }
0x74: {  	[tilespmem:$0x2820] =	vst v3  }
0x75: {  	v3 =	vld [tilespmem:s22+$0xFFFFFFF0];
	_ =	sdelay $0x4  }
0x76: {  	vm0 =	vge.s32 v3, v0;
	vm1 =	vlt.s32 v3, v1  }
0x77: {  	v3 =	vsub.s32 v3, v0;
	vm0 =	vmand vm0, vm1  }
0x78: {  	v3 =	vnsel vm0, $0x1400, v3  }
0x79: {  	[tilespmem:$0x2830] =	vst v3  }
0x7a: {  	v3 =	vld [tilespmem:s22+$0x0];
	_ =	sdelay $0x4  }
0x7b: {  	vm0 =	vge.s32 v3, v0;
	vm1 =	vlt.s32 v3, v1  }
0x7c: {  	v3 =	vsub.s32 v3, v0;
	vm0 =	vmand vm0, vm1  }
0x7d: {  	v3 =	vnsel vm0, $0x1400, v3  }
0x7e: {  	[tilespmem:$0x2840] =	vst v3  }
0x7f: {  	v3 =	vld [tilespmem:s22+$0x10];
	_ =	sdelay $0x4  }
0x80: {  	vm0 =	vge.s32 v3, v0;
	vm1 =	vlt.s32 v3, v1  }
0x81: {  	v3 =	vsub.s32 v3, v0;
	vm0 =	vmand vm0, vm1  }
0x82: {  	v3 =	vnsel vm0, $0x1400, v3  }
0x83: {  	[tilespmem:$0x2850] =	vst v3  }
0x84: {  	v3 =	vld [tilespmem:s22+$0x20];
	_ =	sdelay $0x4  }
0x85: {  	vm0 =	vge.s32 v3, v0;
	vm1 =	vlt.s32 v3, v1  }
0x86: {  	v3 =	vsub.s32 v3, v0;
	vm0 =	vmand vm0, vm1  }
0x87: {  	v3 =	vnsel vm0, $0x1400, v3  }
0x88: {  	[tilespmem:$0x2860] =	vst v3  }
0x89: {  	v3 =	vld [tilespmem:s22+$0x30];
	_ =	sdelay $0x4  }
0x8a: {  	vm0 =	vge.s32 v3, v0;
	vm1 =	vlt.s32 v3, v1  }
0x8b: {  	v3 =	vsub.s32 v3, v0;
	vm0 =	vmand vm0, vm1  }
0x8c: {  	v3 =	vnsel vm0, $0x1400, v3  }
0x8d: {  	s24 =	sadd.s32 s24, s14;
	[tilespmem:$0x2870] =	vst v3  }
0x8e: {  	[tilespmem:s17], [sflag:$0x1] =	stream.linear.gather [hbm4b:s24+s4], $0x4000, $0x38;
	[tilespmem:$0x1CC80] =	vst v63  }
0x8f: {  	_ =	swait.ge [sflag:s15], $0x4000  }
.Ltmp1:
0x90: {  	[sflag:s15] =	ssyncset.done $0x0;
	(pc) =	sbr.rel @p1 .LBB2_4-.Ltmp1, $4  }
0x91: {  	[sflag:s15] =	ssyncadd.s32 $0xFFFFC000  }
0x92: {  	[spmem:s2] =	stream.indirect.scatter.add.f32 [tilespmem:s17], [sflag:$0x1], $0x80, s19, s18, $0xb8;
	[tilespmem:$0x1CC80] =	vst v63  }
0x93: {  	_ =	swait.ge [sflag:s15], $0x4000  }
0x94: {  	[sflag:s15] =	ssyncset.done $0x0  }
0x95: {  	[sflag:s15] =	ssyncadd.s32 $0xFFFFC000;
	s22 =	sshll.u32 s0, $0x6  }
0x96: {  	s23 =	sshrl.u32 s6, $0x3;
	[bflag:$0x0] =	sbarrier.arrive $0xFFFF;
	s22 =	sor.u32 $0x1C01, s22  }
0x97: {  	[hbm:s11], [sflag:s22] =	dma.local [spmem:s23], $0x1400  }
0x98: {  	_ =	swait.ge [sflag:s15], $0x1400  }
0x99: {  	[sflag:s15] =	ssyncset.done $0x0  }
0x9a: {  	[sflag:s15] =	ssyncadd.s32 $0xFFFFEC00  }
0x9b: {  	[bflag:$0x0] =	sbarrier.arrive $0xFFFF  }
0x9c: {  	[spmem:s6] =	stream.linear.scatter [tilespmem:s16], [sflag:$0x1], $0x4000, $0x38;
	[tilespmem:$0x1CC80] =	vst v63  }
0x9d: {  	_ =	swait.ge [sflag:s15], $0x4000  }
0x9e: {  	[sflag:s15] =	ssyncset.done $0x0  }
0x9f: {  	[sflag:s15] =	ssyncadd.s32 $0xFFFFC000  }
0xa0: {  	[spmem:s8] =	stream.linear.scatter [tilespmem:s16], [sflag:$0x1], $0x4000, $0x38;
	[tilespmem:$0x1CC80] =	vst v63  }
0xa1: {  	_ =	swait.ge [sflag:s15], $0x4000  }
0xa2: {  	[sflag:s15] =	ssyncset.done $0x0  }
0xa3: {  	[sflag:s15] =	ssyncadd.s32 $0xFFFFC000  }
0xa4: {  	[spmem:s9] =	stream.linear.scatter [tilespmem:s16], [sflag:$0x1], $0x2000, $0x38;
	[tilespmem:$0x1CC80] =	vst v63  }
0xa5: {  	_ =	swait.ge [sflag:s15], $0x2000  }
0xa6: {  	[sflag:s15] =	ssyncset.done $0x0  }
0xa7: {  	s24 =	simm.s32 @!p0 $0xA880;
	[sflag:s15] =	ssyncadd.s32 $0xFFFFE000  }
0xa8: {  	[spmem:s10] =	stream.linear.scatter @!p0 [tilespmem:s24], [sflag:$0x1], $0x4000, $0x38;
	[tilespmem:$0x1CC80] =	vst v63  }
0xa9: {  	s24 =	simm.s32 @!p0 $0x1  }
0xaa: {  	_ =	swait.ge @!p0 [sflag:s24], $0x4000  }
0xab: {  	[sflag:s24] =	ssyncset.done @!p0 $0x0  }
0xac: {  	s25 =	simm.s32 $0x200;
	[sflag:s24] =	ssyncadd.s32 @!p0 $0xFFFFC000;
	s24 =	simm.s32 $0x0  }
.LBB2_6:
0xad: {  	p1 =	sne.s32 s25, $0xFE00;
	[tilespmem:s24+$0x68F0] =	vst v2  }
0xae: {  	[tilespmem:s24+$0x2880] =	vst v2  }
0xaf: {  	[tilespmem:s24+$0x6880] =	vst v2  }
0xb0: {  	[tilespmem:s24+$0x2890] =	vst v2  }
0xb1: {  	[tilespmem:s24+$0x6890] =	vst v2  }
0xb2: {  	[tilespmem:s24+$0x28A0] =	vst v2  }
0xb3: {  	[tilespmem:s24+$0x68A0] =	vst v2  }
0xb4: {  	[tilespmem:s24+$0x28B0] =	vst v2  }
0xb5: {  	[tilespmem:s24+$0x68B0] =	vst v2  }
0xb6: {  	[tilespmem:s24+$0x28C0] =	vst v2  }
0xb7: {  	[tilespmem:s24+$0x68C0] =	vst v2  }
.Ltmp2:
0xb8: {  	[tilespmem:s24+$0x28D0] =	vst v2;
	(pc) =	sbr.rel @p1 .LBB2_6-.Ltmp2, $4  }
0xb9: {  	[tilespmem:s24+$0x68D0] =	vst v2  }
0xba: {  	[tilespmem:s24+$0x28E0] =	vst v2  }
0xbb: {  	[tilespmem:s24+$0x68E0] =	vst v2  }
0xbc: {  	[tilespmem:s24+$0x28F0] =	vst v2;
	s24 =	sshra.s32 s25, $0x2;
	s25 =	sadd.s32 $0x200, s25  }
0xbd: {  	[tilespmem:s24+$0x68F0] =	vst v2  }
0xbe: {  	[tilespmem:s24+$0x2880] =	vst v2  }
0xbf: {  	[tilespmem:s24+$0x6880] =	vst v2  }
0xc0: {  	[tilespmem:s24+$0x2890] =	vst v2  }
0xc1: {  	[tilespmem:s24+$0x6890] =	vst v2  }
0xc2: {  	[tilespmem:s24+$0x28A0] =	vst v2  }
0xc3: {  	[tilespmem:s24+$0x68A0] =	vst v2  }
0xc4: {  	[tilespmem:s24+$0x28B0] =	vst v2  }
0xc5: {  	[tilespmem:s24+$0x68B0] =	vst v2  }
0xc6: {  	[tilespmem:s24+$0x28C0] =	vst v2  }
0xc7: {  	[tilespmem:s24+$0x68C0] =	vst v2  }
0xc8: {  	[tilespmem:s24+$0x28D0] =	vst v2  }
0xc9: {  	[tilespmem:s24+$0x68D0] =	vst v2  }
0xca: {  	[tilespmem:s24+$0x28E0] =	vst v2  }
0xcb: {  	[tilespmem:s24+$0x68E0] =	vst v2  }
0xcc: {  	[tilespmem:s24+$0x28F0] =	vst v2  }
0xcd: {  	s24 =	simm.s32 $0x0;
	s25 =	simm.s32 $0x0;
	[bflag:$0x0] =	sbarrier.arrive $0xFFFF  }
.LBB2_8:
0xce: {  	s26 =	sshll.u32 s25, $0x7  }
0xcf: {  	v3 =	vld [tilespmem:s26+$0x0];
	_ =	sdelay $0x4  }
0xd0: {  	vm0 =	vge.s32 v3, v0;
	vm1 =	vlt.s32 v3, v1  }
0xd1: {  	v3 =	vsub.s32 v3, v0;
	vm0 =	vmand vm0, vm1  }
0xd2: {  	v3 =	vnsel vm0, $0x1400, v3  }
0xd3: {  	[tilespmem:$0x2800] =	vst v3  }
0xd4: {  	v3 =	vld [tilespmem:s26+$0x10];
	_ =	sdelay $0x4  }
0xd5: {  	vm14 =	vge.s32 v3, v0;
	vm15 =	vlt.s32 v3, v1  }
0xd6: {  	v3 =	vsub.s32 v3, v0;
	vm0 =	vmand vm14, vm15  }
0xd7: {  	v3 =	vnsel vm0, $0x1400, v3  }
0xd8: {  	[tilespmem:$0x2810] =	vst v3  }
0xd9: {  	v3 =	vld [tilespmem:s26+$0x20];
	_ =	sdelay $0x4  }
0xda: {  	vm4 =	vge.s32 v3, v0;
	vm5 =	vlt.s32 v3, v1  }
0xdb: {  	v3 =	vsub.s32 v3, v0;
	vm0 =	vmand vm4, vm5  }
0xdc: {  	v3 =	vnsel vm0, $0x1400, v3  }
0xdd: {  	[tilespmem:$0x2820] =	vst v3  }
0xde: {  	v3 =	vld [tilespmem:s26+$0x30];
	_ =	sdelay $0x4  }
0xdf: {  	vm6 =	vge.s32 v3, v0;
	vm7 =	vlt.s32 v3, v1  }
0xe0: {  	v3 =	vsub.s32 v3, v0;
	vm0 =	vmand vm6, vm7  }
0xe1: {  	v3 =	vnsel vm0, $0x1400, v3  }
0xe2: {  	[tilespmem:$0x2830] =	vst v3  }
0xe3: {  	v3 =	vld [tilespmem:s26+$0x40];
	_ =	sdelay $0x4  }
0xe4: {  	vm8 =	vge.s32 v3, v0;
	vm9 =	vlt.s32 v3, v1  }
0xe5: {  	v3 =	vsub.s32 v3, v0;
	vm0 =	vmand vm8, vm9  }
0xe6: {  	v3 =	vnsel vm0, $0x1400, v3  }
0xe7: {  	[tilespmem:$0x2840] =	vst v3  }
0xe8: {  	v3 =	vld [tilespmem:s26+$0x50];
	_ =	sdelay $0x4  }
0xe9: {  	vm10 =	vge.s32 v3, v0;
	vm11 =	vlt.s32 v3, v1  }
0xea: {  	v3 =	vsub.s32 v3, v0;
	vm0 =	vmand vm10, vm11  }
0xeb: {  	v3 =	vnsel vm0, $0x1400, v3  }
0xec: {  	[tilespmem:$0x2850] =	vst v3  }
0xed: {  	v3 =	vld [tilespmem:s26+$0x60];
	_ =	sdelay $0x4  }
0xee: {  	vm12 =	vge.s32 v3, v0;
	vm13 =	vlt.s32 v3, v1  }
0xef: {  	v3 =	vsub.s32 v3, v0;
	vm0 =	vmand vm12, vm13  }
0xf0: {  	v3 =	vnsel vm0, $0x1400, v3  }
0xf1: {  	[tilespmem:$0x2860] =	vst v3  }
0xf2: {  	v3 =	vld [tilespmem:s26+$0x70];
	_ =	sdelay $0x4  }
0xf3: {  	vm14 =	vge.s32 v3, v0;
	vm15 =	vlt.s32 v3, v1  }
0xf4: {  	s26 =	sadd.s32 s3, s26;
	v3 =	vsub.s32 v3, v0;
	vm0 =	vmand vm14, vm15  }
0xf5: {  	s26 =	sshll.u32 s26, $0x4;
	v3 =	vnsel vm0, $0x1400, v3  }
0xf6: {  	s26 =	sadd.s32 s5, s26;
	[tilespmem:$0x2870] =	vst v3  }
0xf7: {  	[tilespmem:s20], [sflag:$0x1] =	stream.linear.gather [hbm4b:s26+s24], $0x4000, $0x38;
	[tilespmem:$0x1CC80] =	vst v63  }
0xf8: {  	_ =	swait.ge [sflag:s15], $0x4000  }
0xf9: {  	[sflag:s15] =	ssyncset.done $0x0  }
0xfa: {  	s26 =	simm.s32 $0x0;
	[sflag:s15] =	ssyncadd.s32 $0xFFFFC000  }
0xfb: {  	s28 =	simm.s32 $0x200;
	v3 =	vld [tilespmem:s26+$0xE880]  }
.LBB2_9:
0xfc: {  	p1 =	sne.s32 s28, $0xFE00  }
.Ltmp3:
0xfd: {  	_ = 	snop;
	(pc) =	sbr.rel @p1 .LBB2_9-.Ltmp3, $3  }
0xfe: {  	_ =	sdelay $0x1  }
0xff: {  	[tilespmem:s26+$0x2880] =	vst v3;
	s26 =	sshra.s32 s28, $0x2;
	s28 =	sadd.s32 $0x200, s28  }
0x100: {  	v3 =	vld [tilespmem:s26+$0xE880]  }
0x101: {  	_ =	sdelay $0x1  }
0x102: {  	s25 =	sadd.s32 $0x1, s25  }
0x103: {  	p1 =	sne.s32 s25, $0x50  }
.Ltmp4:
0x104: {  	[tilespmem:s26+$0x2880] =	vst v3;
	(pc) =	sbr.rel @p1 .LBB2_8-.Ltmp4, $4  }
0x105: {  	[spmem:s2] =	stream.indirect.scatter.add.f32 [tilespmem:s17], [sflag:$0x1], $0x80, s19, s18, $0xb8;
	[tilespmem:$0x1CC80] =	vst v63  }
0x106: {  	_ =	swait.ge [sflag:s15], $0x4000  }
0x107: {  	[sflag:s15] =	ssyncset.done $0x0  }
0x108: {  	[sflag:s15] =	ssyncadd.s32 $0xFFFFC000  }
0x109: {  	s21 =	sadd.s32 $0x1, s21  }
0x10a: {  	p1 =	sne.s32 s21, s13  }
.Ltmp5:
0x10b: {  	[bflag:$0x0] =	sbarrier.arrive $0xFFFF;
	(pc) =	sbr.rel @p1 .LBB2_1-.Ltmp5, $4  }
0x10c: {  	[hbm:s12], [sflag:s22] =	dma.local [spmem:s23], $0x1400  }
0x10d: {  	_ =	swait.ge [sflag:s15], $0x1400  }
0x10e: {  	[sflag:s15] =	ssyncset.done $0x0  }
0x10f: {  	[sflag:s15] =	ssyncadd.s32 $0xFFFFEC00  }
0x110: {  	_ =	sfence.sel $0x180000  }
0x111: {  	[bflag:$0x0] =	sbarrier.arrive $0xFFFF  }
0x112: {  	_ =	strace $0x90000056  }
0x113: {  	s0 =	sadd.s32 @!p0 $0x100000, s1;
	[bflag:$0x2] =	sbarrier.arrive $0xFFFF  }
0x114: {  	[sflag:s0] =	ssyncadd.tile.s32 @!p0 $0x1;
	_ =	shalt  }
.Lfunc_end2:
_tile_overlayer_lowered:
.L_overlay_start_2:
0x115: {  	(tag) =	ssettag $0x2  }
0x116: {  	s0 =	rddreg [dreg:$0x0];
	s2 =	stileid.u32  }
0x117: {  	s1 =	rddreg [dreg:$0x1];
	p0 =	sne.s32 s2, $0x0  }
0x118: {  	s3 =	rddreg [dreg:$0x2];
	[bflag:$0x3] =	sbarrier.arrive $0xFFFF;
	s2 =	simm.s32 @!p0 $0x1C01  }
0x119: {  	[timem:s3], [sflag:s2] =	dma.local @!p0 [hbm:s0], s1  }
0x11a: {  	s0 =	simm.s32 @!p0 $0x1  }
0x11b: {  	_ =	swait.ge @!p0 [sflag:s0], s1  }
0x11c: {  	s1 =	ssub.s32 @!p0 $0x0, s1;
	[sflag:s0] =	ssyncset.done @!p0 $0x0  }
0x11d: {  	[sflag:s0] =	ssyncadd.s32 @!p0 s1  }
0x11e: {  	[bflag:$0x3] =	sbarrier.arrive $0xFFFF  }
0x11f: {  	_ =	shalt  }

// kernel: kernel.34.cloned.1.call-start
scs
__scs_entry_jumppad:
0x0: {  	(pc) =	sbr.rel $0x88, $3  }
0x1: {  	(tag) =	ssettag $0x0;
	lr =	simm.s32 $0x1  }
0x2: {  	[smem:$0x3F77] =	sst lr;
	_ =	strace $0xD0000000  }
0x3: {  	_ = 	snop  }
0x4: {  	_ = 	snop  }
0x5: {  	_ = 	snop  }
0x6: {  	_ = 	snop  }
0x7: {  	_ = 	snop  }
__scs_overlays_trampoline_lowered:
0x8: {  	[smem:$0x3F86] =	sst s0  }
0x9: {  	[smem:$0x3F87] =	sst s1  }
0xa: {  	[smem:$0x3F88] =	sst s2  }
0xb: {  	[smem:$0x3F89] =	sst s3  }
0xc: {  	[smem:$0x3F8A] =	sst s4  }
0xd: {  	[smem:$0x3F8B] =	sst s5  }
0xe: {  	[smem:$0x3F8C] =	sst s6  }
0xf: {  	[smem:$0x3F8D] =	sst s7  }
0x10: {  	[smem:$0x3F8E] =	sst s8  }
0x11: {  	[smem:$0x3F8F] =	sst s9;
	s0 =	simm.s32 @!p0 $0x0  }
0x12: {  	s1 =	sld [smem:$0x3F75];
	s0 =	simm.s32 @p0 $0x1  }
0x13: {  	[smem:$0x3F90] =	sst s0;
	s0 =	simm.s32 @!p1 $0x0  }
0x14: {  	s2 =	sld [smem:$0x3F74];
	s0 =	simm.s32 @p1 $0x1  }
0x15: {  	[smem:$0x3F91] =	sst s0;
	s0 =	simm.s32 @!p2 $0x0  }
0x16: {  	s3 =	sld [smem:$0x3FDB];
	s0 =	simm.s32 @p2 $0x1  }
0x17: {  	s4 =	simm.s32 $0x1BF5;
	[smem:$0x3F93] =	sst s0  }
0x18: {  	s0 =	sld [smem:$0x3F76];
	_ =	swait.ge [sflag:s4], $0x0  }
0x19: {  	s7 =	sld [smem:$0x3F77]  }
0x1a: {  	s8 =	sadd.s32 $0xFFFFE003, lr  }
0x1b: {  	s9 =	sadd.s32 $0xFFFFFEF7, lr;
	s5 =	simm.s32 $0xFFFFFFFF;
	p2 =	slt.u32 s8, $0xFFFFF086  }
0x1c: {  	p1 =	slt.u32 s9, $0xF7A;
	s5 =	simm.s32 @!p2 $0x0  }
0x1d: {  	s5 =	simm.s32 @p1 $0x1;
	p0 =	seq.s32 s7, s2  }
0x1e: {  	s7 =	smul.u32 @!p0 $0xF7A, s2;
	p2 =	seq.s32 @!p0 s5, $0x0  }
0x1f: {  	s9 =	smul.u32 $0xF7A, s1;
	s8 =	simm.s32 @!p0 $0x1BF5;
	p2 =	por !p2, p0  }
0x20: {  	[sflag:s8] =	ssyncset.s32 @!p0 $0xFFFFF086;
	s6 =	sadd.s32 @!p0 s3, s7;
	s7 =	simm.s32 @!p0 $0x108  }
0x21: {  	s3 =	sadd.s32 s3, s9;
	s6 =	sadd.s32 @!p0 $0x88, s6;
	s7 =	simm.s32 @p2 $0x1082  }
0x22: {  	[simem:s7], [sflag:s8] =	dma.local @!p0 [hbm:s6], $0xF7A  }
0x23: {  	s9 =	sor.u32 $0xD0000000, s2;
	s6 =	simm.s32 $0x108;
	_ =	swait.ge @!p0 [sflag:s8], $0x0  }
0x24: {  	s3 =	sadd.s32 $0x88, s3;
	s6 =	simm.s32 @!p1 $0x1082;
	[sflag:s4] =	ssyncset.s32 $0xFFFFF086  }
0x25: {  	[simem:s6], [sflag:s4] =	dma.local [hbm:s3], $0xF7A  }
0x26: {  	[smem:$0x3F77] =	sst s1;
	(tag) =	ssettag s2;
	_ =	strace s9  }
0x27: {  	s1 =	sld [smem:$0x3F87]  }
0x28: {  	s2 =	sld [smem:$0x3F88]  }
0x29: {  	s4 =	sld [smem:$0x3F8A]  }
0x2a: {  	p0 =	seq.s32 s5, $0x0;
	s5 =	sld [smem:$0x3F8B]  }
0x2b: {  	s6 =	sld [smem:$0x3F8C]  }
0x2c: {  	s7 =	sld [smem:$0x3F8D]  }
0x2d: {  	s3 =	simm.s32 $0x108;
	s8 =	sld [smem:$0x3F8E]  }
0x2e: {  	s3 =	simm.s32 @!p0 $0x1082;
	s9 =	sld [smem:$0x3F8F]  }
0x2f: {  	lr =	sadd.s32 s0, s3;
	s0 =	sld [smem:$0x3F86]  }
0x30: {  	s3 =	sld [smem:$0x3F89]  }
0x31: {  	[smem:$0x3F92] =	sst s10  }
0x32: {  	s10 =	sld [smem:$0x3F90];
	_ =	sdelay $0x3  }
0x33: {  	p0 =	seq.s32 s10, $0x1;
	s10 =	sld [smem:$0x3F92];
	_ =	sdelay $0x3  }
0x34: {  	[smem:$0x3F92] =	sst s10  }
0x35: {  	s10 =	sld [smem:$0x3F91];
	_ =	sdelay $0x3  }
0x36: {  	p1 =	seq.s32 s10, $0x1;
	s10 =	sld [smem:$0x3F92];
	_ =	sdelay $0x3  }
0x37: {  	[smem:$0x3F92] =	sst s10  }
0x38: {  	s10 =	sld [smem:$0x3F93]  }
0x39: {  	_ = 	snop;
	(pc) =	sbr.ind lr, $3  }
0x3a: {  	_ = 	snop  }
0x3b: {  	_ = 	snop  }
0x3c: {  	p2 =	seq.s32 s10, $0x1;
	s10 =	sld [smem:$0x3F92]  }
0x3d: {  	_ =	shalt  }
0x3e: {  	_ =	shalt  }
0x3f: {  	_ =	shalt  }
0x40: {  	_ =	shalt  }
0x41: {  	_ =	shalt  }
0x42: {  	_ =	shalt  }
0x43: {  	_ =	shalt  }
0x44: {  	_ =	shalt  }
0x45: {  	_ =	shalt  }
0x46: {  	_ =	shalt  }
0x47: {  	_ =	shalt  }
0x48: {  	_ =	shalt  }
0x49: {  	_ =	shalt  }
0x4a: {  	_ =	shalt  }
0x4b: {  	_ =	shalt  }
0x4c: {  	_ =	shalt  }
0x4d: {  	_ =	shalt  }
0x4e: {  	_ =	shalt  }
0x4f: {  	_ =	shalt  }
0x50: {  	_ =	shalt  }
0x51: {  	_ =	shalt  }
0x52: {  	_ =	shalt  }
0x53: {  	_ =	shalt  }
0x54: {  	_ =	shalt  }
0x55: {  	_ =	shalt  }
0x56: {  	_ =	shalt  }
0x57: {  	_ =	shalt  }
0x58: {  	_ =	shalt  }
0x59: {  	_ =	shalt  }
0x5a: {  	_ =	shalt  }
0x5b: {  	_ =	shalt  }
0x5c: {  	_ =	shalt  }
0x5d: {  	_ =	shalt  }
0x5e: {  	_ =	shalt  }
0x5f: {  	_ =	shalt  }
0x60: {  	_ =	shalt  }
0x61: {  	_ =	shalt  }
0x62: {  	_ =	shalt  }
0x63: {  	_ =	shalt  }
0x64: {  	_ =	shalt  }
0x65: {  	_ =	shalt  }
0x66: {  	_ =	shalt  }
0x67: {  	_ =	shalt  }
0x68: {  	_ =	shalt  }
0x69: {  	_ =	shalt  }
0x6a: {  	_ =	shalt  }
0x6b: {  	_ =	shalt  }
0x6c: {  	_ =	shalt  }
0x6d: {  	_ =	shalt  }
0x6e: {  	_ =	shalt  }
0x6f: {  	_ =	shalt  }
0x70: {  	_ =	shalt  }
0x71: {  	_ =	shalt  }
0x72: {  	_ =	shalt  }
0x73: {  	_ =	shalt  }
0x74: {  	_ =	shalt  }
0x75: {  	_ =	shalt  }
0x76: {  	_ =	shalt  }
0x77: {  	_ =	shalt  }
0x78: {  	_ =	shalt  }
0x79: {  	_ =	shalt  }
0x7a: {  	_ =	shalt  }
0x7b: {  	_ =	shalt  }
0x7c: {  	_ =	shalt  }
0x7d: {  	_ =	shalt  }
0x7e: {  	_ =	shalt  }
0x7f: {  	_ =	shalt  }
0x80: {  	_ =	shalt  }
0x81: {  	_ =	shalt  }
0x82: {  	_ =	shalt  }
0x83: {  	_ =	shalt  }
0x84: {  	_ =	shalt  }
0x85: {  	_ =	shalt  }
0x86: {  	_ =	shalt  }
0x87: {  	_ =	shalt  }
.Lfunc_end0:
.L_simem_size_0:
called_computation.6_lowered:
.L_overlay_start_0:
0x88: {  	s2 =	sld [smem:$0x3FD9]  }
0x89: {  	s3 =	sld [smem:$0x3FFE];
	_ =	sdelay $0x1  }
0x8a: {  	s1 =	srdreg.scid  }
0x8b: {  	s0 =	sand.u32 $0x1, s1  }
0x8c: {  	s17 =	sshll.u32 s0, $0xA;
	s2 =	sadd.s32 s3, s2  }
0x8d: {  	s2 =	sadd.s32 s2, s17  }
0x8e: {  	[smem:$0x3F9E] =	sst s2  }
0x8f: {  	_ = 	snop  }
0x90: {  	s2 =	sld [smem:$0x3FD0];
	(tm) =	ssettm $0x1  }
0x91: {  	s18 =	sld [smem:$0x3FFB];
	_ =	sdelay $0x3  }
0x92: {  	_ =	strace s18  }
0x93: {  	s3 =	sld [smem:$0x3FFC];
	_ =	sdelay $0x3  }
0x94: {  	_ =	strace s3  }
0x95: {  	s3 =	sld [smem:$0x3FFD];
	_ =	sdelay $0x3  }
0x96: {  	_ =	strace s3  }
0x97: {  	_ =	strace $0x8FFFFFFF  }
0x98: {  	s19 =	sld [smem:$0x3FDB];
	_ =	sdelay $0x1  }
0x99: {  	s4 =	simm.s32 $_scs_section_size  }
0x9a: {  	s5 =	simm.s32 $_size__tile_overlayer_lowered;
	s6 =	simm.s32 $_tile_overlayer_lowered  }
0x9b: {  	s22 =	simm.s32 $0x1BFF;
	s21 =	sshll.u32 s6, $0x1;
	s3 =	sadd.s32 s4, s19  }
0x9c: {  	s7 =	simm.s32 $0x0;
	s20 =	sshll.u32 s5, $0x1;
	s5 =	sadd.s32 s21, s3  }
0x9d: {  	[timem:s7], [sflag:s22] =	dma.local [hbm:s5], s20  }
0x9e: {  	_ =	swait.ge [sflag:s22], s20  }
0x9f: {  	s4 =	ssub.s32 $0x0, s20;
	[sflag:s22] =	ssyncset.done $0x0  }
0xa0: {  	[sflag:s22] =	ssyncadd.s32 s4;
	_ =	sdelay $0x1  }
0xa1: {  	s23 =	simm.s32 $0x1B8B  }
0xa2: {  	_ =	swait.ge [sflag:s23], $0x1  }
0xa3: {  	[sflag:s23] =	ssyncset.done $0x0  }
0xa4: {  	s25 =	simm.s32 $0x1B8E;
	s24 =	sld [smem:$0x3FFE];
	[sflag:s23] =	ssyncadd.s32 $0xFFFFFFFF  }
0xa5: {  	s26 =	simm.s32 $execute0_lowered;
	[smem:$0x3FD2] =	sst s25  }
0xa6: {  	s5 =	sshll.u32 s26, $0x1;
	_ =	strace $0x80000058;
	[dreg:$0x1] =	wrdreg $0xFFFFFFFF  }
0xa7: {  	s28 =	simm.s32 $_size_execute0_lowered;
	s3 =	sadd.s32 s3, s5;
	[dreg:$0x0] =	wrdreg $0x0  }
0xa8: {  	s5 =	sshll.u32 s28, $0x1;
	[dreg:$0x2] =	wrdreg s3  }
0xa9: {  	[dreg:$0x3] =	wrdreg s5  }
0xaa: {  	[dreg:$0x4] =	wrdreg $0xC0  }
0xab: {  	_ =	task [dreg:s7], $0x5FFFF  }
0xac: {  	[dreg:$0x1] =	wrdreg $0xFFFFFFFF  }
0xad: {  	[dreg:$0x0] =	wrdreg $0x60  }
0xae: {  	[dreg:$0x2] =	wrdreg s24  }
0xaf: {  	[dreg:$0x3] =	wrdreg s2  }
0xb0: {  	[dreg:$0x4] =	wrdreg $0x9  }
0xb1: {  	_ =	task.clear_ibuf [dreg:s7], $0x5FFFF;
	_ =	strace $0x90000058  }
0xb2: {  	s29 =	simm.s32 $0x9;
	_ =	strace $0x8000005A  }
0xb3: {  	_ =	swait.ge [sflag:s29], $0x1  }
0xb4: {  	[sflag:s29] =	ssyncadd.s32 $0xFFFFFFFF  }
0xb5: {  	_ =	strace $0x9000005A  }
0xb6: {  	_ =	sfence  }
0xb7: {  	s30 =	sld [smem:$0x0];
	_ =	sdelay $0x2  }
0xb8: {  	s31 =	sshll.u32 s1, $0xD;
	s1 =	sshrl.u32 s1, $0x2  }
0xb9: {  	s3 =	sand.u32 $0x4000, s31;
	s1 =	sadd.s32 s1, s30  }
0xba: {  	s0 =	sor.u32 s3, s0;
	s1 =	sshll.u32 s1, $0x11  }
0xbb: {  	s0 =	sor.u32 s1, s0  }
0xbc: {  	s0 =	sadd.s32 $0x8F2B, s0  }
0xbd: {  	[sflag:s0] =	ssyncadd.remote.s32 $0x1  }
0xbe: {  	_ =	sfence.sel $0xFFFF  }
0xbf: {  	[dreg:$0x0] =	wrdreg $0xFFFFFFFF;
	(pc) =	sbr.abs _section_cstart, $3  }
0xc0: {  	[dreg:$0x1] =	wrdreg $0xFFFFFFFF  }
0xc1: {  	_ =	task.clear_ibuf [dreg:s7], $0x2FFFF;
	_ =	strace $0x9FFFFFFF  }
0xc2: {  	(tm) =	ssettm $0x7FFFFFFF  }
0xc3: {  	_ =	shalt  }
tec
execute0_lowered:
.L_overlay_start_1:
0x0: {  	(tag) =	ssettag $0x1  }
0x1: {  	s1 =	srdreg.scid  }
0x2: {  	s8 =	rddreg [dreg:$0x0];
	s0 =	stileid.u32  }
0x3: {  	s3 =	rddreg [dreg:$0x1];
	s2 =	simm.s32 $0x0;
	s6 =	sand.u32 $0x1, s1  }
0x4: {  	s5 =	sshll.u32 s0, $0x4;
	s1 =	rddreg [dreg:$0x2];
	s4 =	sshll.u32 s6, $0x8  }
0x5: {  	s7 =	simm.s32 $0x80;
	[smem:$0x7FF] =	sst s2;
	s9 =	sor.u32 s5, s4  }
0x6: {  	_ =	strace $0x80000059;
	s10 =	ssub.s32 $0x2, s6;
	s4 =	sshrl.u32 s9, $0x3  }
0x7: {  	s6 =	simm.s32 $0x10;
	s4 =	sadd.s32 s3, s4;
	s3 =	simm.s32 $0x1  }
0x8: {  	[tilespmem:s2], [sflag:$0x1] =	stream.linear.gather [hbm4b:s4+s2], $0x10, $0x38;
	[tilespmem:$0x880] =	vst v63  }
0x9: {  	s5 =	sadd.s32 $0x8A00, s8;
	s11 =	sshrl.u32 s10, $0x1;
	_ =	swait.ge [sflag:s3], $0x10  }
0xa: {  	s9 =	sshll.u32 s9, $0x4;
	s31 =	ssub.s32 s10, s11;
	[sflag:s3] =	ssyncset.done $0x0  }
0xb: {  	s8 =	sadd.s32 s9, s8;
	s9 =	smax.u32 s31, $0x1;
	[sflag:s3] =	ssyncadd.s32 $0xFFFFFFF0  }
0xc: {  	[tilespmem:s7], [sflag:$0x1] =	stream.indirect.gather [hbm4b:s5+s6], $0x80, s2, s6, $0xb8;
	[tilespmem:$0x880] =	vst v63  }
0xd: {  	p0 =	sne.s32 s9, $0x1;
	_ =	swait.ge [sflag:s3], $0x800  }
.Ltmp0:
0xe: {  	[sflag:s3] =	ssyncset.done $0x0;
	(pc) =	sbr.rel @!p0 .LBB2_2-.Ltmp0, $4  }
0xf: {  	s8 =	sadd.s32 $0x30A00, s8;
	[sflag:s3] =	ssyncadd.s32 $0xFFFFF800  }
0x10: {  	[hbm4b:s8+s2] =	stream.linear.scatter [tilespmem:s7], [sflag:$0x1], $0x800, $0x38;
	[tilespmem:$0x880] =	vst v63  }
0x11: {  	_ =	swait.ge [sflag:s3], $0x800  }
0x12: {  	s9 =	sadd.s32 $0xFFFFFFFF, s9;
	[sflag:s3] =	ssyncset.done $0x0  }
.LBB2_1:
0x13: {  	p0 =	sne.s32 s9, $0x1;
	s9 =	sadd.s32 $0xFFFFFFFF, s9;
	[sflag:s3] =	ssyncadd.s32 $0xFFFFF800  }
0x14: {  	[tilespmem:s2], [sflag:$0x1] =	stream.linear.gather [hbm4b:s4+s2], $0x10, $0x38;
	[tilespmem:$0x880] =	vst v63  }
0x15: {  	_ =	swait.ge [sflag:s3], $0x10  }
0x16: {  	[sflag:s3] =	ssyncset.done $0x0  }
0x17: {  	[sflag:s3] =	ssyncadd.s32 $0xFFFFFFF0  }
0x18: {  	[tilespmem:s7], [sflag:$0x1] =	stream.indirect.gather [hbm4b:s5+s6], $0x80, s2, s6, $0xb8;
	[tilespmem:$0x880] =	vst v63  }
0x19: {  	_ =	swait.ge [sflag:s3], $0x800  }
.Ltmp1:
0x1a: {  	[sflag:s3] =	ssyncset.done $0x0;
	(pc) =	sbr.rel @p0 .LBB2_1-.Ltmp1, $4  }
0x1b: {  	[sflag:s3] =	ssyncadd.s32 $0xFFFFF800  }
0x1c: {  	[hbm4b:s8+s2] =	stream.linear.scatter [tilespmem:s7], [sflag:$0x1], $0x800, $0x38;
	[tilespmem:$0x880] =	vst v63  }
0x1d: {  	_ =	swait.ge [sflag:s3], $0x800  }
0x1e: {  	[sflag:s3] =	ssyncset.done $0x0  }
.LBB2_2:
0x1f: {  	[sflag:s3] =	ssyncadd.s32 $0xFFFFF800  }
0x20: {  	_ =	sfence.sel $0x180000  }
0x21: {  	[bflag:$0x0] =	sbarrier.arrive $0xFFFF  }
0x22: {  	p0 =	sne.s32 s0, $0x0;
	_ =	strace $0x90000059  }
0x23: {  	s0 =	sadd.s32 @!p0 $0x100000, s1;
	[bflag:$0x2] =	sbarrier.arrive $0xFFFF  }
0x24: {  	[sflag:s0] =	ssyncadd.tile.s32 @!p0 $0x1;
	_ =	shalt  }
.Lfunc_end2:
_tile_overlayer_lowered:
.L_overlay_start_2:
0x25: {  	(tag) =	ssettag $0x2  }
0x26: {  	s0 =	rddreg [dreg:$0x0];
	s2 =	stileid.u32  }
0x27: {  	s1 =	rddreg [dreg:$0x1];
	p0 =	sne.s32 s2, $0x0  }
0x28: {  	s3 =	rddreg [dreg:$0x2];
	[bflag:$0x3] =	sbarrier.arrive $0xFFFF;
	s2 =	simm.s32 @!p0 $0x1C01  }
0x29: {  	[timem:s3], [sflag:s2] =	dma.local @!p0 [hbm:s0], s1  }
0x2a: {  	s0 =	simm.s32 @!p0 $0x1  }
0x2b: {  	_ =	swait.ge @!p0 [sflag:s0], s1  }
0x2c: {  	s1 =	ssub.s32 @!p0 $0x0, s1;
	[sflag:s0] =	ssyncset.done @!p0 $0x0  }
0x2d: {  	[sflag:s0] =	ssyncadd.s32 @!p0 s1  }
0x2e: {  	[bflag:$0x3] =	sbarrier.arrive $0xFFFF  }
0x2f: {  	_ =	shalt  }

</sc_bundles>
